<compile_context>
chip_gen: v7x
topology: tpu7x:2x2x1
jax: 0.10.2.dev20260603
libtpu: 0.0.44.dev20260713+nightly
codegen_flags: <defaults>
</compile_context>

<pallas_src>
import functools

import jax
import jax.numpy as jnp
from jax import lax
from jax.experimental import pallas as pl
from jax.experimental.pallas import tpu as pltpu
from jax.experimental.pallas import tpu_sc as plsc

NC = 2
NS = 16
NW = NC * NS

G = 16
NBUF = 8
CH0 = 128


@functools.lru_cache(maxsize=None)
def _make_pool(B, S, D, V):
    assert B % (NW * G) == 0 and S % 8 == 0 and D % 16 == 0
    EPW = B // NW
    NGRP = EPW // G
    CH1 = S - CH0
    mesh = plsc.VectorSubcoreMesh(
        core_axis_name="c", subcore_axis_name="s",
        num_cores=NC, num_subcores=NS)

    @functools.partial(
        pl.kernel,
        out_type=jax.ShapeDtypeStruct((B, D), jnp.float32),
        mesh=mesh,
        compiler_params=pltpu.CompilerParams(
            use_tc_tiling_on_sc=False, needs_layout_passes=False),
        scratch_types=[
            pltpu.VMEM((2, G, S), jnp.int32),
            pltpu.VMEM((NBUF, S, D // 2), jnp.int32),
            pltpu.VMEM((2, G, D), jnp.float32),
        ] + [pltpu.SemaphoreType.DMA] * (NBUF + 2),
    )
    def pool(x_hbm, table_hbm, out_hbm, idxb, rows, outb, *sems):
        gsems = sems[:NBUF]
        isem, osem = sems[NBUF], sems[NBUF + 1]
        wid = lax.axis_index("s") * NC + lax.axis_index("c")
        base = wid * EPW

        def gather_pair(ig, e, j):
            c0 = pltpu.make_async_copy(
                table_hbm.at[idxb.at[ig, e, pl.ds(0, CH0)]],
                rows.at[j, pl.ds(0, CH0)], gsems[j])
            c1 = pltpu.make_async_copy(
                table_hbm.at[idxb.at[ig, e, pl.ds(CH0, CH1)]],
                rows.at[j, pl.ds(CH0, CH1)], gsems[j])
            return c0, c1

        def reduce_rows(j):
            zero = jnp.zeros((16,), jnp.float32)

            def body(m, accs):
                accs = list(accs)
                for r in range(8):
                    p = r % 2
                    for c in range(2):
                        v = rows[j, m * 8 + r, pl.ds(c * 16, 16)]
                        lo = plsc.bitcast(
                            jax.lax.shift_left(v, jnp.int32(16)),
                            jnp.float32)
                        hi = plsc.bitcast(v, jnp.float32)
                        k = p * 8 + c * 2
                        accs[k] = accs[k] + lo
                        accs[k + 1] = accs[k + 1] + hi
                return tuple(accs)

            accs = lax.fori_loop(0, S // 8, body, (zero,) * 16)
            return [accs[k] + accs[8 + k] for k in range(4)]

        def out_copy(og, g):
            return pltpu.make_async_copy(
                outb.at[og], out_hbm.at[pl.ds(base + g * G, G)], osem)

        def idx_copy(ig, g):
            return pltpu.make_async_copy(
                x_hbm.at[pl.ds(base + g * G, G)], idxb.at[ig], isem)

        pltpu.sync_copy(x_hbm.at[pl.ds(base, G)], idxb.at[0])

        def gbody(g, _):
            ig = lax.rem(g, 2)

            @pl.when(g >= 2)
            def _():
                out_copy(ig, g - 2).wait()

            @pl.when(g + 1 < NGRP)
            def _():
                idx_copy(1 - ig, g + 1).start()

            for j in range(NBUF):
                c0, c1 = gather_pair(ig, j, j)
                c0.start()
                c1.start()

            def inner(k, _):
                for j in range(NBUF):
                    e = k * NBUF + j
                    c0, c1 = gather_pair(ig, e, j)
                    c0.wait()
                    c1.wait()
                    vecs = reduce_rows(j)
                    for kk in range(4):
                        outb[ig, e, pl.ds(kk * 16, 16)] = vecs[kk]

                    @pl.when(k < G // NBUF - 1)
                    def _():
                        n0, n1 = gather_pair(ig, e + NBUF, j)
                        n0.start()
                        n1.start()
                return 0

            lax.fori_loop(0, G // NBUF, inner, 0)
            out_copy(ig, g).start()

            @pl.when(g + 1 < NGRP)
            def _():
                idx_copy(1 - ig, g + 1).wait()

            return 0

        lax.fori_loop(0, NGRP, gbody, 0)
        for gg in (NGRP - 2, NGRP - 1):
            out_copy(gg % 2, gg).wait()

    return pool


def _repack_body(*refs):
    stripe_refs, o_ref = refs[:-1], refs[-1]
    x = jnp.concatenate([r[:] for r in stripe_refs], axis=0)
    cb = x.shape[1]
    row = jax.lax.broadcasted_iota(jnp.int32, (128, 128), 0)
    col = jax.lax.broadcasted_iota(jnp.int32, (128, 128), 1)
    sel = jnp.float32(1.0) * (col == 4 * (row % 32) + row // 32)
    for g in range(cb // 128):
        y = x[:, 128 * g:128 * (g + 1)]
        z = jax.lax.dot_general(sel, y, (((1,), (1,)), ((), ())),
                                preferred_element_type=jnp.float32)
        u16 = jax.lax.bitcast_convert_type(
            z.astype(jnp.bfloat16), jnp.uint16)
        u = (u16[:, 0:32].astype(jnp.int32)
             | (u16[:, 32:64].astype(jnp.int32) << 16))
        for q in range(4):
            o_ref[32 * g:32 * (g + 1), 32 * q:32 * (q + 1)] = (
                u[32 * q:32 * (q + 1), :])


@functools.lru_cache(maxsize=None)
def _make_repack(V, D):
    CB = 2048
    grid = ((V + CB - 1) // CB,)

    def stripe_spec(tr):
        return pl.BlockSpec((8, CB), lambda i, tr=tr: (tr, i))

    return pl.pallas_call(
        _repack_body,
        grid=grid,
        in_specs=[stripe_spec(tr) for tr in range(D // 8)],
        out_specs=pl.BlockSpec((CB // 4, 128), lambda i: (i, 0)),
        out_shape=jax.ShapeDtypeStruct((V // 4, 128), jnp.int32),
    )


def _mlp_body(x_ref, w1_ref, b1_ref, w2_ref, b2_ref, o_ref):
    h = jnp.dot(x_ref[:], w1_ref[:], preferred_element_type=jnp.float32)
    h = jnp.maximum(h + b1_ref[:], 0.0)
    logits = jnp.dot(h, w2_ref[:], preferred_element_type=jnp.float32)
    logits = logits + b2_ref[:]
    m = jnp.max(logits, axis=1, keepdims=True)
    ex = jnp.exp(logits - m)
    lse = jnp.log(jnp.sum(ex, axis=1, keepdims=True)) + m
    o_ref[:] = logits - lse


@functools.lru_cache(maxsize=None)
def _make_mlp(B, D, HP):
    BB = 1024
    grid = (B // BB,)
    return pl.pallas_call(
        _mlp_body,
        grid=grid,
        in_specs=[
            pl.BlockSpec((BB, D), lambda i: (i, 0)),
            pl.BlockSpec((D, HP), lambda i: (0, 0)),
            pl.BlockSpec((1, HP), lambda i: (0, 0)),
            pl.BlockSpec((HP, 128), lambda i: (0, 0)),
            pl.BlockSpec((1, 128), lambda i: (0, 0)),
        ],
        out_specs=pl.BlockSpec((BB, 128), lambda i: (i, 0)),
        out_shape=jax.ShapeDtypeStruct((B, 128), jnp.float32),
    )


def kernel(x, table, W1, b1, W2, b2):
    B, S = x.shape
    V, D = table.shape
    H = W1.shape[1]
    HP = (H + 7) // 8 * 8

    table_t = table.T
    table_lin = _make_repack(V, D)(*([table_t] * (D // 8)))
    sums = _make_pool(B, S, D, V)(x, table_lin.reshape(V, D // 2))

    lane = jnp.arange(16)
    perm = jnp.concatenate([lane, 32 + lane, 16 + lane, 48 + lane])
    W1 = W1[perm, :]

    w1 = jnp.pad(W1 * (1.0 / S), ((0, 0), (0, HP - H)))
    bb1 = jnp.pad(b1, (0, HP - H)).reshape(1, HP)
    w2 = jnp.pad(W2, ((0, HP - H), (0, 128 - W2.shape[1])))
    bb2 = jnp.concatenate(
        [b2, jnp.full((128 - b2.shape[0],), -1e9, jnp.float32)]).reshape(1, 128)

    out = _make_mlp(B, D, HP)(sums, w1, bb1, w2, bb2)
    return out[:, : b2.shape[0]]

# --- scband reference (transcript-rebuilt; emitter-appended) ---
"""Pipeline reference for scband-neural-sentiment-classifier-36567351558663 (READ-ONLY COPY).

The authoritative reference and input builder live on the scoring server;
editing this copy changes nothing except your own understanding.
"""

import jax, jax.numpy as jnp
import numpy as np

VOCAB = 1000000
EMBED_DIM = 64
HIDDEN = 700
BATCH = 16384
SEQ = 200

def setup_inputs(seed: int = 0) -> dict:
    key = jax.random.key(seed)
    k1, k2, k3, k4, k5 = jax.random.split(key, 5)
    x = jax.random.randint(k1, (BATCH, SEQ), 0, VOCAB, dtype=jnp.int64 if jax.config.jax_enable_x64 else jnp.int32)
    table = jax.random.normal(k2, (VOCAB, EMBED_DIM), dtype=jnp.float32) * 0.02
    table = table.at[0].set(0.0)  # padding_idx=0 row zeroed
    W1 = jax.random.normal(k3, (EMBED_DIM, HIDDEN), dtype=jnp.float32) * (1.0 / np.sqrt(EMBED_DIM))
    b1 = jnp.zeros((HIDDEN,), dtype=jnp.float32)
    W2 = jax.random.normal(k4, (HIDDEN, 2), dtype=jnp.float32) * (1.0 / np.sqrt(HIDDEN))
    b2 = jnp.zeros((2,), dtype=jnp.float32)
    return {"x": x, "table": table, "W1": W1, "b1": b1, "W2": W2, "b2": b2}

def reference(x, table, W1, b1, W2, b2):
    # embedding lookup (gather)
    embedding = jnp.take(table, x, axis=0)            # [B, S, D]
    averaged_embedding = jnp.mean(embedding, axis=1)  # [B, D]
    hidden = averaged_embedding @ W1 + b1             # [B, H]
    activated = jax.nn.relu(hidden)
    output = activated @ W2 + b2                      # [B, 2]
    log_probs = jax.nn.log_softmax(output, axis=1)
    return log_probs

if __name__ == "__main__":
    import jax
    _d = setup_inputs()
    print(jax.jit(kernel)(*tuple(_d.values())))

</pallas_src>

<mosaic_0001>
#map = affine_map<(d0, d1) -> (0, 0)>
module attributes {stable_mosaic.version = 14 : i64} {
  func.func @pool(%arg0: i32, %arg1: i32, %arg2: memref<16384x200xi32, #tpu.memory_space<hbm>>, %arg3: memref<1000000x32xi32, #tpu.memory_space<hbm>>, %arg4: memref<16384x64xf32, #tpu.memory_space<hbm>>, %arg5: memref<2x16x200xi32, #tpu.memory_space<vmem>>, %arg6: memref<8x200x32xi32, #tpu.memory_space<vmem>>, %arg7: memref<2x16x64xf32, #tpu.memory_space<vmem>>, %arg8: memref<!tpu.dma_semaphore, #tpu.memory_space<semaphore_mem>>, %arg9: memref<!tpu.dma_semaphore, #tpu.memory_space<semaphore_mem>>, %arg10: memref<!tpu.dma_semaphore, #tpu.memory_space<semaphore_mem>>, %arg11: memref<!tpu.dma_semaphore, #tpu.memory_space<semaphore_mem>>, %arg12: memref<!tpu.dma_semaphore, #tpu.memory_space<semaphore_mem>>, %arg13: memref<!tpu.dma_semaphore, #tpu.memory_space<semaphore_mem>>, %arg14: memref<!tpu.dma_semaphore, #tpu.memory_space<semaphore_mem>>, %arg15: memref<!tpu.dma_semaphore, #tpu.memory_space<semaphore_mem>>, %arg16: memref<!tpu.dma_semaphore, #tpu.memory_space<semaphore_mem>>, %arg17: memref<!tpu.dma_semaphore, #tpu.memory_space<semaphore_mem>>) attributes {dimension_semantics = [#tpu.dimension_semantics<core_parallel>, #tpu.dimension_semantics<subcore_parallel>], iteration_bounds = array<i64: 2, 16>, scalar_prefetch = 0 : i64, scratch_operands = 13 : i64, tpu.core_type = #tpu.core_type<sc_vector_subcore>, window_params = [{transform_indices = #map}, {transform_indices = #map}, {transform_indices = #map}]} {
    %mul3A = arith.constant 2 : i32
    %mul3A_0 = arith.muli %arg1, %mul3A : i32
    %add3A = arith.addi %mul3A_0, %arg0 : i32
    %mul3A_1 = arith.constant 512 : i32
    %mul3A_2 = arith.muli %add3A, %mul3A_1 : i32
    %run_scoped3A = arith.constant 0 : i32
    "tpu.region"() ({
      %run_scoped3A_38 = tpu.sem_alloc : memref<!tpu.dma_semaphore, #tpu.memory_space<semaphore_mem>>
      %dma_start3A = arith.constant 0 : i32
      %dma_start3A_39 = arith.constant 0 : i32
      %dma_start3A_40 = tpu.memref_slice %arg5[%run_scoped3A, %dma_start3A, %dma_start3A_39] : memref<2x16x200xi32, #tpu.memory_space<vmem>> -> memref<1x16x200xi32, #tpu.memory_space<vmem>>
      %dma_start3A_41 = tpu.memref_squeeze %dma_start3A_40 : memref<1x16x200xi32, #tpu.memory_space<vmem>> -> memref<16x200xi32, #tpu.memory_space<vmem>>
      %dma_start3A_42 = arith.constant 0 : i32
      %dma_start3A_43 = tpu.memref_slice %arg2[%mul3A_2, %dma_start3A_42] : memref<16384x200xi32, #tpu.memory_space<hbm>> -> memref<16x200xi32, #tpu.memory_space<hbm>>
      %dma_start3A_44 = arith.constant 0 : i32
      %dma_start3A_45 = arith.constant 0 : i32
      %dma_start3A_46 = tpu.memref_slice %arg5[%run_scoped3A, %dma_start3A_44, %dma_start3A_45] : memref<2x16x200xi32, #tpu.memory_space<vmem>> -> memref<1x16x200xi32, #tpu.memory_space<vmem>>
      %dma_start3A_47 = tpu.memref_squeeze %dma_start3A_46 : memref<1x16x200xi32, #tpu.memory_space<vmem>> -> memref<16x200xi32, #tpu.memory_space<vmem>>
      %dma_start3A_48 = arith.constant 0 : i32
      %dma_start3A_49 = tpu.memref_slice %arg2[%mul3A_2, %dma_start3A_48] : memref<16384x200xi32, #tpu.memory_space<hbm>> -> memref<16x200xi32, #tpu.memory_space<hbm>>
      tpu.enqueue_dma source(%dma_start3A_49 : memref<16x200xi32, #tpu.memory_space<hbm>>) target(%dma_start3A_47 : memref<16x200xi32, #tpu.memory_space<vmem>>) target_semaphore(%run_scoped3A_38 : memref<!tpu.dma_semaphore, #tpu.memory_space<semaphore_mem>>)
      %dma_wait3A_50 = arith.constant 0 : i32
      %dma_wait3A_51 = arith.constant 0 : i32
      %dma_wait3A_52 = tpu.memref_slice %arg5[%run_scoped3A, %dma_wait3A_50, %dma_wait3A_51] : memref<2x16x200xi32, #tpu.memory_space<vmem>> -> memref<1x16x200xi32, #tpu.memory_space<vmem>>
      %dma_wait3A_53 = tpu.memref_squeeze %dma_wait3A_52 : memref<1x16x200xi32, #tpu.memory_space<vmem>> -> memref<16x200xi32, #tpu.memory_space<vmem>>
      %dma_wait3A_54 = arith.constant 0 : i32
      %dma_wait3A_55 = tpu.memref_slice %arg2[%mul3A_2, %dma_wait3A_54] : memref<16384x200xi32, #tpu.memory_space<hbm>> -> memref<16x200xi32, #tpu.memory_space<hbm>>
      %dma_wait3A_56 = arith.constant 0 : i32
      %dma_wait3A_57 = arith.constant 0 : i32
      %dma_wait3A_58 = tpu.memref_slice %arg5[%run_scoped3A, %dma_wait3A_56, %dma_wait3A_57] : memref<2x16x200xi32, #tpu.memory_space<vmem>> -> memref<1x16x200xi32, #tpu.memory_space<vmem>>
      %dma_wait3A_59 = tpu.memref_squeeze %dma_wait3A_58 : memref<1x16x200xi32, #tpu.memory_space<vmem>> -> memref<16x200xi32, #tpu.memory_space<vmem>>
      %dma_wait3A_60 = arith.constant 0 : i32
      %dma_wait3A_61 = tpu.memref_slice %arg2[%mul3A_2, %dma_wait3A_60] : memref<16384x200xi32, #tpu.memory_space<hbm>> -> memref<16x200xi32, #tpu.memory_space<hbm>>
      tpu.wait_dma2 semaphore(%run_scoped3A_38 : memref<!tpu.dma_semaphore, #tpu.memory_space<semaphore_mem>>) src(%dma_wait3A_61 : memref<16x200xi32, #tpu.memory_space<hbm>>) dst(%dma_wait3A_59 : memref<16x200xi32, #tpu.memory_space<vmem>>)
      tpu.yield
    }) : () -> ()
    %scan3A = arith.constant 0 : i32
    %scan3A_3 = arith.constant 0 : i32
    %scan3A_4 = arith.constant 32 : i32
    %scan3A_5 = arith.addi %scan3A_3, %scan3A_4 : i32
    %scan3A_6 = arith.constant 1 : i32
    %scan3A_7 = scf.for %scan3A_38 = %scan3A_3 to %scan3A_5 step %scan3A_6 iter_args(%scan3A_39 = %scan3A) -> (i32)  : i32 {
      %rem3A = arith.constant 2 : i32
      %rem3A_40 = arith.remsi %scan3A_38, %rem3A : i32
      %ge3A = arith.constant 2 : i32
      %ge3A_41 = arith.cmpi sge, %scan3A_38, %ge3A : i32
      %convert_element_type3A = arith.extui %ge3A_41 : i1 to i32
      %cond3A = arith.constant 0 : i32
      %cond3A_42 = arith.cmpi ne, %convert_element_type3A, %cond3A : i32
      scf.if %cond3A_42 {
        %sub3A = arith.constant 2 : i32
        %sub3A_270 = arith.subi %scan3A_38, %sub3A : i32
        %mul3A_271 = arith.constant 16 : i32
        %mul3A_272 = arith.muli %sub3A_270, %mul3A_271 : i32
        %add3A_273 = arith.addi %mul3A_2, %mul3A_272 : i32
        %dma_wait3A_274 = arith.constant 0 : i32
        %dma_wait3A_275 = arith.constant 0 : i32
        %dma_wait3A_276 = tpu.memref_slice %arg7[%rem3A_40, %dma_wait3A_274, %dma_wait3A_275] : memref<2x16x64xf32, #tpu.memory_space<vmem>> -> memref<1x16x64xf32, #tpu.memory_space<vmem>>
        %dma_wait3A_277 = tpu.memref_squeeze %dma_wait3A_276 : memref<1x16x64xf32, #tpu.memory_space<vmem>> -> memref<16x64xf32, #tpu.memory_space<vmem>>
        %dma_wait3A_278 = arith.constant 0 : i32
        %dma_wait3A_279 = tpu.memref_slice %arg4[%add3A_273, %dma_wait3A_278] : memref<16384x64xf32, #tpu.memory_space<hbm>> -> memref<16x64xf32, #tpu.memory_space<hbm>>
        %dma_wait3A_280 = arith.constant 0 : i32
        %dma_wait3A_281 = tpu.memref_slice %arg4[%add3A_273, %dma_wait3A_280] : memref<16384x64xf32, #tpu.memory_space<hbm>> -> memref<16x64xf32, #tpu.memory_space<hbm>>
        %dma_wait3A_282 = arith.constant 0 : i32
        %dma_wait3A_283 = arith.constant 0 : i32
        %dma_wait3A_284 = tpu.memref_slice %arg7[%rem3A_40, %dma_wait3A_282, %dma_wait3A_283] : memref<2x16x64xf32, #tpu.memory_space<vmem>> -> memref<1x16x64xf32, #tpu.memory_space<vmem>>
        %dma_wait3A_285 = tpu.memref_squeeze %dma_wait3A_284 : memref<1x16x64xf32, #tpu.memory_space<vmem>> -> memref<16x64xf32, #tpu.memory_space<vmem>>
        tpu.wait_dma2 semaphore(%arg17 : memref<!tpu.dma_semaphore, #tpu.memory_space<semaphore_mem>>) src(%dma_wait3A_285 : memref<16x64xf32, #tpu.memory_space<vmem>>) dst(%dma_wait3A_281 : memref<16x64xf32, #tpu.memory_space<hbm>>)
      } else {
      }
      %add3A_43 = arith.constant 1 : i32
      %add3A_44 = arith.addi %scan3A_38, %add3A_43 : i32
      %lt3A = arith.constant 32 : i32
      %lt3A_45 = arith.cmpi slt, %add3A_44, %lt3A : i32
      %convert_element_type3A_46 = arith.extui %lt3A_45 : i1 to i32
      %cond3A_47 = arith.constant 0 : i32
      %cond3A_48 = arith.cmpi ne, %convert_element_type3A_46, %cond3A_47 : i32
      scf.if %cond3A_48 {
        %sub3A = arith.constant 1 : i32
        %sub3A_270 = arith.subi %sub3A, %rem3A_40 : i32
        %add3A_271 = arith.constant 1 : i32
        %add3A_272 = arith.addi %scan3A_38, %add3A_271 : i32
        %mul3A_273 = arith.constant 16 : i32
        %mul3A_274 = arith.muli %add3A_272, %mul3A_273 : i32
        %add3A_275 = arith.addi %mul3A_2, %mul3A_274 : i32
        %dma_start3A_276 = arith.constant 0 : i32
        %dma_start3A_277 = arith.constant 0 : i32
        %dma_start3A_278 = tpu.memref_slice %arg5[%sub3A_270, %dma_start3A_276, %dma_start3A_277] : memref<2x16x200xi32, #tpu.memory_space<vmem>> -> memref<1x16x200xi32, #tpu.memory_space<vmem>>
        %dma_start3A_279 = tpu.memref_squeeze %dma_start3A_278 : memref<1x16x200xi32, #tpu.memory_space<vmem>> -> memref<16x200xi32, #tpu.memory_space<vmem>>
        %dma_start3A_280 = arith.constant 0 : i32
        %dma_start3A_281 = tpu.memref_slice %arg2[%add3A_275, %dma_start3A_280] : memref<16384x200xi32, #tpu.memory_space<hbm>> -> memref<16x200xi32, #tpu.memory_space<hbm>>
        %dma_start3A_282 = arith.constant 0 : i32
        %dma_start3A_283 = arith.constant 0 : i32
        %dma_start3A_284 = tpu.memref_slice %arg5[%sub3A_270, %dma_start3A_282, %dma_start3A_283] : memref<2x16x200xi32, #tpu.memory_space<vmem>> -> memref<1x16x200xi32, #tpu.memory_space<vmem>>
        %dma_start3A_285 = tpu.memref_squeeze %dma_start3A_284 : memref<1x16x200xi32, #tpu.memory_space<vmem>> -> memref<16x200xi32, #tpu.memory_space<vmem>>
        %dma_start3A_286 = arith.constant 0 : i32
        %dma_start3A_287 = tpu.memref_slice %arg2[%add3A_275, %dma_start3A_286] : memref<16384x200xi32, #tpu.memory_space<hbm>> -> memref<16x200xi32, #tpu.memory_space<hbm>>
        tpu.enqueue_dma source(%dma_start3A_287 : memref<16x200xi32, #tpu.memory_space<hbm>>) target(%dma_start3A_285 : memref<16x200xi32, #tpu.memory_space<vmem>>) target_semaphore(%arg16 : memref<!tpu.dma_semaphore, #tpu.memory_space<semaphore_mem>>)
      } else {
      }
      %dma_start3A = arith.constant 0 : i32
      %dma_start3A_49 = arith.constant 0 : i32
      %dma_start3A_50 = arith.constant 0 : i32
      %dma_start3A_51 = arith.constant 0 : i32
      %dma_start3A_52 = tpu.memref_slice %arg6[%dma_start3A_49, %dma_start3A_50, %dma_start3A_51] : memref<8x200x32xi32, #tpu.memory_space<vmem>> -> memref<1x128x32xi32, #tpu.memory_space<vmem>>
      %dma_start3A_53 = tpu.memref_squeeze %dma_start3A_52 : memref<1x128x32xi32, #tpu.memory_space<vmem>> -> memref<128x32xi32, #tpu.memory_space<vmem>>
      %dma_start3A_54 = arith.constant 0 : i32
      %dma_start3A_55 = tpu.memref_slice %arg5[%rem3A_40, %dma_start3A, %dma_start3A_54] : memref<2x16x200xi32, #tpu.memory_space<vmem>> -> memref<1x1x128xi32, #tpu.memory_space<vmem>>
      %dma_start3A_56 = tpu.memref_squeeze %dma_start3A_55 : memref<1x1x128xi32, #tpu.memory_space<vmem>> -> memref<128xi32, #tpu.memory_space<vmem>>
      %dma_start3A_57 = arith.constant 0 : i32
      %dma_start3A_58 = arith.constant 0 : i32
      %dma_start3A_59 = tpu.memref_slice %arg3[%dma_start3A_57, %dma_start3A_58] : memref<1000000x32xi32, #tpu.memory_space<hbm>> -> memref<1000000x32xi32, #tpu.memory_space<hbm>>
      tpu.enqueue_indirect_dma source(%dma_start3A_59 : memref<1000000x32xi32, #tpu.memory_space<hbm>>) target(%dma_start3A_53 : memref<128x32xi32, #tpu.memory_space<vmem>>) offsets(%dma_start3A_56 : memref<128xi32, #tpu.memory_space<vmem>>) semaphore(%arg8 : memref<!tpu.dma_semaphore, #tpu.memory_space<semaphore_mem>>)
      %dma_start3A_60 = arith.constant 0 : i32
      %dma_start3A_61 = arith.constant 0 : i32
      %dma_start3A_62 = arith.constant 128 : i32
      %dma_start3A_63 = arith.constant 0 : i32
      %dma_start3A_64 = tpu.memref_slice %arg6[%dma_start3A_61, %dma_start3A_62, %dma_start3A_63] : memref<8x200x32xi32, #tpu.memory_space<vmem>> -> memref<1x72x32xi32, #tpu.memory_space<vmem>>
      %dma_start3A_65 = tpu.memref_squeeze %dma_start3A_64 : memref<1x72x32xi32, #tpu.memory_space<vmem>> -> memref<72x32xi32, #tpu.memory_space<vmem>>
      %dma_start3A_66 = arith.constant 128 : i32
      %dma_start3A_67 = tpu.memref_slice %arg5[%rem3A_40, %dma_start3A_60, %dma_start3A_66] : memref<2x16x200xi32, #tpu.memory_space<vmem>> -> memref<1x1x72xi32, #tpu.memory_space<vmem>>
      %dma_start3A_68 = tpu.memref_squeeze %dma_start3A_67 : memref<1x1x72xi32, #tpu.memory_space<vmem>> -> memref<72xi32, #tpu.memory_space<vmem>>
      %dma_start3A_69 = arith.constant 0 : i32
      %dma_start3A_70 = arith.constant 0 : i32
      %dma_start3A_71 = tpu.memref_slice %arg3[%dma_start3A_69, %dma_start3A_70] : memref<1000000x32xi32, #tpu.memory_space<hbm>> -> memref<1000000x32xi32, #tpu.memory_space<hbm>>
      tpu.enqueue_indirect_dma source(%dma_start3A_71 : memref<1000000x32xi32, #tpu.memory_space<hbm>>) target(%dma_start3A_65 : memref<72x32xi32, #tpu.memory_space<vmem>>) offsets(%dma_start3A_68 : memref<72xi32, #tpu.memory_space<vmem>>) semaphore(%arg8 : memref<!tpu.dma_semaphore, #tpu.memory_space<semaphore_mem>>)
      %dma_start3A_72 = arith.constant 1 : i32
      %dma_start3A_73 = arith.constant 1 : i32
      %dma_start3A_74 = arith.constant 0 : i32
      %dma_start3A_75 = arith.constant 0 : i32
      %dma_start3A_76 = tpu.memref_slice %arg6[%dma_start3A_73, %dma_start3A_74, %dma_start3A_75] : memref<8x200x32xi32, #tpu.memory_space<vmem>> -> memref<1x128x32xi32, #tpu.memory_space<vmem>>
      %dma_start3A_77 = tpu.memref_squeeze %dma_start3A_76 : memref<1x128x32xi32, #tpu.memory_space<vmem>> -> memref<128x32xi32, #tpu.memory_space<vmem>>
      %dma_start3A_78 = arith.constant 0 : i32
      %dma_start3A_79 = tpu.memref_slice %arg5[%rem3A_40, %dma_start3A_72, %dma_start3A_78] : memref<2x16x200xi32, #tpu.memory_space<vmem>> -> memref<1x1x128xi32, #tpu.memory_space<vmem>>
      %dma_start3A_80 = tpu.memref_squeeze %dma_start3A_79 : memref<1x1x128xi32, #tpu.memory_space<vmem>> -> memref<128xi32, #tpu.memory_space<vmem>>
      %dma_start3A_81 = arith.constant 0 : i32
      %dma_start3A_82 = arith.constant 0 : i32
      %dma_start3A_83 = tpu.memref_slice %arg3[%dma_start3A_81, %dma_start3A_82] : memref<1000000x32xi32, #tpu.memory_space<hbm>> -> memref<1000000x32xi32, #tpu.memory_space<hbm>>
      tpu.enqueue_indirect_dma source(%dma_start3A_83 : memref<1000000x32xi32, #tpu.memory_space<hbm>>) target(%dma_start3A_77 : memref<128x32xi32, #tpu.memory_space<vmem>>) offsets(%dma_start3A_80 : memref<128xi32, #tpu.memory_space<vmem>>) semaphore(%arg9 : memref<!tpu.dma_semaphore, #tpu.memory_space<semaphore_mem>>)
      %dma_start3A_84 = arith.constant 1 : i32
      %dma_start3A_85 = arith.constant 1 : i32
      %dma_start3A_86 = arith.constant 128 : i32
      %dma_start3A_87 = arith.constant 0 : i32
      %dma_start3A_88 = tpu.memref_slice %arg6[%dma_start3A_85, %dma_start3A_86, %dma_start3A_87] : memref<8x200x32xi32, #tpu.memory_space<vmem>> -> memref<1x72x32xi32, #tpu.memory_space<vmem>>
      %dma_start3A_89 = tpu.memref_squeeze %dma_start3A_88 : memref<1x72x32xi32, #tpu.memory_space<vmem>> -> memref<72x32xi32, #tpu.memory_space<vmem>>
      %dma_start3A_90 = arith.constant 128 : i32
      %dma_start3A_91 = tpu.memref_slice %arg5[%rem3A_40, %dma_start3A_84, %dma_start3A_90] : memref<2x16x200xi32, #tpu.memory_space<vmem>> -> memref<1x1x72xi32, #tpu.memory_space<vmem>>
      %dma_start3A_92 = tpu.memref_squeeze %dma_start3A_91 : memref<1x1x72xi32, #tpu.memory_space<vmem>> -> memref<72xi32, #tpu.memory_space<vmem>>
      %dma_start3A_93 = arith.constant 0 : i32
      %dma_start3A_94 = arith.constant 0 : i32
      %dma_start3A_95 = tpu.memref_slice %arg3[%dma_start3A_93, %dma_start3A_94] : memref<1000000x32xi32, #tpu.memory_space<hbm>> -> memref<1000000x32xi32, #tpu.memory_space<hbm>>
      tpu.enqueue_indirect_dma source(%dma_start3A_95 : memref<1000000x32xi32, #tpu.memory_space<hbm>>) target(%dma_start3A_89 : memref<72x32xi32, #tpu.memory_space<vmem>>) offsets(%dma_start3A_92 : memref<72xi32, #tpu.memory_space<vmem>>) semaphore(%arg9 : memref<!tpu.dma_semaphore, #tpu.memory_space<semaphore_mem>>)
      %dma_start3A_96 = arith.constant 2 : i32
      %dma_start3A_97 = arith.constant 2 : i32
      %dma_start3A_98 = arith.constant 0 : i32
      %dma_start3A_99 = arith.constant 0 : i32
      %dma_start3A_100 = tpu.memref_slice %arg6[%dma_start3A_97, %dma_start3A_98, %dma_start3A_99] : memref<8x200x32xi32, #tpu.memory_space<vmem>> -> memref<1x128x32xi32, #tpu.memory_space<vmem>>
      %dma_start3A_101 = tpu.memref_squeeze %dma_start3A_100 : memref<1x128x32xi32, #tpu.memory_space<vmem>> -> memref<128x32xi32, #tpu.memory_space<vmem>>
      %dma_start3A_102 = arith.constant 0 : i32
      %dma_start3A_103 = tpu.memref_slice %arg5[%rem3A_40, %dma_start3A_96, %dma_start3A_102] : memref<2x16x200xi32, #tpu.memory_space<vmem>> -> memref<1x1x128xi32, #tpu.memory_space<vmem>>
      %dma_start3A_104 = tpu.memref_squeeze %dma_start3A_103 : memref<1x1x128xi32, #tpu.memory_space<vmem>> -> memref<128xi32, #tpu.memory_space<vmem>>
      %dma_start3A_105 = arith.constant 0 : i32
      %dma_start3A_106 = arith.constant 0 : i32
      %dma_start3A_107 = tpu.memref_slice %arg3[%dma_start3A_105, %dma_start3A_106] : memref<1000000x32xi32, #tpu.memory_space<hbm>> -> memref<1000000x32xi32, #tpu.memory_space<hbm>>
      tpu.enqueue_indirect_dma source(%dma_start3A_107 : memref<1000000x32xi32, #tpu.memory_space<hbm>>) target(%dma_start3A_101 : memref<128x32xi32, #tpu.memory_space<vmem>>) offsets(%dma_start3A_104 : memref<128xi32, #tpu.memory_space<vmem>>) semaphore(%arg10 : memref<!tpu.dma_semaphore, #tpu.memory_space<semaphore_mem>>)
      %dma_start3A_108 = arith.constant 2 : i32
      %dma_start3A_109 = arith.constant 2 : i32
      %dma_start3A_110 = arith.constant 128 : i32
      %dma_start3A_111 = arith.constant 0 : i32
      %dma_start3A_112 = tpu.memref_slice %arg6[%dma_start3A_109, %dma_start3A_110, %dma_start3A_111] : memref<8x200x32xi32, #tpu.memory_space<vmem>> -> memref<1x72x32xi32, #tpu.memory_space<vmem>>
      %dma_start3A_113 = tpu.memref_squeeze %dma_start3A_112 : memref<1x72x32xi32, #tpu.memory_space<vmem>> -> memref<72x32xi32, #tpu.memory_space<vmem>>
      %dma_start3A_114 = arith.constant 128 : i32
      %dma_start3A_115 = tpu.memref_slice %arg5[%rem3A_40, %dma_start3A_108, %dma_start3A_114] : memref<2x16x200xi32, #tpu.memory_space<vmem>> -> memref<1x1x72xi32, #tpu.memory_space<vmem>>
      %dma_start3A_116 = tpu.memref_squeeze %dma_start3A_115 : memref<1x1x72xi32, #tpu.memory_space<vmem>> -> memref<72xi32, #tpu.memory_space<vmem>>
      %dma_start3A_117 = arith.constant 0 : i32
      %dma_start3A_118 = arith.constant 0 : i32
      %dma_start3A_119 = tpu.memref_slice %arg3[%dma_start3A_117, %dma_start3A_118] : memref<1000000x32xi32, #tpu.memory_space<hbm>> -> memref<1000000x32xi32, #tpu.memory_space<hbm>>
      tpu.enqueue_indirect_dma source(%dma_start3A_119 : memref<1000000x32xi32, #tpu.memory_space<hbm>>) target(%dma_start3A_113 : memref<72x32xi32, #tpu.memory_space<vmem>>) offsets(%dma_start3A_116 : memref<72xi32, #tpu.memory_space<vmem>>) semaphore(%arg10 : memref<!tpu.dma_semaphore, #tpu.memory_space<semaphore_mem>>)
      %dma_start3A_120 = arith.constant 3 : i32
      %dma_start3A_121 = arith.constant 3 : i32
      %dma_start3A_122 = arith.constant 0 : i32
      %dma_start3A_123 = arith.constant 0 : i32
      %dma_start3A_124 = tpu.memref_slice %arg6[%dma_start3A_121, %dma_start3A_122, %dma_start3A_123] : memref<8x200x32xi32, #tpu.memory_space<vmem>> -> memref<1x128x32xi32, #tpu.memory_space<vmem>>
      %dma_start3A_125 = tpu.memref_squeeze %dma_start3A_124 : memref<1x128x32xi32, #tpu.memory_space<vmem>> -> memref<128x32xi32, #tpu.memory_space<vmem>>
      %dma_start3A_126 = arith.constant 0 : i32
      %dma_start3A_127 = tpu.memref_slice %arg5[%rem3A_40, %dma_start3A_120, %dma_start3A_126] : memref<2x16x200xi32, #tpu.memory_space<vmem>> -> memref<1x1x128xi32, #tpu.memory_space<vmem>>
      %dma_start3A_128 = tpu.memref_squeeze %dma_start3A_127 : memref<1x1x128xi32, #tpu.memory_space<vmem>> -> memref<128xi32, #tpu.memory_space<vmem>>
      %dma_start3A_129 = arith.constant 0 : i32
      %dma_start3A_130 = arith.constant 0 : i32
      %dma_start3A_131 = tpu.memref_slice %arg3[%dma_start3A_129, %dma_start3A_130] : memref<1000000x32xi32, #tpu.memory_space<hbm>> -> memref<1000000x32xi32, #tpu.memory_space<hbm>>
      tpu.enqueue_indirect_dma source(%dma_start3A_131 : memref<1000000x32xi32, #tpu.memory_space<hbm>>) target(%dma_start3A_125 : memref<128x32xi32, #tpu.memory_space<vmem>>) offsets(%dma_start3A_128 : memref<128xi32, #tpu.memory_space<vmem>>) semaphore(%arg11 : memref<!tpu.dma_semaphore, #tpu.memory_space<semaphore_mem>>)
      %dma_start3A_132 = arith.constant 3 : i32
      %dma_start3A_133 = arith.constant 3 : i32
      %dma_start3A_134 = arith.constant 128 : i32
      %dma_start3A_135 = arith.constant 0 : i32
      %dma_start3A_136 = tpu.memref_slice %arg6[%dma_start3A_133, %dma_start3A_134, %dma_start3A_135] : memref<8x200x32xi32, #tpu.memory_space<vmem>> -> memref<1x72x32xi32, #tpu.memory_space<vmem>>
      %dma_start3A_137 = tpu.memref_squeeze %dma_start3A_136 : memref<1x72x32xi32, #tpu.memory_space<vmem>> -> memref<72x32xi32, #tpu.memory_space<vmem>>
      %dma_start3A_138 = arith.constant 128 : i32
      %dma_start3A_139 = tpu.memref_slice %arg5[%rem3A_40, %dma_start3A_132, %dma_start3A_138] : memref<2x16x200xi32, #tpu.memory_space<vmem>> -> memref<1x1x72xi32, #tpu.memory_space<vmem>>
      %dma_start3A_140 = tpu.memref_squeeze %dma_start3A_139 : memref<1x1x72xi32, #tpu.memory_space<vmem>> -> memref<72xi32, #tpu.memory_space<vmem>>
      %dma_start3A_141 = arith.constant 0 : i32
      %dma_start3A_142 = arith.constant 0 : i32
      %dma_start3A_143 = tpu.memref_slice %arg3[%dma_start3A_141, %dma_start3A_142] : memref<1000000x32xi32, #tpu.memory_space<hbm>> -> memref<1000000x32xi32, #tpu.memory_space<hbm>>
      tpu.enqueue_indirect_dma source(%dma_start3A_143 : memref<1000000x32xi32, #tpu.memory_space<hbm>>) target(%dma_start3A_137 : memref<72x32xi32, #tpu.memory_space<vmem>>) offsets(%dma_start3A_140 : memref<72xi32, #tpu.memory_space<vmem>>) semaphore(%arg11 : memref<!tpu.dma_semaphore, #tpu.memory_space<semaphore_mem>>)
      %dma_start3A_144 = arith.constant 4 : i32
      %dma_start3A_145 = arith.constant 4 : i32
      %dma_start3A_146 = arith.constant 0 : i32
      %dma_start3A_147 = arith.constant 0 : i32
      %dma_start3A_148 = tpu.memref_slice %arg6[%dma_start3A_145, %dma_start3A_146, %dma_start3A_147] : memref<8x200x32xi32, #tpu.memory_space<vmem>> -> memref<1x128x32xi32, #tpu.memory_space<vmem>>
      %dma_start3A_149 = tpu.memref_squeeze %dma_start3A_148 : memref<1x128x32xi32, #tpu.memory_space<vmem>> -> memref<128x32xi32, #tpu.memory_space<vmem>>
      %dma_start3A_150 = arith.constant 0 : i32
      %dma_start3A_151 = tpu.memref_slice %arg5[%rem3A_40, %dma_start3A_144, %dma_start3A_150] : memref<2x16x200xi32, #tpu.memory_space<vmem>> -> memref<1x1x128xi32, #tpu.memory_space<vmem>>
      %dma_start3A_152 = tpu.memref_squeeze %dma_start3A_151 : memref<1x1x128xi32, #tpu.memory_space<vmem>> -> memref<128xi32, #tpu.memory_space<vmem>>
      %dma_start3A_153 = arith.constant 0 : i32
      %dma_start3A_154 = arith.constant 0 : i32
      %dma_start3A_155 = tpu.memref_slice %arg3[%dma_start3A_153, %dma_start3A_154] : memref<1000000x32xi32, #tpu.memory_space<hbm>> -> memref<1000000x32xi32, #tpu.memory_space<hbm>>
      tpu.enqueue_indirect_dma source(%dma_start3A_155 : memref<1000000x32xi32, #tpu.memory_space<hbm>>) target(%dma_start3A_149 : memref<128x32xi32, #tpu.memory_space<vmem>>) offsets(%dma_start3A_152 : memref<128xi32, #tpu.memory_space<vmem>>) semaphore(%arg12 : memref<!tpu.dma_semaphore, #tpu.memory_space<semaphore_mem>>)
      %dma_start3A_156 = arith.constant 4 : i32
      %dma_start3A_157 = arith.constant 4 : i32
      %dma_start3A_158 = arith.constant 128 : i32
      %dma_start3A_159 = arith.constant 0 : i32
      %dma_start3A_160 = tpu.memref_slice %arg6[%dma_start3A_157, %dma_start3A_158, %dma_start3A_159] : memref<8x200x32xi32, #tpu.memory_space<vmem>> -> memref<1x72x32xi32, #tpu.memory_space<vmem>>
      %dma_start3A_161 = tpu.memref_squeeze %dma_start3A_160 : memref<1x72x32xi32, #tpu.memory_space<vmem>> -> memref<72x32xi32, #tpu.memory_space<vmem>>
      %dma_start3A_162 = arith.constant 128 : i32
      %dma_start3A_163 = tpu.memref_slice %arg5[%rem3A_40, %dma_start3A_156, %dma_start3A_162] : memref<2x16x200xi32, #tpu.memory_space<vmem>> -> memref<1x1x72xi32, #tpu.memory_space<vmem>>
      %dma_start3A_164 = tpu.memref_squeeze %dma_start3A_163 : memref<1x1x72xi32, #tpu.memory_space<vmem>> -> memref<72xi32, #tpu.memory_space<vmem>>
      %dma_start3A_165 = arith.constant 0 : i32
      %dma_start3A_166 = arith.constant 0 : i32
      %dma_start3A_167 = tpu.memref_slice %arg3[%dma_start3A_165, %dma_start3A_166] : memref<1000000x32xi32, #tpu.memory_space<hbm>> -> memref<1000000x32xi32, #tpu.memory_space<hbm>>
      tpu.enqueue_indirect_dma source(%dma_start3A_167 : memref<1000000x32xi32, #tpu.memory_space<hbm>>) target(%dma_start3A_161 : memref<72x32xi32, #tpu.memory_space<vmem>>) offsets(%dma_start3A_164 : memref<72xi32, #tpu.memory_space<vmem>>) semaphore(%arg12 : memref<!tpu.dma_semaphore, #tpu.memory_space<semaphore_mem>>)
      %dma_start3A_168 = arith.constant 5 : i32
      %dma_start3A_169 = arith.constant 5 : i32
      %dma_start3A_170 = arith.constant 0 : i32
      %dma_start3A_171 = arith.constant 0 : i32
      %dma_start3A_172 = tpu.memref_slice %arg6[%dma_start3A_169, %dma_start3A_170, %dma_start3A_171] : memref<8x200x32xi32, #tpu.memory_space<vmem>> -> memref<1x128x32xi32, #tpu.memory_space<vmem>>
      %dma_start3A_173 = tpu.memref_squeeze %dma_start3A_172 : memref<1x128x32xi32, #tpu.memory_space<vmem>> -> memref<128x32xi32, #tpu.memory_space<vmem>>
      %dma_start3A_174 = arith.constant 0 : i32
      %dma_start3A_175 = tpu.memref_slice %arg5[%rem3A_40, %dma_start3A_168, %dma_start3A_174] : memref<2x16x200xi32, #tpu.memory_space<vmem>> -> memref<1x1x128xi32, #tpu.memory_space<vmem>>
      %dma_start3A_176 = tpu.memref_squeeze %dma_start3A_175 : memref<1x1x128xi32, #tpu.memory_space<vmem>> -> memref<128xi32, #tpu.memory_space<vmem>>
      %dma_start3A_177 = arith.constant 0 : i32
      %dma_start3A_178 = arith.constant 0 : i32
      %dma_start3A_179 = tpu.memref_slice %arg3[%dma_start3A_177, %dma_start3A_178] : memref<1000000x32xi32, #tpu.memory_space<hbm>> -> memref<1000000x32xi32, #tpu.memory_space<hbm>>
      tpu.enqueue_indirect_dma source(%dma_start3A_179 : memref<1000000x32xi32, #tpu.memory_space<hbm>>) target(%dma_start3A_173 : memref<128x32xi32, #tpu.memory_space<vmem>>) offsets(%dma_start3A_176 : memref<128xi32, #tpu.memory_space<vmem>>) semaphore(%arg13 : memref<!tpu.dma_semaphore, #tpu.memory_space<semaphore_mem>>)
      %dma_start3A_180 = arith.constant 5 : i32
      %dma_start3A_181 = arith.constant 5 : i32
      %dma_start3A_182 = arith.constant 128 : i32
      %dma_start3A_183 = arith.constant 0 : i32
      %dma_start3A_184 = tpu.memref_slice %arg6[%dma_start3A_181, %dma_start3A_182, %dma_start3A_183] : memref<8x200x32xi32, #tpu.memory_space<vmem>> -> memref<1x72x32xi32, #tpu.memory_space<vmem>>
      %dma_start3A_185 = tpu.memref_squeeze %dma_start3A_184 : memref<1x72x32xi32, #tpu.memory_space<vmem>> -> memref<72x32xi32, #tpu.memory_space<vmem>>
      %dma_start3A_186 = arith.constant 128 : i32
      %dma_start3A_187 = tpu.memref_slice %arg5[%rem3A_40, %dma_start3A_180, %dma_start3A_186] : memref<2x16x200xi32, #tpu.memory_space<vmem>> -> memref<1x1x72xi32, #tpu.memory_space<vmem>>
      %dma_start3A_188 = tpu.memref_squeeze %dma_start3A_187 : memref<1x1x72xi32, #tpu.memory_space<vmem>> -> memref<72xi32, #tpu.memory_space<vmem>>
      %dma_start3A_189 = arith.constant 0 : i32
      %dma_start3A_190 = arith.constant 0 : i32
      %dma_start3A_191 = tpu.memref_slice %arg3[%dma_start3A_189, %dma_start3A_190] : memref<1000000x32xi32, #tpu.memory_space<hbm>> -> memref<1000000x32xi32, #tpu.memory_space<hbm>>
      tpu.enqueue_indirect_dma source(%dma_start3A_191 : memref<1000000x32xi32, #tpu.memory_space<hbm>>) target(%dma_start3A_185 : memref<72x32xi32, #tpu.memory_space<vmem>>) offsets(%dma_start3A_188 : memref<72xi32, #tpu.memory_space<vmem>>) semaphore(%arg13 : memref<!tpu.dma_semaphore, #tpu.memory_space<semaphore_mem>>)
      %dma_start3A_192 = arith.constant 6 : i32
      %dma_start3A_193 = arith.constant 6 : i32
      %dma_start3A_194 = arith.constant 0 : i32
      %dma_start3A_195 = arith.constant 0 : i32
      %dma_start3A_196 = tpu.memref_slice %arg6[%dma_start3A_193, %dma_start3A_194, %dma_start3A_195] : memref<8x200x32xi32, #tpu.memory_space<vmem>> -> memref<1x128x32xi32, #tpu.memory_space<vmem>>
      %dma_start3A_197 = tpu.memref_squeeze %dma_start3A_196 : memref<1x128x32xi32, #tpu.memory_space<vmem>> -> memref<128x32xi32, #tpu.memory_space<vmem>>
      %dma_start3A_198 = arith.constant 0 : i32
      %dma_start3A_199 = tpu.memref_slice %arg5[%rem3A_40, %dma_start3A_192, %dma_start3A_198] : memref<2x16x200xi32, #tpu.memory_space<vmem>> -> memref<1x1x128xi32, #tpu.memory_space<vmem>>
      %dma_start3A_200 = tpu.memref_squeeze %dma_start3A_199 : memref<1x1x128xi32, #tpu.memory_space<vmem>> -> memref<128xi32, #tpu.memory_space<vmem>>
      %dma_start3A_201 = arith.constant 0 : i32
      %dma_start3A_202 = arith.constant 0 : i32
      %dma_start3A_203 = tpu.memref_slice %arg3[%dma_start3A_201, %dma_start3A_202] : memref<1000000x32xi32, #tpu.memory_space<hbm>> -> memref<1000000x32xi32, #tpu.memory_space<hbm>>
      tpu.enqueue_indirect_dma source(%dma_start3A_203 : memref<1000000x32xi32, #tpu.memory_space<hbm>>) target(%dma_start3A_197 : memref<128x32xi32, #tpu.memory_space<vmem>>) offsets(%dma_start3A_200 : memref<128xi32, #tpu.memory_space<vmem>>) semaphore(%arg14 : memref<!tpu.dma_semaphore, #tpu.memory_space<semaphore_mem>>)
      %dma_start3A_204 = arith.constant 6 : i32
      %dma_start3A_205 = arith.constant 6 : i32
      %dma_start3A_206 = arith.constant 128 : i32
      %dma_start3A_207 = arith.constant 0 : i32
      %dma_start3A_208 = tpu.memref_slice %arg6[%dma_start3A_205, %dma_start3A_206, %dma_start3A_207] : memref<8x200x32xi32, #tpu.memory_space<vmem>> -> memref<1x72x32xi32, #tpu.memory_space<vmem>>
      %dma_start3A_209 = tpu.memref_squeeze %dma_start3A_208 : memref<1x72x32xi32, #tpu.memory_space<vmem>> -> memref<72x32xi32, #tpu.memory_space<vmem>>
      %dma_start3A_210 = arith.constant 128 : i32
      %dma_start3A_211 = tpu.memref_slice %arg5[%rem3A_40, %dma_start3A_204, %dma_start3A_210] : memref<2x16x200xi32, #tpu.memory_space<vmem>> -> memref<1x1x72xi32, #tpu.memory_space<vmem>>
      %dma_start3A_212 = tpu.memref_squeeze %dma_start3A_211 : memref<1x1x72xi32, #tpu.memory_space<vmem>> -> memref<72xi32, #tpu.memory_space<vmem>>
      %dma_start3A_213 = arith.constant 0 : i32
      %dma_start3A_214 = arith.constant 0 : i32
      %dma_start3A_215 = tpu.memref_slice %arg3[%dma_start3A_213, %dma_start3A_214] : memref<1000000x32xi32, #tpu.memory_space<hbm>> -> memref<1000000x32xi32, #tpu.memory_space<hbm>>
      tpu.enqueue_indirect_dma source(%dma_start3A_215 : memref<1000000x32xi32, #tpu.memory_space<hbm>>) target(%dma_start3A_209 : memref<72x32xi32, #tpu.memory_space<vmem>>) offsets(%dma_start3A_212 : memref<72xi32, #tpu.memory_space<vmem>>) semaphore(%arg14 : memref<!tpu.dma_semaphore, #tpu.memory_space<semaphore_mem>>)
      %dma_start3A_216 = arith.constant 7 : i32
      %dma_start3A_217 = arith.constant 7 : i32
      %dma_start3A_218 = arith.constant 0 : i32
      %dma_start3A_219 = arith.constant 0 : i32
      %dma_start3A_220 = tpu.memref_slice %arg6[%dma_start3A_217, %dma_start3A_218, %dma_start3A_219] : memref<8x200x32xi32, #tpu.memory_space<vmem>> -> memref<1x128x32xi32, #tpu.memory_space<vmem>>
      %dma_start3A_221 = tpu.memref_squeeze %dma_start3A_220 : memref<1x128x32xi32, #tpu.memory_space<vmem>> -> memref<128x32xi32, #tpu.memory_space<vmem>>
      %dma_start3A_222 = arith.constant 0 : i32
      %dma_start3A_223 = tpu.memref_slice %arg5[%rem3A_40, %dma_start3A_216, %dma_start3A_222] : memref<2x16x200xi32, #tpu.memory_space<vmem>> -> memref<1x1x128xi32, #tpu.memory_space<vmem>>
      %dma_start3A_224 = tpu.memref_squeeze %dma_start3A_223 : memref<1x1x128xi32, #tpu.memory_space<vmem>> -> memref<128xi32, #tpu.memory_space<vmem>>
      %dma_start3A_225 = arith.constant 0 : i32
      %dma_start3A_226 = arith.constant 0 : i32
      %dma_start3A_227 = tpu.memref_slice %arg3[%dma_start3A_225, %dma_start3A_226] : memref<1000000x32xi32, #tpu.memory_space<hbm>> -> memref<1000000x32xi32, #tpu.memory_space<hbm>>
      tpu.enqueue_indirect_dma source(%dma_start3A_227 : memref<1000000x32xi32, #tpu.memory_space<hbm>>) target(%dma_start3A_221 : memref<128x32xi32, #tpu.memory_space<vmem>>) offsets(%dma_start3A_224 : memref<128xi32, #tpu.memory_space<vmem>>) semaphore(%arg15 : memref<!tpu.dma_semaphore, #tpu.memory_space<semaphore_mem>>)
      %dma_start3A_228 = arith.constant 7 : i32
      %dma_start3A_229 = arith.constant 7 : i32
      %dma_start3A_230 = arith.constant 128 : i32
      %dma_start3A_231 = arith.constant 0 : i32
      %dma_start3A_232 = tpu.memref_slice %arg6[%dma_start3A_229, %dma_start3A_230, %dma_start3A_231] : memref<8x200x32xi32, #tpu.memory_space<vmem>> -> memref<1x72x32xi32, #tpu.memory_space<vmem>>
      %dma_start3A_233 = tpu.memref_squeeze %dma_start3A_232 : memref<1x72x32xi32, #tpu.memory_space<vmem>> -> memref<72x32xi32, #tpu.memory_space<vmem>>
      %dma_start3A_234 = arith.constant 128 : i32
      %dma_start3A_235 = tpu.memref_slice %arg5[%rem3A_40, %dma_start3A_228, %dma_start3A_234] : memref<2x16x200xi32, #tpu.memory_space<vmem>> -> memref<1x1x72xi32, #tpu.memory_space<vmem>>
      %dma_start3A_236 = tpu.memref_squeeze %dma_start3A_235 : memref<1x1x72xi32, #tpu.memory_space<vmem>> -> memref<72xi32, #tpu.memory_space<vmem>>
      %dma_start3A_237 = arith.constant 0 : i32
      %dma_start3A_238 = arith.constant 0 : i32
      %dma_start3A_239 = tpu.memref_slice %arg3[%dma_start3A_237, %dma_start3A_238] : memref<1000000x32xi32, #tpu.memory_space<hbm>> -> memref<1000000x32xi32, #tpu.memory_space<hbm>>
      tpu.enqueue_indirect_dma source(%dma_start3A_239 : memref<1000000x32xi32, #tpu.memory_space<hbm>>) target(%dma_start3A_233 : memref<72x32xi32, #tpu.memory_space<vmem>>) offsets(%dma_start3A_236 : memref<72xi32, #tpu.memory_space<vmem>>) semaphore(%arg15 : memref<!tpu.dma_semaphore, #tpu.memory_space<semaphore_mem>>)
      %scan3A_240 = arith.constant 0 : i32
      %scan3A_241 = arith.constant 0 : i32
      %scan3A_242 = arith.constant 2 : i32
      %scan3A_243 = arith.addi %scan3A_241, %scan3A_242 : i32
      %scan3A_244 = arith.constant 1 : i32
      %scan3A_245 = scf.for %scan3A_270 = %scan3A_241 to %scan3A_243 step %scan3A_244 iter_args(%scan3A_271 = %scan3A_240) -> (i32)  : i32 {
        %mul3A_272 = arith.constant 8 : i32
        %mul3A_273 = arith.muli %scan3A_270, %mul3A_272 : i32
        %add3A_274 = arith.constant 0 : i32
        %add3A_275 = arith.addi %mul3A_273, %add3A_274 : i32
        %dma_wait3A_276 = arith.constant 0 : i32
        %dma_wait3A_277 = arith.constant 0 : i32
        %dma_wait3A_278 = arith.constant 0 : i32
        %dma_wait3A_279 = tpu.memref_slice %arg6[%dma_wait3A_276, %dma_wait3A_277, %dma_wait3A_278] : memref<8x200x32xi32, #tpu.memory_space<vmem>> -> memref<1x128x32xi32, #tpu.memory_space<vmem>>
        %dma_wait3A_280 = tpu.memref_squeeze %dma_wait3A_279 : memref<1x128x32xi32, #tpu.memory_space<vmem>> -> memref<128x32xi32, #tpu.memory_space<vmem>>
        %dma_wait3A_281 = arith.constant 0 : i32
        %dma_wait3A_282 = tpu.memref_slice %arg5[%rem3A_40, %add3A_275, %dma_wait3A_281] : memref<2x16x200xi32, #tpu.memory_space<vmem>> -> memref<1x1x128xi32, #tpu.memory_space<vmem>>
        %dma_wait3A_283 = tpu.memref_squeeze %dma_wait3A_282 : memref<1x1x128xi32, #tpu.memory_space<vmem>> -> memref<128xi32, #tpu.memory_space<vmem>>
        %dma_wait3A_284 = arith.constant 0 : i32
        %dma_wait3A_285 = arith.constant 0 : i32
        %dma_wait3A_286 = tpu.memref_slice %arg3[%dma_wait3A_284, %dma_wait3A_285] : memref<1000000x32xi32, #tpu.memory_space<hbm>> -> memref<1000000x32xi32, #tpu.memory_space<hbm>>
        tpu.wait_indirect_dma semaphore(%arg8 : memref<!tpu.dma_semaphore, #tpu.memory_space<semaphore_mem>>) src(%dma_wait3A_286 : memref<1000000x32xi32, #tpu.memory_space<hbm>>) dst(%dma_wait3A_280 : memref<128x32xi32, #tpu.memory_space<vmem>>)
        %dma_wait3A_287 = arith.constant 0 : i32
        %dma_wait3A_288 = arith.constant 128 : i32
        %dma_wait3A_289 = arith.constant 0 : i32
        %dma_wait3A_290 = tpu.memref_slice %arg6[%dma_wait3A_287, %dma_wait3A_288, %dma_wait3A_289] : memref<8x200x32xi32, #tpu.memory_space<vmem>> -> memref<1x72x32xi32, #tpu.memory_space<vmem>>
        %dma_wait3A_291 = tpu.memref_squeeze %dma_wait3A_290 : memref<1x72x32xi32, #tpu.memory_space<vmem>> -> memref<72x32xi32, #tpu.memory_space<vmem>>
        %dma_wait3A_292 = arith.constant 128 : i32
        %dma_wait3A_293 = tpu.memref_slice %arg5[%rem3A_40, %add3A_275, %dma_wait3A_292] : memref<2x16x200xi32, #tpu.memory_space<vmem>> -> memref<1x1x72xi32, #tpu.memory_space<vmem>>
        %dma_wait3A_294 = tpu.memref_squeeze %dma_wait3A_293 : memref<1x1x72xi32, #tpu.memory_space<vmem>> -> memref<72xi32, #tpu.memory_space<vmem>>
        %dma_wait3A_295 = arith.constant 0 : i32
        %dma_wait3A_296 = arith.constant 0 : i32
        %dma_wait3A_297 = tpu.memref_slice %arg3[%dma_wait3A_295, %dma_wait3A_296] : memref<1000000x32xi32, #tpu.memory_space<hbm>> -> memref<1000000x32xi32, #tpu.memory_space<hbm>>
        tpu.wait_indirect_dma semaphore(%arg8 : memref<!tpu.dma_semaphore, #tpu.memory_space<semaphore_mem>>) src(%dma_wait3A_297 : memref<1000000x32xi32, #tpu.memory_space<hbm>>) dst(%dma_wait3A_291 : memref<72x32xi32, #tpu.memory_space<vmem>>)
        %broadcast_in_dim3A = arith.constant 0.000000e+00 : f32
        %broadcast_in_dim3A_298 = vector.broadcast %broadcast_in_dim3A : f32 to vector<16xf32>
        %scan3A_299 = arith.constant 0 : i32
        %scan3A_300 = arith.constant 25 : i32
        %scan3A_301 = arith.addi %scan3A_299, %scan3A_300 : i32
        %scan3A_302 = arith.constant 1 : i32
        %scan3A_303:8 = scf.for %scan3A_743 = %scan3A_299 to %scan3A_301 step %scan3A_302 iter_args(%scan3A_744 = %broadcast_in_dim3A_298, %scan3A_745 = %broadcast_in_dim3A_298, %scan3A_746 = %broadcast_in_dim3A_298, %scan3A_747 = %broadcast_in_dim3A_298, %scan3A_748 = %broadcast_in_dim3A_298, %scan3A_749 = %broadcast_in_dim3A_298, %scan3A_750 = %broadcast_in_dim3A_298, %scan3A_751 = %broadcast_in_dim3A_298) -> (vector<16xf32>, vector<16xf32>, vector<16xf32>, vector<16xf32>, vector<16xf32>, vector<16xf32>, vector<16xf32>, vector<16xf32>)  : i32 {
          %mul3A_752 = arith.constant 8 : i32
          %mul3A_753 = arith.muli %scan3A_743, %mul3A_752 : i32
          %add3A_754 = arith.constant 0 : i32
          %add3A_755 = arith.addi %mul3A_753, %add3A_754 : i32
          %get3A = arith.constant 0 : i32
          %get3A_756 = arith.index_cast %get3A : i32 to index
          %get3A_757 = arith.index_cast %add3A_755 : i32 to index
          %get3A_758 = arith.constant 0 : index
          %get3A_759 = tpu.vector_load %arg6[%get3A_756, %get3A_757, %get3A_758] {strides = array<i32>} : memref<8x200x32xi32, #tpu.memory_space<vmem>>, vector<16xi32>,
          %shift_left3A = arith.constant 16 : i32
          %shift_left3A_760 = vector.broadcast %shift_left3A : i32 to vector<16xi32>
          %shift_left3A_761 = arith.shli %get3A_759, %shift_left3A_760 : vector<16xi32>
          %bitcast3A = vector.bitcast %shift_left3A_761 : vector<16xi32> to vector<16xf32>
          %bitcast3A_762 = vector.bitcast %get3A_759 : vector<16xi32> to vector<16xf32>
          %add3A_763 = arith.addf %scan3A_744, %bitcast3A : vector<16xf32>
          %add3A_764 = arith.addf %scan3A_745, %bitcast3A_762 : vector<16xf32>
          %mul3A_765 = arith.constant 8 : i32
          %mul3A_766 = arith.muli %scan3A_743, %mul3A_765 : i32
          %add3A_767 = arith.constant 0 : i32
          %add3A_768 = arith.addi %mul3A_766, %add3A_767 : i32
          %get3A_769 = arith.constant 0 : i32
          %get3A_770 = arith.index_cast %get3A_769 : i32 to index
          %get3A_771 = arith.index_cast %add3A_768 : i32 to index
          %get3A_772 = arith.constant 16 : index
          %get3A_773 = tpu.vector_load %arg6[%get3A_770, %get3A_771, %get3A_772] {strides = array<i32>} : memref<8x200x32xi32, #tpu.memory_space<vmem>>, vector<16xi32>,
          %shift_left3A_774 = arith.constant 16 : i32
          %shift_left3A_775 = vector.broadcast %shift_left3A_774 : i32 to vector<16xi32>
          %shift_left3A_776 = arith.shli %get3A_773, %shift_left3A_775 : vector<16xi32>
          %bitcast3A_777 = vector.bitcast %shift_left3A_776 : vector<16xi32> to vector<16xf32>
          %bitcast3A_778 = vector.bitcast %get3A_773 : vector<16xi32> to vector<16xf32>
          %add3A_779 = arith.addf %scan3A_746, %bitcast3A_777 : vector<16xf32>
          %add3A_780 = arith.addf %scan3A_747, %bitcast3A_778 : vector<16xf32>
          %mul3A_781 = arith.constant 8 : i32
          %mul3A_782 = arith.muli %scan3A_743, %mul3A_781 : i32
          %add3A_783 = arith.constant 1 : i32
          %add3A_784 = arith.addi %mul3A_782, %add3A_783 : i32
          %get3A_785 = arith.constant 0 : i32
          %get3A_786 = arith.index_cast %get3A_785 : i32 to index
          %get3A_787 = arith.index_cast %add3A_784 : i32 to index
          %get3A_788 = arith.constant 0 : index
          %get3A_789 = tpu.vector_load %arg6[%get3A_786, %get3A_787, %get3A_788] {strides = array<i32>} : memref<8x200x32xi32, #tpu.memory_space<vmem>>, vector<16xi32>,
          %shift_left3A_790 = arith.constant 16 : i32
          %shift_left3A_791 = vector.broadcast %shift_left3A_790 : i32 to vector<16xi32>
          %shift_left3A_792 = arith.shli %get3A_789, %shift_left3A_791 : vector<16xi32>
          %bitcast3A_793 = vector.bitcast %shift_left3A_792 : vector<16xi32> to vector<16xf32>
          %bitcast3A_794 = vector.bitcast %get3A_789 : vector<16xi32> to vector<16xf32>
          %add3A_795 = arith.addf %scan3A_748, %bitcast3A_793 : vector<16xf32>
          %add3A_796 = arith.addf %scan3A_749, %bitcast3A_794 : vector<16xf32>
          %mul3A_797 = arith.constant 8 : i32
          %mul3A_798 = arith.muli %scan3A_743, %mul3A_797 : i32
          %add3A_799 = arith.constant 1 : i32
          %add3A_800 = arith.addi %mul3A_798, %add3A_799 : i32
          %get3A_801 = arith.constant 0 : i32
          %get3A_802 = arith.index_cast %get3A_801 : i32 to index
          %get3A_803 = arith.index_cast %add3A_800 : i32 to index
          %get3A_804 = arith.constant 16 : index
          %get3A_805 = tpu.vector_load %arg6[%get3A_802, %get3A_803, %get3A_804] {strides = array<i32>} : memref<8x200x32xi32, #tpu.memory_space<vmem>>, vector<16xi32>,
          %shift_left3A_806 = arith.constant 16 : i32
          %shift_left3A_807 = vector.broadcast %shift_left3A_806 : i32 to vector<16xi32>
          %shift_left3A_808 = arith.shli %get3A_805, %shift_left3A_807 : vector<16xi32>
          %bitcast3A_809 = vector.bitcast %shift_left3A_808 : vector<16xi32> to vector<16xf32>
          %bitcast3A_810 = vector.bitcast %get3A_805 : vector<16xi32> to vector<16xf32>
          %add3A_811 = arith.addf %scan3A_750, %bitcast3A_809 : vector<16xf32>
          %add3A_812 = arith.addf %scan3A_751, %bitcast3A_810 : vector<16xf32>
          %mul3A_813 = arith.constant 8 : i32
          %mul3A_814 = arith.muli %scan3A_743, %mul3A_813 : i32
          %add3A_815 = arith.constant 2 : i32
          %add3A_816 = arith.addi %mul3A_814, %add3A_815 : i32
          %get3A_817 = arith.constant 0 : i32
          %get3A_818 = arith.index_cast %get3A_817 : i32 to index
          %get3A_819 = arith.index_cast %add3A_816 : i32 to index
          %get3A_820 = arith.constant 0 : index
          %get3A_821 = tpu.vector_load %arg6[%get3A_818, %get3A_819, %get3A_820] {strides = array<i32>} : memref<8x200x32xi32, #tpu.memory_space<vmem>>, vector<16xi32>,
          %shift_left3A_822 = arith.constant 16 : i32
          %shift_left3A_823 = vector.broadcast %shift_left3A_822 : i32 to vector<16xi32>
          %shift_left3A_824 = arith.shli %get3A_821, %shift_left3A_823 : vector<16xi32>
          %bitcast3A_825 = vector.bitcast %shift_left3A_824 : vector<16xi32> to vector<16xf32>
          %bitcast3A_826 = vector.bitcast %get3A_821 : vector<16xi32> to vector<16xf32>
          %add3A_827 = arith.addf %add3A_763, %bitcast3A_825 : vector<16xf32>
          %add3A_828 = arith.addf %add3A_764, %bitcast3A_826 : vector<16xf32>
          %mul3A_829 = arith.constant 8 : i32
          %mul3A_830 = arith.muli %scan3A_743, %mul3A_829 : i32
          %add3A_831 = arith.constant 2 : i32
          %add3A_832 = arith.addi %mul3A_830, %add3A_831 : i32
          %get3A_833 = arith.constant 0 : i32
          %get3A_834 = arith.index_cast %get3A_833 : i32 to index
          %get3A_835 = arith.index_cast %add3A_832 : i32 to index
          %get3A_836 = arith.constant 16 : index
          %get3A_837 = tpu.vector_load %arg6[%get3A_834, %get3A_835, %get3A_836] {strides = array<i32>} : memref<8x200x32xi32, #tpu.memory_space<vmem>>, vector<16xi32>,
          %shift_left3A_838 = arith.constant 16 : i32
          %shift_left3A_839 = vector.broadcast %shift_left3A_838 : i32 to vector<16xi32>
          %shift_left3A_840 = arith.shli %get3A_837, %shift_left3A_839 : vector<16xi32>
          %bitcast3A_841 = vector.bitcast %shift_left3A_840 : vector<16xi32> to vector<16xf32>
          %bitcast3A_842 = vector.bitcast %get3A_837 : vector<16xi32> to vector<16xf32>
          %add3A_843 = arith.addf %add3A_779, %bitcast3A_841 : vector<16xf32>
          %add3A_844 = arith.addf %add3A_780, %bitcast3A_842 : vector<16xf32>
          %mul3A_845 = arith.constant 8 : i32
          %mul3A_846 = arith.muli %scan3A_743, %mul3A_845 : i32
          %add3A_847 = arith.constant 3 : i32
          %add3A_848 = arith.addi %mul3A_846, %add3A_847 : i32
          %get3A_849 = arith.constant 0 : i32
          %get3A_850 = arith.index_cast %get3A_849 : i32 to index
          %get3A_851 = arith.index_cast %add3A_848 : i32 to index
          %get3A_852 = arith.constant 0 : index
          %get3A_853 = tpu.vector_load %arg6[%get3A_850, %get3A_851, %get3A_852] {strides = array<i32>} : memref<8x200x32xi32, #tpu.memory_space<vmem>>, vector<16xi32>,
          %shift_left3A_854 = arith.constant 16 : i32
          %shift_left3A_855 = vector.broadcast %shift_left3A_854 : i32 to vector<16xi32>
          %shift_left3A_856 = arith.shli %get3A_853, %shift_left3A_855 : vector<16xi32>
          %bitcast3A_857 = vector.bitcast %shift_left3A_856 : vector<16xi32> to vector<16xf32>
          %bitcast3A_858 = vector.bitcast %get3A_853 : vector<16xi32> to vector<16xf32>
          %add3A_859 = arith.addf %add3A_795, %bitcast3A_857 : vector<16xf32>
          %add3A_860 = arith.addf %add3A_796, %bitcast3A_858 : vector<16xf32>
          %mul3A_861 = arith.constant 8 : i32
          %mul3A_862 = arith.muli %scan3A_743, %mul3A_861 : i32
          %add3A_863 = arith.constant 3 : i32
          %add3A_864 = arith.addi %mul3A_862, %add3A_863 : i32
          %get3A_865 = arith.constant 0 : i32
          %get3A_866 = arith.index_cast %get3A_865 : i32 to index
          %get3A_867 = arith.index_cast %add3A_864 : i32 to index
          %get3A_868 = arith.constant 16 : index
          %get3A_869 = tpu.vector_load %arg6[%get3A_866, %get3A_867, %get3A_868] {strides = array<i32>} : memref<8x200x32xi32, #tpu.memory_space<vmem>>, vector<16xi32>,
          %shift_left3A_870 = arith.constant 16 : i32
          %shift_left3A_871 = vector.broadcast %shift_left3A_870 : i32 to vector<16xi32>
          %shift_left3A_872 = arith.shli %get3A_869, %shift_left3A_871 : vector<16xi32>
          %bitcast3A_873 = vector.bitcast %shift_left3A_872 : vector<16xi32> to vector<16xf32>
          %bitcast3A_874 = vector.bitcast %get3A_869 : vector<16xi32> to vector<16xf32>
          %add3A_875 = arith.addf %add3A_811, %bitcast3A_873 : vector<16xf32>
          %add3A_876 = arith.addf %add3A_812, %bitcast3A_874 : vector<16xf32>
          %mul3A_877 = arith.constant 8 : i32
          %mul3A_878 = arith.muli %scan3A_743, %mul3A_877 : i32
          %add3A_879 = arith.constant 4 : i32
          %add3A_880 = arith.addi %mul3A_878, %add3A_879 : i32
          %get3A_881 = arith.constant 0 : i32
          %get3A_882 = arith.index_cast %get3A_881 : i32 to index
          %get3A_883 = arith.index_cast %add3A_880 : i32 to index
          %get3A_884 = arith.constant 0 : index
          %get3A_885 = tpu.vector_load %arg6[%get3A_882, %get3A_883, %get3A_884] {strides = array<i32>} : memref<8x200x32xi32, #tpu.memory_space<vmem>>, vector<16xi32>,
          %shift_left3A_886 = arith.constant 16 : i32
          %shift_left3A_887 = vector.broadcast %shift_left3A_886 : i32 to vector<16xi32>
          %shift_left3A_888 = arith.shli %get3A_885, %shift_left3A_887 : vector<16xi32>
          %bitcast3A_889 = vector.bitcast %shift_left3A_888 : vector<16xi32> to vector<16xf32>
          %bitcast3A_890 = vector.bitcast %get3A_885 : vector<16xi32> to vector<16xf32>
          %add3A_891 = arith.addf %add3A_827, %bitcast3A_889 : vector<16xf32>
          %add3A_892 = arith.addf %add3A_828, %bitcast3A_890 : vector<16xf32>
          %mul3A_893 = arith.constant 8 : i32
          %mul3A_894 = arith.muli %scan3A_743, %mul3A_893 : i32
          %add3A_895 = arith.constant 4 : i32
          %add3A_896 = arith.addi %mul3A_894, %add3A_895 : i32
          %get3A_897 = arith.constant 0 : i32
          %get3A_898 = arith.index_cast %get3A_897 : i32 to index
          %get3A_899 = arith.index_cast %add3A_896 : i32 to index
          %get3A_900 = arith.constant 16 : index
          %get3A_901 = tpu.vector_load %arg6[%get3A_898, %get3A_899, %get3A_900] {strides = array<i32>} : memref<8x200x32xi32, #tpu.memory_space<vmem>>, vector<16xi32>,
          %shift_left3A_902 = arith.constant 16 : i32
          %shift_left3A_903 = vector.broadcast %shift_left3A_902 : i32 to vector<16xi32>
          %shift_left3A_904 = arith.shli %get3A_901, %shift_left3A_903 : vector<16xi32>
          %bitcast3A_905 = vector.bitcast %shift_left3A_904 : vector<16xi32> to vector<16xf32>
          %bitcast3A_906 = vector.bitcast %get3A_901 : vector<16xi32> to vector<16xf32>
          %add3A_907 = arith.addf %add3A_843, %bitcast3A_905 : vector<16xf32>
          %add3A_908 = arith.addf %add3A_844, %bitcast3A_906 : vector<16xf32>
          %mul3A_909 = arith.constant 8 : i32
          %mul3A_910 = arith.muli %scan3A_743, %mul3A_909 : i32
          %add3A_911 = arith.constant 5 : i32
          %add3A_912 = arith.addi %mul3A_910, %add3A_911 : i32
          %get3A_913 = arith.constant 0 : i32
          %get3A_914 = arith.index_cast %get3A_913 : i32 to index
          %get3A_915 = arith.index_cast %add3A_912 : i32 to index
          %get3A_916 = arith.constant 0 : index
          %get3A_917 = tpu.vector_load %arg6[%get3A_914, %get3A_915, %get3A_916] {strides = array<i32>} : memref<8x200x32xi32, #tpu.memory_space<vmem>>, vector<16xi32>,
          %shift_left3A_918 = arith.constant 16 : i32
          %shift_left3A_919 = vector.broadcast %shift_left3A_918 : i32 to vector<16xi32>
          %shift_left3A_920 = arith.shli %get3A_917, %shift_left3A_919 : vector<16xi32>
          %bitcast3A_921 = vector.bitcast %shift_left3A_920 : vector<16xi32> to vector<16xf32>
          %bitcast3A_922 = vector.bitcast %get3A_917 : vector<16xi32> to vector<16xf32>
          %add3A_923 = arith.addf %add3A_859, %bitcast3A_921 : vector<16xf32>
          %add3A_924 = arith.addf %add3A_860, %bitcast3A_922 : vector<16xf32>
          %mul3A_925 = arith.constant 8 : i32
          %mul3A_926 = arith.muli %scan3A_743, %mul3A_925 : i32
          %add3A_927 = arith.constant 5 : i32
          %add3A_928 = arith.addi %mul3A_926, %add3A_927 : i32
          %get3A_929 = arith.constant 0 : i32
          %get3A_930 = arith.index_cast %get3A_929 : i32 to index
          %get3A_931 = arith.index_cast %add3A_928 : i32 to index
          %get3A_932 = arith.constant 16 : index
          %get3A_933 = tpu.vector_load %arg6[%get3A_930, %get3A_931, %get3A_932] {strides = array<i32>} : memref<8x200x32xi32, #tpu.memory_space<vmem>>, vector<16xi32>,
          %shift_left3A_934 = arith.constant 16 : i32
          %shift_left3A_935 = vector.broadcast %shift_left3A_934 : i32 to vector<16xi32>
          %shift_left3A_936 = arith.shli %get3A_933, %shift_left3A_935 : vector<16xi32>
          %bitcast3A_937 = vector.bitcast %shift_left3A_936 : vector<16xi32> to vector<16xf32>
          %bitcast3A_938 = vector.bitcast %get3A_933 : vector<16xi32> to vector<16xf32>
          %add3A_939 = arith.addf %add3A_875, %bitcast3A_937 : vector<16xf32>
          %add3A_940 = arith.addf %add3A_876, %bitcast3A_938 : vector<16xf32>
          %mul3A_941 = arith.constant 8 : i32
          %mul3A_942 = arith.muli %scan3A_743, %mul3A_941 : i32
          %add3A_943 = arith.constant 6 : i32
          %add3A_944 = arith.addi %mul3A_942, %add3A_943 : i32
          %get3A_945 = arith.constant 0 : i32
          %get3A_946 = arith.index_cast %get3A_945 : i32 to index
          %get3A_947 = arith.index_cast %add3A_944 : i32 to index
          %get3A_948 = arith.constant 0 : index
          %get3A_949 = tpu.vector_load %arg6[%get3A_946, %get3A_947, %get3A_948] {strides = array<i32>} : memref<8x200x32xi32, #tpu.memory_space<vmem>>, vector<16xi32>,
          %shift_left3A_950 = arith.constant 16 : i32
          %shift_left3A_951 = vector.broadcast %shift_left3A_950 : i32 to vector<16xi32>
          %shift_left3A_952 = arith.shli %get3A_949, %shift_left3A_951 : vector<16xi32>
          %bitcast3A_953 = vector.bitcast %shift_left3A_952 : vector<16xi32> to vector<16xf32>
          %bitcast3A_954 = vector.bitcast %get3A_949 : vector<16xi32> to vector<16xf32>
          %add3A_955 = arith.addf %add3A_891, %bitcast3A_953 : vector<16xf32>
          %add3A_956 = arith.addf %add3A_892, %bitcast3A_954 : vector<16xf32>
          %mul3A_957 = arith.constant 8 : i32
          %mul3A_958 = arith.muli %scan3A_743, %mul3A_957 : i32
          %add3A_959 = arith.constant 6 : i32
          %add3A_960 = arith.addi %mul3A_958, %add3A_959 : i32
          %get3A_961 = arith.constant 0 : i32
          %get3A_962 = arith.index_cast %get3A_961 : i32 to index
          %get3A_963 = arith.index_cast %add3A_960 : i32 to index
          %get3A_964 = arith.constant 16 : index
          %get3A_965 = tpu.vector_load %arg6[%get3A_962, %get3A_963, %get3A_964] {strides = array<i32>} : memref<8x200x32xi32, #tpu.memory_space<vmem>>, vector<16xi32>,
          %shift_left3A_966 = arith.constant 16 : i32
          %shift_left3A_967 = vector.broadcast %shift_left3A_966 : i32 to vector<16xi32>
          %shift_left3A_968 = arith.shli %get3A_965, %shift_left3A_967 : vector<16xi32>
          %bitcast3A_969 = vector.bitcast %shift_left3A_968 : vector<16xi32> to vector<16xf32>
          %bitcast3A_970 = vector.bitcast %get3A_965 : vector<16xi32> to vector<16xf32>
          %add3A_971 = arith.addf %add3A_907, %bitcast3A_969 : vector<16xf32>
          %add3A_972 = arith.addf %add3A_908, %bitcast3A_970 : vector<16xf32>
          %mul3A_973 = arith.constant 8 : i32
          %mul3A_974 = arith.muli %scan3A_743, %mul3A_973 : i32
          %add3A_975 = arith.constant 7 : i32
          %add3A_976 = arith.addi %mul3A_974, %add3A_975 : i32
          %get3A_977 = arith.constant 0 : i32
          %get3A_978 = arith.index_cast %get3A_977 : i32 to index
          %get3A_979 = arith.index_cast %add3A_976 : i32 to index
          %get3A_980 = arith.constant 0 : index
          %get3A_981 = tpu.vector_load %arg6[%get3A_978, %get3A_979, %get3A_980] {strides = array<i32>} : memref<8x200x32xi32, #tpu.memory_space<vmem>>, vector<16xi32>,
          %shift_left3A_982 = arith.constant 16 : i32
          %shift_left3A_983 = vector.broadcast %shift_left3A_982 : i32 to vector<16xi32>
          %shift_left3A_984 = arith.shli %get3A_981, %shift_left3A_983 : vector<16xi32>
          %bitcast3A_985 = vector.bitcast %shift_left3A_984 : vector<16xi32> to vector<16xf32>
          %bitcast3A_986 = vector.bitcast %get3A_981 : vector<16xi32> to vector<16xf32>
          %add3A_987 = arith.addf %add3A_923, %bitcast3A_985 : vector<16xf32>
          %add3A_988 = arith.addf %add3A_924, %bitcast3A_986 : vector<16xf32>
          %mul3A_989 = arith.constant 8 : i32
          %mul3A_990 = arith.muli %scan3A_743, %mul3A_989 : i32
          %add3A_991 = arith.constant 7 : i32
          %add3A_992 = arith.addi %mul3A_990, %add3A_991 : i32
          %get3A_993 = arith.constant 0 : i32
          %get3A_994 = arith.index_cast %get3A_993 : i32 to index
          %get3A_995 = arith.index_cast %add3A_992 : i32 to index
          %get3A_996 = arith.constant 16 : index
          %get3A_997 = tpu.vector_load %arg6[%get3A_994, %get3A_995, %get3A_996] {strides = array<i32>} : memref<8x200x32xi32, #tpu.memory_space<vmem>>, vector<16xi32>,
          %shift_left3A_998 = arith.constant 16 : i32
          %shift_left3A_999 = vector.broadcast %shift_left3A_998 : i32 to vector<16xi32>
          %shift_left3A_1000 = arith.shli %get3A_997, %shift_left3A_999 : vector<16xi32>
          %bitcast3A_1001 = vector.bitcast %shift_left3A_1000 : vector<16xi32> to vector<16xf32>
          %bitcast3A_1002 = vector.bitcast %get3A_997 : vector<16xi32> to vector<16xf32>
          %add3A_1003 = arith.addf %add3A_939, %bitcast3A_1001 : vector<16xf32>
          %add3A_1004 = arith.addf %add3A_940, %bitcast3A_1002 : vector<16xf32>
          scf.yield %add3A_955, %add3A_956, %add3A_971, %add3A_972, %add3A_987, %add3A_988, %add3A_1003, %add3A_1004 : vector<16xf32>, vector<16xf32>, vector<16xf32>, vector<16xf32>, vector<16xf32>, vector<16xf32>, vector<16xf32>, vector<16xf32>
        }
        %scan3A_304 = arith.constant 25 : i32
        %add3A_305 = arith.addf %scan3A_303#0, %scan3A_303#4 : vector<16xf32>
        %add3A_306 = arith.addf %scan3A_303#1, %scan3A_303#5 : vector<16xf32>
        %add3A_307 = arith.addf %scan3A_303#2, %scan3A_303#6 : vector<16xf32>
        %add3A_308 = arith.addf %scan3A_303#3, %scan3A_303#7 : vector<16xf32>
        %swap3A = arith.index_cast %rem3A_40 : i32 to index
        %swap3A_309 = arith.index_cast %add3A_275 : i32 to index
        %swap3A_310 = arith.constant 0 : index
        %swap3A_311 = tpu.vector_load %arg7[%swap3A, %swap3A_309, %swap3A_310] {strides = array<i32>} : memref<2x16x64xf32, #tpu.memory_space<vmem>>, vector<16xf32>,
        tpu.vector_store %arg7[%swap3A, %swap3A_309, %swap3A_310], %add3A_305 {strides = array<i32>} : memref<2x16x64xf32, #tpu.memory_space<vmem>>, vector<16xf32>,
        %swap3A_312 = arith.index_cast %rem3A_40 : i32 to index
        %swap3A_313 = arith.index_cast %add3A_275 : i32 to index
        %swap3A_314 = arith.constant 16 : index
        %swap3A_315 = tpu.vector_load %arg7[%swap3A_312, %swap3A_313, %swap3A_314] {strides = array<i32>} : memref<2x16x64xf32, #tpu.memory_space<vmem>>, vector<16xf32>,
        tpu.vector_store %arg7[%swap3A_312, %swap3A_313, %swap3A_314], %add3A_306 {strides = array<i32>} : memref<2x16x64xf32, #tpu.memory_space<vmem>>, vector<16xf32>,
        %swap3A_316 = arith.index_cast %rem3A_40 : i32 to index
        %swap3A_317 = arith.index_cast %add3A_275 : i32 to index
        %swap3A_318 = arith.constant 32 : index
        %swap3A_319 = tpu.vector_load %arg7[%swap3A_316, %swap3A_317, %swap3A_318] {strides = array<i32>} : memref<2x16x64xf32, #tpu.memory_space<vmem>>, vector<16xf32>,
        tpu.vector_store %arg7[%swap3A_316, %swap3A_317, %swap3A_318], %add3A_307 {strides = array<i32>} : memref<2x16x64xf32, #tpu.memory_space<vmem>>, vector<16xf32>,
        %swap3A_320 = arith.index_cast %rem3A_40 : i32 to index
        %swap3A_321 = arith.index_cast %add3A_275 : i32 to index
        %swap3A_322 = arith.constant 48 : index
        %swap3A_323 = tpu.vector_load %arg7[%swap3A_320, %swap3A_321, %swap3A_322] {strides = array<i32>} : memref<2x16x64xf32, #tpu.memory_space<vmem>>, vector<16xf32>,
        tpu.vector_store %arg7[%swap3A_320, %swap3A_321, %swap3A_322], %add3A_308 {strides = array<i32>} : memref<2x16x64xf32, #tpu.memory_space<vmem>>, vector<16xf32>,
        %lt3A_324 = arith.constant 1 : i32
        %lt3A_325 = arith.cmpi slt, %scan3A_270, %lt3A_324 : i32
        %convert_element_type3A_326 = arith.extui %lt3A_325 : i1 to i32
        %cond3A_327 = arith.constant 0 : i32
        %cond3A_328 = arith.cmpi ne, %convert_element_type3A_326, %cond3A_327 : i32
        scf.if %cond3A_328 {
          %add3A_743 = arith.constant 8 : i32
          %add3A_744 = arith.addi %add3A_275, %add3A_743 : i32
          %dma_start3A_745 = arith.constant 0 : i32
          %dma_start3A_746 = arith.constant 0 : i32
          %dma_start3A_747 = arith.constant 0 : i32
          %dma_start3A_748 = tpu.memref_slice %arg6[%dma_start3A_745, %dma_start3A_746, %dma_start3A_747] : memref<8x200x32xi32, #tpu.memory_space<vmem>> -> memref<1x128x32xi32, #tpu.memory_space<vmem>>
          %dma_start3A_749 = tpu.memref_squeeze %dma_start3A_748 : memref<1x128x32xi32, #tpu.memory_space<vmem>> -> memref<128x32xi32, #tpu.memory_space<vmem>>
          %dma_start3A_750 = arith.constant 0 : i32
          %dma_start3A_751 = tpu.memref_slice %arg5[%rem3A_40, %add3A_744, %dma_start3A_750] : memref<2x16x200xi32, #tpu.memory_space<vmem>> -> memref<1x1x128xi32, #tpu.memory_space<vmem>>
          %dma_start3A_752 = tpu.memref_squeeze %dma_start3A_751 : memref<1x1x128xi32, #tpu.memory_space<vmem>> -> memref<128xi32, #tpu.memory_space<vmem>>
          %dma_start3A_753 = arith.constant 0 : i32
          %dma_start3A_754 = arith.constant 0 : i32
          %dma_start3A_755 = tpu.memref_slice %arg3[%dma_start3A_753, %dma_start3A_754] : memref<1000000x32xi32, #tpu.memory_space<hbm>> -> memref<1000000x32xi32, #tpu.memory_space<hbm>>
          tpu.enqueue_indirect_dma source(%dma_start3A_755 : memref<1000000x32xi32, #tpu.memory_space<hbm>>) target(%dma_start3A_749 : memref<128x32xi32, #tpu.memory_space<vmem>>) offsets(%dma_start3A_752 : memref<128xi32, #tpu.memory_space<vmem>>) semaphore(%arg8 : memref<!tpu.dma_semaphore, #tpu.memory_space<semaphore_mem>>)
          %dma_start3A_756 = arith.constant 0 : i32
          %dma_start3A_757 = arith.constant 128 : i32
          %dma_start3A_758 = arith.constant 0 : i32
          %dma_start3A_759 = tpu.memref_slice %arg6[%dma_start3A_756, %dma_start3A_757, %dma_start3A_758] : memref<8x200x32xi32, #tpu.memory_space<vmem>> -> memref<1x72x32xi32, #tpu.memory_space<vmem>>
          %dma_start3A_760 = tpu.memref_squeeze %dma_start3A_759 : memref<1x72x32xi32, #tpu.memory_space<vmem>> -> memref<72x32xi32, #tpu.memory_space<vmem>>
          %dma_start3A_761 = arith.constant 128 : i32
          %dma_start3A_762 = tpu.memref_slice %arg5[%rem3A_40, %add3A_744, %dma_start3A_761] : memref<2x16x200xi32, #tpu.memory_space<vmem>> -> memref<1x1x72xi32, #tpu.memory_space<vmem>>
          %dma_start3A_763 = tpu.memref_squeeze %dma_start3A_762 : memref<1x1x72xi32, #tpu.memory_space<vmem>> -> memref<72xi32, #tpu.memory_space<vmem>>
          %dma_start3A_764 = arith.constant 0 : i32
          %dma_start3A_765 = arith.constant 0 : i32
          %dma_start3A_766 = tpu.memref_slice %arg3[%dma_start3A_764, %dma_start3A_765] : memref<1000000x32xi32, #tpu.memory_space<hbm>> -> memref<1000000x32xi32, #tpu.memory_space<hbm>>
          tpu.enqueue_indirect_dma source(%dma_start3A_766 : memref<1000000x32xi32, #tpu.memory_space<hbm>>) target(%dma_start3A_760 : memref<72x32xi32, #tpu.memory_space<vmem>>) offsets(%dma_start3A_763 : memref<72xi32, #tpu.memory_space<vmem>>) semaphore(%arg8 : memref<!tpu.dma_semaphore, #tpu.memory_space<semaphore_mem>>)
        } else {
        }
        %mul3A_329 = arith.constant 8 : i32
        %mul3A_330 = arith.muli %scan3A_270, %mul3A_329 : i32
        %add3A_331 = arith.constant 1 : i32
        %add3A_332 = arith.addi %mul3A_330, %add3A_331 : i32
        %dma_wait3A_333 = arith.constant 1 : i32
        %dma_wait3A_334 = arith.constant 0 : i32
        %dma_wait3A_335 = arith.constant 0 : i32
        %dma_wait3A_336 = tpu.memref_slice %arg6[%dma_wait3A_333, %dma_wait3A_334, %dma_wait3A_335] : memref<8x200x32xi32, #tpu.memory_space<vmem>> -> memref<1x128x32xi32, #tpu.memory_space<vmem>>
        %dma_wait3A_337 = tpu.memref_squeeze %dma_wait3A_336 : memref<1x128x32xi32, #tpu.memory_space<vmem>> -> memref<128x32xi32, #tpu.memory_space<vmem>>
        %dma_wait3A_338 = arith.constant 0 : i32
        %dma_wait3A_339 = tpu.memref_slice %arg5[%rem3A_40, %add3A_332, %dma_wait3A_338] : memref<2x16x200xi32, #tpu.memory_space<vmem>> -> memref<1x1x128xi32, #tpu.memory_space<vmem>>
        %dma_wait3A_340 = tpu.memref_squeeze %dma_wait3A_339 : memref<1x1x128xi32, #tpu.memory_space<vmem>> -> memref<128xi32, #tpu.memory_space<vmem>>
        %dma_wait3A_341 = arith.constant 0 : i32
        %dma_wait3A_342 = arith.constant 0 : i32
        %dma_wait3A_343 = tpu.memref_slice %arg3[%dma_wait3A_341, %dma_wait3A_342] : memref<1000000x32xi32, #tpu.memory_space<hbm>> -> memref<1000000x32xi32, #tpu.memory_space<hbm>>
        tpu.wait_indirect_dma semaphore(%arg9 : memref<!tpu.dma_semaphore, #tpu.memory_space<semaphore_mem>>) src(%dma_wait3A_343 : memref<1000000x32xi32, #tpu.memory_space<hbm>>) dst(%dma_wait3A_337 : memref<128x32xi32, #tpu.memory_space<vmem>>)
        %dma_wait3A_344 = arith.constant 1 : i32
        %dma_wait3A_345 = arith.constant 128 : i32
        %dma_wait3A_346 = arith.constant 0 : i32
        %dma_wait3A_347 = tpu.memref_slice %arg6[%dma_wait3A_344, %dma_wait3A_345, %dma_wait3A_346] : memref<8x200x32xi32, #tpu.memory_space<vmem>> -> memref<1x72x32xi32, #tpu.memory_space<vmem>>
        %dma_wait3A_348 = tpu.memref_squeeze %dma_wait3A_347 : memref<1x72x32xi32, #tpu.memory_space<vmem>> -> memref<72x32xi32, #tpu.memory_space<vmem>>
        %dma_wait3A_349 = arith.constant 128 : i32
        %dma_wait3A_350 = tpu.memref_slice %arg5[%rem3A_40, %add3A_332, %dma_wait3A_349] : memref<2x16x200xi32, #tpu.memory_space<vmem>> -> memref<1x1x72xi32, #tpu.memory_space<vmem>>
        %dma_wait3A_351 = tpu.memref_squeeze %dma_wait3A_350 : memref<1x1x72xi32, #tpu.memory_space<vmem>> -> memref<72xi32, #tpu.memory_space<vmem>>
        %dma_wait3A_352 = arith.constant 0 : i32
        %dma_wait3A_353 = arith.constant 0 : i32
        %dma_wait3A_354 = tpu.memref_slice %arg3[%dma_wait3A_352, %dma_wait3A_353] : memref<1000000x32xi32, #tpu.memory_space<hbm>> -> memref<1000000x32xi32, #tpu.memory_space<hbm>>
        tpu.wait_indirect_dma semaphore(%arg9 : memref<!tpu.dma_semaphore, #tpu.memory_space<semaphore_mem>>) src(%dma_wait3A_354 : memref<1000000x32xi32, #tpu.memory_space<hbm>>) dst(%dma_wait3A_348 : memref<72x32xi32, #tpu.memory_space<vmem>>)
        %broadcast_in_dim3A_355 = arith.constant 0.000000e+00 : f32
        %broadcast_in_dim3A_356 = vector.broadcast %broadcast_in_dim3A_355 : f32 to vector<16xf32>
        %scan3A_357 = arith.constant 0 : i32
        %scan3A_358 = arith.constant 25 : i32
        %scan3A_359 = arith.addi %scan3A_357, %scan3A_358 : i32
        %scan3A_360 = arith.constant 1 : i32
        %scan3A_361:8 = scf.for %scan3A_743 = %scan3A_357 to %scan3A_359 step %scan3A_360 iter_args(%scan3A_744 = %broadcast_in_dim3A_356, %scan3A_745 = %broadcast_in_dim3A_356, %scan3A_746 = %broadcast_in_dim3A_356, %scan3A_747 = %broadcast_in_dim3A_356, %scan3A_748 = %broadcast_in_dim3A_356, %scan3A_749 = %broadcast_in_dim3A_356, %scan3A_750 = %broadcast_in_dim3A_356, %scan3A_751 = %broadcast_in_dim3A_356) -> (vector<16xf32>, vector<16xf32>, vector<16xf32>, vector<16xf32>, vector<16xf32>, vector<16xf32>, vector<16xf32>, vector<16xf32>)  : i32 {
          %mul3A_752 = arith.constant 8 : i32
          %mul3A_753 = arith.muli %scan3A_743, %mul3A_752 : i32
          %add3A_754 = arith.constant 0 : i32
          %add3A_755 = arith.addi %mul3A_753, %add3A_754 : i32
          %get3A = arith.constant 1 : i32
          %get3A_756 = arith.index_cast %get3A : i32 to index
          %get3A_757 = arith.index_cast %add3A_755 : i32 to index
          %get3A_758 = arith.constant 0 : index
          %get3A_759 = tpu.vector_load %arg6[%get3A_756, %get3A_757, %get3A_758] {strides = array<i32>} : memref<8x200x32xi32, #tpu.memory_space<vmem>>, vector<16xi32>,
          %shift_left3A = arith.constant 16 : i32
          %shift_left3A_760 = vector.broadcast %shift_left3A : i32 to vector<16xi32>
          %shift_left3A_761 = arith.shli %get3A_759, %shift_left3A_760 : vector<16xi32>
          %bitcast3A = vector.bitcast %shift_left3A_761 : vector<16xi32> to vector<16xf32>
          %bitcast3A_762 = vector.bitcast %get3A_759 : vector<16xi32> to vector<16xf32>
          %add3A_763 = arith.addf %scan3A_744, %bitcast3A : vector<16xf32>
          %add3A_764 = arith.addf %scan3A_745, %bitcast3A_762 : vector<16xf32>
          %mul3A_765 = arith.constant 8 : i32
          %mul3A_766 = arith.muli %scan3A_743, %mul3A_765 : i32
          %add3A_767 = arith.constant 0 : i32
          %add3A_768 = arith.addi %mul3A_766, %add3A_767 : i32
          %get3A_769 = arith.constant 1 : i32
          %get3A_770 = arith.index_cast %get3A_769 : i32 to index
          %get3A_771 = arith.index_cast %add3A_768 : i32 to index
          %get3A_772 = arith.constant 16 : index
          %get3A_773 = tpu.vector_load %arg6[%get3A_770, %get3A_771, %get3A_772] {strides = array<i32>} : memref<8x200x32xi32, #tpu.memory_space<vmem>>, vector<16xi32>,
          %shift_left3A_774 = arith.constant 16 : i32
          %shift_left3A_775 = vector.broadcast %shift_left3A_774 : i32 to vector<16xi32>
          %shift_left3A_776 = arith.shli %get3A_773, %shift_left3A_775 : vector<16xi32>
          %bitcast3A_777 = vector.bitcast %shift_left3A_776 : vector<16xi32> to vector<16xf32>
          %bitcast3A_778 = vector.bitcast %get3A_773 : vector<16xi32> to vector<16xf32>
          %add3A_779 = arith.addf %scan3A_746, %bitcast3A_777 : vector<16xf32>
          %add3A_780 = arith.addf %scan3A_747, %bitcast3A_778 : vector<16xf32>
          %mul3A_781 = arith.constant 8 : i32
          %mul3A_782 = arith.muli %scan3A_743, %mul3A_781 : i32
          %add3A_783 = arith.constant 1 : i32
          %add3A_784 = arith.addi %mul3A_782, %add3A_783 : i32
          %get3A_785 = arith.constant 1 : i32
          %get3A_786 = arith.index_cast %get3A_785 : i32 to index
          %get3A_787 = arith.index_cast %add3A_784 : i32 to index
          %get3A_788 = arith.constant 0 : index
          %get3A_789 = tpu.vector_load %arg6[%get3A_786, %get3A_787, %get3A_788] {strides = array<i32>} : memref<8x200x32xi32, #tpu.memory_space<vmem>>, vector<16xi32>,
          %shift_left3A_790 = arith.constant 16 : i32
          %shift_left3A_791 = vector.broadcast %shift_left3A_790 : i32 to vector<16xi32>
          %shift_left3A_792 = arith.shli %get3A_789, %shift_left3A_791 : vector<16xi32>
          %bitcast3A_793 = vector.bitcast %shift_left3A_792 : vector<16xi32> to vector<16xf32>
          %bitcast3A_794 = vector.bitcast %get3A_789 : vector<16xi32> to vector<16xf32>
          %add3A_795 = arith.addf %scan3A_748, %bitcast3A_793 : vector<16xf32>
          %add3A_796 = arith.addf %scan3A_749, %bitcast3A_794 : vector<16xf32>
          %mul3A_797 = arith.constant 8 : i32
          %mul3A_798 = arith.muli %scan3A_743, %mul3A_797 : i32
          %add3A_799 = arith.constant 1 : i32
          %add3A_800 = arith.addi %mul3A_798, %add3A_799 : i32
          %get3A_801 = arith.constant 1 : i32
          %get3A_802 = arith.index_cast %get3A_801 : i32 to index
          %get3A_803 = arith.index_cast %add3A_800 : i32 to index
          %get3A_804 = arith.constant 16 : index
          %get3A_805 = tpu.vector_load %arg6[%get3A_802, %get3A_803, %get3A_804] {strides = array<i32>} : memref<8x200x32xi32, #tpu.memory_space<vmem>>, vector<16xi32>,
          %shift_left3A_806 = arith.constant 16 : i32
          %shift_left3A_807 = vector.broadcast %shift_left3A_806 : i32 to vector<16xi32>
          %shift_left3A_808 = arith.shli %get3A_805, %shift_left3A_807 : vector<16xi32>
          %bitcast3A_809 = vector.bitcast %shift_left3A_808 : vector<16xi32> to vector<16xf32>
          %bitcast3A_810 = vector.bitcast %get3A_805 : vector<16xi32> to vector<16xf32>
          %add3A_811 = arith.addf %scan3A_750, %bitcast3A_809 : vector<16xf32>
          %add3A_812 = arith.addf %scan3A_751, %bitcast3A_810 : vector<16xf32>
          %mul3A_813 = arith.constant 8 : i32
          %mul3A_814 = arith.muli %scan3A_743, %mul3A_813 : i32
          %add3A_815 = arith.constant 2 : i32
          %add3A_816 = arith.addi %mul3A_814, %add3A_815 : i32
          %get3A_817 = arith.constant 1 : i32
          %get3A_818 = arith.index_cast %get3A_817 : i32 to index
          %get3A_819 = arith.index_cast %add3A_816 : i32 to index
          %get3A_820 = arith.constant 0 : index
          %get3A_821 = tpu.vector_load %arg6[%get3A_818, %get3A_819, %get3A_820] {strides = array<i32>} : memref<8x200x32xi32, #tpu.memory_space<vmem>>, vector<16xi32>,
          %shift_left3A_822 = arith.constant 16 : i32
          %shift_left3A_823 = vector.broadcast %shift_left3A_822 : i32 to vector<16xi32>
          %shift_left3A_824 = arith.shli %get3A_821, %shift_left3A_823 : vector<16xi32>
          %bitcast3A_825 = vector.bitcast %shift_left3A_824 : vector<16xi32> to vector<16xf32>
          %bitcast3A_826 = vector.bitcast %get3A_821 : vector<16xi32> to vector<16xf32>
          %add3A_827 = arith.addf %add3A_763, %bitcast3A_825 : vector<16xf32>
          %add3A_828 = arith.addf %add3A_764, %bitcast3A_826 : vector<16xf32>
          %mul3A_829 = arith.constant 8 : i32
          %mul3A_830 = arith.muli %scan3A_743, %mul3A_829 : i32
          %add3A_831 = arith.constant 2 : i32
          %add3A_832 = arith.addi %mul3A_830, %add3A_831 : i32
          %get3A_833 = arith.constant 1 : i32
          %get3A_834 = arith.index_cast %get3A_833 : i32 to index
          %get3A_835 = arith.index_cast %add3A_832 : i32 to index
          %get3A_836 = arith.constant 16 : index
          %get3A_837 = tpu.vector_load %arg6[%get3A_834, %get3A_835, %get3A_836] {strides = array<i32>} : memref<8x200x32xi32, #tpu.memory_space<vmem>>, vector<16xi32>,
          %shift_left3A_838 = arith.constant 16 : i32
          %shift_left3A_839 = vector.broadcast %shift_left3A_838 : i32 to vector<16xi32>
          %shift_left3A_840 = arith.shli %get3A_837, %shift_left3A_839 : vector<16xi32>
          %bitcast3A_841 = vector.bitcast %shift_left3A_840 : vector<16xi32> to vector<16xf32>
          %bitcast3A_842 = vector.bitcast %get3A_837 : vector<16xi32> to vector<16xf32>
          %add3A_843 = arith.addf %add3A_779, %bitcast3A_841 : vector<16xf32>
          %add3A_844 = arith.addf %add3A_780, %bitcast3A_842 : vector<16xf32>
          %mul3A_845 = arith.constant 8 : i32
          %mul3A_846 = arith.muli %scan3A_743, %mul3A_845 : i32
          %add3A_847 = arith.constant 3 : i32
          %add3A_848 = arith.addi %mul3A_846, %add3A_847 : i32
          %get3A_849 = arith.constant 1 : i32
          %get3A_850 = arith.index_cast %get3A_849 : i32 to index
          %get3A_851 = arith.index_cast %add3A_848 : i32 to index
          %get3A_852 = arith.constant 0 : index
          %get3A_853 = tpu.vector_load %arg6[%get3A_850, %get3A_851, %get3A_852] {strides = array<i32>} : memref<8x200x32xi32, #tpu.memory_space<vmem>>, vector<16xi32>,
          %shift_left3A_854 = arith.constant 16 : i32
          %shift_left3A_855 = vector.broadcast %shift_left3A_854 : i32 to vector<16xi32>
          %shift_left3A_856 = arith.shli %get3A_853, %shift_left3A_855 : vector<16xi32>
          %bitcast3A_857 = vector.bitcast %shift_left3A_856 : vector<16xi32> to vector<16xf32>
          %bitcast3A_858 = vector.bitcast %get3A_853 : vector<16xi32> to vector<16xf32>
          %add3A_859 = arith.addf %add3A_795, %bitcast3A_857 : vector<16xf32>
          %add3A_860 = arith.addf %add3A_796, %bitcast3A_858 : vector<16xf32>
          %mul3A_861 = arith.constant 8 : i32
          %mul3A_862 = arith.muli %scan3A_743, %mul3A_861 : i32
          %add3A_863 = arith.constant 3 : i32
          %add3A_864 = arith.addi %mul3A_862, %add3A_863 : i32
          %get3A_865 = arith.constant 1 : i32
          %get3A_866 = arith.index_cast %get3A_865 : i32 to index
          %get3A_867 = arith.index_cast %add3A_864 : i32 to index
          %get3A_868 = arith.constant 16 : index
          %get3A_869 = tpu.vector_load %arg6[%get3A_866, %get3A_867, %get3A_868] {strides = array<i32>} : memref<8x200x32xi32, #tpu.memory_space<vmem>>, vector<16xi32>,
          %shift_left3A_870 = arith.constant 16 : i32
          %shift_left3A_871 = vector.broadcast %shift_left3A_870 : i32 to vector<16xi32>
          %shift_left3A_872 = arith.shli %get3A_869, %shift_left3A_871 : vector<16xi32>
          %bitcast3A_873 = vector.bitcast %shift_left3A_872 : vector<16xi32> to vector<16xf32>
          %bitcast3A_874 = vector.bitcast %get3A_869 : vector<16xi32> to vector<16xf32>
          %add3A_875 = arith.addf %add3A_811, %bitcast3A_873 : vector<16xf32>
          %add3A_876 = arith.addf %add3A_812, %bitcast3A_874 : vector<16xf32>
          %mul3A_877 = arith.constant 8 : i32
          %mul3A_878 = arith.muli %scan3A_743, %mul3A_877 : i32
          %add3A_879 = arith.constant 4 : i32
          %add3A_880 = arith.addi %mul3A_878, %add3A_879 : i32
          %get3A_881 = arith.constant 1 : i32
          %get3A_882 = arith.index_cast %get3A_881 : i32 to index
          %get3A_883 = arith.index_cast %add3A_880 : i32 to index
          %get3A_884 = arith.constant 0 : index
          %get3A_885 = tpu.vector_load %arg6[%get3A_882, %get3A_883, %get3A_884] {strides = array<i32>} : memref<8x200x32xi32, #tpu.memory_space<vmem>>, vector<16xi32>,
          %shift_left3A_886 = arith.constant 16 : i32
          %shift_left3A_887 = vector.broadcast %shift_left3A_886 : i32 to vector<16xi32>
          %shift_left3A_888 = arith.shli %get3A_885, %shift_left3A_887 : vector<16xi32>
          %bitcast3A_889 = vector.bitcast %shift_left3A_888 : vector<16xi32> to vector<16xf32>
          %bitcast3A_890 = vector.bitcast %get3A_885 : vector<16xi32> to vector<16xf32>
          %add3A_891 = arith.addf %add3A_827, %bitcast3A_889 : vector<16xf32>
          %add3A_892 = arith.addf %add3A_828, %bitcast3A_890 : vector<16xf32>
          %mul3A_893 = arith.constant 8 : i32
          %mul3A_894 = arith.muli %scan3A_743, %mul3A_893 : i32
          %add3A_895 = arith.constant 4 : i32
          %add3A_896 = arith.addi %mul3A_894, %add3A_895 : i32
          %get3A_897 = arith.constant 1 : i32
          %get3A_898 = arith.index_cast %get3A_897 : i32 to index
          %get3A_899 = arith.index_cast %add3A_896 : i32 to index
          %get3A_900 = arith.constant 16 : index
          %get3A_901 = tpu.vector_load %arg6[%get3A_898, %get3A_899, %get3A_900] {strides = array<i32>} : memref<8x200x32xi32, #tpu.memory_space<vmem>>, vector<16xi32>,
          %shift_left3A_902 = arith.constant 16 : i32
          %shift_left3A_903 = vector.broadcast %shift_left3A_902 : i32 to vector<16xi32>
          %shift_left3A_904 = arith.shli %get3A_901, %shift_left3A_903 : vector<16xi32>
          %bitcast3A_905 = vector.bitcast %shift_left3A_904 : vector<16xi32> to vector<16xf32>
          %bitcast3A_906 = vector.bitcast %get3A_901 : vector<16xi32> to vector<16xf32>
          %add3A_907 = arith.addf %add3A_843, %bitcast3A_905 : vector<16xf32>
          %add3A_908 = arith.addf %add3A_844, %bitcast3A_906 : vector<16xf32>
          %mul3A_909 = arith.constant 8 : i32
          %mul3A_910 = arith.muli %scan3A_743, %mul3A_909 : i32
          %add3A_911 = arith.constant 5 : i32
          %add3A_912 = arith.addi %mul3A_910, %add3A_911 : i32
          %get3A_913 = arith.constant 1 : i32
          %get3A_914 = arith.index_cast %get3A_913 : i32 to index
          %get3A_915 = arith.index_cast %add3A_912 : i32 to index
          %get3A_916 = arith.constant 0 : index
          %get3A_917 = tpu.vector_load %arg6[%get3A_914, %get3A_915, %get3A_916] {strides = array<i32>} : memref<8x200x32xi32, #tpu.memory_space<vmem>>, vector<16xi32>,
          %shift_left3A_918 = arith.constant 16 : i32
          %shift_left3A_919 = vector.broadcast %shift_left3A_918 : i32 to vector<16xi32>
          %shift_left3A_920 = arith.shli %get3A_917, %shift_left3A_919 : vector<16xi32>
          %bitcast3A_921 = vector.bitcast %shift_left3A_920 : vector<16xi32> to vector<16xf32>
          %bitcast3A_922 = vector.bitcast %get3A_917 : vector<16xi32> to vector<16xf32>
          %add3A_923 = arith.addf %add3A_859, %bitcast3A_921 : vector<16xf32>
          %add3A_924 = arith.addf %add3A_860, %bitcast3A_922 : vector<16xf32>
          %mul3A_925 = arith.constant 8 : i32
          %mul3A_926 = arith.muli %scan3A_743, %mul3A_925 : i32
          %add3A_927 = arith.constant 5 : i32
          %add3A_928 = arith.addi %mul3A_926, %add3A_927 : i32
          %get3A_929 = arith.constant 1 : i32
          %get3A_930 = arith.index_cast %get3A_929 : i32 to index
          %get3A_931 = arith.index_cast %add3A_928 : i32 to index
          %get3A_932 = arith.constant 16 : index
          %get3A_933 = tpu.vector_load %arg6[%get3A_930, %get3A_931, %get3A_932] {strides = array<i32>} : memref<8x200x32xi32, #tpu.memory_space<vmem>>, vector<16xi32>,
          %shift_left3A_934 = arith.constant 16 : i32
          %shift_left3A_935 = vector.broadcast %shift_left3A_934 : i32 to vector<16xi32>
          %shift_left3A_936 = arith.shli %get3A_933, %shift_left3A_935 : vector<16xi32>
          %bitcast3A_937 = vector.bitcast %shift_left3A_936 : vector<16xi32> to vector<16xf32>
          %bitcast3A_938 = vector.bitcast %get3A_933 : vector<16xi32> to vector<16xf32>
          %add3A_939 = arith.addf %add3A_875, %bitcast3A_937 : vector<16xf32>
          %add3A_940 = arith.addf %add3A_876, %bitcast3A_938 : vector<16xf32>
          %mul3A_941 = arith.constant 8 : i32
          %mul3A_942 = arith.muli %scan3A_743, %mul3A_941 : i32
          %add3A_943 = arith.constant 6 : i32
          %add3A_944 = arith.addi %mul3A_942, %add3A_943 : i32
          %get3A_945 = arith.constant 1 : i32
          %get3A_946 = arith.index_cast %get3A_945 : i32 to index
          %get3A_947 = arith.index_cast %add3A_944 : i32 to index
          %get3A_948 = arith.constant 0 : index
          %get3A_949 = tpu.vector_load %arg6[%get3A_946, %get3A_947, %get3A_948] {strides = array<i32>} : memref<8x200x32xi32, #tpu.memory_space<vmem>>, vector<16xi32>,
          %shift_left3A_950 = arith.constant 16 : i32
          %shift_left3A_951 = vector.broadcast %shift_left3A_950 : i32 to vector<16xi32>
          %shift_left3A_952 = arith.shli %get3A_949, %shift_left3A_951 : vector<16xi32>
          %bitcast3A_953 = vector.bitcast %shift_left3A_952 : vector<16xi32> to vector<16xf32>
          %bitcast3A_954 = vector.bitcast %get3A_949 : vector<16xi32> to vector<16xf32>
          %add3A_955 = arith.addf %add3A_891, %bitcast3A_953 : vector<16xf32>
          %add3A_956 = arith.addf %add3A_892, %bitcast3A_954 : vector<16xf32>
          %mul3A_957 = arith.constant 8 : i32
          %mul3A_958 = arith.muli %scan3A_743, %mul3A_957 : i32
          %add3A_959 = arith.constant 6 : i32
          %add3A_960 = arith.addi %mul3A_958, %add3A_959 : i32
          %get3A_961 = arith.constant 1 : i32
          %get3A_962 = arith.index_cast %get3A_961 : i32 to index
          %get3A_963 = arith.index_cast %add3A_960 : i32 to index
          %get3A_964 = arith.constant 16 : index
          %get3A_965 = tpu.vector_load %arg6[%get3A_962, %get3A_963, %get3A_964] {strides = array<i32>} : memref<8x200x32xi32, #tpu.memory_space<vmem>>, vector<16xi32>,
          %shift_left3A_966 = arith.constant 16 : i32
          %shift_left3A_967 = vector.broadcast %shift_left3A_966 : i32 to vector<16xi32>
          %shift_left3A_968 = arith.shli %get3A_965, %shift_left3A_967 : vector<16xi32>
          %bitcast3A_969 = vector.bitcast %shift_left3A_968 : vector<16xi32> to vector<16xf32>
          %bitcast3A_970 = vector.bitcast %get3A_965 : vector<16xi32> to vector<16xf32>
          %add3A_971 = arith.addf %add3A_907, %bitcast3A_969 : vector<16xf32>
          %add3A_972 = arith.addf %add3A_908, %bitcast3A_970 : vector<16xf32>
          %mul3A_973 = arith.constant 8 : i32
          %mul3A_974 = arith.muli %scan3A_743, %mul3A_973 : i32
          %add3A_975 = arith.constant 7 : i32
          %add3A_976 = arith.addi %mul3A_974, %add3A_975 : i32
          %get3A_977 = arith.constant 1 : i32
          %get3A_978 = arith.index_cast %get3A_977 : i32 to index
          %get3A_979 = arith.index_cast %add3A_976 : i32 to index
          %get3A_980 = arith.constant 0 : index
          %get3A_981 = tpu.vector_load %arg6[%get3A_978, %get3A_979, %get3A_980] {strides = array<i32>} : memref<8x200x32xi32, #tpu.memory_space<vmem>>, vector<16xi32>,
          %shift_left3A_982 = arith.constant 16 : i32
          %shift_left3A_983 = vector.broadcast %shift_left3A_982 : i32 to vector<16xi32>
          %shift_left3A_984 = arith.shli %get3A_981, %shift_left3A_983 : vector<16xi32>
          %bitcast3A_985 = vector.bitcast %shift_left3A_984 : vector<16xi32> to vector<16xf32>
          %bitcast3A_986 = vector.bitcast %get3A_981 : vector<16xi32> to vector<16xf32>
          %add3A_987 = arith.addf %add3A_923, %bitcast3A_985 : vector<16xf32>
          %add3A_988 = arith.addf %add3A_924, %bitcast3A_986 : vector<16xf32>
          %mul3A_989 = arith.constant 8 : i32
          %mul3A_990 = arith.muli %scan3A_743, %mul3A_989 : i32
          %add3A_991 = arith.constant 7 : i32
          %add3A_992 = arith.addi %mul3A_990, %add3A_991 : i32
          %get3A_993 = arith.constant 1 : i32
          %get3A_994 = arith.index_cast %get3A_993 : i32 to index
          %get3A_995 = arith.index_cast %add3A_992 : i32 to index
          %get3A_996 = arith.constant 16 : index
          %get3A_997 = tpu.vector_load %arg6[%get3A_994, %get3A_995, %get3A_996] {strides = array<i32>} : memref<8x200x32xi32, #tpu.memory_space<vmem>>, vector<16xi32>,
          %shift_left3A_998 = arith.constant 16 : i32
          %shift_left3A_999 = vector.broadcast %shift_left3A_998 : i32 to vector<16xi32>
          %shift_left3A_1000 = arith.shli %get3A_997, %shift_left3A_999 : vector<16xi32>
          %bitcast3A_1001 = vector.bitcast %shift_left3A_1000 : vector<16xi32> to vector<16xf32>
          %bitcast3A_1002 = vector.bitcast %get3A_997 : vector<16xi32> to vector<16xf32>
          %add3A_1003 = arith.addf %add3A_939, %bitcast3A_1001 : vector<16xf32>
          %add3A_1004 = arith.addf %add3A_940, %bitcast3A_1002 : vector<16xf32>
          scf.yield %add3A_955, %add3A_956, %add3A_971, %add3A_972, %add3A_987, %add3A_988, %add3A_1003, %add3A_1004 : vector<16xf32>, vector<16xf32>, vector<16xf32>, vector<16xf32>, vector<16xf32>, vector<16xf32>, vector<16xf32>, vector<16xf32>
        }
        %scan3A_362 = arith.constant 25 : i32
        %add3A_363 = arith.addf %scan3A_361#0, %scan3A_361#4 : vector<16xf32>
        %add3A_364 = arith.addf %scan3A_361#1, %scan3A_361#5 : vector<16xf32>
        %add3A_365 = arith.addf %scan3A_361#2, %scan3A_361#6 : vector<16xf32>
        %add3A_366 = arith.addf %scan3A_361#3, %scan3A_361#7 : vector<16xf32>
        %swap3A_367 = arith.index_cast %rem3A_40 : i32 to index
        %swap3A_368 = arith.index_cast %add3A_332 : i32 to index
        %swap3A_369 = arith.constant 0 : index
        %swap3A_370 = tpu.vector_load %arg7[%swap3A_367, %swap3A_368, %swap3A_369] {strides = array<i32>} : memref<2x16x64xf32, #tpu.memory_space<vmem>>, vector<16xf32>,
        tpu.vector_store %arg7[%swap3A_367, %swap3A_368, %swap3A_369], %add3A_363 {strides = array<i32>} : memref<2x16x64xf32, #tpu.memory_space<vmem>>, vector<16xf32>,
        %swap3A_371 = arith.index_cast %rem3A_40 : i32 to index
        %swap3A_372 = arith.index_cast %add3A_332 : i32 to index
        %swap3A_373 = arith.constant 16 : index
        %swap3A_374 = tpu.vector_load %arg7[%swap3A_371, %swap3A_372, %swap3A_373] {strides = array<i32>} : memref<2x16x64xf32, #tpu.memory_space<vmem>>, vector<16xf32>,
        tpu.vector_store %arg7[%swap3A_371, %swap3A_372, %swap3A_373], %add3A_364 {strides = array<i32>} : memref<2x16x64xf32, #tpu.memory_space<vmem>>, vector<16xf32>,
        %swap3A_375 = arith.index_cast %rem3A_40 : i32 to index
        %swap3A_376 = arith.index_cast %add3A_332 : i32 to index
        %swap3A_377 = arith.constant 32 : index
        %swap3A_378 = tpu.vector_load %arg7[%swap3A_375, %swap3A_376, %swap3A_377] {strides = array<i32>} : memref<2x16x64xf32, #tpu.memory_space<vmem>>, vector<16xf32>,
        tpu.vector_store %arg7[%swap3A_375, %swap3A_376, %swap3A_377], %add3A_365 {strides = array<i32>} : memref<2x16x64xf32, #tpu.memory_space<vmem>>, vector<16xf32>,
        %swap3A_379 = arith.index_cast %rem3A_40 : i32 to index
        %swap3A_380 = arith.index_cast %add3A_332 : i32 to index
        %swap3A_381 = arith.constant 48 : index
        %swap3A_382 = tpu.vector_load %arg7[%swap3A_379, %swap3A_380, %swap3A_381] {strides = array<i32>} : memref<2x16x64xf32, #tpu.memory_space<vmem>>, vector<16xf32>,
        tpu.vector_store %arg7[%swap3A_379, %swap3A_380, %swap3A_381], %add3A_366 {strides = array<i32>} : memref<2x16x64xf32, #tpu.memory_space<vmem>>, vector<16xf32>,
        %lt3A_383 = arith.constant 1 : i32
        %lt3A_384 = arith.cmpi slt, %scan3A_270, %lt3A_383 : i32
        %convert_element_type3A_385 = arith.extui %lt3A_384 : i1 to i32
        %cond3A_386 = arith.constant 0 : i32
        %cond3A_387 = arith.cmpi ne, %convert_element_type3A_385, %cond3A_386 : i32
        scf.if %cond3A_387 {
          %add3A_743 = arith.constant 8 : i32
          %add3A_744 = arith.addi %add3A_332, %add3A_743 : i32
          %dma_start3A_745 = arith.constant 1 : i32
          %dma_start3A_746 = arith.constant 0 : i32
          %dma_start3A_747 = arith.constant 0 : i32
          %dma_start3A_748 = tpu.memref_slice %arg6[%dma_start3A_745, %dma_start3A_746, %dma_start3A_747] : memref<8x200x32xi32, #tpu.memory_space<vmem>> -> memref<1x128x32xi32, #tpu.memory_space<vmem>>
          %dma_start3A_749 = tpu.memref_squeeze %dma_start3A_748 : memref<1x128x32xi32, #tpu.memory_space<vmem>> -> memref<128x32xi32, #tpu.memory_space<vmem>>
          %dma_start3A_750 = arith.constant 0 : i32
          %dma_start3A_751 = tpu.memref_slice %arg5[%rem3A_40, %add3A_744, %dma_start3A_750] : memref<2x16x200xi32, #tpu.memory_space<vmem>> -> memref<1x1x128xi32, #tpu.memory_space<vmem>>
          %dma_start3A_752 = tpu.memref_squeeze %dma_start3A_751 : memref<1x1x128xi32, #tpu.memory_space<vmem>> -> memref<128xi32, #tpu.memory_space<vmem>>
          %dma_start3A_753 = arith.constant 0 : i32
          %dma_start3A_754 = arith.constant 0 : i32
          %dma_start3A_755 = tpu.memref_slice %arg3[%dma_start3A_753, %dma_start3A_754] : memref<1000000x32xi32, #tpu.memory_space<hbm>> -> memref<1000000x32xi32, #tpu.memory_space<hbm>>
          tpu.enqueue_indirect_dma source(%dma_start3A_755 : memref<1000000x32xi32, #tpu.memory_space<hbm>>) target(%dma_start3A_749 : memref<128x32xi32, #tpu.memory_space<vmem>>) offsets(%dma_start3A_752 : memref<128xi32, #tpu.memory_space<vmem>>) semaphore(%arg9 : memref<!tpu.dma_semaphore, #tpu.memory_space<semaphore_mem>>)
          %dma_start3A_756 = arith.constant 1 : i32
          %dma_start3A_757 = arith.constant 128 : i32
          %dma_start3A_758 = arith.constant 0 : i32
          %dma_start3A_759 = tpu.memref_slice %arg6[%dma_start3A_756, %dma_start3A_757, %dma_start3A_758] : memref<8x200x32xi32, #tpu.memory_space<vmem>> -> memref<1x72x32xi32, #tpu.memory_space<vmem>>
          %dma_start3A_760 = tpu.memref_squeeze %dma_start3A_759 : memref<1x72x32xi32, #tpu.memory_space<vmem>> -> memref<72x32xi32, #tpu.memory_space<vmem>>
          %dma_start3A_761 = arith.constant 128 : i32
          %dma_start3A_762 = tpu.memref_slice %arg5[%rem3A_40, %add3A_744, %dma_start3A_761] : memref<2x16x200xi32, #tpu.memory_space<vmem>> -> memref<1x1x72xi32, #tpu.memory_space<vmem>>
          %dma_start3A_763 = tpu.memref_squeeze %dma_start3A_762 : memref<1x1x72xi32, #tpu.memory_space<vmem>> -> memref<72xi32, #tpu.memory_space<vmem>>
          %dma_start3A_764 = arith.constant 0 : i32
          %dma_start3A_765 = arith.constant 0 : i32
          %dma_start3A_766 = tpu.memref_slice %arg3[%dma_start3A_764, %dma_start3A_765] : memref<1000000x32xi32, #tpu.memory_space<hbm>> -> memref<1000000x32xi32, #tpu.memory_space<hbm>>
          tpu.enqueue_indirect_dma source(%dma_start3A_766 : memref<1000000x32xi32, #tpu.memory_space<hbm>>) target(%dma_start3A_760 : memref<72x32xi32, #tpu.memory_space<vmem>>) offsets(%dma_start3A_763 : memref<72xi32, #tpu.memory_space<vmem>>) semaphore(%arg9 : memref<!tpu.dma_semaphore, #tpu.memory_space<semaphore_mem>>)
        } else {
        }
        %mul3A_388 = arith.constant 8 : i32
        %mul3A_389 = arith.muli %scan3A_270, %mul3A_388 : i32
        %add3A_390 = arith.constant 2 : i32
        %add3A_391 = arith.addi %mul3A_389, %add3A_390 : i32
        %dma_wait3A_392 = arith.constant 2 : i32
        %dma_wait3A_393 = arith.constant 0 : i32
        %dma_wait3A_394 = arith.constant 0 : i32
        %dma_wait3A_395 = tpu.memref_slice %arg6[%dma_wait3A_392, %dma_wait3A_393, %dma_wait3A_394] : memref<8x200x32xi32, #tpu.memory_space<vmem>> -> memref<1x128x32xi32, #tpu.memory_space<vmem>>
        %dma_wait3A_396 = tpu.memref_squeeze %dma_wait3A_395 : memref<1x128x32xi32, #tpu.memory_space<vmem>> -> memref<128x32xi32, #tpu.memory_space<vmem>>
        %dma_wait3A_397 = arith.constant 0 : i32
        %dma_wait3A_398 = tpu.memref_slice %arg5[%rem3A_40, %add3A_391, %dma_wait3A_397] : memref<2x16x200xi32, #tpu.memory_space<vmem>> -> memref<1x1x128xi32, #tpu.memory_space<vmem>>
        %dma_wait3A_399 = tpu.memref_squeeze %dma_wait3A_398 : memref<1x1x128xi32, #tpu.memory_space<vmem>> -> memref<128xi32, #tpu.memory_space<vmem>>
        %dma_wait3A_400 = arith.constant 0 : i32
        %dma_wait3A_401 = arith.constant 0 : i32
        %dma_wait3A_402 = tpu.memref_slice %arg3[%dma_wait3A_400, %dma_wait3A_401] : memref<1000000x32xi32, #tpu.memory_space<hbm>> -> memref<1000000x32xi32, #tpu.memory_space<hbm>>
        tpu.wait_indirect_dma semaphore(%arg10 : memref<!tpu.dma_semaphore, #tpu.memory_space<semaphore_mem>>) src(%dma_wait3A_402 : memref<1000000x32xi32, #tpu.memory_space<hbm>>) dst(%dma_wait3A_396 : memref<128x32xi32, #tpu.memory_space<vmem>>)
        %dma_wait3A_403 = arith.constant 2 : i32
        %dma_wait3A_404 = arith.constant 128 : i32
        %dma_wait3A_405 = arith.constant 0 : i32
        %dma_wait3A_406 = tpu.memref_slice %arg6[%dma_wait3A_403, %dma_wait3A_404, %dma_wait3A_405] : memref<8x200x32xi32, #tpu.memory_space<vmem>> -> memref<1x72x32xi32, #tpu.memory_space<vmem>>
        %dma_wait3A_407 = tpu.memref_squeeze %dma_wait3A_406 : memref<1x72x32xi32, #tpu.memory_space<vmem>> -> memref<72x32xi32, #tpu.memory_space<vmem>>
        %dma_wait3A_408 = arith.constant 128 : i32
        %dma_wait3A_409 = tpu.memref_slice %arg5[%rem3A_40, %add3A_391, %dma_wait3A_408] : memref<2x16x200xi32, #tpu.memory_space<vmem>> -> memref<1x1x72xi32, #tpu.memory_space<vmem>>
        %dma_wait3A_410 = tpu.memref_squeeze %dma_wait3A_409 : memref<1x1x72xi32, #tpu.memory_space<vmem>> -> memref<72xi32, #tpu.memory_space<vmem>>
        %dma_wait3A_411 = arith.constant 0 : i32
        %dma_wait3A_412 = arith.constant 0 : i32
        %dma_wait3A_413 = tpu.memref_slice %arg3[%dma_wait3A_411, %dma_wait3A_412] : memref<1000000x32xi32, #tpu.memory_space<hbm>> -> memref<1000000x32xi32, #tpu.memory_space<hbm>>
        tpu.wait_indirect_dma semaphore(%arg10 : memref<!tpu.dma_semaphore, #tpu.memory_space<semaphore_mem>>) src(%dma_wait3A_413 : memref<1000000x32xi32, #tpu.memory_space<hbm>>) dst(%dma_wait3A_407 : memref<72x32xi32, #tpu.memory_space<vmem>>)
        %broadcast_in_dim3A_414 = arith.constant 0.000000e+00 : f32
        %broadcast_in_dim3A_415 = vector.broadcast %broadcast_in_dim3A_414 : f32 to vector<16xf32>
        %scan3A_416 = arith.constant 0 : i32
        %scan3A_417 = arith.constant 25 : i32
        %scan3A_418 = arith.addi %scan3A_416, %scan3A_417 : i32
        %scan3A_419 = arith.constant 1 : i32
        %scan3A_420:8 = scf.for %scan3A_743 = %scan3A_416 to %scan3A_418 step %scan3A_419 iter_args(%scan3A_744 = %broadcast_in_dim3A_415, %scan3A_745 = %broadcast_in_dim3A_415, %scan3A_746 = %broadcast_in_dim3A_415, %scan3A_747 = %broadcast_in_dim3A_415, %scan3A_748 = %broadcast_in_dim3A_415, %scan3A_749 = %broadcast_in_dim3A_415, %scan3A_750 = %broadcast_in_dim3A_415, %scan3A_751 = %broadcast_in_dim3A_415) -> (vector<16xf32>, vector<16xf32>, vector<16xf32>, vector<16xf32>, vector<16xf32>, vector<16xf32>, vector<16xf32>, vector<16xf32>)  : i32 {
          %mul3A_752 = arith.constant 8 : i32
          %mul3A_753 = arith.muli %scan3A_743, %mul3A_752 : i32
          %add3A_754 = arith.constant 0 : i32
          %add3A_755 = arith.addi %mul3A_753, %add3A_754 : i32
          %get3A = arith.constant 2 : i32
          %get3A_756 = arith.index_cast %get3A : i32 to index
          %get3A_757 = arith.index_cast %add3A_755 : i32 to index
          %get3A_758 = arith.constant 0 : index
          %get3A_759 = tpu.vector_load %arg6[%get3A_756, %get3A_757, %get3A_758] {strides = array<i32>} : memref<8x200x32xi32, #tpu.memory_space<vmem>>, vector<16xi32>,
          %shift_left3A = arith.constant 16 : i32
          %shift_left3A_760 = vector.broadcast %shift_left3A : i32 to vector<16xi32>
          %shift_left3A_761 = arith.shli %get3A_759, %shift_left3A_760 : vector<16xi32>
          %bitcast3A = vector.bitcast %shift_left3A_761 : vector<16xi32> to vector<16xf32>
          %bitcast3A_762 = vector.bitcast %get3A_759 : vector<16xi32> to vector<16xf32>
          %add3A_763 = arith.addf %scan3A_744, %bitcast3A : vector<16xf32>
          %add3A_764 = arith.addf %scan3A_745, %bitcast3A_762 : vector<16xf32>
          %mul3A_765 = arith.constant 8 : i32
          %mul3A_766 = arith.muli %scan3A_743, %mul3A_765 : i32
          %add3A_767 = arith.constant 0 : i32
          %add3A_768 = arith.addi %mul3A_766, %add3A_767 : i32
          %get3A_769 = arith.constant 2 : i32
          %get3A_770 = arith.index_cast %get3A_769 : i32 to index
          %get3A_771 = arith.index_cast %add3A_768 : i32 to index
          %get3A_772 = arith.constant 16 : index
          %get3A_773 = tpu.vector_load %arg6[%get3A_770, %get3A_771, %get3A_772] {strides = array<i32>} : memref<8x200x32xi32, #tpu.memory_space<vmem>>, vector<16xi32>,
          %shift_left3A_774 = arith.constant 16 : i32
          %shift_left3A_775 = vector.broadcast %shift_left3A_774 : i32 to vector<16xi32>
          %shift_left3A_776 = arith.shli %get3A_773, %shift_left3A_775 : vector<16xi32>
          %bitcast3A_777 = vector.bitcast %shift_left3A_776 : vector<16xi32> to vector<16xf32>
          %bitcast3A_778 = vector.bitcast %get3A_773 : vector<16xi32> to vector<16xf32>
          %add3A_779 = arith.addf %scan3A_746, %bitcast3A_777 : vector<16xf32>
          %add3A_780 = arith.addf %scan3A_747, %bitcast3A_778 : vector<16xf32>
          %mul3A_781 = arith.constant 8 : i32
          %mul3A_782 = arith.muli %scan3A_743, %mul3A_781 : i32
          %add3A_783 = arith.constant 1 : i32
          %add3A_784 = arith.addi %mul3A_782, %add3A_783 : i32
          %get3A_785 = arith.constant 2 : i32
          %get3A_786 = arith.index_cast %get3A_785 : i32 to index
          %get3A_787 = arith.index_cast %add3A_784 : i32 to index
          %get3A_788 = arith.constant 0 : index
          %get3A_789 = tpu.vector_load %arg6[%get3A_786, %get3A_787, %get3A_788] {strides = array<i32>} : memref<8x200x32xi32, #tpu.memory_space<vmem>>, vector<16xi32>,
          %shift_left3A_790 = arith.constant 16 : i32
          %shift_left3A_791 = vector.broadcast %shift_left3A_790 : i32 to vector<16xi32>
          %shift_left3A_792 = arith.shli %get3A_789, %shift_left3A_791 : vector<16xi32>
          %bitcast3A_793 = vector.bitcast %shift_left3A_792 : vector<16xi32> to vector<16xf32>
          %bitcast3A_794 = vector.bitcast %get3A_789 : vector<16xi32> to vector<16xf32>
          %add3A_795 = arith.addf %scan3A_748, %bitcast3A_793 : vector<16xf32>
          %add3A_796 = arith.addf %scan3A_749, %bitcast3A_794 : vector<16xf32>
          %mul3A_797 = arith.constant 8 : i32
          %mul3A_798 = arith.muli %scan3A_743, %mul3A_797 : i32
          %add3A_799 = arith.constant 1 : i32
          %add3A_800 = arith.addi %mul3A_798, %add3A_799 : i32
          %get3A_801 = arith.constant 2 : i32
          %get3A_802 = arith.index_cast %get3A_801 : i32 to index
          %get3A_803 = arith.index_cast %add3A_800 : i32 to index
          %get3A_804 = arith.constant 16 : index
          %get3A_805 = tpu.vector_load %arg6[%get3A_802, %get3A_803, %get3A_804] {strides = array<i32>} : memref<8x200x32xi32, #tpu.memory_space<vmem>>, vector<16xi32>,
          %shift_left3A_806 = arith.constant 16 : i32
          %shift_left3A_807 = vector.broadcast %shift_left3A_806 : i32 to vector<16xi32>
          %shift_left3A_808 = arith.shli %get3A_805, %shift_left3A_807 : vector<16xi32>
          %bitcast3A_809 = vector.bitcast %shift_left3A_808 : vector<16xi32> to vector<16xf32>
          %bitcast3A_810 = vector.bitcast %get3A_805 : vector<16xi32> to vector<16xf32>
          %add3A_811 = arith.addf %scan3A_750, %bitcast3A_809 : vector<16xf32>
          %add3A_812 = arith.addf %scan3A_751, %bitcast3A_810 : vector<16xf32>
          %mul3A_813 = arith.constant 8 : i32
          %mul3A_814 = arith.muli %scan3A_743, %mul3A_813 : i32
          %add3A_815 = arith.constant 2 : i32
          %add3A_816 = arith.addi %mul3A_814, %add3A_815 : i32
          %get3A_817 = arith.constant 2 : i32
          %get3A_818 = arith.index_cast %get3A_817 : i32 to index
          %get3A_819 = arith.index_cast %add3A_816 : i32 to index
          %get3A_820 = arith.constant 0 : index
          %get3A_821 = tpu.vector_load %arg6[%get3A_818, %get3A_819, %get3A_820] {strides = array<i32>} : memref<8x200x32xi32, #tpu.memory_space<vmem>>, vector<16xi32>,
          %shift_left3A_822 = arith.constant 16 : i32
          %shift_left3A_823 = vector.broadcast %shift_left3A_822 : i32 to vector<16xi32>
          %shift_left3A_824 = arith.shli %get3A_821, %shift_left3A_823 : vector<16xi32>
          %bitcast3A_825 = vector.bitcast %shift_left3A_824 : vector<16xi32> to vector<16xf32>
          %bitcast3A_826 = vector.bitcast %get3A_821 : vector<16xi32> to vector<16xf32>
          %add3A_827 = arith.addf %add3A_763, %bitcast3A_825 : vector<16xf32>
          %add3A_828 = arith.addf %add3A_764, %bitcast3A_826 : vector<16xf32>
          %mul3A_829 = arith.constant 8 : i32
          %mul3A_830 = arith.muli %scan3A_743, %mul3A_829 : i32
          %add3A_831 = arith.constant 2 : i32
          %add3A_832 = arith.addi %mul3A_830, %add3A_831 : i32
          %get3A_833 = arith.constant 2 : i32
          %get3A_834 = arith.index_cast %get3A_833 : i32 to index
          %get3A_835 = arith.index_cast %add3A_832 : i32 to index
          %get3A_836 = arith.constant 16 : index
          %get3A_837 = tpu.vector_load %arg6[%get3A_834, %get3A_835, %get3A_836] {strides = array<i32>} : memref<8x200x32xi32, #tpu.memory_space<vmem>>, vector<16xi32>,
          %shift_left3A_838 = arith.constant 16 : i32
          %shift_left3A_839 = vector.broadcast %shift_left3A_838 : i32 to vector<16xi32>
          %shift_left3A_840 = arith.shli %get3A_837, %shift_left3A_839 : vector<16xi32>
          %bitcast3A_841 = vector.bitcast %shift_left3A_840 : vector<16xi32> to vector<16xf32>
          %bitcast3A_842 = vector.bitcast %get3A_837 : vector<16xi32> to vector<16xf32>
          %add3A_843 = arith.addf %add3A_779, %bitcast3A_841 : vector<16xf32>
          %add3A_844 = arith.addf %add3A_780, %bitcast3A_842 : vector<16xf32>
          %mul3A_845 = arith.constant 8 : i32
          %mul3A_846 = arith.muli %scan3A_743, %mul3A_845 : i32
          %add3A_847 = arith.constant 3 : i32
          %add3A_848 = arith.addi %mul3A_846, %add3A_847 : i32
          %get3A_849 = arith.constant 2 : i32
          %get3A_850 = arith.index_cast %get3A_849 : i32 to index
          %get3A_851 = arith.index_cast %add3A_848 : i32 to index
          %get3A_852 = arith.constant 0 : index
          %get3A_853 = tpu.vector_load %arg6[%get3A_850, %get3A_851, %get3A_852] {strides = array<i32>} : memref<8x200x32xi32, #tpu.memory_space<vmem>>, vector<16xi32>,
          %shift_left3A_854 = arith.constant 16 : i32
          %shift_left3A_855 = vector.broadcast %shift_left3A_854 : i32 to vector<16xi32>
          %shift_left3A_856 = arith.shli %get3A_853, %shift_left3A_855 : vector<16xi32>
          %bitcast3A_857 = vector.bitcast %shift_left3A_856 : vector<16xi32> to vector<16xf32>
          %bitcast3A_858 = vector.bitcast %get3A_853 : vector<16xi32> to vector<16xf32>
          %add3A_859 = arith.addf %add3A_795, %bitcast3A_857 : vector<16xf32>
          %add3A_860 = arith.addf %add3A_796, %bitcast3A_858 : vector<16xf32>
          %mul3A_861 = arith.constant 8 : i32
          %mul3A_862 = arith.muli %scan3A_743, %mul3A_861 : i32
          %add3A_863 = arith.constant 3 : i32
          %add3A_864 = arith.addi %mul3A_862, %add3A_863 : i32
          %get3A_865 = arith.constant 2 : i32
          %get3A_866 = arith.index_cast %get3A_865 : i32 to index
          %get3A_867 = arith.index_cast %add3A_864 : i32 to index
          %get3A_868 = arith.constant 16 : index
          %get3A_869 = tpu.vector_load %arg6[%get3A_866, %get3A_867, %get3A_868] {strides = array<i32>} : memref<8x200x32xi32, #tpu.memory_space<vmem>>, vector<16xi32>,
          %shift_left3A_870 = arith.constant 16 : i32
          %shift_left3A_871 = vector.broadcast %shift_left3A_870 : i32 to vector<16xi32>
          %shift_left3A_872 = arith.shli %get3A_869, %shift_left3A_871 : vector<16xi32>
          %bitcast3A_873 = vector.bitcast %shift_left3A_872 : vector<16xi32> to vector<16xf32>
          %bitcast3A_874 = vector.bitcast %get3A_869 : vector<16xi32> to vector<16xf32>
          %add3A_875 = arith.addf %add3A_811, %bitcast3A_873 : vector<16xf32>
          %add3A_876 = arith.addf %add3A_812, %bitcast3A_874 : vector<16xf32>
          %mul3A_877 = arith.constant 8 : i32
          %mul3A_878 = arith.muli %scan3A_743, %mul3A_877 : i32
          %add3A_879 = arith.constant 4 : i32
          %add3A_880 = arith.addi %mul3A_878, %add3A_879 : i32
          %get3A_881 = arith.constant 2 : i32
          %get3A_882 = arith.index_cast %get3A_881 : i32 to index
          %get3A_883 = arith.index_cast %add3A_880 : i32 to index
          %get3A_884 = arith.constant 0 : index
          %get3A_885 = tpu.vector_load %arg6[%get3A_882, %get3A_883, %get3A_884] {strides = array<i32>} : memref<8x200x32xi32, #tpu.memory_space<vmem>>, vector<16xi32>,
          %shift_left3A_886 = arith.constant 16 : i32
          %shift_left3A_887 = vector.broadcast %shift_left3A_886 : i32 to vector<16xi32>
          %shift_left3A_888 = arith.shli %get3A_885, %shift_left3A_887 : vector<16xi32>
          %bitcast3A_889 = vector.bitcast %shift_left3A_888 : vector<16xi32> to vector<16xf32>
          %bitcast3A_890 = vector.bitcast %get3A_885 : vector<16xi32> to vector<16xf32>
          %add3A_891 = arith.addf %add3A_827, %bitcast3A_889 : vector<16xf32>
          %add3A_892 = arith.addf %add3A_828, %bitcast3A_890 : vector<16xf32>
          %mul3A_893 = arith.constant 8 : i32
          %mul3A_894 = arith.muli %scan3A_743, %mul3A_893 : i32
          %add3A_895 = arith.constant 4 : i32
          %add3A_896 = arith.addi %mul3A_894, %add3A_895 : i32
          %get3A_897 = arith.constant 2 : i32
          %get3A_898 = arith.index_cast %get3A_897 : i32 to index
          %get3A_899 = arith.index_cast %add3A_896 : i32 to index
          %get3A_900 = arith.constant 16 : index
          %get3A_901 = tpu.vector_load %arg6[%get3A_898, %get3A_899, %get3A_900] {strides = array<i32>} : memref<8x200x32xi32, #tpu.memory_space<vmem>>, vector<16xi32>,
          %shift_left3A_902 = arith.constant 16 : i32
          %shift_left3A_903 = vector.broadcast %shift_left3A_902 : i32 to vector<16xi32>
          %shift_left3A_904 = arith.shli %get3A_901, %shift_left3A_903 : vector<16xi32>
          %bitcast3A_905 = vector.bitcast %shift_left3A_904 : vector<16xi32> to vector<16xf32>
          %bitcast3A_906 = vector.bitcast %get3A_901 : vector<16xi32> to vector<16xf32>
          %add3A_907 = arith.addf %add3A_843, %bitcast3A_905 : vector<16xf32>
          %add3A_908 = arith.addf %add3A_844, %bitcast3A_906 : vector<16xf32>
          %mul3A_909 = arith.constant 8 : i32
          %mul3A_910 = arith.muli %scan3A_743, %mul3A_909 : i32
          %add3A_911 = arith.constant 5 : i32
          %add3A_912 = arith.addi %mul3A_910, %add3A_911 : i32
          %get3A_913 = arith.constant 2 : i32
          %get3A_914 = arith.index_cast %get3A_913 : i32 to index
          %get3A_915 = arith.index_cast %add3A_912 : i32 to index
          %get3A_916 = arith.constant 0 : index
          %get3A_917 = tpu.vector_load %arg6[%get3A_914, %get3A_915, %get3A_916] {strides = array<i32>} : memref<8x200x32xi32, #tpu.memory_space<vmem>>, vector<16xi32>,
          %shift_left3A_918 = arith.constant 16 : i32
          %shift_left3A_919 = vector.broadcast %shift_left3A_918 : i32 to vector<16xi32>
          %shift_left3A_920 = arith.shli %get3A_917, %shift_left3A_919 : vector<16xi32>
          %bitcast3A_921 = vector.bitcast %shift_left3A_920 : vector<16xi32> to vector<16xf32>
          %bitcast3A_922 = vector.bitcast %get3A_917 : vector<16xi32> to vector<16xf32>
          %add3A_923 = arith.addf %add3A_859, %bitcast3A_921 : vector<16xf32>
          %add3A_924 = arith.addf %add3A_860, %bitcast3A_922 : vector<16xf32>
          %mul3A_925 = arith.constant 8 : i32
          %mul3A_926 = arith.muli %scan3A_743, %mul3A_925 : i32
          %add3A_927 = arith.constant 5 : i32
          %add3A_928 = arith.addi %mul3A_926, %add3A_927 : i32
          %get3A_929 = arith.constant 2 : i32
          %get3A_930 = arith.index_cast %get3A_929 : i32 to index
          %get3A_931 = arith.index_cast %add3A_928 : i32 to index
          %get3A_932 = arith.constant 16 : index
          %get3A_933 = tpu.vector_load %arg6[%get3A_930, %get3A_931, %get3A_932] {strides = array<i32>} : memref<8x200x32xi32, #tpu.memory_space<vmem>>, vector<16xi32>,
          %shift_left3A_934 = arith.constant 16 : i32
          %shift_left3A_935 = vector.broadcast %shift_left3A_934 : i32 to vector<16xi32>
          %shift_left3A_936 = arith.shli %get3A_933, %shift_left3A_935 : vector<16xi32>
          %bitcast3A_937 = vector.bitcast %shift_left3A_936 : vector<16xi32> to vector<16xf32>
          %bitcast3A_938 = vector.bitcast %get3A_933 : vector<16xi32> to vector<16xf32>
          %add3A_939 = arith.addf %add3A_875, %bitcast3A_937 : vector<16xf32>
          %add3A_940 = arith.addf %add3A_876, %bitcast3A_938 : vector<16xf32>
          %mul3A_941 = arith.constant 8 : i32
          %mul3A_942 = arith.muli %scan3A_743, %mul3A_941 : i32
          %add3A_943 = arith.constant 6 : i32
          %add3A_944 = arith.addi %mul3A_942, %add3A_943 : i32
          %get3A_945 = arith.constant 2 : i32
          %get3A_946 = arith.index_cast %get3A_945 : i32 to index
          %get3A_947 = arith.index_cast %add3A_944 : i32 to index
          %get3A_948 = arith.constant 0 : index
          %get3A_949 = tpu.vector_load %arg6[%get3A_946, %get3A_947, %get3A_948] {strides = array<i32>} : memref<8x200x32xi32, #tpu.memory_space<vmem>>, vector<16xi32>,
          %shift_left3A_950 = arith.constant 16 : i32
          %shift_left3A_951 = vector.broadcast %shift_left3A_950 : i32 to vector<16xi32>
          %shift_left3A_952 = arith.shli %get3A_949, %shift_left3A_951 : vector<16xi32>
          %bitcast3A_953 = vector.bitcast %shift_left3A_952 : vector<16xi32> to vector<16xf32>
          %bitcast3A_954 = vector.bitcast %get3A_949 : vector<16xi32> to vector<16xf32>
          %add3A_955 = arith.addf %add3A_891, %bitcast3A_953 : vector<16xf32>
          %add3A_956 = arith.addf %add3A_892, %bitcast3A_954 : vector<16xf32>
          %mul3A_957 = arith.constant 8 : i32
          %mul3A_958 = arith.muli %scan3A_743, %mul3A_957 : i32
          %add3A_959 = arith.constant 6 : i32
          %add3A_960 = arith.addi %mul3A_958, %add3A_959 : i32
          %get3A_961 = arith.constant 2 : i32
          %get3A_962 = arith.index_cast %get3A_961 : i32 to index
          %get3A_963 = arith.index_cast %add3A_960 : i32 to index
          %get3A_964 = arith.constant 16 : index
          %get3A_965 = tpu.vector_load %arg6[%get3A_962, %get3A_963, %get3A_964] {strides = array<i32>} : memref<8x200x32xi32, #tpu.memory_space<vmem>>, vector<16xi32>,
          %shift_left3A_966 = arith.constant 16 : i32
          %shift_left3A_967 = vector.broadcast %shift_left3A_966 : i32 to vector<16xi32>
          %shift_left3A_968 = arith.shli %get3A_965, %shift_left3A_967 : vector<16xi32>
          %bitcast3A_969 = vector.bitcast %shift_left3A_968 : vector<16xi32> to vector<16xf32>
          %bitcast3A_970 = vector.bitcast %get3A_965 : vector<16xi32> to vector<16xf32>
          %add3A_971 = arith.addf %add3A_907, %bitcast3A_969 : vector<16xf32>
          %add3A_972 = arith.addf %add3A_908, %bitcast3A_970 : vector<16xf32>
          %mul3A_973 = arith.constant 8 : i32
          %mul3A_974 = arith.muli %scan3A_743, %mul3A_973 : i32
          %add3A_975 = arith.constant 7 : i32
          %add3A_976 = arith.addi %mul3A_974, %add3A_975 : i32
          %get3A_977 = arith.constant 2 : i32
          %get3A_978 = arith.index_cast %get3A_977 : i32 to index
          %get3A_979 = arith.index_cast %add3A_976 : i32 to index
          %get3A_980 = arith.constant 0 : index
          %get3A_981 = tpu.vector_load %arg6[%get3A_978, %get3A_979, %get3A_980] {strides = array<i32>} : memref<8x200x32xi32, #tpu.memory_space<vmem>>, vector<16xi32>,
          %shift_left3A_982 = arith.constant 16 : i32
          %shift_left3A_983 = vector.broadcast %shift_left3A_982 : i32 to vector<16xi32>
          %shift_left3A_984 = arith.shli %get3A_981, %shift_left3A_983 : vector<16xi32>
          %bitcast3A_985 = vector.bitcast %shift_left3A_984 : vector<16xi32> to vector<16xf32>
          %bitcast3A_986 = vector.bitcast %get3A_981 : vector<16xi32> to vector<16xf32>
          %add3A_987 = arith.addf %add3A_923, %bitcast3A_985 : vector<16xf32>
          %add3A_988 = arith.addf %add3A_924, %bitcast3A_986 : vector<16xf32>
          %mul3A_989 = arith.constant 8 : i32
          %mul3A_990 = arith.muli %scan3A_743, %mul3A_989 : i32
          %add3A_991 = arith.constant 7 : i32
          %add3A_992 = arith.addi %mul3A_990, %add3A_991 : i32
          %get3A_993 = arith.constant 2 : i32
          %get3A_994 = arith.index_cast %get3A_993 : i32 to index
          %get3A_995 = arith.index_cast %add3A_992 : i32 to index
          %get3A_996 = arith.constant 16 : index
          %get3A_997 = tpu.vector_load %arg6[%get3A_994, %get3A_995, %get3A_996] {strides = array<i32>} : memref<8x200x32xi32, #tpu.memory_space<vmem>>, vector<16xi32>,
          %shift_left3A_998 = arith.constant 16 : i32
          %shift_left3A_999 = vector.broadcast %shift_left3A_998 : i32 to vector<16xi32>
          %shift_left3A_1000 = arith.shli %get3A_997, %shift_left3A_999 : vector<16xi32>
          %bitcast3A_1001 = vector.bitcast %shift_left3A_1000 : vector<16xi32> to vector<16xf32>
          %bitcast3A_1002 = vector.bitcast %get3A_997 : vector<16xi32> to vector<16xf32>
          %add3A_1003 = arith.addf %add3A_939, %bitcast3A_1001 : vector<16xf32>
          %add3A_1004 = arith.addf %add3A_940, %bitcast3A_1002 : vector<16xf32>
          scf.yield %add3A_955, %add3A_956, %add3A_971, %add3A_972, %add3A_987, %add3A_988, %add3A_1003, %add3A_1004 : vector<16xf32>, vector<16xf32>, vector<16xf32>, vector<16xf32>, vector<16xf32>, vector<16xf32>, vector<16xf32>, vector<16xf32>
        }
        %scan3A_421 = arith.constant 25 : i32
        %add3A_422 = arith.addf %scan3A_420#0, %scan3A_420#4 : vector<16xf32>
        %add3A_423 = arith.addf %scan3A_420#1, %scan3A_420#5 : vector<16xf32>
        %add3A_424 = arith.addf %scan3A_420#2, %scan3A_420#6 : vector<16xf32>
        %add3A_425 = arith.addf %scan3A_420#3, %scan3A_420#7 : vector<16xf32>
        %swap3A_426 = arith.index_cast %rem3A_40 : i32 to index
        %swap3A_427 = arith.index_cast %add3A_391 : i32 to index
        %swap3A_428 = arith.constant 0 : index
        %swap3A_429 = tpu.vector_load %arg7[%swap3A_426, %swap3A_427, %swap3A_428] {strides = array<i32>} : memref<2x16x64xf32, #tpu.memory_space<vmem>>, vector<16xf32>,
        tpu.vector_store %arg7[%swap3A_426, %swap3A_427, %swap3A_428], %add3A_422 {strides = array<i32>} : memref<2x16x64xf32, #tpu.memory_space<vmem>>, vector<16xf32>,
        %swap3A_430 = arith.index_cast %rem3A_40 : i32 to index
        %swap3A_431 = arith.index_cast %add3A_391 : i32 to index
        %swap3A_432 = arith.constant 16 : index
        %swap3A_433 = tpu.vector_load %arg7[%swap3A_430, %swap3A_431, %swap3A_432] {strides = array<i32>} : memref<2x16x64xf32, #tpu.memory_space<vmem>>, vector<16xf32>,
        tpu.vector_store %arg7[%swap3A_430, %swap3A_431, %swap3A_432], %add3A_423 {strides = array<i32>} : memref<2x16x64xf32, #tpu.memory_space<vmem>>, vector<16xf32>,
        %swap3A_434 = arith.index_cast %rem3A_40 : i32 to index
        %swap3A_435 = arith.index_cast %add3A_391 : i32 to index
        %swap3A_436 = arith.constant 32 : index
        %swap3A_437 = tpu.vector_load %arg7[%swap3A_434, %swap3A_435, %swap3A_436] {strides = array<i32>} : memref<2x16x64xf32, #tpu.memory_space<vmem>>, vector<16xf32>,
        tpu.vector_store %arg7[%swap3A_434, %swap3A_435, %swap3A_436], %add3A_424 {strides = array<i32>} : memref<2x16x64xf32, #tpu.memory_space<vmem>>, vector<16xf32>,
        %swap3A_438 = arith.index_cast %rem3A_40 : i32 to index
        %swap3A_439 = arith.index_cast %add3A_391 : i32 to index
        %swap3A_440 = arith.constant 48 : index
        %swap3A_441 = tpu.vector_load %arg7[%swap3A_438, %swap3A_439, %swap3A_440] {strides = array<i32>} : memref<2x16x64xf32, #tpu.memory_space<vmem>>, vector<16xf32>,
        tpu.vector_store %arg7[%swap3A_438, %swap3A_439, %swap3A_440], %add3A_425 {strides = array<i32>} : memref<2x16x64xf32, #tpu.memory_space<vmem>>, vector<16xf32>,
        %lt3A_442 = arith.constant 1 : i32
        %lt3A_443 = arith.cmpi slt, %scan3A_270, %lt3A_442 : i32
        %convert_element_type3A_444 = arith.extui %lt3A_443 : i1 to i32
        %cond3A_445 = arith.constant 0 : i32
        %cond3A_446 = arith.cmpi ne, %convert_element_type3A_444, %cond3A_445 : i32
        scf.if %cond3A_446 {
          %add3A_743 = arith.constant 8 : i32
          %add3A_744 = arith.addi %add3A_391, %add3A_743 : i32
          %dma_start3A_745 = arith.constant 2 : i32
          %dma_start3A_746 = arith.constant 0 : i32
          %dma_start3A_747 = arith.constant 0 : i32
          %dma_start3A_748 = tpu.memref_slice %arg6[%dma_start3A_745, %dma_start3A_746, %dma_start3A_747] : memref<8x200x32xi32, #tpu.memory_space<vmem>> -> memref<1x128x32xi32, #tpu.memory_space<vmem>>
          %dma_start3A_749 = tpu.memref_squeeze %dma_start3A_748 : memref<1x128x32xi32, #tpu.memory_space<vmem>> -> memref<128x32xi32, #tpu.memory_space<vmem>>
          %dma_start3A_750 = arith.constant 0 : i32
          %dma_start3A_751 = tpu.memref_slice %arg5[%rem3A_40, %add3A_744, %dma_start3A_750] : memref<2x16x200xi32, #tpu.memory_space<vmem>> -> memref<1x1x128xi32, #tpu.memory_space<vmem>>
          %dma_start3A_752 = tpu.memref_squeeze %dma_start3A_751 : memref<1x1x128xi32, #tpu.memory_space<vmem>> -> memref<128xi32, #tpu.memory_space<vmem>>
          %dma_start3A_753 = arith.constant 0 : i32
          %dma_start3A_754 = arith.constant 0 : i32
          %dma_start3A_755 = tpu.memref_slice %arg3[%dma_start3A_753, %dma_start3A_754] : memref<1000000x32xi32, #tpu.memory_space<hbm>> -> memref<1000000x32xi32, #tpu.memory_space<hbm>>
          tpu.enqueue_indirect_dma source(%dma_start3A_755 : memref<1000000x32xi32, #tpu.memory_space<hbm>>) target(%dma_start3A_749 : memref<128x32xi32, #tpu.memory_space<vmem>>) offsets(%dma_start3A_752 : memref<128xi32, #tpu.memory_space<vmem>>) semaphore(%arg10 : memref<!tpu.dma_semaphore, #tpu.memory_space<semaphore_mem>>)
          %dma_start3A_756 = arith.constant 2 : i32
          %dma_start3A_757 = arith.constant 128 : i32
          %dma_start3A_758 = arith.constant 0 : i32
          %dma_start3A_759 = tpu.memref_slice %arg6[%dma_start3A_756, %dma_start3A_757, %dma_start3A_758] : memref<8x200x32xi32, #tpu.memory_space<vmem>> -> memref<1x72x32xi32, #tpu.memory_space<vmem>>
          %dma_start3A_760 = tpu.memref_squeeze %dma_start3A_759 : memref<1x72x32xi32, #tpu.memory_space<vmem>> -> memref<72x32xi32, #tpu.memory_space<vmem>>
          %dma_start3A_761 = arith.constant 128 : i32
          %dma_start3A_762 = tpu.memref_slice %arg5[%rem3A_40, %add3A_744, %dma_start3A_761] : memref<2x16x200xi32, #tpu.memory_space<vmem>> -> memref<1x1x72xi32, #tpu.memory_space<vmem>>
          %dma_start3A_763 = tpu.memref_squeeze %dma_start3A_762 : memref<1x1x72xi32, #tpu.memory_space<vmem>> -> memref<72xi32, #tpu.memory_space<vmem>>
          %dma_start3A_764 = arith.constant 0 : i32
          %dma_start3A_765 = arith.constant 0 : i32
          %dma_start3A_766 = tpu.memref_slice %arg3[%dma_start3A_764, %dma_start3A_765] : memref<1000000x32xi32, #tpu.memory_space<hbm>> -> memref<1000000x32xi32, #tpu.memory_space<hbm>>
          tpu.enqueue_indirect_dma source(%dma_start3A_766 : memref<1000000x32xi32, #tpu.memory_space<hbm>>) target(%dma_start3A_760 : memref<72x32xi32, #tpu.memory_space<vmem>>) offsets(%dma_start3A_763 : memref<72xi32, #tpu.memory_space<vmem>>) semaphore(%arg10 : memref<!tpu.dma_semaphore, #tpu.memory_space<semaphore_mem>>)
        } else {
        }
        %mul3A_447 = arith.constant 8 : i32
        %mul3A_448 = arith.muli %scan3A_270, %mul3A_447 : i32
        %add3A_449 = arith.constant 3 : i32
        %add3A_450 = arith.addi %mul3A_448, %add3A_449 : i32
        %dma_wait3A_451 = arith.constant 3 : i32
        %dma_wait3A_452 = arith.constant 0 : i32
        %dma_wait3A_453 = arith.constant 0 : i32
        %dma_wait3A_454 = tpu.memref_slice %arg6[%dma_wait3A_451, %dma_wait3A_452, %dma_wait3A_453] : memref<8x200x32xi32, #tpu.memory_space<vmem>> -> memref<1x128x32xi32, #tpu.memory_space<vmem>>
        %dma_wait3A_455 = tpu.memref_squeeze %dma_wait3A_454 : memref<1x128x32xi32, #tpu.memory_space<vmem>> -> memref<128x32xi32, #tpu.memory_space<vmem>>
        %dma_wait3A_456 = arith.constant 0 : i32
        %dma_wait3A_457 = tpu.memref_slice %arg5[%rem3A_40, %add3A_450, %dma_wait3A_456] : memref<2x16x200xi32, #tpu.memory_space<vmem>> -> memref<1x1x128xi32, #tpu.memory_space<vmem>>
        %dma_wait3A_458 = tpu.memref_squeeze %dma_wait3A_457 : memref<1x1x128xi32, #tpu.memory_space<vmem>> -> memref<128xi32, #tpu.memory_space<vmem>>
        %dma_wait3A_459 = arith.constant 0 : i32
        %dma_wait3A_460 = arith.constant 0 : i32
        %dma_wait3A_461 = tpu.memref_slice %arg3[%dma_wait3A_459, %dma_wait3A_460] : memref<1000000x32xi32, #tpu.memory_space<hbm>> -> memref<1000000x32xi32, #tpu.memory_space<hbm>>
        tpu.wait_indirect_dma semaphore(%arg11 : memref<!tpu.dma_semaphore, #tpu.memory_space<semaphore_mem>>) src(%dma_wait3A_461 : memref<1000000x32xi32, #tpu.memory_space<hbm>>) dst(%dma_wait3A_455 : memref<128x32xi32, #tpu.memory_space<vmem>>)
        %dma_wait3A_462 = arith.constant 3 : i32
        %dma_wait3A_463 = arith.constant 128 : i32
        %dma_wait3A_464 = arith.constant 0 : i32
        %dma_wait3A_465 = tpu.memref_slice %arg6[%dma_wait3A_462, %dma_wait3A_463, %dma_wait3A_464] : memref<8x200x32xi32, #tpu.memory_space<vmem>> -> memref<1x72x32xi32, #tpu.memory_space<vmem>>
        %dma_wait3A_466 = tpu.memref_squeeze %dma_wait3A_465 : memref<1x72x32xi32, #tpu.memory_space<vmem>> -> memref<72x32xi32, #tpu.memory_space<vmem>>
        %dma_wait3A_467 = arith.constant 128 : i32
        %dma_wait3A_468 = tpu.memref_slice %arg5[%rem3A_40, %add3A_450, %dma_wait3A_467] : memref<2x16x200xi32, #tpu.memory_space<vmem>> -> memref<1x1x72xi32, #tpu.memory_space<vmem>>
        %dma_wait3A_469 = tpu.memref_squeeze %dma_wait3A_468 : memref<1x1x72xi32, #tpu.memory_space<vmem>> -> memref<72xi32, #tpu.memory_space<vmem>>
        %dma_wait3A_470 = arith.constant 0 : i32
        %dma_wait3A_471 = arith.constant 0 : i32
        %dma_wait3A_472 = tpu.memref_slice %arg3[%dma_wait3A_470, %dma_wait3A_471] : memref<1000000x32xi32, #tpu.memory_space<hbm>> -> memref<1000000x32xi32, #tpu.memory_space<hbm>>
        tpu.wait_indirect_dma semaphore(%arg11 : memref<!tpu.dma_semaphore, #tpu.memory_space<semaphore_mem>>) src(%dma_wait3A_472 : memref<1000000x32xi32, #tpu.memory_space<hbm>>) dst(%dma_wait3A_466 : memref<72x32xi32, #tpu.memory_space<vmem>>)
        %broadcast_in_dim3A_473 = arith.constant 0.000000e+00 : f32
        %broadcast_in_dim3A_474 = vector.broadcast %broadcast_in_dim3A_473 : f32 to vector<16xf32>
        %scan3A_475 = arith.constant 0 : i32
        %scan3A_476 = arith.constant 25 : i32
        %scan3A_477 = arith.addi %scan3A_475, %scan3A_476 : i32
        %scan3A_478 = arith.constant 1 : i32
        %scan3A_479:8 = scf.for %scan3A_743 = %scan3A_475 to %scan3A_477 step %scan3A_478 iter_args(%scan3A_744 = %broadcast_in_dim3A_474, %scan3A_745 = %broadcast_in_dim3A_474, %scan3A_746 = %broadcast_in_dim3A_474, %scan3A_747 = %broadcast_in_dim3A_474, %scan3A_748 = %broadcast_in_dim3A_474, %scan3A_749 = %broadcast_in_dim3A_474, %scan3A_750 = %broadcast_in_dim3A_474, %scan3A_751 = %broadcast_in_dim3A_474) -> (vector<16xf32>, vector<16xf32>, vector<16xf32>, vector<16xf32>, vector<16xf32>, vector<16xf32>, vector<16xf32>, vector<16xf32>)  : i32 {
          %mul3A_752 = arith.constant 8 : i32
          %mul3A_753 = arith.muli %scan3A_743, %mul3A_752 : i32
          %add3A_754 = arith.constant 0 : i32
          %add3A_755 = arith.addi %mul3A_753, %add3A_754 : i32
          %get3A = arith.constant 3 : i32
          %get3A_756 = arith.index_cast %get3A : i32 to index
          %get3A_757 = arith.index_cast %add3A_755 : i32 to index
          %get3A_758 = arith.constant 0 : index
          %get3A_759 = tpu.vector_load %arg6[%get3A_756, %get3A_757, %get3A_758] {strides = array<i32>} : memref<8x200x32xi32, #tpu.memory_space<vmem>>, vector<16xi32>,
          %shift_left3A = arith.constant 16 : i32
          %shift_left3A_760 = vector.broadcast %shift_left3A : i32 to vector<16xi32>
          %shift_left3A_761 = arith.shli %get3A_759, %shift_left3A_760 : vector<16xi32>
          %bitcast3A = vector.bitcast %shift_left3A_761 : vector<16xi32> to vector<16xf32>
          %bitcast3A_762 = vector.bitcast %get3A_759 : vector<16xi32> to vector<16xf32>
          %add3A_763 = arith.addf %scan3A_744, %bitcast3A : vector<16xf32>
          %add3A_764 = arith.addf %scan3A_745, %bitcast3A_762 : vector<16xf32>
          %mul3A_765 = arith.constant 8 : i32
          %mul3A_766 = arith.muli %scan3A_743, %mul3A_765 : i32
          %add3A_767 = arith.constant 0 : i32
          %add3A_768 = arith.addi %mul3A_766, %add3A_767 : i32
          %get3A_769 = arith.constant 3 : i32
          %get3A_770 = arith.index_cast %get3A_769 : i32 to index
          %get3A_771 = arith.index_cast %add3A_768 : i32 to index
          %get3A_772 = arith.constant 16 : index
          %get3A_773 = tpu.vector_load %arg6[%get3A_770, %get3A_771, %get3A_772] {strides = array<i32>} : memref<8x200x32xi32, #tpu.memory_space<vmem>>, vector<16xi32>,
          %shift_left3A_774 = arith.constant 16 : i32
          %shift_left3A_775 = vector.broadcast %shift_left3A_774 : i32 to vector<16xi32>
          %shift_left3A_776 = arith.shli %get3A_773, %shift_left3A_775 : vector<16xi32>
          %bitcast3A_777 = vector.bitcast %shift_left3A_776 : vector<16xi32> to vector<16xf32>
          %bitcast3A_778 = vector.bitcast %get3A_773 : vector<16xi32> to vector<16xf32>
          %add3A_779 = arith.addf %scan3A_746, %bitcast3A_777 : vector<16xf32>
          %add3A_780 = arith.addf %scan3A_747, %bitcast3A_778 : vector<16xf32>
          %mul3A_781 = arith.constant 8 : i32
          %mul3A_782 = arith.muli %scan3A_743, %mul3A_781 : i32
          %add3A_783 = arith.constant 1 : i32
          %add3A_784 = arith.addi %mul3A_782, %add3A_783 : i32
          %get3A_785 = arith.constant 3 : i32
          %get3A_786 = arith.index_cast %get3A_785 : i32 to index
          %get3A_787 = arith.index_cast %add3A_784 : i32 to index
          %get3A_788 = arith.constant 0 : index
          %get3A_789 = tpu.vector_load %arg6[%get3A_786, %get3A_787, %get3A_788] {strides = array<i32>} : memref<8x200x32xi32, #tpu.memory_space<vmem>>, vector<16xi32>,
          %shift_left3A_790 = arith.constant 16 : i32
          %shift_left3A_791 = vector.broadcast %shift_left3A_790 : i32 to vector<16xi32>
          %shift_left3A_792 = arith.shli %get3A_789, %shift_left3A_791 : vector<16xi32>
          %bitcast3A_793 = vector.bitcast %shift_left3A_792 : vector<16xi32> to vector<16xf32>
          %bitcast3A_794 = vector.bitcast %get3A_789 : vector<16xi32> to vector<16xf32>
          %add3A_795 = arith.addf %scan3A_748, %bitcast3A_793 : vector<16xf32>
          %add3A_796 = arith.addf %scan3A_749, %bitcast3A_794 : vector<16xf32>
          %mul3A_797 = arith.constant 8 : i32
          %mul3A_798 = arith.muli %scan3A_743, %mul3A_797 : i32
          %add3A_799 = arith.constant 1 : i32
          %add3A_800 = arith.addi %mul3A_798, %add3A_799 : i32
          %get3A_801 = arith.constant 3 : i32
          %get3A_802 = arith.index_cast %get3A_801 : i32 to index
          %get3A_803 = arith.index_cast %add3A_800 : i32 to index
          %get3A_804 = arith.constant 16 : index
          %get3A_805 = tpu.vector_load %arg6[%get3A_802, %get3A_803, %get3A_804] {strides = array<i32>} : memref<8x200x32xi32, #tpu.memory_space<vmem>>, vector<16xi32>,
          %shift_left3A_806 = arith.constant 16 : i32
          %shift_left3A_807 = vector.broadcast %shift_left3A_806 : i32 to vector<16xi32>
          %shift_left3A_808 = arith.shli %get3A_805, %shift_left3A_807 : vector<16xi32>
          %bitcast3A_809 = vector.bitcast %shift_left3A_808 : vector<16xi32> to vector<16xf32>
          %bitcast3A_810 = vector.bitcast %get3A_805 : vector<16xi32> to vector<16xf32>
          %add3A_811 = arith.addf %scan3A_750, %bitcast3A_809 : vector<16xf32>
          %add3A_812 = arith.addf %scan3A_751, %bitcast3A_810 : vector<16xf32>
          %mul3A_813 = arith.constant 8 : i32
          %mul3A_814 = arith.muli %scan3A_743, %mul3A_813 : i32
          %add3A_815 = arith.constant 2 : i32
          %add3A_816 = arith.addi %mul3A_814, %add3A_815 : i32
          %get3A_817 = arith.constant 3 : i32
          %get3A_818 = arith.index_cast %get3A_817 : i32 to index
          %get3A_819 = arith.index_cast %add3A_816 : i32 to index
          %get3A_820 = arith.constant 0 : index
          %get3A_821 = tpu.vector_load %arg6[%get3A_818, %get3A_819, %get3A_820] {strides = array<i32>} : memref<8x200x32xi32, #tpu.memory_space<vmem>>, vector<16xi32>,
          %shift_left3A_822 = arith.constant 16 : i32
          %shift_left3A_823 = vector.broadcast %shift_left3A_822 : i32 to vector<16xi32>
          %shift_left3A_824 = arith.shli %get3A_821, %shift_left3A_823 : vector<16xi32>
          %bitcast3A_825 = vector.bitcast %shift_left3A_824 : vector<16xi32> to vector<16xf32>
          %bitcast3A_826 = vector.bitcast %get3A_821 : vector<16xi32> to vector<16xf32>
          %add3A_827 = arith.addf %add3A_763, %bitcast3A_825 : vector<16xf32>
          %add3A_828 = arith.addf %add3A_764, %bitcast3A_826 : vector<16xf32>
          %mul3A_829 = arith.constant 8 : i32
          %mul3A_830 = arith.muli %scan3A_743, %mul3A_829 : i32
          %add3A_831 = arith.constant 2 : i32
          %add3A_832 = arith.addi %mul3A_830, %add3A_831 : i32
          %get3A_833 = arith.constant 3 : i32
          %get3A_834 = arith.index_cast %get3A_833 : i32 to index
          %get3A_835 = arith.index_cast %add3A_832 : i32 to index
          %get3A_836 = arith.constant 16 : index
          %get3A_837 = tpu.vector_load %arg6[%get3A_834, %get3A_835, %get3A_836] {strides = array<i32>} : memref<8x200x32xi32, #tpu.memory_space<vmem>>, vector<16xi32>,
          %shift_left3A_838 = arith.constant 16 : i32
          %shift_left3A_839 = vector.broadcast %shift_left3A_838 : i32 to vector<16xi32>
          %shift_left3A_840 = arith.shli %get3A_837, %shift_left3A_839 : vector<16xi32>
          %bitcast3A_841 = vector.bitcast %shift_left3A_840 : vector<16xi32> to vector<16xf32>
          %bitcast3A_842 = vector.bitcast %get3A_837 : vector<16xi32> to vector<16xf32>
          %add3A_843 = arith.addf %add3A_779, %bitcast3A_841 : vector<16xf32>
          %add3A_844 = arith.addf %add3A_780, %bitcast3A_842 : vector<16xf32>
          %mul3A_845 = arith.constant 8 : i32
          %mul3A_846 = arith.muli %scan3A_743, %mul3A_845 : i32
          %add3A_847 = arith.constant 3 : i32
          %add3A_848 = arith.addi %mul3A_846, %add3A_847 : i32
          %get3A_849 = arith.constant 3 : i32
          %get3A_850 = arith.index_cast %get3A_849 : i32 to index
          %get3A_851 = arith.index_cast %add3A_848 : i32 to index
          %get3A_852 = arith.constant 0 : index
          %get3A_853 = tpu.vector_load %arg6[%get3A_850, %get3A_851, %get3A_852] {strides = array<i32>} : memref<8x200x32xi32, #tpu.memory_space<vmem>>, vector<16xi32>,
          %shift_left3A_854 = arith.constant 16 : i32
          %shift_left3A_855 = vector.broadcast %shift_left3A_854 : i32 to vector<16xi32>
          %shift_left3A_856 = arith.shli %get3A_853, %shift_left3A_855 : vector<16xi32>
          %bitcast3A_857 = vector.bitcast %shift_left3A_856 : vector<16xi32> to vector<16xf32>
          %bitcast3A_858 = vector.bitcast %get3A_853 : vector<16xi32> to vector<16xf32>
          %add3A_859 = arith.addf %add3A_795, %bitcast3A_857 : vector<16xf32>
          %add3A_860 = arith.addf %add3A_796, %bitcast3A_858 : vector<16xf32>
          %mul3A_861 = arith.constant 8 : i32
          %mul3A_862 = arith.muli %scan3A_743, %mul3A_861 : i32
          %add3A_863 = arith.constant 3 : i32
          %add3A_864 = arith.addi %mul3A_862, %add3A_863 : i32
          %get3A_865 = arith.constant 3 : i32
          %get3A_866 = arith.index_cast %get3A_865 : i32 to index
          %get3A_867 = arith.index_cast %add3A_864 : i32 to index
          %get3A_868 = arith.constant 16 : index
          %get3A_869 = tpu.vector_load %arg6[%get3A_866, %get3A_867, %get3A_868] {strides = array<i32>} : memref<8x200x32xi32, #tpu.memory_space<vmem>>, vector<16xi32>,
          %shift_left3A_870 = arith.constant 16 : i32
          %shift_left3A_871 = vector.broadcast %shift_left3A_870 : i32 to vector<16xi32>
          %shift_left3A_872 = arith.shli %get3A_869, %shift_left3A_871 : vector<16xi32>
          %bitcast3A_873 = vector.bitcast %shift_left3A_872 : vector<16xi32> to vector<16xf32>
          %bitcast3A_874 = vector.bitcast %get3A_869 : vector<16xi32> to vector<16xf32>
          %add3A_875 = arith.addf %add3A_811, %bitcast3A_873 : vector<16xf32>
          %add3A_876 = arith.addf %add3A_812, %bitcast3A_874 : vector<16xf32>
          %mul3A_877 = arith.constant 8 : i32
          %mul3A_878 = arith.muli %scan3A_743, %mul3A_877 : i32
          %add3A_879 = arith.constant 4 : i32
          %add3A_880 = arith.addi %mul3A_878, %add3A_879 : i32
          %get3A_881 = arith.constant 3 : i32
          %get3A_882 = arith.index_cast %get3A_881 : i32 to index
          %get3A_883 = arith.index_cast %add3A_880 : i32 to index
          %get3A_884 = arith.constant 0 : index
          %get3A_885 = tpu.vector_load %arg6[%get3A_882, %get3A_883, %get3A_884] {strides = array<i32>} : memref<8x200x32xi32, #tpu.memory_space<vmem>>, vector<16xi32>,
          %shift_left3A_886 = arith.constant 16 : i32
          %shift_left3A_887 = vector.broadcast %shift_left3A_886 : i32 to vector<16xi32>
          %shift_left3A_888 = arith.shli %get3A_885, %shift_left3A_887 : vector<16xi32>
          %bitcast3A_889 = vector.bitcast %shift_left3A_888 : vector<16xi32> to vector<16xf32>
          %bitcast3A_890 = vector.bitcast %get3A_885 : vector<16xi32> to vector<16xf32>
          %add3A_891 = arith.addf %add3A_827, %bitcast3A_889 : vector<16xf32>
          %add3A_892 = arith.addf %add3A_828, %bitcast3A_890 : vector<16xf32>
          %mul3A_893 = arith.constant 8 : i32
          %mul3A_894 = arith.muli %scan3A_743, %mul3A_893 : i32
          %add3A_895 = arith.constant 4 : i32
          %add3A_896 = arith.addi %mul3A_894, %add3A_895 : i32
          %get3A_897 = arith.constant 3 : i32
          %get3A_898 = arith.index_cast %get3A_897 : i32 to index
          %get3A_899 = arith.index_cast %add3A_896 : i32 to index
          %get3A_900 = arith.constant 16 : index
          %get3A_901 = tpu.vector_load %arg6[%get3A_898, %get3A_899, %get3A_900] {strides = array<i32>} : memref<8x200x32xi32, #tpu.memory_space<vmem>>, vector<16xi32>,
          %shift_left3A_902 = arith.constant 16 : i32
          %shift_left3A_903 = vector.broadcast %shift_left3A_902 : i32 to vector<16xi32>
          %shift_left3A_904 = arith.shli %get3A_901, %shift_left3A_903 : vector<16xi32>
          %bitcast3A_905 = vector.bitcast %shift_left3A_904 : vector<16xi32> to vector<16xf32>
          %bitcast3A_906 = vector.bitcast %get3A_901 : vector<16xi32> to vector<16xf32>
          %add3A_907 = arith.addf %add3A_843, %bitcast3A_905 : vector<16xf32>
          %add3A_908 = arith.addf %add3A_844, %bitcast3A_906 : vector<16xf32>
          %mul3A_909 = arith.constant 8 : i32
          %mul3A_910 = arith.muli %scan3A_743, %mul3A_909 : i32
          %add3A_911 = arith.constant 5 : i32
          %add3A_912 = arith.addi %mul3A_910, %add3A_911 : i32
          %get3A_913 = arith.constant 3 : i32
          %get3A_914 = arith.index_cast %get3A_913 : i32 to index
          %get3A_915 = arith.index_cast %add3A_912 : i32 to index
          %get3A_916 = arith.constant 0 : index
          %get3A_917 = tpu.vector_load %arg6[%get3A_914, %get3A_915, %get3A_916] {strides = array<i32>} : memref<8x200x32xi32, #tpu.memory_space<vmem>>, vector<16xi32>,
          %shift_left3A_918 = arith.constant 16 : i32
          %shift_left3A_919 = vector.broadcast %shift_left3A_918 : i32 to vector<16xi32>
          %shift_left3A_920 = arith.shli %get3A_917, %shift_left3A_919 : vector<16xi32>
          %bitcast3A_921 = vector.bitcast %shift_left3A_920 : vector<16xi32> to vector<16xf32>
          %bitcast3A_922 = vector.bitcast %get3A_917 : vector<16xi32> to vector<16xf32>
          %add3A_923 = arith.addf %add3A_859, %bitcast3A_921 : vector<16xf32>
          %add3A_924 = arith.addf %add3A_860, %bitcast3A_922 : vector<16xf32>
          %mul3A_925 = arith.constant 8 : i32
          %mul3A_926 = arith.muli %scan3A_743, %mul3A_925 : i32
          %add3A_927 = arith.constant 5 : i32
          %add3A_928 = arith.addi %mul3A_926, %add3A_927 : i32
          %get3A_929 = arith.constant 3 : i32
          %get3A_930 = arith.index_cast %get3A_929 : i32 to index
          %get3A_931 = arith.index_cast %add3A_928 : i32 to index
          %get3A_932 = arith.constant 16 : index
          %get3A_933 = tpu.vector_load %arg6[%get3A_930, %get3A_931, %get3A_932] {strides = array<i32>} : memref<8x200x32xi32, #tpu.memory_space<vmem>>, vector<16xi32>,
          %shift_left3A_934 = arith.constant 16 : i32
          %shift_left3A_935 = vector.broadcast %shift_left3A_934 : i32 to vector<16xi32>
          %shift_left3A_936 = arith.shli %get3A_933, %shift_left3A_935 : vector<16xi32>
          %bitcast3A_937 = vector.bitcast %shift_left3A_936 : vector<16xi32> to vector<16xf32>
          %bitcast3A_938 = vector.bitcast %get3A_933 : vector<16xi32> to vector<16xf32>
          %add3A_939 = arith.addf %add3A_875, %bitcast3A_937 : vector<16xf32>
          %add3A_940 = arith.addf %add3A_876, %bitcast3A_938 : vector<16xf32>
          %mul3A_941 = arith.constant 8 : i32
          %mul3A_942 = arith.muli %scan3A_743, %mul3A_941 : i32
          %add3A_943 = arith.constant 6 : i32
          %add3A_944 = arith.addi %mul3A_942, %add3A_943 : i32
          %get3A_945 = arith.constant 3 : i32
          %get3A_946 = arith.index_cast %get3A_945 : i32 to index
          %get3A_947 = arith.index_cast %add3A_944 : i32 to index
          %get3A_948 = arith.constant 0 : index
          %get3A_949 = tpu.vector_load %arg6[%get3A_946, %get3A_947, %get3A_948] {strides = array<i32>} : memref<8x200x32xi32, #tpu.memory_space<vmem>>, vector<16xi32>,
          %shift_left3A_950 = arith.constant 16 : i32
          %shift_left3A_951 = vector.broadcast %shift_left3A_950 : i32 to vector<16xi32>
          %shift_left3A_952 = arith.shli %get3A_949, %shift_left3A_951 : vector<16xi32>
          %bitcast3A_953 = vector.bitcast %shift_left3A_952 : vector<16xi32> to vector<16xf32>
          %bitcast3A_954 = vector.bitcast %get3A_949 : vector<16xi32> to vector<16xf32>
          %add3A_955 = arith.addf %add3A_891, %bitcast3A_953 : vector<16xf32>
          %add3A_956 = arith.addf %add3A_892, %bitcast3A_954 : vector<16xf32>
          %mul3A_957 = arith.constant 8 : i32
          %mul3A_958 = arith.muli %scan3A_743, %mul3A_957 : i32
          %add3A_959 = arith.constant 6 : i32
          %add3A_960 = arith.addi %mul3A_958, %add3A_959 : i32
          %get3A_961 = arith.constant 3 : i32
          %get3A_962 = arith.index_cast %get3A_961 : i32 to index
          %get3A_963 = arith.index_cast %add3A_960 : i32 to index
          %get3A_964 = arith.constant 16 : index
          %get3A_965 = tpu.vector_load %arg6[%get3A_962, %get3A_963, %get3A_964] {strides = array<i32>} : memref<8x200x32xi32, #tpu.memory_space<vmem>>, vector<16xi32>,
          %shift_left3A_966 = arith.constant 16 : i32
          %shift_left3A_967 = vector.broadcast %shift_left3A_966 : i32 to vector<16xi32>
          %shift_left3A_968 = arith.shli %get3A_965, %shift_left3A_967 : vector<16xi32>
          %bitcast3A_969 = vector.bitcast %shift_left3A_968 : vector<16xi32> to vector<16xf32>
          %bitcast3A_970 = vector.bitcast %get3A_965 : vector<16xi32> to vector<16xf32>
          %add3A_971 = arith.addf %add3A_907, %bitcast3A_969 : vector<16xf32>
          %add3A_972 = arith.addf %add3A_908, %bitcast3A_970 : vector<16xf32>
          %mul3A_973 = arith.constant 8 : i32
          %mul3A_974 = arith.muli %scan3A_743, %mul3A_973 : i32
          %add3A_975 = arith.constant 7 : i32
          %add3A_976 = arith.addi %mul3A_974, %add3A_975 : i32
          %get3A_977 = arith.constant 3 : i32
          %get3A_978 = arith.index_cast %get3A_977 : i32 to index
          %get3A_979 = arith.index_cast %add3A_976 : i32 to index
          %get3A_980 = arith.constant 0 : index
          %get3A_981 = tpu.vector_load %arg6[%get3A_978, %get3A_979, %get3A_980] {strides = array<i32>} : memref<8x200x32xi32, #tpu.memory_space<vmem>>, vector<16xi32>,
          %shift_left3A_982 = arith.constant 16 : i32
          %shift_left3A_983 = vector.broadcast %shift_left3A_982 : i32 to vector<16xi32>
          %shift_left3A_984 = arith.shli %get3A_981, %shift_left3A_983 : vector<16xi32>
          %bitcast3A_985 = vector.bitcast %shift_left3A_984 : vector<16xi32> to vector<16xf32>
          %bitcast3A_986 = vector.bitcast %get3A_981 : vector<16xi32> to vector<16xf32>
          %add3A_987 = arith.addf %add3A_923, %bitcast3A_985 : vector<16xf32>
          %add3A_988 = arith.addf %add3A_924, %bitcast3A_986 : vector<16xf32>
          %mul3A_989 = arith.constant 8 : i32
          %mul3A_990 = arith.muli %scan3A_743, %mul3A_989 : i32
          %add3A_991 = arith.constant 7 : i32
          %add3A_992 = arith.addi %mul3A_990, %add3A_991 : i32
          %get3A_993 = arith.constant 3 : i32
          %get3A_994 = arith.index_cast %get3A_993 : i32 to index
          %get3A_995 = arith.index_cast %add3A_992 : i32 to index
          %get3A_996 = arith.constant 16 : index
          %get3A_997 = tpu.vector_load %arg6[%get3A_994, %get3A_995, %get3A_996] {strides = array<i32>} : memref<8x200x32xi32, #tpu.memory_space<vmem>>, vector<16xi32>,
          %shift_left3A_998 = arith.constant 16 : i32
          %shift_left3A_999 = vector.broadcast %shift_left3A_998 : i32 to vector<16xi32>
          %shift_left3A_1000 = arith.shli %get3A_997, %shift_left3A_999 : vector<16xi32>
          %bitcast3A_1001 = vector.bitcast %shift_left3A_1000 : vector<16xi32> to vector<16xf32>
          %bitcast3A_1002 = vector.bitcast %get3A_997 : vector<16xi32> to vector<16xf32>
          %add3A_1003 = arith.addf %add3A_939, %bitcast3A_1001 : vector<16xf32>
          %add3A_1004 = arith.addf %add3A_940, %bitcast3A_1002 : vector<16xf32>
          scf.yield %add3A_955, %add3A_956, %add3A_971, %add3A_972, %add3A_987, %add3A_988, %add3A_1003, %add3A_1004 : vector<16xf32>, vector<16xf32>, vector<16xf32>, vector<16xf32>, vector<16xf32>, vector<16xf32>, vector<16xf32>, vector<16xf32>
        }
        %scan3A_480 = arith.constant 25 : i32
        %add3A_481 = arith.addf %scan3A_479#0, %scan3A_479#4 : vector<16xf32>
        %add3A_482 = arith.addf %scan3A_479#1, %scan3A_479#5 : vector<16xf32>
        %add3A_483 = arith.addf %scan3A_479#2, %scan3A_479#6 : vector<16xf32>
        %add3A_484 = arith.addf %scan3A_479#3, %scan3A_479#7 : vector<16xf32>
        %swap3A_485 = arith.index_cast %rem3A_40 : i32 to index
        %swap3A_486 = arith.index_cast %add3A_450 : i32 to index
        %swap3A_487 = arith.constant 0 : index
        %swap3A_488 = tpu.vector_load %arg7[%swap3A_485, %swap3A_486, %swap3A_487] {strides = array<i32>} : memref<2x16x64xf32, #tpu.memory_space<vmem>>, vector<16xf32>,
        tpu.vector_store %arg7[%swap3A_485, %swap3A_486, %swap3A_487], %add3A_481 {strides = array<i32>} : memref<2x16x64xf32, #tpu.memory_space<vmem>>, vector<16xf32>,
        %swap3A_489 = arith.index_cast %rem3A_40 : i32 to index
        %swap3A_490 = arith.index_cast %add3A_450 : i32 to index
        %swap3A_491 = arith.constant 16 : index
        %swap3A_492 = tpu.vector_load %arg7[%swap3A_489, %swap3A_490, %swap3A_491] {strides = array<i32>} : memref<2x16x64xf32, #tpu.memory_space<vmem>>, vector<16xf32>,
        tpu.vector_store %arg7[%swap3A_489, %swap3A_490, %swap3A_491], %add3A_482 {strides = array<i32>} : memref<2x16x64xf32, #tpu.memory_space<vmem>>, vector<16xf32>,
        %swap3A_493 = arith.index_cast %rem3A_40 : i32 to index
        %swap3A_494 = arith.index_cast %add3A_450 : i32 to index
        %swap3A_495 = arith.constant 32 : index
        %swap3A_496 = tpu.vector_load %arg7[%swap3A_493, %swap3A_494, %swap3A_495] {strides = array<i32>} : memref<2x16x64xf32, #tpu.memory_space<vmem>>, vector<16xf32>,
        tpu.vector_store %arg7[%swap3A_493, %swap3A_494, %swap3A_495], %add3A_483 {strides = array<i32>} : memref<2x16x64xf32, #tpu.memory_space<vmem>>, vector<16xf32>,
        %swap3A_497 = arith.index_cast %rem3A_40 : i32 to index
        %swap3A_498 = arith.index_cast %add3A_450 : i32 to index
        %swap3A_499 = arith.constant 48 : index
        %swap3A_500 = tpu.vector_load %arg7[%swap3A_497, %swap3A_498, %swap3A_499] {strides = array<i32>} : memref<2x16x64xf32, #tpu.memory_space<vmem>>, vector<16xf32>,
        tpu.vector_store %arg7[%swap3A_497, %swap3A_498, %swap3A_499], %add3A_484 {strides = array<i32>} : memref<2x16x64xf32, #tpu.memory_space<vmem>>, vector<16xf32>,
        %lt3A_501 = arith.constant 1 : i32
        %lt3A_502 = arith.cmpi slt, %scan3A_270, %lt3A_501 : i32
        %convert_element_type3A_503 = arith.extui %lt3A_502 : i1 to i32
        %cond3A_504 = arith.constant 0 : i32
        %cond3A_505 = arith.cmpi ne, %convert_element_type3A_503, %cond3A_504 : i32
        scf.if %cond3A_505 {
          %add3A_743 = arith.constant 8 : i32
          %add3A_744 = arith.addi %add3A_450, %add3A_743 : i32
          %dma_start3A_745 = arith.constant 3 : i32
          %dma_start3A_746 = arith.constant 0 : i32
          %dma_start3A_747 = arith.constant 0 : i32
          %dma_start3A_748 = tpu.memref_slice %arg6[%dma_start3A_745, %dma_start3A_746, %dma_start3A_747] : memref<8x200x32xi32, #tpu.memory_space<vmem>> -> memref<1x128x32xi32, #tpu.memory_space<vmem>>
          %dma_start3A_749 = tpu.memref_squeeze %dma_start3A_748 : memref<1x128x32xi32, #tpu.memory_space<vmem>> -> memref<128x32xi32, #tpu.memory_space<vmem>>
          %dma_start3A_750 = arith.constant 0 : i32
          %dma_start3A_751 = tpu.memref_slice %arg5[%rem3A_40, %add3A_744, %dma_start3A_750] : memref<2x16x200xi32, #tpu.memory_space<vmem>> -> memref<1x1x128xi32, #tpu.memory_space<vmem>>
          %dma_start3A_752 = tpu.memref_squeeze %dma_start3A_751 : memref<1x1x128xi32, #tpu.memory_space<vmem>> -> memref<128xi32, #tpu.memory_space<vmem>>
          %dma_start3A_753 = arith.constant 0 : i32
          %dma_start3A_754 = arith.constant 0 : i32
          %dma_start3A_755 = tpu.memref_slice %arg3[%dma_start3A_753, %dma_start3A_754] : memref<1000000x32xi32, #tpu.memory_space<hbm>> -> memref<1000000x32xi32, #tpu.memory_space<hbm>>
          tpu.enqueue_indirect_dma source(%dma_start3A_755 : memref<1000000x32xi32, #tpu.memory_space<hbm>>) target(%dma_start3A_749 : memref<128x32xi32, #tpu.memory_space<vmem>>) offsets(%dma_start3A_752 : memref<128xi32, #tpu.memory_space<vmem>>) semaphore(%arg11 : memref<!tpu.dma_semaphore, #tpu.memory_space<semaphore_mem>>)
          %dma_start3A_756 = arith.constant 3 : i32
          %dma_start3A_757 = arith.constant 128 : i32
          %dma_start3A_758 = arith.constant 0 : i32
          %dma_start3A_759 = tpu.memref_slice %arg6[%dma_start3A_756, %dma_start3A_757, %dma_start3A_758] : memref<8x200x32xi32, #tpu.memory_space<vmem>> -> memref<1x72x32xi32, #tpu.memory_space<vmem>>
          %dma_start3A_760 = tpu.memref_squeeze %dma_start3A_759 : memref<1x72x32xi32, #tpu.memory_space<vmem>> -> memref<72x32xi32, #tpu.memory_space<vmem>>
          %dma_start3A_761 = arith.constant 128 : i32
          %dma_start3A_762 = tpu.memref_slice %arg5[%rem3A_40, %add3A_744, %dma_start3A_761] : memref<2x16x200xi32, #tpu.memory_space<vmem>> -> memref<1x1x72xi32, #tpu.memory_space<vmem>>
          %dma_start3A_763 = tpu.memref_squeeze %dma_start3A_762 : memref<1x1x72xi32, #tpu.memory_space<vmem>> -> memref<72xi32, #tpu.memory_space<vmem>>
          %dma_start3A_764 = arith.constant 0 : i32
          %dma_start3A_765 = arith.constant 0 : i32
          %dma_start3A_766 = tpu.memref_slice %arg3[%dma_start3A_764, %dma_start3A_765] : memref<1000000x32xi32, #tpu.memory_space<hbm>> -> memref<1000000x32xi32, #tpu.memory_space<hbm>>
          tpu.enqueue_indirect_dma source(%dma_start3A_766 : memref<1000000x32xi32, #tpu.memory_space<hbm>>) target(%dma_start3A_760 : memref<72x32xi32, #tpu.memory_space<vmem>>) offsets(%dma_start3A_763 : memref<72xi32, #tpu.memory_space<vmem>>) semaphore(%arg11 : memref<!tpu.dma_semaphore, #tpu.memory_space<semaphore_mem>>)
        } else {
        }
        %mul3A_506 = arith.constant 8 : i32
        %mul3A_507 = arith.muli %scan3A_270, %mul3A_506 : i32
        %add3A_508 = arith.constant 4 : i32
        %add3A_509 = arith.addi %mul3A_507, %add3A_508 : i32
        %dma_wait3A_510 = arith.constant 4 : i32
        %dma_wait3A_511 = arith.constant 0 : i32
        %dma_wait3A_512 = arith.constant 0 : i32
        %dma_wait3A_513 = tpu.memref_slice %arg6[%dma_wait3A_510, %dma_wait3A_511, %dma_wait3A_512] : memref<8x200x32xi32, #tpu.memory_space<vmem>> -> memref<1x128x32xi32, #tpu.memory_space<vmem>>
        %dma_wait3A_514 = tpu.memref_squeeze %dma_wait3A_513 : memref<1x128x32xi32, #tpu.memory_space<vmem>> -> memref<128x32xi32, #tpu.memory_space<vmem>>
        %dma_wait3A_515 = arith.constant 0 : i32
        %dma_wait3A_516 = tpu.memref_slice %arg5[%rem3A_40, %add3A_509, %dma_wait3A_515] : memref<2x16x200xi32, #tpu.memory_space<vmem>> -> memref<1x1x128xi32, #tpu.memory_space<vmem>>
        %dma_wait3A_517 = tpu.memref_squeeze %dma_wait3A_516 : memref<1x1x128xi32, #tpu.memory_space<vmem>> -> memref<128xi32, #tpu.memory_space<vmem>>
        %dma_wait3A_518 = arith.constant 0 : i32
        %dma_wait3A_519 = arith.constant 0 : i32
        %dma_wait3A_520 = tpu.memref_slice %arg3[%dma_wait3A_518, %dma_wait3A_519] : memref<1000000x32xi32, #tpu.memory_space<hbm>> -> memref<1000000x32xi32, #tpu.memory_space<hbm>>
        tpu.wait_indirect_dma semaphore(%arg12 : memref<!tpu.dma_semaphore, #tpu.memory_space<semaphore_mem>>) src(%dma_wait3A_520 : memref<1000000x32xi32, #tpu.memory_space<hbm>>) dst(%dma_wait3A_514 : memref<128x32xi32, #tpu.memory_space<vmem>>)
        %dma_wait3A_521 = arith.constant 4 : i32
        %dma_wait3A_522 = arith.constant 128 : i32
        %dma_wait3A_523 = arith.constant 0 : i32
        %dma_wait3A_524 = tpu.memref_slice %arg6[%dma_wait3A_521, %dma_wait3A_522, %dma_wait3A_523] : memref<8x200x32xi32, #tpu.memory_space<vmem>> -> memref<1x72x32xi32, #tpu.memory_space<vmem>>
        %dma_wait3A_525 = tpu.memref_squeeze %dma_wait3A_524 : memref<1x72x32xi32, #tpu.memory_space<vmem>> -> memref<72x32xi32, #tpu.memory_space<vmem>>
        %dma_wait3A_526 = arith.constant 128 : i32
        %dma_wait3A_527 = tpu.memref_slice %arg5[%rem3A_40, %add3A_509, %dma_wait3A_526] : memref<2x16x200xi32, #tpu.memory_space<vmem>> -> memref<1x1x72xi32, #tpu.memory_space<vmem>>
        %dma_wait3A_528 = tpu.memref_squeeze %dma_wait3A_527 : memref<1x1x72xi32, #tpu.memory_space<vmem>> -> memref<72xi32, #tpu.memory_space<vmem>>
        %dma_wait3A_529 = arith.constant 0 : i32
        %dma_wait3A_530 = arith.constant 0 : i32
        %dma_wait3A_531 = tpu.memref_slice %arg3[%dma_wait3A_529, %dma_wait3A_530] : memref<1000000x32xi32, #tpu.memory_space<hbm>> -> memref<1000000x32xi32, #tpu.memory_space<hbm>>
        tpu.wait_indirect_dma semaphore(%arg12 : memref<!tpu.dma_semaphore, #tpu.memory_space<semaphore_mem>>) src(%dma_wait3A_531 : memref<1000000x32xi32, #tpu.memory_space<hbm>>) dst(%dma_wait3A_525 : memref<72x32xi32, #tpu.memory_space<vmem>>)
        %broadcast_in_dim3A_532 = arith.constant 0.000000e+00 : f32
        %broadcast_in_dim3A_533 = vector.broadcast %broadcast_in_dim3A_532 : f32 to vector<16xf32>
        %scan3A_534 = arith.constant 0 : i32
        %scan3A_535 = arith.constant 25 : i32
        %scan3A_536 = arith.addi %scan3A_534, %scan3A_535 : i32
        %scan3A_537 = arith.constant 1 : i32
        %scan3A_538:8 = scf.for %scan3A_743 = %scan3A_534 to %scan3A_536 step %scan3A_537 iter_args(%scan3A_744 = %broadcast_in_dim3A_533, %scan3A_745 = %broadcast_in_dim3A_533, %scan3A_746 = %broadcast_in_dim3A_533, %scan3A_747 = %broadcast_in_dim3A_533, %scan3A_748 = %broadcast_in_dim3A_533, %scan3A_749 = %broadcast_in_dim3A_533, %scan3A_750 = %broadcast_in_dim3A_533, %scan3A_751 = %broadcast_in_dim3A_533) -> (vector<16xf32>, vector<16xf32>, vector<16xf32>, vector<16xf32>, vector<16xf32>, vector<16xf32>, vector<16xf32>, vector<16xf32>)  : i32 {
          %mul3A_752 = arith.constant 8 : i32
          %mul3A_753 = arith.muli %scan3A_743, %mul3A_752 : i32
          %add3A_754 = arith.constant 0 : i32
          %add3A_755 = arith.addi %mul3A_753, %add3A_754 : i32
          %get3A = arith.constant 4 : i32
          %get3A_756 = arith.index_cast %get3A : i32 to index
          %get3A_757 = arith.index_cast %add3A_755 : i32 to index
          %get3A_758 = arith.constant 0 : index
          %get3A_759 = tpu.vector_load %arg6[%get3A_756, %get3A_757, %get3A_758] {strides = array<i32>} : memref<8x200x32xi32, #tpu.memory_space<vmem>>, vector<16xi32>,
          %shift_left3A = arith.constant 16 : i32
          %shift_left3A_760 = vector.broadcast %shift_left3A : i32 to vector<16xi32>
          %shift_left3A_761 = arith.shli %get3A_759, %shift_left3A_760 : vector<16xi32>
          %bitcast3A = vector.bitcast %shift_left3A_761 : vector<16xi32> to vector<16xf32>
          %bitcast3A_762 = vector.bitcast %get3A_759 : vector<16xi32> to vector<16xf32>
          %add3A_763 = arith.addf %scan3A_744, %bitcast3A : vector<16xf32>
          %add3A_764 = arith.addf %scan3A_745, %bitcast3A_762 : vector<16xf32>
          %mul3A_765 = arith.constant 8 : i32
          %mul3A_766 = arith.muli %scan3A_743, %mul3A_765 : i32
          %add3A_767 = arith.constant 0 : i32
          %add3A_768 = arith.addi %mul3A_766, %add3A_767 : i32
          %get3A_769 = arith.constant 4 : i32
          %get3A_770 = arith.index_cast %get3A_769 : i32 to index
          %get3A_771 = arith.index_cast %add3A_768 : i32 to index
          %get3A_772 = arith.constant 16 : index
          %get3A_773 = tpu.vector_load %arg6[%get3A_770, %get3A_771, %get3A_772] {strides = array<i32>} : memref<8x200x32xi32, #tpu.memory_space<vmem>>, vector<16xi32>,
          %shift_left3A_774 = arith.constant 16 : i32
          %shift_left3A_775 = vector.broadcast %shift_left3A_774 : i32 to vector<16xi32>
          %shift_left3A_776 = arith.shli %get3A_773, %shift_left3A_775 : vector<16xi32>
          %bitcast3A_777 = vector.bitcast %shift_left3A_776 : vector<16xi32> to vector<16xf32>
          %bitcast3A_778 = vector.bitcast %get3A_773 : vector<16xi32> to vector<16xf32>
          %add3A_779 = arith.addf %scan3A_746, %bitcast3A_777 : vector<16xf32>
          %add3A_780 = arith.addf %scan3A_747, %bitcast3A_778 : vector<16xf32>
          %mul3A_781 = arith.constant 8 : i32
          %mul3A_782 = arith.muli %scan3A_743, %mul3A_781 : i32
          %add3A_783 = arith.constant 1 : i32
          %add3A_784 = arith.addi %mul3A_782, %add3A_783 : i32
          %get3A_785 = arith.constant 4 : i32
          %get3A_786 = arith.index_cast %get3A_785 : i32 to index
          %get3A_787 = arith.index_cast %add3A_784 : i32 to index
          %get3A_788 = arith.constant 0 : index
          %get3A_789 = tpu.vector_load %arg6[%get3A_786, %get3A_787, %get3A_788] {strides = array<i32>} : memref<8x200x32xi32, #tpu.memory_space<vmem>>, vector<16xi32>,
          %shift_left3A_790 = arith.constant 16 : i32
          %shift_left3A_791 = vector.broadcast %shift_left3A_790 : i32 to vector<16xi32>
          %shift_left3A_792 = arith.shli %get3A_789, %shift_left3A_791 : vector<16xi32>
          %bitcast3A_793 = vector.bitcast %shift_left3A_792 : vector<16xi32> to vector<16xf32>
          %bitcast3A_794 = vector.bitcast %get3A_789 : vector<16xi32> to vector<16xf32>
          %add3A_795 = arith.addf %scan3A_748, %bitcast3A_793 : vector<16xf32>
          %add3A_796 = arith.addf %scan3A_749, %bitcast3A_794 : vector<16xf32>
          %mul3A_797 = arith.constant 8 : i32
          %mul3A_798 = arith.muli %scan3A_743, %mul3A_797 : i32
          %add3A_799 = arith.constant 1 : i32
          %add3A_800 = arith.addi %mul3A_798, %add3A_799 : i32
          %get3A_801 = arith.constant 4 : i32
          %get3A_802 = arith.index_cast %get3A_801 : i32 to index
          %get3A_803 = arith.index_cast %add3A_800 : i32 to index
          %get3A_804 = arith.constant 16 : index
          %get3A_805 = tpu.vector_load %arg6[%get3A_802, %get3A_803, %get3A_804] {strides = array<i32>} : memref<8x200x32xi32, #tpu.memory_space<vmem>>, vector<16xi32>,
          %shift_left3A_806 = arith.constant 16 : i32
          %shift_left3A_807 = vector.broadcast %shift_left3A_806 : i32 to vector<16xi32>
          %shift_left3A_808 = arith.shli %get3A_805, %shift_left3A_807 : vector<16xi32>
          %bitcast3A_809 = vector.bitcast %shift_left3A_808 : vector<16xi32> to vector<16xf32>
          %bitcast3A_810 = vector.bitcast %get3A_805 : vector<16xi32> to vector<16xf32>
          %add3A_811 = arith.addf %scan3A_750, %bitcast3A_809 : vector<16xf32>
          %add3A_812 = arith.addf %scan3A_751, %bitcast3A_810 : vector<16xf32>
          %mul3A_813 = arith.constant 8 : i32
          %mul3A_814 = arith.muli %scan3A_743, %mul3A_813 : i32
          %add3A_815 = arith.constant 2 : i32
          %add3A_816 = arith.addi %mul3A_814, %add3A_815 : i32
          %get3A_817 = arith.constant 4 : i32
          %get3A_818 = arith.index_cast %get3A_817 : i32 to index
          %get3A_819 = arith.index_cast %add3A_816 : i32 to index
          %get3A_820 = arith.constant 0 : index
          %get3A_821 = tpu.vector_load %arg6[%get3A_818, %get3A_819, %get3A_820] {strides = array<i32>} : memref<8x200x32xi32, #tpu.memory_space<vmem>>, vector<16xi32>,
          %shift_left3A_822 = arith.constant 16 : i32
          %shift_left3A_823 = vector.broadcast %shift_left3A_822 : i32 to vector<16xi32>
          %shift_left3A_824 = arith.shli %get3A_821, %shift_left3A_823 : vector<16xi32>
          %bitcast3A_825 = vector.bitcast %shift_left3A_824 : vector<16xi32> to vector<16xf32>
          %bitcast3A_826 = vector.bitcast %get3A_821 : vector<16xi32> to vector<16xf32>
          %add3A_827 = arith.addf %add3A_763, %bitcast3A_825 : vector<16xf32>
          %add3A_828 = arith.addf %add3A_764, %bitcast3A_826 : vector<16xf32>
          %mul3A_829 = arith.constant 8 : i32
          %mul3A_830 = arith.muli %scan3A_743, %mul3A_829 : i32
          %add3A_831 = arith.constant 2 : i32
          %add3A_832 = arith.addi %mul3A_830, %add3A_831 : i32
          %get3A_833 = arith.constant 4 : i32
          %get3A_834 = arith.index_cast %get3A_833 : i32 to index
          %get3A_835 = arith.index_cast %add3A_832 : i32 to index
          %get3A_836 = arith.constant 16 : index
          %get3A_837 = tpu.vector_load %arg6[%get3A_834, %get3A_835, %get3A_836] {strides = array<i32>} : memref<8x200x32xi32, #tpu.memory_space<vmem>>, vector<16xi32>,
          %shift_left3A_838 = arith.constant 16 : i32
          %shift_left3A_839 = vector.broadcast %shift_left3A_838 : i32 to vector<16xi32>
          %shift_left3A_840 = arith.shli %get3A_837, %shift_left3A_839 : vector<16xi32>
          %bitcast3A_841 = vector.bitcast %shift_left3A_840 : vector<16xi32> to vector<16xf32>
          %bitcast3A_842 = vector.bitcast %get3A_837 : vector<16xi32> to vector<16xf32>
          %add3A_843 = arith.addf %add3A_779, %bitcast3A_841 : vector<16xf32>
          %add3A_844 = arith.addf %add3A_780, %bitcast3A_842 : vector<16xf32>
          %mul3A_845 = arith.constant 8 : i32
          %mul3A_846 = arith.muli %scan3A_743, %mul3A_845 : i32
          %add3A_847 = arith.constant 3 : i32
          %add3A_848 = arith.addi %mul3A_846, %add3A_847 : i32
          %get3A_849 = arith.constant 4 : i32
          %get3A_850 = arith.index_cast %get3A_849 : i32 to index
          %get3A_851 = arith.index_cast %add3A_848 : i32 to index
          %get3A_852 = arith.constant 0 : index
          %get3A_853 = tpu.vector_load %arg6[%get3A_850, %get3A_851, %get3A_852] {strides = array<i32>} : memref<8x200x32xi32, #tpu.memory_space<vmem>>, vector<16xi32>,
          %shift_left3A_854 = arith.constant 16 : i32
          %shift_left3A_855 = vector.broadcast %shift_left3A_854 : i32 to vector<16xi32>
          %shift_left3A_856 = arith.shli %get3A_853, %shift_left3A_855 : vector<16xi32>
          %bitcast3A_857 = vector.bitcast %shift_left3A_856 : vector<16xi32> to vector<16xf32>
          %bitcast3A_858 = vector.bitcast %get3A_853 : vector<16xi32> to vector<16xf32>
          %add3A_859 = arith.addf %add3A_795, %bitcast3A_857 : vector<16xf32>
          %add3A_860 = arith.addf %add3A_796, %bitcast3A_858 : vector<16xf32>
          %mul3A_861 = arith.constant 8 : i32
          %mul3A_862 = arith.muli %scan3A_743, %mul3A_861 : i32
          %add3A_863 = arith.constant 3 : i32
          %add3A_864 = arith.addi %mul3A_862, %add3A_863 : i32
          %get3A_865 = arith.constant 4 : i32
          %get3A_866 = arith.index_cast %get3A_865 : i32 to index
          %get3A_867 = arith.index_cast %add3A_864 : i32 to index
          %get3A_868 = arith.constant 16 : index
          %get3A_869 = tpu.vector_load %arg6[%get3A_866, %get3A_867, %get3A_868] {strides = array<i32>} : memref<8x200x32xi32, #tpu.memory_space<vmem>>, vector<16xi32>,
          %shift_left3A_870 = arith.constant 16 : i32
          %shift_left3A_871 = vector.broadcast %shift_left3A_870 : i32 to vector<16xi32>
          %shift_left3A_872 = arith.shli %get3A_869, %shift_left3A_871 : vector<16xi32>
          %bitcast3A_873 = vector.bitcast %shift_left3A_872 : vector<16xi32> to vector<16xf32>
          %bitcast3A_874 = vector.bitcast %get3A_869 : vector<16xi32> to vector<16xf32>
          %add3A_875 = arith.addf %add3A_811, %bitcast3A_873 : vector<16xf32>
          %add3A_876 = arith.addf %add3A_812, %bitcast3A_874 : vector<16xf32>
          %mul3A_877 = arith.constant 8 : i32
          %mul3A_878 = arith.muli %scan3A_743, %mul3A_877 : i32
          %add3A_879 = arith.constant 4 : i32
          %add3A_880 = arith.addi %mul3A_878, %add3A_879 : i32
          %get3A_881 = arith.constant 4 : i32
          %get3A_882 = arith.index_cast %get3A_881 : i32 to index
          %get3A_883 = arith.index_cast %add3A_880 : i32 to index
          %get3A_884 = arith.constant 0 : index
          %get3A_885 = tpu.vector_load %arg6[%get3A_882, %get3A_883, %get3A_884] {strides = array<i32>} : memref<8x200x32xi32, #tpu.memory_space<vmem>>, vector<16xi32>,
          %shift_left3A_886 = arith.constant 16 : i32
          %shift_left3A_887 = vector.broadcast %shift_left3A_886 : i32 to vector<16xi32>
          %shift_left3A_888 = arith.shli %get3A_885, %shift_left3A_887 : vector<16xi32>
          %bitcast3A_889 = vector.bitcast %shift_left3A_888 : vector<16xi32> to vector<16xf32>
          %bitcast3A_890 = vector.bitcast %get3A_885 : vector<16xi32> to vector<16xf32>
          %add3A_891 = arith.addf %add3A_827, %bitcast3A_889 : vector<16xf32>
          %add3A_892 = arith.addf %add3A_828, %bitcast3A_890 : vector<16xf32>
          %mul3A_893 = arith.constant 8 : i32
          %mul3A_894 = arith.muli %scan3A_743, %mul3A_893 : i32
          %add3A_895 = arith.constant 4 : i32
          %add3A_896 = arith.addi %mul3A_894, %add3A_895 : i32
          %get3A_897 = arith.constant 4 : i32
          %get3A_898 = arith.index_cast %get3A_897 : i32 to index
          %get3A_899 = arith.index_cast %add3A_896 : i32 to index
          %get3A_900 = arith.constant 16 : index
          %get3A_901 = tpu.vector_load %arg6[%get3A_898, %get3A_899, %get3A_900] {strides = array<i32>} : memref<8x200x32xi32, #tpu.memory_space<vmem>>, vector<16xi32>,
          %shift_left3A_902 = arith.constant 16 : i32
          %shift_left3A_903 = vector.broadcast %shift_left3A_902 : i32 to vector<16xi32>
          %shift_left3A_904 = arith.shli %get3A_901, %shift_left3A_903 : vector<16xi32>
          %bitcast3A_905 = vector.bitcast %shift_left3A_904 : vector<16xi32> to vector<16xf32>
          %bitcast3A_906 = vector.bitcast %get3A_901 : vector<16xi32> to vector<16xf32>
          %add3A_907 = arith.addf %add3A_843, %bitcast3A_905 : vector<16xf32>
          %add3A_908 = arith.addf %add3A_844, %bitcast3A_906 : vector<16xf32>
          %mul3A_909 = arith.constant 8 : i32
          %mul3A_910 = arith.muli %scan3A_743, %mul3A_909 : i32
          %add3A_911 = arith.constant 5 : i32
          %add3A_912 = arith.addi %mul3A_910, %add3A_911 : i32
          %get3A_913 = arith.constant 4 : i32
          %get3A_914 = arith.index_cast %get3A_913 : i32 to index
          %get3A_915 = arith.index_cast %add3A_912 : i32 to index
          %get3A_916 = arith.constant 0 : index
          %get3A_917 = tpu.vector_load %arg6[%get3A_914, %get3A_915, %get3A_916] {strides = array<i32>} : memref<8x200x32xi32, #tpu.memory_space<vmem>>, vector<16xi32>,
          %shift_left3A_918 = arith.constant 16 : i32
          %shift_left3A_919 = vector.broadcast %shift_left3A_918 : i32 to vector<16xi32>
          %shift_left3A_920 = arith.shli %get3A_917, %shift_left3A_919 : vector<16xi32>
          %bitcast3A_921 = vector.bitcast %shift_left3A_920 : vector<16xi32> to vector<16xf32>
          %bitcast3A_922 = vector.bitcast %get3A_917 : vector<16xi32> to vector<16xf32>
          %add3A_923 = arith.addf %add3A_859, %bitcast3A_921 : vector<16xf32>
          %add3A_924 = arith.addf %add3A_860, %bitcast3A_922 : vector<16xf32>
          %mul3A_925 = arith.constant 8 : i32
          %mul3A_926 = arith.muli %scan3A_743, %mul3A_925 : i32
          %add3A_927 = arith.constant 5 : i32
          %add3A_928 = arith.addi %mul3A_926, %add3A_927 : i32
          %get3A_929 = arith.constant 4 : i32
          %get3A_930 = arith.index_cast %get3A_929 : i32 to index
          %get3A_931 = arith.index_cast %add3A_928 : i32 to index
          %get3A_932 = arith.constant 16 : index
          %get3A_933 = tpu.vector_load %arg6[%get3A_930, %get3A_931, %get3A_932] {strides = array<i32>} : memref<8x200x32xi32, #tpu.memory_space<vmem>>, vector<16xi32>,
          %shift_left3A_934 = arith.constant 16 : i32
          %shift_left3A_935 = vector.broadcast %shift_left3A_934 : i32 to vector<16xi32>
          %shift_left3A_936 = arith.shli %get3A_933, %shift_left3A_935 : vector<16xi32>
          %bitcast3A_937 = vector.bitcast %shift_left3A_936 : vector<16xi32> to vector<16xf32>
          %bitcast3A_938 = vector.bitcast %get3A_933 : vector<16xi32> to vector<16xf32>
          %add3A_939 = arith.addf %add3A_875, %bitcast3A_937 : vector<16xf32>
          %add3A_940 = arith.addf %add3A_876, %bitcast3A_938 : vector<16xf32>
          %mul3A_941 = arith.constant 8 : i32
          %mul3A_942 = arith.muli %scan3A_743, %mul3A_941 : i32
          %add3A_943 = arith.constant 6 : i32
          %add3A_944 = arith.addi %mul3A_942, %add3A_943 : i32
          %get3A_945 = arith.constant 4 : i32
          %get3A_946 = arith.index_cast %get3A_945 : i32 to index
          %get3A_947 = arith.index_cast %add3A_944 : i32 to index
          %get3A_948 = arith.constant 0 : index
          %get3A_949 = tpu.vector_load %arg6[%get3A_946, %get3A_947, %get3A_948] {strides = array<i32>} : memref<8x200x32xi32, #tpu.memory_space<vmem>>, vector<16xi32>,
          %shift_left3A_950 = arith.constant 16 : i32
          %shift_left3A_951 = vector.broadcast %shift_left3A_950 : i32 to vector<16xi32>
          %shift_left3A_952 = arith.shli %get3A_949, %shift_left3A_951 : vector<16xi32>
          %bitcast3A_953 = vector.bitcast %shift_left3A_952 : vector<16xi32> to vector<16xf32>
          %bitcast3A_954 = vector.bitcast %get3A_949 : vector<16xi32> to vector<16xf32>
          %add3A_955 = arith.addf %add3A_891, %bitcast3A_953 : vector<16xf32>
          %add3A_956 = arith.addf %add3A_892, %bitcast3A_954 : vector<16xf32>
          %mul3A_957 = arith.constant 8 : i32
          %mul3A_958 = arith.muli %scan3A_743, %mul3A_957 : i32
          %add3A_959 = arith.constant 6 : i32
          %add3A_960 = arith.addi %mul3A_958, %add3A_959 : i32
          %get3A_961 = arith.constant 4 : i32
          %get3A_962 = arith.index_cast %get3A_961 : i32 to index
          %get3A_963 = arith.index_cast %add3A_960 : i32 to index
          %get3A_964 = arith.constant 16 : index
          %get3A_965 = tpu.vector_load %arg6[%get3A_962, %get3A_963, %get3A_964] {strides = array<i32>} : memref<8x200x32xi32, #tpu.memory_space<vmem>>, vector<16xi32>,
          %shift_left3A_966 = arith.constant 16 : i32
          %shift_left3A_967 = vector.broadcast %shift_left3A_966 : i32 to vector<16xi32>
          %shift_left3A_968 = arith.shli %get3A_965, %shift_left3A_967 : vector<16xi32>
          %bitcast3A_969 = vector.bitcast %shift_left3A_968 : vector<16xi32> to vector<16xf32>
          %bitcast3A_970 = vector.bitcast %get3A_965 : vector<16xi32> to vector<16xf32>
          %add3A_971 = arith.addf %add3A_907, %bitcast3A_969 : vector<16xf32>
          %add3A_972 = arith.addf %add3A_908, %bitcast3A_970 : vector<16xf32>
          %mul3A_973 = arith.constant 8 : i32
          %mul3A_974 = arith.muli %scan3A_743, %mul3A_973 : i32
          %add3A_975 = arith.constant 7 : i32
          %add3A_976 = arith.addi %mul3A_974, %add3A_975 : i32
          %get3A_977 = arith.constant 4 : i32
          %get3A_978 = arith.index_cast %get3A_977 : i32 to index
          %get3A_979 = arith.index_cast %add3A_976 : i32 to index
          %get3A_980 = arith.constant 0 : index
          %get3A_981 = tpu.vector_load %arg6[%get3A_978, %get3A_979, %get3A_980] {strides = array<i32>} : memref<8x200x32xi32, #tpu.memory_space<vmem>>, vector<16xi32>,
          %shift_left3A_982 = arith.constant 16 : i32
          %shift_left3A_983 = vector.broadcast %shift_left3A_982 : i32 to vector<16xi32>
          %shift_left3A_984 = arith.shli %get3A_981, %shift_left3A_983 : vector<16xi32>
          %bitcast3A_985 = vector.bitcast %shift_left3A_984 : vector<16xi32> to vector<16xf32>
          %bitcast3A_986 = vector.bitcast %get3A_981 : vector<16xi32> to vector<16xf32>
          %add3A_987 = arith.addf %add3A_923, %bitcast3A_985 : vector<16xf32>
          %add3A_988 = arith.addf %add3A_924, %bitcast3A_986 : vector<16xf32>
          %mul3A_989 = arith.constant 8 : i32
          %mul3A_990 = arith.muli %scan3A_743, %mul3A_989 : i32
          %add3A_991 = arith.constant 7 : i32
          %add3A_992 = arith.addi %mul3A_990, %add3A_991 : i32
          %get3A_993 = arith.constant 4 : i32
          %get3A_994 = arith.index_cast %get3A_993 : i32 to index
          %get3A_995 = arith.index_cast %add3A_992 : i32 to index
          %get3A_996 = arith.constant 16 : index
          %get3A_997 = tpu.vector_load %arg6[%get3A_994, %get3A_995, %get3A_996] {strides = array<i32>} : memref<8x200x32xi32, #tpu.memory_space<vmem>>, vector<16xi32>,
          %shift_left3A_998 = arith.constant 16 : i32
          %shift_left3A_999 = vector.broadcast %shift_left3A_998 : i32 to vector<16xi32>
          %shift_left3A_1000 = arith.shli %get3A_997, %shift_left3A_999 : vector<16xi32>
          %bitcast3A_1001 = vector.bitcast %shift_left3A_1000 : vector<16xi32> to vector<16xf32>
          %bitcast3A_1002 = vector.bitcast %get3A_997 : vector<16xi32> to vector<16xf32>
          %add3A_1003 = arith.addf %add3A_939, %bitcast3A_1001 : vector<16xf32>
          %add3A_1004 = arith.addf %add3A_940, %bitcast3A_1002 : vector<16xf32>
          scf.yield %add3A_955, %add3A_956, %add3A_971, %add3A_972, %add3A_987, %add3A_988, %add3A_1003, %add3A_1004 : vector<16xf32>, vector<16xf32>, vector<16xf32>, vector<16xf32>, vector<16xf32>, vector<16xf32>, vector<16xf32>, vector<16xf32>
        }
        %scan3A_539 = arith.constant 25 : i32
        %add3A_540 = arith.addf %scan3A_538#0, %scan3A_538#4 : vector<16xf32>
        %add3A_541 = arith.addf %scan3A_538#1, %scan3A_538#5 : vector<16xf32>
        %add3A_542 = arith.addf %scan3A_538#2, %scan3A_538#6 : vector<16xf32>
        %add3A_543 = arith.addf %scan3A_538#3, %scan3A_538#7 : vector<16xf32>
        %swap3A_544 = arith.index_cast %rem3A_40 : i32 to index
        %swap3A_545 = arith.index_cast %add3A_509 : i32 to index
        %swap3A_546 = arith.constant 0 : index
        %swap3A_547 = tpu.vector_load %arg7[%swap3A_544, %swap3A_545, %swap3A_546] {strides = array<i32>} : memref<2x16x64xf32, #tpu.memory_space<vmem>>, vector<16xf32>,
        tpu.vector_store %arg7[%swap3A_544, %swap3A_545, %swap3A_546], %add3A_540 {strides = array<i32>} : memref<2x16x64xf32, #tpu.memory_space<vmem>>, vector<16xf32>,
        %swap3A_548 = arith.index_cast %rem3A_40 : i32 to index
        %swap3A_549 = arith.index_cast %add3A_509 : i32 to index
        %swap3A_550 = arith.constant 16 : index
        %swap3A_551 = tpu.vector_load %arg7[%swap3A_548, %swap3A_549, %swap3A_550] {strides = array<i32>} : memref<2x16x64xf32, #tpu.memory_space<vmem>>, vector<16xf32>,
        tpu.vector_store %arg7[%swap3A_548, %swap3A_549, %swap3A_550], %add3A_541 {strides = array<i32>} : memref<2x16x64xf32, #tpu.memory_space<vmem>>, vector<16xf32>,
        %swap3A_552 = arith.index_cast %rem3A_40 : i32 to index
        %swap3A_553 = arith.index_cast %add3A_509 : i32 to index
        %swap3A_554 = arith.constant 32 : index
        %swap3A_555 = tpu.vector_load %arg7[%swap3A_552, %swap3A_553, %swap3A_554] {strides = array<i32>} : memref<2x16x64xf32, #tpu.memory_space<vmem>>, vector<16xf32>,
        tpu.vector_store %arg7[%swap3A_552, %swap3A_553, %swap3A_554], %add3A_542 {strides = array<i32>} : memref<2x16x64xf32, #tpu.memory_space<vmem>>, vector<16xf32>,
        %swap3A_556 = arith.index_cast %rem3A_40 : i32 to index
        %swap3A_557 = arith.index_cast %add3A_509 : i32 to index
        %swap3A_558 = arith.constant 48 : index
        %swap3A_559 = tpu.vector_load %arg7[%swap3A_556, %swap3A_557, %swap3A_558] {strides = array<i32>} : memref<2x16x64xf32, #tpu.memory_space<vmem>>, vector<16xf32>,
        tpu.vector_store %arg7[%swap3A_556, %swap3A_557, %swap3A_558], %add3A_543 {strides = array<i32>} : memref<2x16x64xf32, #tpu.memory_space<vmem>>, vector<16xf32>,
        %lt3A_560 = arith.constant 1 : i32
        %lt3A_561 = arith.cmpi slt, %scan3A_270, %lt3A_560 : i32
        %convert_element_type3A_562 = arith.extui %lt3A_561 : i1 to i32
        %cond3A_563 = arith.constant 0 : i32
        %cond3A_564 = arith.cmpi ne, %convert_element_type3A_562, %cond3A_563 : i32
        scf.if %cond3A_564 {
          %add3A_743 = arith.constant 8 : i32
          %add3A_744 = arith.addi %add3A_509, %add3A_743 : i32
          %dma_start3A_745 = arith.constant 4 : i32
          %dma_start3A_746 = arith.constant 0 : i32
          %dma_start3A_747 = arith.constant 0 : i32
          %dma_start3A_748 = tpu.memref_slice %arg6[%dma_start3A_745, %dma_start3A_746, %dma_start3A_747] : memref<8x200x32xi32, #tpu.memory_space<vmem>> -> memref<1x128x32xi32, #tpu.memory_space<vmem>>
          %dma_start3A_749 = tpu.memref_squeeze %dma_start3A_748 : memref<1x128x32xi32, #tpu.memory_space<vmem>> -> memref<128x32xi32, #tpu.memory_space<vmem>>
          %dma_start3A_750 = arith.constant 0 : i32
          %dma_start3A_751 = tpu.memref_slice %arg5[%rem3A_40, %add3A_744, %dma_start3A_750] : memref<2x16x200xi32, #tpu.memory_space<vmem>> -> memref<1x1x128xi32, #tpu.memory_space<vmem>>
          %dma_start3A_752 = tpu.memref_squeeze %dma_start3A_751 : memref<1x1x128xi32, #tpu.memory_space<vmem>> -> memref<128xi32, #tpu.memory_space<vmem>>
          %dma_start3A_753 = arith.constant 0 : i32
          %dma_start3A_754 = arith.constant 0 : i32
          %dma_start3A_755 = tpu.memref_slice %arg3[%dma_start3A_753, %dma_start3A_754] : memref<1000000x32xi32, #tpu.memory_space<hbm>> -> memref<1000000x32xi32, #tpu.memory_space<hbm>>
          tpu.enqueue_indirect_dma source(%dma_start3A_755 : memref<1000000x32xi32, #tpu.memory_space<hbm>>) target(%dma_start3A_749 : memref<128x32xi32, #tpu.memory_space<vmem>>) offsets(%dma_start3A_752 : memref<128xi32, #tpu.memory_space<vmem>>) semaphore(%arg12 : memref<!tpu.dma_semaphore, #tpu.memory_space<semaphore_mem>>)
          %dma_start3A_756 = arith.constant 4 : i32
          %dma_start3A_757 = arith.constant 128 : i32
          %dma_start3A_758 = arith.constant 0 : i32
          %dma_start3A_759 = tpu.memref_slice %arg6[%dma_start3A_756, %dma_start3A_757, %dma_start3A_758] : memref<8x200x32xi32, #tpu.memory_space<vmem>> -> memref<1x72x32xi32, #tpu.memory_space<vmem>>
          %dma_start3A_760 = tpu.memref_squeeze %dma_start3A_759 : memref<1x72x32xi32, #tpu.memory_space<vmem>> -> memref<72x32xi32, #tpu.memory_space<vmem>>
          %dma_start3A_761 = arith.constant 128 : i32
          %dma_start3A_762 = tpu.memref_slice %arg5[%rem3A_40, %add3A_744, %dma_start3A_761] : memref<2x16x200xi32, #tpu.memory_space<vmem>> -> memref<1x1x72xi32, #tpu.memory_space<vmem>>
          %dma_start3A_763 = tpu.memref_squeeze %dma_start3A_762 : memref<1x1x72xi32, #tpu.memory_space<vmem>> -> memref<72xi32, #tpu.memory_space<vmem>>
          %dma_start3A_764 = arith.constant 0 : i32
          %dma_start3A_765 = arith.constant 0 : i32
          %dma_start3A_766 = tpu.memref_slice %arg3[%dma_start3A_764, %dma_start3A_765] : memref<1000000x32xi32, #tpu.memory_space<hbm>> -> memref<1000000x32xi32, #tpu.memory_space<hbm>>
          tpu.enqueue_indirect_dma source(%dma_start3A_766 : memref<1000000x32xi32, #tpu.memory_space<hbm>>) target(%dma_start3A_760 : memref<72x32xi32, #tpu.memory_space<vmem>>) offsets(%dma_start3A_763 : memref<72xi32, #tpu.memory_space<vmem>>) semaphore(%arg12 : memref<!tpu.dma_semaphore, #tpu.memory_space<semaphore_mem>>)
        } else {
        }
        %mul3A_565 = arith.constant 8 : i32
        %mul3A_566 = arith.muli %scan3A_270, %mul3A_565 : i32
        %add3A_567 = arith.constant 5 : i32
        %add3A_568 = arith.addi %mul3A_566, %add3A_567 : i32
        %dma_wait3A_569 = arith.constant 5 : i32
        %dma_wait3A_570 = arith.constant 0 : i32
        %dma_wait3A_571 = arith.constant 0 : i32
        %dma_wait3A_572 = tpu.memref_slice %arg6[%dma_wait3A_569, %dma_wait3A_570, %dma_wait3A_571] : memref<8x200x32xi32, #tpu.memory_space<vmem>> -> memref<1x128x32xi32, #tpu.memory_space<vmem>>
        %dma_wait3A_573 = tpu.memref_squeeze %dma_wait3A_572 : memref<1x128x32xi32, #tpu.memory_space<vmem>> -> memref<128x32xi32, #tpu.memory_space<vmem>>
        %dma_wait3A_574 = arith.constant 0 : i32
        %dma_wait3A_575 = tpu.memref_slice %arg5[%rem3A_40, %add3A_568, %dma_wait3A_574] : memref<2x16x200xi32, #tpu.memory_space<vmem>> -> memref<1x1x128xi32, #tpu.memory_space<vmem>>
        %dma_wait3A_576 = tpu.memref_squeeze %dma_wait3A_575 : memref<1x1x128xi32, #tpu.memory_space<vmem>> -> memref<128xi32, #tpu.memory_space<vmem>>
        %dma_wait3A_577 = arith.constant 0 : i32
        %dma_wait3A_578 = arith.constant 0 : i32
        %dma_wait3A_579 = tpu.memref_slice %arg3[%dma_wait3A_577, %dma_wait3A_578] : memref<1000000x32xi32, #tpu.memory_space<hbm>> -> memref<1000000x32xi32, #tpu.memory_space<hbm>>
        tpu.wait_indirect_dma semaphore(%arg13 : memref<!tpu.dma_semaphore, #tpu.memory_space<semaphore_mem>>) src(%dma_wait3A_579 : memref<1000000x32xi32, #tpu.memory_space<hbm>>) dst(%dma_wait3A_573 : memref<128x32xi32, #tpu.memory_space<vmem>>)
        %dma_wait3A_580 = arith.constant 5 : i32
        %dma_wait3A_581 = arith.constant 128 : i32
        %dma_wait3A_582 = arith.constant 0 : i32
        %dma_wait3A_583 = tpu.memref_slice %arg6[%dma_wait3A_580, %dma_wait3A_581, %dma_wait3A_582] : memref<8x200x32xi32, #tpu.memory_space<vmem>> -> memref<1x72x32xi32, #tpu.memory_space<vmem>>
        %dma_wait3A_584 = tpu.memref_squeeze %dma_wait3A_583 : memref<1x72x32xi32, #tpu.memory_space<vmem>> -> memref<72x32xi32, #tpu.memory_space<vmem>>
        %dma_wait3A_585 = arith.constant 128 : i32
        %dma_wait3A_586 = tpu.memref_slice %arg5[%rem3A_40, %add3A_568, %dma_wait3A_585] : memref<2x16x200xi32, #tpu.memory_space<vmem>> -> memref<1x1x72xi32, #tpu.memory_space<vmem>>
        %dma_wait3A_587 = tpu.memref_squeeze %dma_wait3A_586 : memref<1x1x72xi32, #tpu.memory_space<vmem>> -> memref<72xi32, #tpu.memory_space<vmem>>
        %dma_wait3A_588 = arith.constant 0 : i32
        %dma_wait3A_589 = arith.constant 0 : i32
        %dma_wait3A_590 = tpu.memref_slice %arg3[%dma_wait3A_588, %dma_wait3A_589] : memref<1000000x32xi32, #tpu.memory_space<hbm>> -> memref<1000000x32xi32, #tpu.memory_space<hbm>>
        tpu.wait_indirect_dma semaphore(%arg13 : memref<!tpu.dma_semaphore, #tpu.memory_space<semaphore_mem>>) src(%dma_wait3A_590 : memref<1000000x32xi32, #tpu.memory_space<hbm>>) dst(%dma_wait3A_584 : memref<72x32xi32, #tpu.memory_space<vmem>>)
        %broadcast_in_dim3A_591 = arith.constant 0.000000e+00 : f32
        %broadcast_in_dim3A_592 = vector.broadcast %broadcast_in_dim3A_591 : f32 to vector<16xf32>
        %scan3A_593 = arith.constant 0 : i32
        %scan3A_594 = arith.constant 25 : i32
        %scan3A_595 = arith.addi %scan3A_593, %scan3A_594 : i32
        %scan3A_596 = arith.constant 1 : i32
        %scan3A_597:8 = scf.for %scan3A_743 = %scan3A_593 to %scan3A_595 step %scan3A_596 iter_args(%scan3A_744 = %broadcast_in_dim3A_592, %scan3A_745 = %broadcast_in_dim3A_592, %scan3A_746 = %broadcast_in_dim3A_592, %scan3A_747 = %broadcast_in_dim3A_592, %scan3A_748 = %broadcast_in_dim3A_592, %scan3A_749 = %broadcast_in_dim3A_592, %scan3A_750 = %broadcast_in_dim3A_592, %scan3A_751 = %broadcast_in_dim3A_592) -> (vector<16xf32>, vector<16xf32>, vector<16xf32>, vector<16xf32>, vector<16xf32>, vector<16xf32>, vector<16xf32>, vector<16xf32>)  : i32 {
          %mul3A_752 = arith.constant 8 : i32
          %mul3A_753 = arith.muli %scan3A_743, %mul3A_752 : i32
          %add3A_754 = arith.constant 0 : i32
          %add3A_755 = arith.addi %mul3A_753, %add3A_754 : i32
          %get3A = arith.constant 5 : i32
          %get3A_756 = arith.index_cast %get3A : i32 to index
          %get3A_757 = arith.index_cast %add3A_755 : i32 to index
          %get3A_758 = arith.constant 0 : index
          %get3A_759 = tpu.vector_load %arg6[%get3A_756, %get3A_757, %get3A_758] {strides = array<i32>} : memref<8x200x32xi32, #tpu.memory_space<vmem>>, vector<16xi32>,
          %shift_left3A = arith.constant 16 : i32
          %shift_left3A_760 = vector.broadcast %shift_left3A : i32 to vector<16xi32>
          %shift_left3A_761 = arith.shli %get3A_759, %shift_left3A_760 : vector<16xi32>
          %bitcast3A = vector.bitcast %shift_left3A_761 : vector<16xi32> to vector<16xf32>
          %bitcast3A_762 = vector.bitcast %get3A_759 : vector<16xi32> to vector<16xf32>
          %add3A_763 = arith.addf %scan3A_744, %bitcast3A : vector<16xf32>
          %add3A_764 = arith.addf %scan3A_745, %bitcast3A_762 : vector<16xf32>
          %mul3A_765 = arith.constant 8 : i32
          %mul3A_766 = arith.muli %scan3A_743, %mul3A_765 : i32
          %add3A_767 = arith.constant 0 : i32
          %add3A_768 = arith.addi %mul3A_766, %add3A_767 : i32
          %get3A_769 = arith.constant 5 : i32
          %get3A_770 = arith.index_cast %get3A_769 : i32 to index
          %get3A_771 = arith.index_cast %add3A_768 : i32 to index
          %get3A_772 = arith.constant 16 : index
          %get3A_773 = tpu.vector_load %arg6[%get3A_770, %get3A_771, %get3A_772] {strides = array<i32>} : memref<8x200x32xi32, #tpu.memory_space<vmem>>, vector<16xi32>,
          %shift_left3A_774 = arith.constant 16 : i32
          %shift_left3A_775 = vector.broadcast %shift_left3A_774 : i32 to vector<16xi32>
          %shift_left3A_776 = arith.shli %get3A_773, %shift_left3A_775 : vector<16xi32>
          %bitcast3A_777 = vector.bitcast %shift_left3A_776 : vector<16xi32> to vector<16xf32>
          %bitcast3A_778 = vector.bitcast %get3A_773 : vector<16xi32> to vector<16xf32>
          %add3A_779 = arith.addf %scan3A_746, %bitcast3A_777 : vector<16xf32>
          %add3A_780 = arith.addf %scan3A_747, %bitcast3A_778 : vector<16xf32>
          %mul3A_781 = arith.constant 8 : i32
          %mul3A_782 = arith.muli %scan3A_743, %mul3A_781 : i32
          %add3A_783 = arith.constant 1 : i32
          %add3A_784 = arith.addi %mul3A_782, %add3A_783 : i32
          %get3A_785 = arith.constant 5 : i32
          %get3A_786 = arith.index_cast %get3A_785 : i32 to index
          %get3A_787 = arith.index_cast %add3A_784 : i32 to index
          %get3A_788 = arith.constant 0 : index
          %get3A_789 = tpu.vector_load %arg6[%get3A_786, %get3A_787, %get3A_788] {strides = array<i32>} : memref<8x200x32xi32, #tpu.memory_space<vmem>>, vector<16xi32>,
          %shift_left3A_790 = arith.constant 16 : i32
          %shift_left3A_791 = vector.broadcast %shift_left3A_790 : i32 to vector<16xi32>
          %shift_left3A_792 = arith.shli %get3A_789, %shift_left3A_791 : vector<16xi32>
          %bitcast3A_793 = vector.bitcast %shift_left3A_792 : vector<16xi32> to vector<16xf32>
          %bitcast3A_794 = vector.bitcast %get3A_789 : vector<16xi32> to vector<16xf32>
          %add3A_795 = arith.addf %scan3A_748, %bitcast3A_793 : vector<16xf32>
          %add3A_796 = arith.addf %scan3A_749, %bitcast3A_794 : vector<16xf32>
          %mul3A_797 = arith.constant 8 : i32
          %mul3A_798 = arith.muli %scan3A_743, %mul3A_797 : i32
          %add3A_799 = arith.constant 1 : i32
          %add3A_800 = arith.addi %mul3A_798, %add3A_799 : i32
          %get3A_801 = arith.constant 5 : i32
          %get3A_802 = arith.index_cast %get3A_801 : i32 to index
          %get3A_803 = arith.index_cast %add3A_800 : i32 to index
          %get3A_804 = arith.constant 16 : index
          %get3A_805 = tpu.vector_load %arg6[%get3A_802, %get3A_803, %get3A_804] {strides = array<i32>} : memref<8x200x32xi32, #tpu.memory_space<vmem>>, vector<16xi32>,
          %shift_left3A_806 = arith.constant 16 : i32
          %shift_left3A_807 = vector.broadcast %shift_left3A_806 : i32 to vector<16xi32>
          %shift_left3A_808 = arith.shli %get3A_805, %shift_left3A_807 : vector<16xi32>
          %bitcast3A_809 = vector.bitcast %shift_left3A_808 : vector<16xi32> to vector<16xf32>
          %bitcast3A_810 = vector.bitcast %get3A_805 : vector<16xi32> to vector<16xf32>
          %add3A_811 = arith.addf %scan3A_750, %bitcast3A_809 : vector<16xf32>
          %add3A_812 = arith.addf %scan3A_751, %bitcast3A_810 : vector<16xf32>
          %mul3A_813 = arith.constant 8 : i32
          %mul3A_814 = arith.muli %scan3A_743, %mul3A_813 : i32
          %add3A_815 = arith.constant 2 : i32
          %add3A_816 = arith.addi %mul3A_814, %add3A_815 : i32
          %get3A_817 = arith.constant 5 : i32
          %get3A_818 = arith.index_cast %get3A_817 : i32 to index
          %get3A_819 = arith.index_cast %add3A_816 : i32 to index
          %get3A_820 = arith.constant 0 : index
          %get3A_821 = tpu.vector_load %arg6[%get3A_818, %get3A_819, %get3A_820] {strides = array<i32>} : memref<8x200x32xi32, #tpu.memory_space<vmem>>, vector<16xi32>,
          %shift_left3A_822 = arith.constant 16 : i32
          %shift_left3A_823 = vector.broadcast %shift_left3A_822 : i32 to vector<16xi32>
          %shift_left3A_824 = arith.shli %get3A_821, %shift_left3A_823 : vector<16xi32>
          %bitcast3A_825 = vector.bitcast %shift_left3A_824 : vector<16xi32> to vector<16xf32>
          %bitcast3A_826 = vector.bitcast %get3A_821 : vector<16xi32> to vector<16xf32>
          %add3A_827 = arith.addf %add3A_763, %bitcast3A_825 : vector<16xf32>
          %add3A_828 = arith.addf %add3A_764, %bitcast3A_826 : vector<16xf32>
          %mul3A_829 = arith.constant 8 : i32
          %mul3A_830 = arith.muli %scan3A_743, %mul3A_829 : i32
          %add3A_831 = arith.constant 2 : i32
          %add3A_832 = arith.addi %mul3A_830, %add3A_831 : i32
          %get3A_833 = arith.constant 5 : i32
          %get3A_834 = arith.index_cast %get3A_833 : i32 to index
          %get3A_835 = arith.index_cast %add3A_832 : i32 to index
          %get3A_836 = arith.constant 16 : index
          %get3A_837 = tpu.vector_load %arg6[%get3A_834, %get3A_835, %get3A_836] {strides = array<i32>} : memref<8x200x32xi32, #tpu.memory_space<vmem>>, vector<16xi32>,
          %shift_left3A_838 = arith.constant 16 : i32
          %shift_left3A_839 = vector.broadcast %shift_left3A_838 : i32 to vector<16xi32>
          %shift_left3A_840 = arith.shli %get3A_837, %shift_left3A_839 : vector<16xi32>
          %bitcast3A_841 = vector.bitcast %shift_left3A_840 : vector<16xi32> to vector<16xf32>
          %bitcast3A_842 = vector.bitcast %get3A_837 : vector<16xi32> to vector<16xf32>
          %add3A_843 = arith.addf %add3A_779, %bitcast3A_841 : vector<16xf32>
          %add3A_844 = arith.addf %add3A_780, %bitcast3A_842 : vector<16xf32>
          %mul3A_845 = arith.constant 8 : i32
          %mul3A_846 = arith.muli %scan3A_743, %mul3A_845 : i32
          %add3A_847 = arith.constant 3 : i32
          %add3A_848 = arith.addi %mul3A_846, %add3A_847 : i32
          %get3A_849 = arith.constant 5 : i32
          %get3A_850 = arith.index_cast %get3A_849 : i32 to index
          %get3A_851 = arith.index_cast %add3A_848 : i32 to index
          %get3A_852 = arith.constant 0 : index
          %get3A_853 = tpu.vector_load %arg6[%get3A_850, %get3A_851, %get3A_852] {strides = array<i32>} : memref<8x200x32xi32, #tpu.memory_space<vmem>>, vector<16xi32>,
          %shift_left3A_854 = arith.constant 16 : i32
          %shift_left3A_855 = vector.broadcast %shift_left3A_854 : i32 to vector<16xi32>
          %shift_left3A_856 = arith.shli %get3A_853, %shift_left3A_855 : vector<16xi32>
          %bitcast3A_857 = vector.bitcast %shift_left3A_856 : vector<16xi32> to vector<16xf32>
          %bitcast3A_858 = vector.bitcast %get3A_853 : vector<16xi32> to vector<16xf32>
          %add3A_859 = arith.addf %add3A_795, %bitcast3A_857 : vector<16xf32>
          %add3A_860 = arith.addf %add3A_796, %bitcast3A_858 : vector<16xf32>
          %mul3A_861 = arith.constant 8 : i32
          %mul3A_862 = arith.muli %scan3A_743, %mul3A_861 : i32
          %add3A_863 = arith.constant 3 : i32
          %add3A_864 = arith.addi %mul3A_862, %add3A_863 : i32
          %get3A_865 = arith.constant 5 : i32
          %get3A_866 = arith.index_cast %get3A_865 : i32 to index
          %get3A_867 = arith.index_cast %add3A_864 : i32 to index
          %get3A_868 = arith.constant 16 : index
          %get3A_869 = tpu.vector_load %arg6[%get3A_866, %get3A_867, %get3A_868] {strides = array<i32>} : memref<8x200x32xi32, #tpu.memory_space<vmem>>, vector<16xi32>,
          %shift_left3A_870 = arith.constant 16 : i32
          %shift_left3A_871 = vector.broadcast %shift_left3A_870 : i32 to vector<16xi32>
          %shift_left3A_872 = arith.shli %get3A_869, %shift_left3A_871 : vector<16xi32>
          %bitcast3A_873 = vector.bitcast %shift_left3A_872 : vector<16xi32> to vector<16xf32>
          %bitcast3A_874 = vector.bitcast %get3A_869 : vector<16xi32> to vector<16xf32>
          %add3A_875 = arith.addf %add3A_811, %bitcast3A_873 : vector<16xf32>
          %add3A_876 = arith.addf %add3A_812, %bitcast3A_874 : vector<16xf32>
          %mul3A_877 = arith.constant 8 : i32
          %mul3A_878 = arith.muli %scan3A_743, %mul3A_877 : i32
          %add3A_879 = arith.constant 4 : i32
          %add3A_880 = arith.addi %mul3A_878, %add3A_879 : i32
          %get3A_881 = arith.constant 5 : i32
          %get3A_882 = arith.index_cast %get3A_881 : i32 to index
          %get3A_883 = arith.index_cast %add3A_880 : i32 to index
          %get3A_884 = arith.constant 0 : index
          %get3A_885 = tpu.vector_load %arg6[%get3A_882, %get3A_883, %get3A_884] {strides = array<i32>} : memref<8x200x32xi32, #tpu.memory_space<vmem>>, vector<16xi32>,
          %shift_left3A_886 = arith.constant 16 : i32
          %shift_left3A_887 = vector.broadcast %shift_left3A_886 : i32 to vector<16xi32>
          %shift_left3A_888 = arith.shli %get3A_885, %shift_left3A_887 : vector<16xi32>
          %bitcast3A_889 = vector.bitcast %shift_left3A_888 : vector<16xi32> to vector<16xf32>
          %bitcast3A_890 = vector.bitcast %get3A_885 : vector<16xi32> to vector<16xf32>
          %add3A_891 = arith.addf %add3A_827, %bitcast3A_889 : vector<16xf32>
          %add3A_892 = arith.addf %add3A_828, %bitcast3A_890 : vector<16xf32>
          %mul3A_893 = arith.constant 8 : i32
          %mul3A_894 = arith.muli %scan3A_743, %mul3A_893 : i32
          %add3A_895 = arith.constant 4 : i32
          %add3A_896 = arith.addi %mul3A_894, %add3A_895 : i32
          %get3A_897 = arith.constant 5 : i32
          %get3A_898 = arith.index_cast %get3A_897 : i32 to index
          %get3A_899 = arith.index_cast %add3A_896 : i32 to index
          %get3A_900 = arith.constant 16 : index
          %get3A_901 = tpu.vector_load %arg6[%get3A_898, %get3A_899, %get3A_900] {strides = array<i32>} : memref<8x200x32xi32, #tpu.memory_space<vmem>>, vector<16xi32>,
          %shift_left3A_902 = arith.constant 16 : i32
          %shift_left3A_903 = vector.broadcast %shift_left3A_902 : i32 to vector<16xi32>
          %shift_left3A_904 = arith.shli %get3A_901, %shift_left3A_903 : vector<16xi32>
          %bitcast3A_905 = vector.bitcast %shift_left3A_904 : vector<16xi32> to vector<16xf32>
          %bitcast3A_906 = vector.bitcast %get3A_901 : vector<16xi32> to vector<16xf32>
          %add3A_907 = arith.addf %add3A_843, %bitcast3A_905 : vector<16xf32>
          %add3A_908 = arith.addf %add3A_844, %bitcast3A_906 : vector<16xf32>
          %mul3A_909 = arith.constant 8 : i32
          %mul3A_910 = arith.muli %scan3A_743, %mul3A_909 : i32
          %add3A_911 = arith.constant 5 : i32
          %add3A_912 = arith.addi %mul3A_910, %add3A_911 : i32
          %get3A_913 = arith.constant 5 : i32
          %get3A_914 = arith.index_cast %get3A_913 : i32 to index
          %get3A_915 = arith.index_cast %add3A_912 : i32 to index
          %get3A_916 = arith.constant 0 : index
          %get3A_917 = tpu.vector_load %arg6[%get3A_914, %get3A_915, %get3A_916] {strides = array<i32>} : memref<8x200x32xi32, #tpu.memory_space<vmem>>, vector<16xi32>,
          %shift_left3A_918 = arith.constant 16 : i32
          %shift_left3A_919 = vector.broadcast %shift_left3A_918 : i32 to vector<16xi32>
          %shift_left3A_920 = arith.shli %get3A_917, %shift_left3A_919 : vector<16xi32>
          %bitcast3A_921 = vector.bitcast %shift_left3A_920 : vector<16xi32> to vector<16xf32>
          %bitcast3A_922 = vector.bitcast %get3A_917 : vector<16xi32> to vector<16xf32>
          %add3A_923 = arith.addf %add3A_859, %bitcast3A_921 : vector<16xf32>
          %add3A_924 = arith.addf %add3A_860, %bitcast3A_922 : vector<16xf32>
          %mul3A_925 = arith.constant 8 : i32
          %mul3A_926 = arith.muli %scan3A_743, %mul3A_925 : i32
          %add3A_927 = arith.constant 5 : i32
          %add3A_928 = arith.addi %mul3A_926, %add3A_927 : i32
          %get3A_929 = arith.constant 5 : i32
          %get3A_930 = arith.index_cast %get3A_929 : i32 to index
          %get3A_931 = arith.index_cast %add3A_928 : i32 to index
          %get3A_932 = arith.constant 16 : index
          %get3A_933 = tpu.vector_load %arg6[%get3A_930, %get3A_931, %get3A_932] {strides = array<i32>} : memref<8x200x32xi32, #tpu.memory_space<vmem>>, vector<16xi32>,
          %shift_left3A_934 = arith.constant 16 : i32
          %shift_left3A_935 = vector.broadcast %shift_left3A_934 : i32 to vector<16xi32>
          %shift_left3A_936 = arith.shli %get3A_933, %shift_left3A_935 : vector<16xi32>
          %bitcast3A_937 = vector.bitcast %shift_left3A_936 : vector<16xi32> to vector<16xf32>
          %bitcast3A_938 = vector.bitcast %get3A_933 : vector<16xi32> to vector<16xf32>
          %add3A_939 = arith.addf %add3A_875, %bitcast3A_937 : vector<16xf32>
          %add3A_940 = arith.addf %add3A_876, %bitcast3A_938 : vector<16xf32>
          %mul3A_941 = arith.constant 8 : i32
          %mul3A_942 = arith.muli %scan3A_743, %mul3A_941 : i32
          %add3A_943 = arith.constant 6 : i32
          %add3A_944 = arith.addi %mul3A_942, %add3A_943 : i32
          %get3A_945 = arith.constant 5 : i32
          %get3A_946 = arith.index_cast %get3A_945 : i32 to index
          %get3A_947 = arith.index_cast %add3A_944 : i32 to index
          %get3A_948 = arith.constant 0 : index
          %get3A_949 = tpu.vector_load %arg6[%get3A_946, %get3A_947, %get3A_948] {strides = array<i32>} : memref<8x200x32xi32, #tpu.memory_space<vmem>>, vector<16xi32>,
          %shift_left3A_950 = arith.constant 16 : i32
          %shift_left3A_951 = vector.broadcast %shift_left3A_950 : i32 to vector<16xi32>
          %shift_left3A_952 = arith.shli %get3A_949, %shift_left3A_951 : vector<16xi32>
          %bitcast3A_953 = vector.bitcast %shift_left3A_952 : vector<16xi32> to vector<16xf32>
          %bitcast3A_954 = vector.bitcast %get3A_949 : vector<16xi32> to vector<16xf32>
          %add3A_955 = arith.addf %add3A_891, %bitcast3A_953 : vector<16xf32>
          %add3A_956 = arith.addf %add3A_892, %bitcast3A_954 : vector<16xf32>
          %mul3A_957 = arith.constant 8 : i32
          %mul3A_958 = arith.muli %scan3A_743, %mul3A_957 : i32
          %add3A_959 = arith.constant 6 : i32
          %add3A_960 = arith.addi %mul3A_958, %add3A_959 : i32
          %get3A_961 = arith.constant 5 : i32
          %get3A_962 = arith.index_cast %get3A_961 : i32 to index
          %get3A_963 = arith.index_cast %add3A_960 : i32 to index
          %get3A_964 = arith.constant 16 : index
          %get3A_965 = tpu.vector_load %arg6[%get3A_962, %get3A_963, %get3A_964] {strides = array<i32>} : memref<8x200x32xi32, #tpu.memory_space<vmem>>, vector<16xi32>,
          %shift_left3A_966 = arith.constant 16 : i32
          %shift_left3A_967 = vector.broadcast %shift_left3A_966 : i32 to vector<16xi32>
          %shift_left3A_968 = arith.shli %get3A_965, %shift_left3A_967 : vector<16xi32>
          %bitcast3A_969 = vector.bitcast %shift_left3A_968 : vector<16xi32> to vector<16xf32>
          %bitcast3A_970 = vector.bitcast %get3A_965 : vector<16xi32> to vector<16xf32>
          %add3A_971 = arith.addf %add3A_907, %bitcast3A_969 : vector<16xf32>
          %add3A_972 = arith.addf %add3A_908, %bitcast3A_970 : vector<16xf32>
          %mul3A_973 = arith.constant 8 : i32
          %mul3A_974 = arith.muli %scan3A_743, %mul3A_973 : i32
          %add3A_975 = arith.constant 7 : i32
          %add3A_976 = arith.addi %mul3A_974, %add3A_975 : i32
          %get3A_977 = arith.constant 5 : i32
          %get3A_978 = arith.index_cast %get3A_977 : i32 to index
          %get3A_979 = arith.index_cast %add3A_976 : i32 to index
          %get3A_980 = arith.constant 0 : index
          %get3A_981 = tpu.vector_load %arg6[%get3A_978, %get3A_979, %get3A_980] {strides = array<i32>} : memref<8x200x32xi32, #tpu.memory_space<vmem>>, vector<16xi32>,
          %shift_left3A_982 = arith.constant 16 : i32
          %shift_left3A_983 = vector.broadcast %shift_left3A_982 : i32 to vector<16xi32>
          %shift_left3A_984 = arith.shli %get3A_981, %shift_left3A_983 : vector<16xi32>
          %bitcast3A_985 = vector.bitcast %shift_left3A_984 : vector<16xi32> to vector<16xf32>
          %bitcast3A_986 = vector.bitcast %get3A_981 : vector<16xi32> to vector<16xf32>
          %add3A_987 = arith.addf %add3A_923, %bitcast3A_985 : vector<16xf32>
          %add3A_988 = arith.addf %add3A_924, %bitcast3A_986 : vector<16xf32>
          %mul3A_989 = arith.constant 8 : i32
          %mul3A_990 = arith.muli %scan3A_743, %mul3A_989 : i32
          %add3A_991 = arith.constant 7 : i32
          %add3A_992 = arith.addi %mul3A_990, %add3A_991 : i32
          %get3A_993 = arith.constant 5 : i32
          %get3A_994 = arith.index_cast %get3A_993 : i32 to index
          %get3A_995 = arith.index_cast %add3A_992 : i32 to index
          %get3A_996 = arith.constant 16 : index
          %get3A_997 = tpu.vector_load %arg6[%get3A_994, %get3A_995, %get3A_996] {strides = array<i32>} : memref<8x200x32xi32, #tpu.memory_space<vmem>>, vector<16xi32>,
          %shift_left3A_998 = arith.constant 16 : i32
          %shift_left3A_999 = vector.broadcast %shift_left3A_998 : i32 to vector<16xi32>
          %shift_left3A_1000 = arith.shli %get3A_997, %shift_left3A_999 : vector<16xi32>
          %bitcast3A_1001 = vector.bitcast %shift_left3A_1000 : vector<16xi32> to vector<16xf32>
          %bitcast3A_1002 = vector.bitcast %get3A_997 : vector<16xi32> to vector<16xf32>
          %add3A_1003 = arith.addf %add3A_939, %bitcast3A_1001 : vector<16xf32>
          %add3A_1004 = arith.addf %add3A_940, %bitcast3A_1002 : vector<16xf32>
          scf.yield %add3A_955, %add3A_956, %add3A_971, %add3A_972, %add3A_987, %add3A_988, %add3A_1003, %add3A_1004 : vector<16xf32>, vector<16xf32>, vector<16xf32>, vector<16xf32>, vector<16xf32>, vector<16xf32>, vector<16xf32>, vector<16xf32>
        }
        %scan3A_598 = arith.constant 25 : i32
        %add3A_599 = arith.addf %scan3A_597#0, %scan3A_597#4 : vector<16xf32>
        %add3A_600 = arith.addf %scan3A_597#1, %scan3A_597#5 : vector<16xf32>
        %add3A_601 = arith.addf %scan3A_597#2, %scan3A_597#6 : vector<16xf32>
        %add3A_602 = arith.addf %scan3A_597#3, %scan3A_597#7 : vector<16xf32>
        %swap3A_603 = arith.index_cast %rem3A_40 : i32 to index
        %swap3A_604 = arith.index_cast %add3A_568 : i32 to index
        %swap3A_605 = arith.constant 0 : index
        %swap3A_606 = tpu.vector_load %arg7[%swap3A_603, %swap3A_604, %swap3A_605] {strides = array<i32>} : memref<2x16x64xf32, #tpu.memory_space<vmem>>, vector<16xf32>,
        tpu.vector_store %arg7[%swap3A_603, %swap3A_604, %swap3A_605], %add3A_599 {strides = array<i32>} : memref<2x16x64xf32, #tpu.memory_space<vmem>>, vector<16xf32>,
        %swap3A_607 = arith.index_cast %rem3A_40 : i32 to index
        %swap3A_608 = arith.index_cast %add3A_568 : i32 to index
        %swap3A_609 = arith.constant 16 : index
        %swap3A_610 = tpu.vector_load %arg7[%swap3A_607, %swap3A_608, %swap3A_609] {strides = array<i32>} : memref<2x16x64xf32, #tpu.memory_space<vmem>>, vector<16xf32>,
        tpu.vector_store %arg7[%swap3A_607, %swap3A_608, %swap3A_609], %add3A_600 {strides = array<i32>} : memref<2x16x64xf32, #tpu.memory_space<vmem>>, vector<16xf32>,
        %swap3A_611 = arith.index_cast %rem3A_40 : i32 to index
        %swap3A_612 = arith.index_cast %add3A_568 : i32 to index
        %swap3A_613 = arith.constant 32 : index
        %swap3A_614 = tpu.vector_load %arg7[%swap3A_611, %swap3A_612, %swap3A_613] {strides = array<i32>} : memref<2x16x64xf32, #tpu.memory_space<vmem>>, vector<16xf32>,
        tpu.vector_store %arg7[%swap3A_611, %swap3A_612, %swap3A_613], %add3A_601 {strides = array<i32>} : memref<2x16x64xf32, #tpu.memory_space<vmem>>, vector<16xf32>,
        %swap3A_615 = arith.index_cast %rem3A_40 : i32 to index
        %swap3A_616 = arith.index_cast %add3A_568 : i32 to index
        %swap3A_617 = arith.constant 48 : index
        %swap3A_618 = tpu.vector_load %arg7[%swap3A_615, %swap3A_616, %swap3A_617] {strides = array<i32>} : memref<2x16x64xf32, #tpu.memory_space<vmem>>, vector<16xf32>,
        tpu.vector_store %arg7[%swap3A_615, %swap3A_616, %swap3A_617], %add3A_602 {strides = array<i32>} : memref<2x16x64xf32, #tpu.memory_space<vmem>>, vector<16xf32>,
        %lt3A_619 = arith.constant 1 : i32
        %lt3A_620 = arith.cmpi slt, %scan3A_270, %lt3A_619 : i32
        %convert_element_type3A_621 = arith.extui %lt3A_620 : i1 to i32
        %cond3A_622 = arith.constant 0 : i32
        %cond3A_623 = arith.cmpi ne, %convert_element_type3A_621, %cond3A_622 : i32
        scf.if %cond3A_623 {
          %add3A_743 = arith.constant 8 : i32
          %add3A_744 = arith.addi %add3A_568, %add3A_743 : i32
          %dma_start3A_745 = arith.constant 5 : i32
          %dma_start3A_746 = arith.constant 0 : i32
          %dma_start3A_747 = arith.constant 0 : i32
          %dma_start3A_748 = tpu.memref_slice %arg6[%dma_start3A_745, %dma_start3A_746, %dma_start3A_747] : memref<8x200x32xi32, #tpu.memory_space<vmem>> -> memref<1x128x32xi32, #tpu.memory_space<vmem>>
          %dma_start3A_749 = tpu.memref_squeeze %dma_start3A_748 : memref<1x128x32xi32, #tpu.memory_space<vmem>> -> memref<128x32xi32, #tpu.memory_space<vmem>>
          %dma_start3A_750 = arith.constant 0 : i32
          %dma_start3A_751 = tpu.memref_slice %arg5[%rem3A_40, %add3A_744, %dma_start3A_750] : memref<2x16x200xi32, #tpu.memory_space<vmem>> -> memref<1x1x128xi32, #tpu.memory_space<vmem>>
          %dma_start3A_752 = tpu.memref_squeeze %dma_start3A_751 : memref<1x1x128xi32, #tpu.memory_space<vmem>> -> memref<128xi32, #tpu.memory_space<vmem>>
          %dma_start3A_753 = arith.constant 0 : i32
          %dma_start3A_754 = arith.constant 0 : i32
          %dma_start3A_755 = tpu.memref_slice %arg3[%dma_start3A_753, %dma_start3A_754] : memref<1000000x32xi32, #tpu.memory_space<hbm>> -> memref<1000000x32xi32, #tpu.memory_space<hbm>>
          tpu.enqueue_indirect_dma source(%dma_start3A_755 : memref<1000000x32xi32, #tpu.memory_space<hbm>>) target(%dma_start3A_749 : memref<128x32xi32, #tpu.memory_space<vmem>>) offsets(%dma_start3A_752 : memref<128xi32, #tpu.memory_space<vmem>>) semaphore(%arg13 : memref<!tpu.dma_semaphore, #tpu.memory_space<semaphore_mem>>)
          %dma_start3A_756 = arith.constant 5 : i32
          %dma_start3A_757 = arith.constant 128 : i32
          %dma_start3A_758 = arith.constant 0 : i32
          %dma_start3A_759 = tpu.memref_slice %arg6[%dma_start3A_756, %dma_start3A_757, %dma_start3A_758] : memref<8x200x32xi32, #tpu.memory_space<vmem>> -> memref<1x72x32xi32, #tpu.memory_space<vmem>>
          %dma_start3A_760 = tpu.memref_squeeze %dma_start3A_759 : memref<1x72x32xi32, #tpu.memory_space<vmem>> -> memref<72x32xi32, #tpu.memory_space<vmem>>
          %dma_start3A_761 = arith.constant 128 : i32
          %dma_start3A_762 = tpu.memref_slice %arg5[%rem3A_40, %add3A_744, %dma_start3A_761] : memref<2x16x200xi32, #tpu.memory_space<vmem>> -> memref<1x1x72xi32, #tpu.memory_space<vmem>>
          %dma_start3A_763 = tpu.memref_squeeze %dma_start3A_762 : memref<1x1x72xi32, #tpu.memory_space<vmem>> -> memref<72xi32, #tpu.memory_space<vmem>>
          %dma_start3A_764 = arith.constant 0 : i32
          %dma_start3A_765 = arith.constant 0 : i32
          %dma_start3A_766 = tpu.memref_slice %arg3[%dma_start3A_764, %dma_start3A_765] : memref<1000000x32xi32, #tpu.memory_space<hbm>> -> memref<1000000x32xi32, #tpu.memory_space<hbm>>
          tpu.enqueue_indirect_dma source(%dma_start3A_766 : memref<1000000x32xi32, #tpu.memory_space<hbm>>) target(%dma_start3A_760 : memref<72x32xi32, #tpu.memory_space<vmem>>) offsets(%dma_start3A_763 : memref<72xi32, #tpu.memory_space<vmem>>) semaphore(%arg13 : memref<!tpu.dma_semaphore, #tpu.memory_space<semaphore_mem>>)
        } else {
        }
        %mul3A_624 = arith.constant 8 : i32
        %mul3A_625 = arith.muli %scan3A_270, %mul3A_624 : i32
        %add3A_626 = arith.constant 6 : i32
        %add3A_627 = arith.addi %mul3A_625, %add3A_626 : i32
        %dma_wait3A_628 = arith.constant 6 : i32
        %dma_wait3A_629 = arith.constant 0 : i32
        %dma_wait3A_630 = arith.constant 0 : i32
        %dma_wait3A_631 = tpu.memref_slice %arg6[%dma_wait3A_628, %dma_wait3A_629, %dma_wait3A_630] : memref<8x200x32xi32, #tpu.memory_space<vmem>> -> memref<1x128x32xi32, #tpu.memory_space<vmem>>
        %dma_wait3A_632 = tpu.memref_squeeze %dma_wait3A_631 : memref<1x128x32xi32, #tpu.memory_space<vmem>> -> memref<128x32xi32, #tpu.memory_space<vmem>>
        %dma_wait3A_633 = arith.constant 0 : i32
        %dma_wait3A_634 = tpu.memref_slice %arg5[%rem3A_40, %add3A_627, %dma_wait3A_633] : memref<2x16x200xi32, #tpu.memory_space<vmem>> -> memref<1x1x128xi32, #tpu.memory_space<vmem>>
        %dma_wait3A_635 = tpu.memref_squeeze %dma_wait3A_634 : memref<1x1x128xi32, #tpu.memory_space<vmem>> -> memref<128xi32, #tpu.memory_space<vmem>>
        %dma_wait3A_636 = arith.constant 0 : i32
        %dma_wait3A_637 = arith.constant 0 : i32
        %dma_wait3A_638 = tpu.memref_slice %arg3[%dma_wait3A_636, %dma_wait3A_637] : memref<1000000x32xi32, #tpu.memory_space<hbm>> -> memref<1000000x32xi32, #tpu.memory_space<hbm>>
        tpu.wait_indirect_dma semaphore(%arg14 : memref<!tpu.dma_semaphore, #tpu.memory_space<semaphore_mem>>) src(%dma_wait3A_638 : memref<1000000x32xi32, #tpu.memory_space<hbm>>) dst(%dma_wait3A_632 : memref<128x32xi32, #tpu.memory_space<vmem>>)
        %dma_wait3A_639 = arith.constant 6 : i32
        %dma_wait3A_640 = arith.constant 128 : i32
        %dma_wait3A_641 = arith.constant 0 : i32
        %dma_wait3A_642 = tpu.memref_slice %arg6[%dma_wait3A_639, %dma_wait3A_640, %dma_wait3A_641] : memref<8x200x32xi32, #tpu.memory_space<vmem>> -> memref<1x72x32xi32, #tpu.memory_space<vmem>>
        %dma_wait3A_643 = tpu.memref_squeeze %dma_wait3A_642 : memref<1x72x32xi32, #tpu.memory_space<vmem>> -> memref<72x32xi32, #tpu.memory_space<vmem>>
        %dma_wait3A_644 = arith.constant 128 : i32
        %dma_wait3A_645 = tpu.memref_slice %arg5[%rem3A_40, %add3A_627, %dma_wait3A_644] : memref<2x16x200xi32, #tpu.memory_space<vmem>> -> memref<1x1x72xi32, #tpu.memory_space<vmem>>
        %dma_wait3A_646 = tpu.memref_squeeze %dma_wait3A_645 : memref<1x1x72xi32, #tpu.memory_space<vmem>> -> memref<72xi32, #tpu.memory_space<vmem>>
        %dma_wait3A_647 = arith.constant 0 : i32
        %dma_wait3A_648 = arith.constant 0 : i32
        %dma_wait3A_649 = tpu.memref_slice %arg3[%dma_wait3A_647, %dma_wait3A_648] : memref<1000000x32xi32, #tpu.memory_space<hbm>> -> memref<1000000x32xi32, #tpu.memory_space<hbm>>
        tpu.wait_indirect_dma semaphore(%arg14 : memref<!tpu.dma_semaphore, #tpu.memory_space<semaphore_mem>>) src(%dma_wait3A_649 : memref<1000000x32xi32, #tpu.memory_space<hbm>>) dst(%dma_wait3A_643 : memref<72x32xi32, #tpu.memory_space<vmem>>)
        %broadcast_in_dim3A_650 = arith.constant 0.000000e+00 : f32
        %broadcast_in_dim3A_651 = vector.broadcast %broadcast_in_dim3A_650 : f32 to vector<16xf32>
        %scan3A_652 = arith.constant 0 : i32
        %scan3A_653 = arith.constant 25 : i32
        %scan3A_654 = arith.addi %scan3A_652, %scan3A_653 : i32
        %scan3A_655 = arith.constant 1 : i32
        %scan3A_656:8 = scf.for %scan3A_743 = %scan3A_652 to %scan3A_654 step %scan3A_655 iter_args(%scan3A_744 = %broadcast_in_dim3A_651, %scan3A_745 = %broadcast_in_dim3A_651, %scan3A_746 = %broadcast_in_dim3A_651, %scan3A_747 = %broadcast_in_dim3A_651, %scan3A_748 = %broadcast_in_dim3A_651, %scan3A_749 = %broadcast_in_dim3A_651, %scan3A_750 = %broadcast_in_dim3A_651, %scan3A_751 = %broadcast_in_dim3A_651) -> (vector<16xf32>, vector<16xf32>, vector<16xf32>, vector<16xf32>, vector<16xf32>, vector<16xf32>, vector<16xf32>, vector<16xf32>)  : i32 {
          %mul3A_752 = arith.constant 8 : i32
          %mul3A_753 = arith.muli %scan3A_743, %mul3A_752 : i32
          %add3A_754 = arith.constant 0 : i32
          %add3A_755 = arith.addi %mul3A_753, %add3A_754 : i32
          %get3A = arith.constant 6 : i32
          %get3A_756 = arith.index_cast %get3A : i32 to index
          %get3A_757 = arith.index_cast %add3A_755 : i32 to index
          %get3A_758 = arith.constant 0 : index
          %get3A_759 = tpu.vector_load %arg6[%get3A_756, %get3A_757, %get3A_758] {strides = array<i32>} : memref<8x200x32xi32, #tpu.memory_space<vmem>>, vector<16xi32>,
          %shift_left3A = arith.constant 16 : i32
          %shift_left3A_760 = vector.broadcast %shift_left3A : i32 to vector<16xi32>
          %shift_left3A_761 = arith.shli %get3A_759, %shift_left3A_760 : vector<16xi32>
          %bitcast3A = vector.bitcast %shift_left3A_761 : vector<16xi32> to vector<16xf32>
          %bitcast3A_762 = vector.bitcast %get3A_759 : vector<16xi32> to vector<16xf32>
          %add3A_763 = arith.addf %scan3A_744, %bitcast3A : vector<16xf32>
          %add3A_764 = arith.addf %scan3A_745, %bitcast3A_762 : vector<16xf32>
          %mul3A_765 = arith.constant 8 : i32
          %mul3A_766 = arith.muli %scan3A_743, %mul3A_765 : i32
          %add3A_767 = arith.constant 0 : i32
          %add3A_768 = arith.addi %mul3A_766, %add3A_767 : i32
          %get3A_769 = arith.constant 6 : i32
          %get3A_770 = arith.index_cast %get3A_769 : i32 to index
          %get3A_771 = arith.index_cast %add3A_768 : i32 to index
          %get3A_772 = arith.constant 16 : index
          %get3A_773 = tpu.vector_load %arg6[%get3A_770, %get3A_771, %get3A_772] {strides = array<i32>} : memref<8x200x32xi32, #tpu.memory_space<vmem>>, vector<16xi32>,
          %shift_left3A_774 = arith.constant 16 : i32
          %shift_left3A_775 = vector.broadcast %shift_left3A_774 : i32 to vector<16xi32>
          %shift_left3A_776 = arith.shli %get3A_773, %shift_left3A_775 : vector<16xi32>
          %bitcast3A_777 = vector.bitcast %shift_left3A_776 : vector<16xi32> to vector<16xf32>
          %bitcast3A_778 = vector.bitcast %get3A_773 : vector<16xi32> to vector<16xf32>
          %add3A_779 = arith.addf %scan3A_746, %bitcast3A_777 : vector<16xf32>
          %add3A_780 = arith.addf %scan3A_747, %bitcast3A_778 : vector<16xf32>
          %mul3A_781 = arith.constant 8 : i32
          %mul3A_782 = arith.muli %scan3A_743, %mul3A_781 : i32
          %add3A_783 = arith.constant 1 : i32
          %add3A_784 = arith.addi %mul3A_782, %add3A_783 : i32
          %get3A_785 = arith.constant 6 : i32
          %get3A_786 = arith.index_cast %get3A_785 : i32 to index
          %get3A_787 = arith.index_cast %add3A_784 : i32 to index
          %get3A_788 = arith.constant 0 : index
          %get3A_789 = tpu.vector_load %arg6[%get3A_786, %get3A_787, %get3A_788] {strides = array<i32>} : memref<8x200x32xi32, #tpu.memory_space<vmem>>, vector<16xi32>,
          %shift_left3A_790 = arith.constant 16 : i32
          %shift_left3A_791 = vector.broadcast %shift_left3A_790 : i32 to vector<16xi32>
          %shift_left3A_792 = arith.shli %get3A_789, %shift_left3A_791 : vector<16xi32>
          %bitcast3A_793 = vector.bitcast %shift_left3A_792 : vector<16xi32> to vector<16xf32>
          %bitcast3A_794 = vector.bitcast %get3A_789 : vector<16xi32> to vector<16xf32>
          %add3A_795 = arith.addf %scan3A_748, %bitcast3A_793 : vector<16xf32>
          %add3A_796 = arith.addf %scan3A_749, %bitcast3A_794 : vector<16xf32>
          %mul3A_797 = arith.constant 8 : i32
          %mul3A_798 = arith.muli %scan3A_743, %mul3A_797 : i32
          %add3A_799 = arith.constant 1 : i32
          %add3A_800 = arith.addi %mul3A_798, %add3A_799 : i32
          %get3A_801 = arith.constant 6 : i32
          %get3A_802 = arith.index_cast %get3A_801 : i32 to index
          %get3A_803 = arith.index_cast %add3A_800 : i32 to index
          %get3A_804 = arith.constant 16 : index
          %get3A_805 = tpu.vector_load %arg6[%get3A_802, %get3A_803, %get3A_804] {strides = array<i32>} : memref<8x200x32xi32, #tpu.memory_space<vmem>>, vector<16xi32>,
          %shift_left3A_806 = arith.constant 16 : i32
          %shift_left3A_807 = vector.broadcast %shift_left3A_806 : i32 to vector<16xi32>
          %shift_left3A_808 = arith.shli %get3A_805, %shift_left3A_807 : vector<16xi32>
          %bitcast3A_809 = vector.bitcast %shift_left3A_808 : vector<16xi32> to vector<16xf32>
          %bitcast3A_810 = vector.bitcast %get3A_805 : vector<16xi32> to vector<16xf32>
          %add3A_811 = arith.addf %scan3A_750, %bitcast3A_809 : vector<16xf32>
          %add3A_812 = arith.addf %scan3A_751, %bitcast3A_810 : vector<16xf32>
          %mul3A_813 = arith.constant 8 : i32
          %mul3A_814 = arith.muli %scan3A_743, %mul3A_813 : i32
          %add3A_815 = arith.constant 2 : i32
          %add3A_816 = arith.addi %mul3A_814, %add3A_815 : i32
          %get3A_817 = arith.constant 6 : i32
          %get3A_818 = arith.index_cast %get3A_817 : i32 to index
          %get3A_819 = arith.index_cast %add3A_816 : i32 to index
          %get3A_820 = arith.constant 0 : index
          %get3A_821 = tpu.vector_load %arg6[%get3A_818, %get3A_819, %get3A_820] {strides = array<i32>} : memref<8x200x32xi32, #tpu.memory_space<vmem>>, vector<16xi32>,
          %shift_left3A_822 = arith.constant 16 : i32
          %shift_left3A_823 = vector.broadcast %shift_left3A_822 : i32 to vector<16xi32>
          %shift_left3A_824 = arith.shli %get3A_821, %shift_left3A_823 : vector<16xi32>
          %bitcast3A_825 = vector.bitcast %shift_left3A_824 : vector<16xi32> to vector<16xf32>
          %bitcast3A_826 = vector.bitcast %get3A_821 : vector<16xi32> to vector<16xf32>
          %add3A_827 = arith.addf %add3A_763, %bitcast3A_825 : vector<16xf32>
          %add3A_828 = arith.addf %add3A_764, %bitcast3A_826 : vector<16xf32>
          %mul3A_829 = arith.constant 8 : i32
          %mul3A_830 = arith.muli %scan3A_743, %mul3A_829 : i32
          %add3A_831 = arith.constant 2 : i32
          %add3A_832 = arith.addi %mul3A_830, %add3A_831 : i32
          %get3A_833 = arith.constant 6 : i32
          %get3A_834 = arith.index_cast %get3A_833 : i32 to index
          %get3A_835 = arith.index_cast %add3A_832 : i32 to index
          %get3A_836 = arith.constant 16 : index
          %get3A_837 = tpu.vector_load %arg6[%get3A_834, %get3A_835, %get3A_836] {strides = array<i32>} : memref<8x200x32xi32, #tpu.memory_space<vmem>>, vector<16xi32>,
          %shift_left3A_838 = arith.constant 16 : i32
          %shift_left3A_839 = vector.broadcast %shift_left3A_838 : i32 to vector<16xi32>
          %shift_left3A_840 = arith.shli %get3A_837, %shift_left3A_839 : vector<16xi32>
          %bitcast3A_841 = vector.bitcast %shift_left3A_840 : vector<16xi32> to vector<16xf32>
          %bitcast3A_842 = vector.bitcast %get3A_837 : vector<16xi32> to vector<16xf32>
          %add3A_843 = arith.addf %add3A_779, %bitcast3A_841 : vector<16xf32>
          %add3A_844 = arith.addf %add3A_780, %bitcast3A_842 : vector<16xf32>
          %mul3A_845 = arith.constant 8 : i32
          %mul3A_846 = arith.muli %scan3A_743, %mul3A_845 : i32
          %add3A_847 = arith.constant 3 : i32
          %add3A_848 = arith.addi %mul3A_846, %add3A_847 : i32
          %get3A_849 = arith.constant 6 : i32
          %get3A_850 = arith.index_cast %get3A_849 : i32 to index
          %get3A_851 = arith.index_cast %add3A_848 : i32 to index
          %get3A_852 = arith.constant 0 : index
          %get3A_853 = tpu.vector_load %arg6[%get3A_850, %get3A_851, %get3A_852] {strides = array<i32>} : memref<8x200x32xi32, #tpu.memory_space<vmem>>, vector<16xi32>,
          %shift_left3A_854 = arith.constant 16 : i32
          %shift_left3A_855 = vector.broadcast %shift_left3A_854 : i32 to vector<16xi32>
          %shift_left3A_856 = arith.shli %get3A_853, %shift_left3A_855 : vector<16xi32>
          %bitcast3A_857 = vector.bitcast %shift_left3A_856 : vector<16xi32> to vector<16xf32>
          %bitcast3A_858 = vector.bitcast %get3A_853 : vector<16xi32> to vector<16xf32>
          %add3A_859 = arith.addf %add3A_795, %bitcast3A_857 : vector<16xf32>
          %add3A_860 = arith.addf %add3A_796, %bitcast3A_858 : vector<16xf32>
          %mul3A_861 = arith.constant 8 : i32
          %mul3A_862 = arith.muli %scan3A_743, %mul3A_861 : i32
          %add3A_863 = arith.constant 3 : i32
          %add3A_864 = arith.addi %mul3A_862, %add3A_863 : i32
          %get3A_865 = arith.constant 6 : i32
          %get3A_866 = arith.index_cast %get3A_865 : i32 to index
          %get3A_867 = arith.index_cast %add3A_864 : i32 to index
          %get3A_868 = arith.constant 16 : index
          %get3A_869 = tpu.vector_load %arg6[%get3A_866, %get3A_867, %get3A_868] {strides = array<i32>} : memref<8x200x32xi32, #tpu.memory_space<vmem>>, vector<16xi32>,
          %shift_left3A_870 = arith.constant 16 : i32
          %shift_left3A_871 = vector.broadcast %shift_left3A_870 : i32 to vector<16xi32>
          %shift_left3A_872 = arith.shli %get3A_869, %shift_left3A_871 : vector<16xi32>
          %bitcast3A_873 = vector.bitcast %shift_left3A_872 : vector<16xi32> to vector<16xf32>
          %bitcast3A_874 = vector.bitcast %get3A_869 : vector<16xi32> to vector<16xf32>
          %add3A_875 = arith.addf %add3A_811, %bitcast3A_873 : vector<16xf32>
          %add3A_876 = arith.addf %add3A_812, %bitcast3A_874 : vector<16xf32>
          %mul3A_877 = arith.constant 8 : i32
          %mul3A_878 = arith.muli %scan3A_743, %mul3A_877 : i32
          %add3A_879 = arith.constant 4 : i32
          %add3A_880 = arith.addi %mul3A_878, %add3A_879 : i32
          %get3A_881 = arith.constant 6 : i32
          %get3A_882 = arith.index_cast %get3A_881 : i32 to index
          %get3A_883 = arith.index_cast %add3A_880 : i32 to index
          %get3A_884 = arith.constant 0 : index
          %get3A_885 = tpu.vector_load %arg6[%get3A_882, %get3A_883, %get3A_884] {strides = array<i32>} : memref<8x200x32xi32, #tpu.memory_space<vmem>>, vector<16xi32>,
          %shift_left3A_886 = arith.constant 16 : i32
          %shift_left3A_887 = vector.broadcast %shift_left3A_886 : i32 to vector<16xi32>
          %shift_left3A_888 = arith.shli %get3A_885, %shift_left3A_887 : vector<16xi32>
          %bitcast3A_889 = vector.bitcast %shift_left3A_888 : vector<16xi32> to vector<16xf32>
          %bitcast3A_890 = vector.bitcast %get3A_885 : vector<16xi32> to vector<16xf32>
          %add3A_891 = arith.addf %add3A_827, %bitcast3A_889 : vector<16xf32>
          %add3A_892 = arith.addf %add3A_828, %bitcast3A_890 : vector<16xf32>
          %mul3A_893 = arith.constant 8 : i32
          %mul3A_894 = arith.muli %scan3A_743, %mul3A_893 : i32
          %add3A_895 = arith.constant 4 : i32
          %add3A_896 = arith.addi %mul3A_894, %add3A_895 : i32
          %get3A_897 = arith.constant 6 : i32
          %get3A_898 = arith.index_cast %get3A_897 : i32 to index
          %get3A_899 = arith.index_cast %add3A_896 : i32 to index
          %get3A_900 = arith.constant 16 : index
          %get3A_901 = tpu.vector_load %arg6[%get3A_898, %get3A_899, %get3A_900] {strides = array<i32>} : memref<8x200x32xi32, #tpu.memory_space<vmem>>, vector<16xi32>,
          %shift_left3A_902 = arith.constant 16 : i32
          %shift_left3A_903 = vector.broadcast %shift_left3A_902 : i32 to vector<16xi32>
          %shift_left3A_904 = arith.shli %get3A_901, %shift_left3A_903 : vector<16xi32>
          %bitcast3A_905 = vector.bitcast %shift_left3A_904 : vector<16xi32> to vector<16xf32>
          %bitcast3A_906 = vector.bitcast %get3A_901 : vector<16xi32> to vector<16xf32>
          %add3A_907 = arith.addf %add3A_843, %bitcast3A_905 : vector<16xf32>
          %add3A_908 = arith.addf %add3A_844, %bitcast3A_906 : vector<16xf32>
          %mul3A_909 = arith.constant 8 : i32
          %mul3A_910 = arith.muli %scan3A_743, %mul3A_909 : i32
          %add3A_911 = arith.constant 5 : i32
          %add3A_912 = arith.addi %mul3A_910, %add3A_911 : i32
          %get3A_913 = arith.constant 6 : i32
          %get3A_914 = arith.index_cast %get3A_913 : i32 to index
          %get3A_915 = arith.index_cast %add3A_912 : i32 to index
          %get3A_916 = arith.constant 0 : index
          %get3A_917 = tpu.vector_load %arg6[%get3A_914, %get3A_915, %get3A_916] {strides = array<i32>} : memref<8x200x32xi32, #tpu.memory_space<vmem>>, vector<16xi32>,
          %shift_left3A_918 = arith.constant 16 : i32
          %shift_left3A_919 = vector.broadcast %shift_left3A_918 : i32 to vector<16xi32>
          %shift_left3A_920 = arith.shli %get3A_917, %shift_left3A_919 : vector<16xi32>
          %bitcast3A_921 = vector.bitcast %shift_left3A_920 : vector<16xi32> to vector<16xf32>
          %bitcast3A_922 = vector.bitcast %get3A_917 : vector<16xi32> to vector<16xf32>
          %add3A_923 = arith.addf %add3A_859, %bitcast3A_921 : vector<16xf32>
          %add3A_924 = arith.addf %add3A_860, %bitcast3A_922 : vector<16xf32>
          %mul3A_925 = arith.constant 8 : i32
          %mul3A_926 = arith.muli %scan3A_743, %mul3A_925 : i32
          %add3A_927 = arith.constant 5 : i32
          %add3A_928 = arith.addi %mul3A_926, %add3A_927 : i32
          %get3A_929 = arith.constant 6 : i32
          %get3A_930 = arith.index_cast %get3A_929 : i32 to index
          %get3A_931 = arith.index_cast %add3A_928 : i32 to index
          %get3A_932 = arith.constant 16 : index
          %get3A_933 = tpu.vector_load %arg6[%get3A_930, %get3A_931, %get3A_932] {strides = array<i32>} : memref<8x200x32xi32, #tpu.memory_space<vmem>>, vector<16xi32>,
          %shift_left3A_934 = arith.constant 16 : i32
          %shift_left3A_935 = vector.broadcast %shift_left3A_934 : i32 to vector<16xi32>
          %shift_left3A_936 = arith.shli %get3A_933, %shift_left3A_935 : vector<16xi32>
          %bitcast3A_937 = vector.bitcast %shift_left3A_936 : vector<16xi32> to vector<16xf32>
          %bitcast3A_938 = vector.bitcast %get3A_933 : vector<16xi32> to vector<16xf32>
          %add3A_939 = arith.addf %add3A_875, %bitcast3A_937 : vector<16xf32>
          %add3A_940 = arith.addf %add3A_876, %bitcast3A_938 : vector<16xf32>
          %mul3A_941 = arith.constant 8 : i32
          %mul3A_942 = arith.muli %scan3A_743, %mul3A_941 : i32
          %add3A_943 = arith.constant 6 : i32
          %add3A_944 = arith.addi %mul3A_942, %add3A_943 : i32
          %get3A_945 = arith.constant 6 : i32
          %get3A_946 = arith.index_cast %get3A_945 : i32 to index
          %get3A_947 = arith.index_cast %add3A_944 : i32 to index
          %get3A_948 = arith.constant 0 : index
          %get3A_949 = tpu.vector_load %arg6[%get3A_946, %get3A_947, %get3A_948] {strides = array<i32>} : memref<8x200x32xi32, #tpu.memory_space<vmem>>, vector<16xi32>,
          %shift_left3A_950 = arith.constant 16 : i32
          %shift_left3A_951 = vector.broadcast %shift_left3A_950 : i32 to vector<16xi32>
          %shift_left3A_952 = arith.shli %get3A_949, %shift_left3A_951 : vector<16xi32>
          %bitcast3A_953 = vector.bitcast %shift_left3A_952 : vector<16xi32> to vector<16xf32>
          %bitcast3A_954 = vector.bitcast %get3A_949 : vector<16xi32> to vector<16xf32>
          %add3A_955 = arith.addf %add3A_891, %bitcast3A_953 : vector<16xf32>
          %add3A_956 = arith.addf %add3A_892, %bitcast3A_954 : vector<16xf32>
          %mul3A_957 = arith.constant 8 : i32
          %mul3A_958 = arith.muli %scan3A_743, %mul3A_957 : i32
          %add3A_959 = arith.constant 6 : i32
          %add3A_960 = arith.addi %mul3A_958, %add3A_959 : i32
          %get3A_961 = arith.constant 6 : i32
          %get3A_962 = arith.index_cast %get3A_961 : i32 to index
          %get3A_963 = arith.index_cast %add3A_960 : i32 to index
          %get3A_964 = arith.constant 16 : index
          %get3A_965 = tpu.vector_load %arg6[%get3A_962, %get3A_963, %get3A_964] {strides = array<i32>} : memref<8x200x32xi32, #tpu.memory_space<vmem>>, vector<16xi32>,
          %shift_left3A_966 = arith.constant 16 : i32
          %shift_left3A_967 = vector.broadcast %shift_left3A_966 : i32 to vector<16xi32>
          %shift_left3A_968 = arith.shli %get3A_965, %shift_left3A_967 : vector<16xi32>
          %bitcast3A_969 = vector.bitcast %shift_left3A_968 : vector<16xi32> to vector<16xf32>
          %bitcast3A_970 = vector.bitcast %get3A_965 : vector<16xi32> to vector<16xf32>
          %add3A_971 = arith.addf %add3A_907, %bitcast3A_969 : vector<16xf32>
          %add3A_972 = arith.addf %add3A_908, %bitcast3A_970 : vector<16xf32>
          %mul3A_973 = arith.constant 8 : i32
          %mul3A_974 = arith.muli %scan3A_743, %mul3A_973 : i32
          %add3A_975 = arith.constant 7 : i32
          %add3A_976 = arith.addi %mul3A_974, %add3A_975 : i32
          %get3A_977 = arith.constant 6 : i32
          %get3A_978 = arith.index_cast %get3A_977 : i32 to index
          %get3A_979 = arith.index_cast %add3A_976 : i32 to index
          %get3A_980 = arith.constant 0 : index
          %get3A_981 = tpu.vector_load %arg6[%get3A_978, %get3A_979, %get3A_980] {strides = array<i32>} : memref<8x200x32xi32, #tpu.memory_space<vmem>>, vector<16xi32>,
          %shift_left3A_982 = arith.constant 16 : i32
          %shift_left3A_983 = vector.broadcast %shift_left3A_982 : i32 to vector<16xi32>
          %shift_left3A_984 = arith.shli %get3A_981, %shift_left3A_983 : vector<16xi32>
          %bitcast3A_985 = vector.bitcast %shift_left3A_984 : vector<16xi32> to vector<16xf32>
          %bitcast3A_986 = vector.bitcast %get3A_981 : vector<16xi32> to vector<16xf32>
          %add3A_987 = arith.addf %add3A_923, %bitcast3A_985 : vector<16xf32>
          %add3A_988 = arith.addf %add3A_924, %bitcast3A_986 : vector<16xf32>
          %mul3A_989 = arith.constant 8 : i32
          %mul3A_990 = arith.muli %scan3A_743, %mul3A_989 : i32
          %add3A_991 = arith.constant 7 : i32
          %add3A_992 = arith.addi %mul3A_990, %add3A_991 : i32
          %get3A_993 = arith.constant 6 : i32
          %get3A_994 = arith.index_cast %get3A_993 : i32 to index
          %get3A_995 = arith.index_cast %add3A_992 : i32 to index
          %get3A_996 = arith.constant 16 : index
          %get3A_997 = tpu.vector_load %arg6[%get3A_994, %get3A_995, %get3A_996] {strides = array<i32>} : memref<8x200x32xi32, #tpu.memory_space<vmem>>, vector<16xi32>,
          %shift_left3A_998 = arith.constant 16 : i32
          %shift_left3A_999 = vector.broadcast %shift_left3A_998 : i32 to vector<16xi32>
          %shift_left3A_1000 = arith.shli %get3A_997, %shift_left3A_999 : vector<16xi32>
          %bitcast3A_1001 = vector.bitcast %shift_left3A_1000 : vector<16xi32> to vector<16xf32>
          %bitcast3A_1002 = vector.bitcast %get3A_997 : vector<16xi32> to vector<16xf32>
          %add3A_1003 = arith.addf %add3A_939, %bitcast3A_1001 : vector<16xf32>
          %add3A_1004 = arith.addf %add3A_940, %bitcast3A_1002 : vector<16xf32>
          scf.yield %add3A_955, %add3A_956, %add3A_971, %add3A_972, %add3A_987, %add3A_988, %add3A_1003, %add3A_1004 : vector<16xf32>, vector<16xf32>, vector<16xf32>, vector<16xf32>, vector<16xf32>, vector<16xf32>, vector<16xf32>, vector<16xf32>
        }
        %scan3A_657 = arith.constant 25 : i32
        %add3A_658 = arith.addf %scan3A_656#0, %scan3A_656#4 : vector<16xf32>
        %add3A_659 = arith.addf %scan3A_656#1, %scan3A_656#5 : vector<16xf32>
        %add3A_660 = arith.addf %scan3A_656#2, %scan3A_656#6 : vector<16xf32>
        %add3A_661 = arith.addf %scan3A_656#3, %scan3A_656#7 : vector<16xf32>
        %swap3A_662 = arith.index_cast %rem3A_40 : i32 to index
        %swap3A_663 = arith.index_cast %add3A_627 : i32 to index
        %swap3A_664 = arith.constant 0 : index
        %swap3A_665 = tpu.vector_load %arg7[%swap3A_662, %swap3A_663, %swap3A_664] {strides = array<i32>} : memref<2x16x64xf32, #tpu.memory_space<vmem>>, vector<16xf32>,
        tpu.vector_store %arg7[%swap3A_662, %swap3A_663, %swap3A_664], %add3A_658 {strides = array<i32>} : memref<2x16x64xf32, #tpu.memory_space<vmem>>, vector<16xf32>,
        %swap3A_666 = arith.index_cast %rem3A_40 : i32 to index
        %swap3A_667 = arith.index_cast %add3A_627 : i32 to index
        %swap3A_668 = arith.constant 16 : index
        %swap3A_669 = tpu.vector_load %arg7[%swap3A_666, %swap3A_667, %swap3A_668] {strides = array<i32>} : memref<2x16x64xf32, #tpu.memory_space<vmem>>, vector<16xf32>,
        tpu.vector_store %arg7[%swap3A_666, %swap3A_667, %swap3A_668], %add3A_659 {strides = array<i32>} : memref<2x16x64xf32, #tpu.memory_space<vmem>>, vector<16xf32>,
        %swap3A_670 = arith.index_cast %rem3A_40 : i32 to index
        %swap3A_671 = arith.index_cast %add3A_627 : i32 to index
        %swap3A_672 = arith.constant 32 : index
        %swap3A_673 = tpu.vector_load %arg7[%swap3A_670, %swap3A_671, %swap3A_672] {strides = array<i32>} : memref<2x16x64xf32, #tpu.memory_space<vmem>>, vector<16xf32>,
        tpu.vector_store %arg7[%swap3A_670, %swap3A_671, %swap3A_672], %add3A_660 {strides = array<i32>} : memref<2x16x64xf32, #tpu.memory_space<vmem>>, vector<16xf32>,
        %swap3A_674 = arith.index_cast %rem3A_40 : i32 to index
        %swap3A_675 = arith.index_cast %add3A_627 : i32 to index
        %swap3A_676 = arith.constant 48 : index
        %swap3A_677 = tpu.vector_load %arg7[%swap3A_674, %swap3A_675, %swap3A_676] {strides = array<i32>} : memref<2x16x64xf32, #tpu.memory_space<vmem>>, vector<16xf32>,
        tpu.vector_store %arg7[%swap3A_674, %swap3A_675, %swap3A_676], %add3A_661 {strides = array<i32>} : memref<2x16x64xf32, #tpu.memory_space<vmem>>, vector<16xf32>,
        %lt3A_678 = arith.constant 1 : i32
        %lt3A_679 = arith.cmpi slt, %scan3A_270, %lt3A_678 : i32
        %convert_element_type3A_680 = arith.extui %lt3A_679 : i1 to i32
        %cond3A_681 = arith.constant 0 : i32
        %cond3A_682 = arith.cmpi ne, %convert_element_type3A_680, %cond3A_681 : i32
        scf.if %cond3A_682 {
          %add3A_743 = arith.constant 8 : i32
          %add3A_744 = arith.addi %add3A_627, %add3A_743 : i32
          %dma_start3A_745 = arith.constant 6 : i32
          %dma_start3A_746 = arith.constant 0 : i32
          %dma_start3A_747 = arith.constant 0 : i32
          %dma_start3A_748 = tpu.memref_slice %arg6[%dma_start3A_745, %dma_start3A_746, %dma_start3A_747] : memref<8x200x32xi32, #tpu.memory_space<vmem>> -> memref<1x128x32xi32, #tpu.memory_space<vmem>>
          %dma_start3A_749 = tpu.memref_squeeze %dma_start3A_748 : memref<1x128x32xi32, #tpu.memory_space<vmem>> -> memref<128x32xi32, #tpu.memory_space<vmem>>
          %dma_start3A_750 = arith.constant 0 : i32
          %dma_start3A_751 = tpu.memref_slice %arg5[%rem3A_40, %add3A_744, %dma_start3A_750] : memref<2x16x200xi32, #tpu.memory_space<vmem>> -> memref<1x1x128xi32, #tpu.memory_space<vmem>>
          %dma_start3A_752 = tpu.memref_squeeze %dma_start3A_751 : memref<1x1x128xi32, #tpu.memory_space<vmem>> -> memref<128xi32, #tpu.memory_space<vmem>>
          %dma_start3A_753 = arith.constant 0 : i32
          %dma_start3A_754 = arith.constant 0 : i32
          %dma_start3A_755 = tpu.memref_slice %arg3[%dma_start3A_753, %dma_start3A_754] : memref<1000000x32xi32, #tpu.memory_space<hbm>> -> memref<1000000x32xi32, #tpu.memory_space<hbm>>
          tpu.enqueue_indirect_dma source(%dma_start3A_755 : memref<1000000x32xi32, #tpu.memory_space<hbm>>) target(%dma_start3A_749 : memref<128x32xi32, #tpu.memory_space<vmem>>) offsets(%dma_start3A_752 : memref<128xi32, #tpu.memory_space<vmem>>) semaphore(%arg14 : memref<!tpu.dma_semaphore, #tpu.memory_space<semaphore_mem>>)
          %dma_start3A_756 = arith.constant 6 : i32
          %dma_start3A_757 = arith.constant 128 : i32
          %dma_start3A_758 = arith.constant 0 : i32
          %dma_start3A_759 = tpu.memref_slice %arg6[%dma_start3A_756, %dma_start3A_757, %dma_start3A_758] : memref<8x200x32xi32, #tpu.memory_space<vmem>> -> memref<1x72x32xi32, #tpu.memory_space<vmem>>
          %dma_start3A_760 = tpu.memref_squeeze %dma_start3A_759 : memref<1x72x32xi32, #tpu.memory_space<vmem>> -> memref<72x32xi32, #tpu.memory_space<vmem>>
          %dma_start3A_761 = arith.constant 128 : i32
          %dma_start3A_762 = tpu.memref_slice %arg5[%rem3A_40, %add3A_744, %dma_start3A_761] : memref<2x16x200xi32, #tpu.memory_space<vmem>> -> memref<1x1x72xi32, #tpu.memory_space<vmem>>
          %dma_start3A_763 = tpu.memref_squeeze %dma_start3A_762 : memref<1x1x72xi32, #tpu.memory_space<vmem>> -> memref<72xi32, #tpu.memory_space<vmem>>
          %dma_start3A_764 = arith.constant 0 : i32
          %dma_start3A_765 = arith.constant 0 : i32
          %dma_start3A_766 = tpu.memref_slice %arg3[%dma_start3A_764, %dma_start3A_765] : memref<1000000x32xi32, #tpu.memory_space<hbm>> -> memref<1000000x32xi32, #tpu.memory_space<hbm>>
          tpu.enqueue_indirect_dma source(%dma_start3A_766 : memref<1000000x32xi32, #tpu.memory_space<hbm>>) target(%dma_start3A_760 : memref<72x32xi32, #tpu.memory_space<vmem>>) offsets(%dma_start3A_763 : memref<72xi32, #tpu.memory_space<vmem>>) semaphore(%arg14 : memref<!tpu.dma_semaphore, #tpu.memory_space<semaphore_mem>>)
        } else {
        }
        %mul3A_683 = arith.constant 8 : i32
        %mul3A_684 = arith.muli %scan3A_270, %mul3A_683 : i32
        %add3A_685 = arith.constant 7 : i32
        %add3A_686 = arith.addi %mul3A_684, %add3A_685 : i32
        %dma_wait3A_687 = arith.constant 7 : i32
        %dma_wait3A_688 = arith.constant 0 : i32
        %dma_wait3A_689 = arith.constant 0 : i32
        %dma_wait3A_690 = tpu.memref_slice %arg6[%dma_wait3A_687, %dma_wait3A_688, %dma_wait3A_689] : memref<8x200x32xi32, #tpu.memory_space<vmem>> -> memref<1x128x32xi32, #tpu.memory_space<vmem>>
        %dma_wait3A_691 = tpu.memref_squeeze %dma_wait3A_690 : memref<1x128x32xi32, #tpu.memory_space<vmem>> -> memref<128x32xi32, #tpu.memory_space<vmem>>
        %dma_wait3A_692 = arith.constant 0 : i32
        %dma_wait3A_693 = tpu.memref_slice %arg5[%rem3A_40, %add3A_686, %dma_wait3A_692] : memref<2x16x200xi32, #tpu.memory_space<vmem>> -> memref<1x1x128xi32, #tpu.memory_space<vmem>>
        %dma_wait3A_694 = tpu.memref_squeeze %dma_wait3A_693 : memref<1x1x128xi32, #tpu.memory_space<vmem>> -> memref<128xi32, #tpu.memory_space<vmem>>
        %dma_wait3A_695 = arith.constant 0 : i32
        %dma_wait3A_696 = arith.constant 0 : i32
        %dma_wait3A_697 = tpu.memref_slice %arg3[%dma_wait3A_695, %dma_wait3A_696] : memref<1000000x32xi32, #tpu.memory_space<hbm>> -> memref<1000000x32xi32, #tpu.memory_space<hbm>>
        tpu.wait_indirect_dma semaphore(%arg15 : memref<!tpu.dma_semaphore, #tpu.memory_space<semaphore_mem>>) src(%dma_wait3A_697 : memref<1000000x32xi32, #tpu.memory_space<hbm>>) dst(%dma_wait3A_691 : memref<128x32xi32, #tpu.memory_space<vmem>>)
        %dma_wait3A_698 = arith.constant 7 : i32
        %dma_wait3A_699 = arith.constant 128 : i32
        %dma_wait3A_700 = arith.constant 0 : i32
        %dma_wait3A_701 = tpu.memref_slice %arg6[%dma_wait3A_698, %dma_wait3A_699, %dma_wait3A_700] : memref<8x200x32xi32, #tpu.memory_space<vmem>> -> memref<1x72x32xi32, #tpu.memory_space<vmem>>
        %dma_wait3A_702 = tpu.memref_squeeze %dma_wait3A_701 : memref<1x72x32xi32, #tpu.memory_space<vmem>> -> memref<72x32xi32, #tpu.memory_space<vmem>>
        %dma_wait3A_703 = arith.constant 128 : i32
        %dma_wait3A_704 = tpu.memref_slice %arg5[%rem3A_40, %add3A_686, %dma_wait3A_703] : memref<2x16x200xi32, #tpu.memory_space<vmem>> -> memref<1x1x72xi32, #tpu.memory_space<vmem>>
        %dma_wait3A_705 = tpu.memref_squeeze %dma_wait3A_704 : memref<1x1x72xi32, #tpu.memory_space<vmem>> -> memref<72xi32, #tpu.memory_space<vmem>>
        %dma_wait3A_706 = arith.constant 0 : i32
        %dma_wait3A_707 = arith.constant 0 : i32
        %dma_wait3A_708 = tpu.memref_slice %arg3[%dma_wait3A_706, %dma_wait3A_707] : memref<1000000x32xi32, #tpu.memory_space<hbm>> -> memref<1000000x32xi32, #tpu.memory_space<hbm>>
        tpu.wait_indirect_dma semaphore(%arg15 : memref<!tpu.dma_semaphore, #tpu.memory_space<semaphore_mem>>) src(%dma_wait3A_708 : memref<1000000x32xi32, #tpu.memory_space<hbm>>) dst(%dma_wait3A_702 : memref<72x32xi32, #tpu.memory_space<vmem>>)
        %broadcast_in_dim3A_709 = arith.constant 0.000000e+00 : f32
        %broadcast_in_dim3A_710 = vector.broadcast %broadcast_in_dim3A_709 : f32 to vector<16xf32>
        %scan3A_711 = arith.constant 0 : i32
        %scan3A_712 = arith.constant 25 : i32
        %scan3A_713 = arith.addi %scan3A_711, %scan3A_712 : i32
        %scan3A_714 = arith.constant 1 : i32
        %scan3A_715:8 = scf.for %scan3A_743 = %scan3A_711 to %scan3A_713 step %scan3A_714 iter_args(%scan3A_744 = %broadcast_in_dim3A_710, %scan3A_745 = %broadcast_in_dim3A_710, %scan3A_746 = %broadcast_in_dim3A_710, %scan3A_747 = %broadcast_in_dim3A_710, %scan3A_748 = %broadcast_in_dim3A_710, %scan3A_749 = %broadcast_in_dim3A_710, %scan3A_750 = %broadcast_in_dim3A_710, %scan3A_751 = %broadcast_in_dim3A_710) -> (vector<16xf32>, vector<16xf32>, vector<16xf32>, vector<16xf32>, vector<16xf32>, vector<16xf32>, vector<16xf32>, vector<16xf32>)  : i32 {
          %mul3A_752 = arith.constant 8 : i32
          %mul3A_753 = arith.muli %scan3A_743, %mul3A_752 : i32
          %add3A_754 = arith.constant 0 : i32
          %add3A_755 = arith.addi %mul3A_753, %add3A_754 : i32
          %get3A = arith.constant 7 : i32
          %get3A_756 = arith.index_cast %get3A : i32 to index
          %get3A_757 = arith.index_cast %add3A_755 : i32 to index
          %get3A_758 = arith.constant 0 : index
          %get3A_759 = tpu.vector_load %arg6[%get3A_756, %get3A_757, %get3A_758] {strides = array<i32>} : memref<8x200x32xi32, #tpu.memory_space<vmem>>, vector<16xi32>,
          %shift_left3A = arith.constant 16 : i32
          %shift_left3A_760 = vector.broadcast %shift_left3A : i32 to vector<16xi32>
          %shift_left3A_761 = arith.shli %get3A_759, %shift_left3A_760 : vector<16xi32>
          %bitcast3A = vector.bitcast %shift_left3A_761 : vector<16xi32> to vector<16xf32>
          %bitcast3A_762 = vector.bitcast %get3A_759 : vector<16xi32> to vector<16xf32>
          %add3A_763 = arith.addf %scan3A_744, %bitcast3A : vector<16xf32>
          %add3A_764 = arith.addf %scan3A_745, %bitcast3A_762 : vector<16xf32>
          %mul3A_765 = arith.constant 8 : i32
          %mul3A_766 = arith.muli %scan3A_743, %mul3A_765 : i32
          %add3A_767 = arith.constant 0 : i32
          %add3A_768 = arith.addi %mul3A_766, %add3A_767 : i32
          %get3A_769 = arith.constant 7 : i32
          %get3A_770 = arith.index_cast %get3A_769 : i32 to index
          %get3A_771 = arith.index_cast %add3A_768 : i32 to index
          %get3A_772 = arith.constant 16 : index
          %get3A_773 = tpu.vector_load %arg6[%get3A_770, %get3A_771, %get3A_772] {strides = array<i32>} : memref<8x200x32xi32, #tpu.memory_space<vmem>>, vector<16xi32>,
          %shift_left3A_774 = arith.constant 16 : i32
          %shift_left3A_775 = vector.broadcast %shift_left3A_774 : i32 to vector<16xi32>
          %shift_left3A_776 = arith.shli %get3A_773, %shift_left3A_775 : vector<16xi32>
          %bitcast3A_777 = vector.bitcast %shift_left3A_776 : vector<16xi32> to vector<16xf32>
          %bitcast3A_778 = vector.bitcast %get3A_773 : vector<16xi32> to vector<16xf32>
          %add3A_779 = arith.addf %scan3A_746, %bitcast3A_777 : vector<16xf32>
          %add3A_780 = arith.addf %scan3A_747, %bitcast3A_778 : vector<16xf32>
          %mul3A_781 = arith.constant 8 : i32
          %mul3A_782 = arith.muli %scan3A_743, %mul3A_781 : i32
          %add3A_783 = arith.constant 1 : i32
          %add3A_784 = arith.addi %mul3A_782, %add3A_783 : i32
          %get3A_785 = arith.constant 7 : i32
          %get3A_786 = arith.index_cast %get3A_785 : i32 to index
          %get3A_787 = arith.index_cast %add3A_784 : i32 to index
          %get3A_788 = arith.constant 0 : index
          %get3A_789 = tpu.vector_load %arg6[%get3A_786, %get3A_787, %get3A_788] {strides = array<i32>} : memref<8x200x32xi32, #tpu.memory_space<vmem>>, vector<16xi32>,
          %shift_left3A_790 = arith.constant 16 : i32
          %shift_left3A_791 = vector.broadcast %shift_left3A_790 : i32 to vector<16xi32>
          %shift_left3A_792 = arith.shli %get3A_789, %shift_left3A_791 : vector<16xi32>
          %bitcast3A_793 = vector.bitcast %shift_left3A_792 : vector<16xi32> to vector<16xf32>
          %bitcast3A_794 = vector.bitcast %get3A_789 : vector<16xi32> to vector<16xf32>
          %add3A_795 = arith.addf %scan3A_748, %bitcast3A_793 : vector<16xf32>
          %add3A_796 = arith.addf %scan3A_749, %bitcast3A_794 : vector<16xf32>
          %mul3A_797 = arith.constant 8 : i32
          %mul3A_798 = arith.muli %scan3A_743, %mul3A_797 : i32
          %add3A_799 = arith.constant 1 : i32
          %add3A_800 = arith.addi %mul3A_798, %add3A_799 : i32
          %get3A_801 = arith.constant 7 : i32
          %get3A_802 = arith.index_cast %get3A_801 : i32 to index
          %get3A_803 = arith.index_cast %add3A_800 : i32 to index
          %get3A_804 = arith.constant 16 : index
          %get3A_805 = tpu.vector_load %arg6[%get3A_802, %get3A_803, %get3A_804] {strides = array<i32>} : memref<8x200x32xi32, #tpu.memory_space<vmem>>, vector<16xi32>,
          %shift_left3A_806 = arith.constant 16 : i32
          %shift_left3A_807 = vector.broadcast %shift_left3A_806 : i32 to vector<16xi32>
          %shift_left3A_808 = arith.shli %get3A_805, %shift_left3A_807 : vector<16xi32>
          %bitcast3A_809 = vector.bitcast %shift_left3A_808 : vector<16xi32> to vector<16xf32>
          %bitcast3A_810 = vector.bitcast %get3A_805 : vector<16xi32> to vector<16xf32>
          %add3A_811 = arith.addf %scan3A_750, %bitcast3A_809 : vector<16xf32>
          %add3A_812 = arith.addf %scan3A_751, %bitcast3A_810 : vector<16xf32>
          %mul3A_813 = arith.constant 8 : i32
          %mul3A_814 = arith.muli %scan3A_743, %mul3A_813 : i32
          %add3A_815 = arith.constant 2 : i32
          %add3A_816 = arith.addi %mul3A_814, %add3A_815 : i32
          %get3A_817 = arith.constant 7 : i32
          %get3A_818 = arith.index_cast %get3A_817 : i32 to index
          %get3A_819 = arith.index_cast %add3A_816 : i32 to index
          %get3A_820 = arith.constant 0 : index
          %get3A_821 = tpu.vector_load %arg6[%get3A_818, %get3A_819, %get3A_820] {strides = array<i32>} : memref<8x200x32xi32, #tpu.memory_space<vmem>>, vector<16xi32>,
          %shift_left3A_822 = arith.constant 16 : i32
          %shift_left3A_823 = vector.broadcast %shift_left3A_822 : i32 to vector<16xi32>
          %shift_left3A_824 = arith.shli %get3A_821, %shift_left3A_823 : vector<16xi32>
          %bitcast3A_825 = vector.bitcast %shift_left3A_824 : vector<16xi32> to vector<16xf32>
          %bitcast3A_826 = vector.bitcast %get3A_821 : vector<16xi32> to vector<16xf32>
          %add3A_827 = arith.addf %add3A_763, %bitcast3A_825 : vector<16xf32>
          %add3A_828 = arith.addf %add3A_764, %bitcast3A_826 : vector<16xf32>
          %mul3A_829 = arith.constant 8 : i32
          %mul3A_830 = arith.muli %scan3A_743, %mul3A_829 : i32
          %add3A_831 = arith.constant 2 : i32
          %add3A_832 = arith.addi %mul3A_830, %add3A_831 : i32
          %get3A_833 = arith.constant 7 : i32
          %get3A_834 = arith.index_cast %get3A_833 : i32 to index
          %get3A_835 = arith.index_cast %add3A_832 : i32 to index
          %get3A_836 = arith.constant 16 : index
          %get3A_837 = tpu.vector_load %arg6[%get3A_834, %get3A_835, %get3A_836] {strides = array<i32>} : memref<8x200x32xi32, #tpu.memory_space<vmem>>, vector<16xi32>,
          %shift_left3A_838 = arith.constant 16 : i32
          %shift_left3A_839 = vector.broadcast %shift_left3A_838 : i32 to vector<16xi32>
          %shift_left3A_840 = arith.shli %get3A_837, %shift_left3A_839 : vector<16xi32>
          %bitcast3A_841 = vector.bitcast %shift_left3A_840 : vector<16xi32> to vector<16xf32>
          %bitcast3A_842 = vector.bitcast %get3A_837 : vector<16xi32> to vector<16xf32>
          %add3A_843 = arith.addf %add3A_779, %bitcast3A_841 : vector<16xf32>
          %add3A_844 = arith.addf %add3A_780, %bitcast3A_842 : vector<16xf32>
          %mul3A_845 = arith.constant 8 : i32
          %mul3A_846 = arith.muli %scan3A_743, %mul3A_845 : i32
          %add3A_847 = arith.constant 3 : i32
          %add3A_848 = arith.addi %mul3A_846, %add3A_847 : i32
          %get3A_849 = arith.constant 7 : i32
          %get3A_850 = arith.index_cast %get3A_849 : i32 to index
          %get3A_851 = arith.index_cast %add3A_848 : i32 to index
          %get3A_852 = arith.constant 0 : index
          %get3A_853 = tpu.vector_load %arg6[%get3A_850, %get3A_851, %get3A_852] {strides = array<i32>} : memref<8x200x32xi32, #tpu.memory_space<vmem>>, vector<16xi32>,
          %shift_left3A_854 = arith.constant 16 : i32
          %shift_left3A_855 = vector.broadcast %shift_left3A_854 : i32 to vector<16xi32>
          %shift_left3A_856 = arith.shli %get3A_853, %shift_left3A_855 : vector<16xi32>
          %bitcast3A_857 = vector.bitcast %shift_left3A_856 : vector<16xi32> to vector<16xf32>
          %bitcast3A_858 = vector.bitcast %get3A_853 : vector<16xi32> to vector<16xf32>
          %add3A_859 = arith.addf %add3A_795, %bitcast3A_857 : vector<16xf32>
          %add3A_860 = arith.addf %add3A_796, %bitcast3A_858 : vector<16xf32>
          %mul3A_861 = arith.constant 8 : i32
          %mul3A_862 = arith.muli %scan3A_743, %mul3A_861 : i32
          %add3A_863 = arith.constant 3 : i32
          %add3A_864 = arith.addi %mul3A_862, %add3A_863 : i32
          %get3A_865 = arith.constant 7 : i32
          %get3A_866 = arith.index_cast %get3A_865 : i32 to index
          %get3A_867 = arith.index_cast %add3A_864 : i32 to index
          %get3A_868 = arith.constant 16 : index
          %get3A_869 = tpu.vector_load %arg6[%get3A_866, %get3A_867, %get3A_868] {strides = array<i32>} : memref<8x200x32xi32, #tpu.memory_space<vmem>>, vector<16xi32>,
          %shift_left3A_870 = arith.constant 16 : i32
          %shift_left3A_871 = vector.broadcast %shift_left3A_870 : i32 to vector<16xi32>
          %shift_left3A_872 = arith.shli %get3A_869, %shift_left3A_871 : vector<16xi32>
          %bitcast3A_873 = vector.bitcast %shift_left3A_872 : vector<16xi32> to vector<16xf32>
          %bitcast3A_874 = vector.bitcast %get3A_869 : vector<16xi32> to vector<16xf32>
          %add3A_875 = arith.addf %add3A_811, %bitcast3A_873 : vector<16xf32>
          %add3A_876 = arith.addf %add3A_812, %bitcast3A_874 : vector<16xf32>
          %mul3A_877 = arith.constant 8 : i32
          %mul3A_878 = arith.muli %scan3A_743, %mul3A_877 : i32
          %add3A_879 = arith.constant 4 : i32
          %add3A_880 = arith.addi %mul3A_878, %add3A_879 : i32
          %get3A_881 = arith.constant 7 : i32
          %get3A_882 = arith.index_cast %get3A_881 : i32 to index
          %get3A_883 = arith.index_cast %add3A_880 : i32 to index
          %get3A_884 = arith.constant 0 : index
          %get3A_885 = tpu.vector_load %arg6[%get3A_882, %get3A_883, %get3A_884] {strides = array<i32>} : memref<8x200x32xi32, #tpu.memory_space<vmem>>, vector<16xi32>,
          %shift_left3A_886 = arith.constant 16 : i32
          %shift_left3A_887 = vector.broadcast %shift_left3A_886 : i32 to vector<16xi32>
          %shift_left3A_888 = arith.shli %get3A_885, %shift_left3A_887 : vector<16xi32>
          %bitcast3A_889 = vector.bitcast %shift_left3A_888 : vector<16xi32> to vector<16xf32>
          %bitcast3A_890 = vector.bitcast %get3A_885 : vector<16xi32> to vector<16xf32>
          %add3A_891 = arith.addf %add3A_827, %bitcast3A_889 : vector<16xf32>
          %add3A_892 = arith.addf %add3A_828, %bitcast3A_890 : vector<16xf32>
          %mul3A_893 = arith.constant 8 : i32
          %mul3A_894 = arith.muli %scan3A_743, %mul3A_893 : i32
          %add3A_895 = arith.constant 4 : i32
          %add3A_896 = arith.addi %mul3A_894, %add3A_895 : i32
          %get3A_897 = arith.constant 7 : i32
          %get3A_898 = arith.index_cast %get3A_897 : i32 to index
          %get3A_899 = arith.index_cast %add3A_896 : i32 to index
          %get3A_900 = arith.constant 16 : index
          %get3A_901 = tpu.vector_load %arg6[%get3A_898, %get3A_899, %get3A_900] {strides = array<i32>} : memref<8x200x32xi32, #tpu.memory_space<vmem>>, vector<16xi32>,
          %shift_left3A_902 = arith.constant 16 : i32
          %shift_left3A_903 = vector.broadcast %shift_left3A_902 : i32 to vector<16xi32>
          %shift_left3A_904 = arith.shli %get3A_901, %shift_left3A_903 : vector<16xi32>
          %bitcast3A_905 = vector.bitcast %shift_left3A_904 : vector<16xi32> to vector<16xf32>
          %bitcast3A_906 = vector.bitcast %get3A_901 : vector<16xi32> to vector<16xf32>
          %add3A_907 = arith.addf %add3A_843, %bitcast3A_905 : vector<16xf32>
          %add3A_908 = arith.addf %add3A_844, %bitcast3A_906 : vector<16xf32>
          %mul3A_909 = arith.constant 8 : i32
          %mul3A_910 = arith.muli %scan3A_743, %mul3A_909 : i32
          %add3A_911 = arith.constant 5 : i32
          %add3A_912 = arith.addi %mul3A_910, %add3A_911 : i32
          %get3A_913 = arith.constant 7 : i32
          %get3A_914 = arith.index_cast %get3A_913 : i32 to index
          %get3A_915 = arith.index_cast %add3A_912 : i32 to index
          %get3A_916 = arith.constant 0 : index
          %get3A_917 = tpu.vector_load %arg6[%get3A_914, %get3A_915, %get3A_916] {strides = array<i32>} : memref<8x200x32xi32, #tpu.memory_space<vmem>>, vector<16xi32>,
          %shift_left3A_918 = arith.constant 16 : i32
          %shift_left3A_919 = vector.broadcast %shift_left3A_918 : i32 to vector<16xi32>
          %shift_left3A_920 = arith.shli %get3A_917, %shift_left3A_919 : vector<16xi32>
          %bitcast3A_921 = vector.bitcast %shift_left3A_920 : vector<16xi32> to vector<16xf32>
          %bitcast3A_922 = vector.bitcast %get3A_917 : vector<16xi32> to vector<16xf32>
          %add3A_923 = arith.addf %add3A_859, %bitcast3A_921 : vector<16xf32>
          %add3A_924 = arith.addf %add3A_860, %bitcast3A_922 : vector<16xf32>
          %mul3A_925 = arith.constant 8 : i32
          %mul3A_926 = arith.muli %scan3A_743, %mul3A_925 : i32
          %add3A_927 = arith.constant 5 : i32
          %add3A_928 = arith.addi %mul3A_926, %add3A_927 : i32
          %get3A_929 = arith.constant 7 : i32
          %get3A_930 = arith.index_cast %get3A_929 : i32 to index
          %get3A_931 = arith.index_cast %add3A_928 : i32 to index
          %get3A_932 = arith.constant 16 : index
          %get3A_933 = tpu.vector_load %arg6[%get3A_930, %get3A_931, %get3A_932] {strides = array<i32>} : memref<8x200x32xi32, #tpu.memory_space<vmem>>, vector<16xi32>,
          %shift_left3A_934 = arith.constant 16 : i32
          %shift_left3A_935 = vector.broadcast %shift_left3A_934 : i32 to vector<16xi32>
          %shift_left3A_936 = arith.shli %get3A_933, %shift_left3A_935 : vector<16xi32>
          %bitcast3A_937 = vector.bitcast %shift_left3A_936 : vector<16xi32> to vector<16xf32>
          %bitcast3A_938 = vector.bitcast %get3A_933 : vector<16xi32> to vector<16xf32>
          %add3A_939 = arith.addf %add3A_875, %bitcast3A_937 : vector<16xf32>
          %add3A_940 = arith.addf %add3A_876, %bitcast3A_938 : vector<16xf32>
          %mul3A_941 = arith.constant 8 : i32
          %mul3A_942 = arith.muli %scan3A_743, %mul3A_941 : i32
          %add3A_943 = arith.constant 6 : i32
          %add3A_944 = arith.addi %mul3A_942, %add3A_943 : i32
          %get3A_945 = arith.constant 7 : i32
          %get3A_946 = arith.index_cast %get3A_945 : i32 to index
          %get3A_947 = arith.index_cast %add3A_944 : i32 to index
          %get3A_948 = arith.constant 0 : index
          %get3A_949 = tpu.vector_load %arg6[%get3A_946, %get3A_947, %get3A_948] {strides = array<i32>} : memref<8x200x32xi32, #tpu.memory_space<vmem>>, vector<16xi32>,
          %shift_left3A_950 = arith.constant 16 : i32
          %shift_left3A_951 = vector.broadcast %shift_left3A_950 : i32 to vector<16xi32>
          %shift_left3A_952 = arith.shli %get3A_949, %shift_left3A_951 : vector<16xi32>
          %bitcast3A_953 = vector.bitcast %shift_left3A_952 : vector<16xi32> to vector<16xf32>
          %bitcast3A_954 = vector.bitcast %get3A_949 : vector<16xi32> to vector<16xf32>
          %add3A_955 = arith.addf %add3A_891, %bitcast3A_953 : vector<16xf32>
          %add3A_956 = arith.addf %add3A_892, %bitcast3A_954 : vector<16xf32>
          %mul3A_957 = arith.constant 8 : i32
          %mul3A_958 = arith.muli %scan3A_743, %mul3A_957 : i32
          %add3A_959 = arith.constant 6 : i32
          %add3A_960 = arith.addi %mul3A_958, %add3A_959 : i32
          %get3A_961 = arith.constant 7 : i32
          %get3A_962 = arith.index_cast %get3A_961 : i32 to index
          %get3A_963 = arith.index_cast %add3A_960 : i32 to index
          %get3A_964 = arith.constant 16 : index
          %get3A_965 = tpu.vector_load %arg6[%get3A_962, %get3A_963, %get3A_964] {strides = array<i32>} : memref<8x200x32xi32, #tpu.memory_space<vmem>>, vector<16xi32>,
          %shift_left3A_966 = arith.constant 16 : i32
          %shift_left3A_967 = vector.broadcast %shift_left3A_966 : i32 to vector<16xi32>
          %shift_left3A_968 = arith.shli %get3A_965, %shift_left3A_967 : vector<16xi32>
          %bitcast3A_969 = vector.bitcast %shift_left3A_968 : vector<16xi32> to vector<16xf32>
          %bitcast3A_970 = vector.bitcast %get3A_965 : vector<16xi32> to vector<16xf32>
          %add3A_971 = arith.addf %add3A_907, %bitcast3A_969 : vector<16xf32>
          %add3A_972 = arith.addf %add3A_908, %bitcast3A_970 : vector<16xf32>
          %mul3A_973 = arith.constant 8 : i32
          %mul3A_974 = arith.muli %scan3A_743, %mul3A_973 : i32
          %add3A_975 = arith.constant 7 : i32
          %add3A_976 = arith.addi %mul3A_974, %add3A_975 : i32
          %get3A_977 = arith.constant 7 : i32
          %get3A_978 = arith.index_cast %get3A_977 : i32 to index
          %get3A_979 = arith.index_cast %add3A_976 : i32 to index
          %get3A_980 = arith.constant 0 : index
          %get3A_981 = tpu.vector_load %arg6[%get3A_978, %get3A_979, %get3A_980] {strides = array<i32>} : memref<8x200x32xi32, #tpu.memory_space<vmem>>, vector<16xi32>,
          %shift_left3A_982 = arith.constant 16 : i32
          %shift_left3A_983 = vector.broadcast %shift_left3A_982 : i32 to vector<16xi32>
          %shift_left3A_984 = arith.shli %get3A_981, %shift_left3A_983 : vector<16xi32>
          %bitcast3A_985 = vector.bitcast %shift_left3A_984 : vector<16xi32> to vector<16xf32>
          %bitcast3A_986 = vector.bitcast %get3A_981 : vector<16xi32> to vector<16xf32>
          %add3A_987 = arith.addf %add3A_923, %bitcast3A_985 : vector<16xf32>
          %add3A_988 = arith.addf %add3A_924, %bitcast3A_986 : vector<16xf32>
          %mul3A_989 = arith.constant 8 : i32
          %mul3A_990 = arith.muli %scan3A_743, %mul3A_989 : i32
          %add3A_991 = arith.constant 7 : i32
          %add3A_992 = arith.addi %mul3A_990, %add3A_991 : i32
          %get3A_993 = arith.constant 7 : i32
          %get3A_994 = arith.index_cast %get3A_993 : i32 to index
          %get3A_995 = arith.index_cast %add3A_992 : i32 to index
          %get3A_996 = arith.constant 16 : index
          %get3A_997 = tpu.vector_load %arg6[%get3A_994, %get3A_995, %get3A_996] {strides = array<i32>} : memref<8x200x32xi32, #tpu.memory_space<vmem>>, vector<16xi32>,
          %shift_left3A_998 = arith.constant 16 : i32
          %shift_left3A_999 = vector.broadcast %shift_left3A_998 : i32 to vector<16xi32>
          %shift_left3A_1000 = arith.shli %get3A_997, %shift_left3A_999 : vector<16xi32>
          %bitcast3A_1001 = vector.bitcast %shift_left3A_1000 : vector<16xi32> to vector<16xf32>
          %bitcast3A_1002 = vector.bitcast %get3A_997 : vector<16xi32> to vector<16xf32>
          %add3A_1003 = arith.addf %add3A_939, %bitcast3A_1001 : vector<16xf32>
          %add3A_1004 = arith.addf %add3A_940, %bitcast3A_1002 : vector<16xf32>
          scf.yield %add3A_955, %add3A_956, %add3A_971, %add3A_972, %add3A_987, %add3A_988, %add3A_1003, %add3A_1004 : vector<16xf32>, vector<16xf32>, vector<16xf32>, vector<16xf32>, vector<16xf32>, vector<16xf32>, vector<16xf32>, vector<16xf32>
        }
        %scan3A_716 = arith.constant 25 : i32
        %add3A_717 = arith.addf %scan3A_715#0, %scan3A_715#4 : vector<16xf32>
        %add3A_718 = arith.addf %scan3A_715#1, %scan3A_715#5 : vector<16xf32>
        %add3A_719 = arith.addf %scan3A_715#2, %scan3A_715#6 : vector<16xf32>
        %add3A_720 = arith.addf %scan3A_715#3, %scan3A_715#7 : vector<16xf32>
        %swap3A_721 = arith.index_cast %rem3A_40 : i32 to index
        %swap3A_722 = arith.index_cast %add3A_686 : i32 to index
        %swap3A_723 = arith.constant 0 : index
        %swap3A_724 = tpu.vector_load %arg7[%swap3A_721, %swap3A_722, %swap3A_723] {strides = array<i32>} : memref<2x16x64xf32, #tpu.memory_space<vmem>>, vector<16xf32>,
        tpu.vector_store %arg7[%swap3A_721, %swap3A_722, %swap3A_723], %add3A_717 {strides = array<i32>} : memref<2x16x64xf32, #tpu.memory_space<vmem>>, vector<16xf32>,
        %swap3A_725 = arith.index_cast %rem3A_40 : i32 to index
        %swap3A_726 = arith.index_cast %add3A_686 : i32 to index
        %swap3A_727 = arith.constant 16 : index
        %swap3A_728 = tpu.vector_load %arg7[%swap3A_725, %swap3A_726, %swap3A_727] {strides = array<i32>} : memref<2x16x64xf32, #tpu.memory_space<vmem>>, vector<16xf32>,
        tpu.vector_store %arg7[%swap3A_725, %swap3A_726, %swap3A_727], %add3A_718 {strides = array<i32>} : memref<2x16x64xf32, #tpu.memory_space<vmem>>, vector<16xf32>,
        %swap3A_729 = arith.index_cast %rem3A_40 : i32 to index
        %swap3A_730 = arith.index_cast %add3A_686 : i32 to index
        %swap3A_731 = arith.constant 32 : index
        %swap3A_732 = tpu.vector_load %arg7[%swap3A_729, %swap3A_730, %swap3A_731] {strides = array<i32>} : memref<2x16x64xf32, #tpu.memory_space<vmem>>, vector<16xf32>,
        tpu.vector_store %arg7[%swap3A_729, %swap3A_730, %swap3A_731], %add3A_719 {strides = array<i32>} : memref<2x16x64xf32, #tpu.memory_space<vmem>>, vector<16xf32>,
        %swap3A_733 = arith.index_cast %rem3A_40 : i32 to index
        %swap3A_734 = arith.index_cast %add3A_686 : i32 to index
        %swap3A_735 = arith.constant 48 : index
        %swap3A_736 = tpu.vector_load %arg7[%swap3A_733, %swap3A_734, %swap3A_735] {strides = array<i32>} : memref<2x16x64xf32, #tpu.memory_space<vmem>>, vector<16xf32>,
        tpu.vector_store %arg7[%swap3A_733, %swap3A_734, %swap3A_735], %add3A_720 {strides = array<i32>} : memref<2x16x64xf32, #tpu.memory_space<vmem>>, vector<16xf32>,
        %lt3A_737 = arith.constant 1 : i32
        %lt3A_738 = arith.cmpi slt, %scan3A_270, %lt3A_737 : i32
        %convert_element_type3A_739 = arith.extui %lt3A_738 : i1 to i32
        %cond3A_740 = arith.constant 0 : i32
        %cond3A_741 = arith.cmpi ne, %convert_element_type3A_739, %cond3A_740 : i32
        scf.if %cond3A_741 {
          %add3A_743 = arith.constant 8 : i32
          %add3A_744 = arith.addi %add3A_686, %add3A_743 : i32
          %dma_start3A_745 = arith.constant 7 : i32
          %dma_start3A_746 = arith.constant 0 : i32
          %dma_start3A_747 = arith.constant 0 : i32
          %dma_start3A_748 = tpu.memref_slice %arg6[%dma_start3A_745, %dma_start3A_746, %dma_start3A_747] : memref<8x200x32xi32, #tpu.memory_space<vmem>> -> memref<1x128x32xi32, #tpu.memory_space<vmem>>
          %dma_start3A_749 = tpu.memref_squeeze %dma_start3A_748 : memref<1x128x32xi32, #tpu.memory_space<vmem>> -> memref<128x32xi32, #tpu.memory_space<vmem>>
          %dma_start3A_750 = arith.constant 0 : i32
          %dma_start3A_751 = tpu.memref_slice %arg5[%rem3A_40, %add3A_744, %dma_start3A_750] : memref<2x16x200xi32, #tpu.memory_space<vmem>> -> memref<1x1x128xi32, #tpu.memory_space<vmem>>
          %dma_start3A_752 = tpu.memref_squeeze %dma_start3A_751 : memref<1x1x128xi32, #tpu.memory_space<vmem>> -> memref<128xi32, #tpu.memory_space<vmem>>
          %dma_start3A_753 = arith.constant 0 : i32
          %dma_start3A_754 = arith.constant 0 : i32
          %dma_start3A_755 = tpu.memref_slice %arg3[%dma_start3A_753, %dma_start3A_754] : memref<1000000x32xi32, #tpu.memory_space<hbm>> -> memref<1000000x32xi32, #tpu.memory_space<hbm>>
          tpu.enqueue_indirect_dma source(%dma_start3A_755 : memref<1000000x32xi32, #tpu.memory_space<hbm>>) target(%dma_start3A_749 : memref<128x32xi32, #tpu.memory_space<vmem>>) offsets(%dma_start3A_752 : memref<128xi32, #tpu.memory_space<vmem>>) semaphore(%arg15 : memref<!tpu.dma_semaphore, #tpu.memory_space<semaphore_mem>>)
          %dma_start3A_756 = arith.constant 7 : i32
          %dma_start3A_757 = arith.constant 128 : i32
          %dma_start3A_758 = arith.constant 0 : i32
          %dma_start3A_759 = tpu.memref_slice %arg6[%dma_start3A_756, %dma_start3A_757, %dma_start3A_758] : memref<8x200x32xi32, #tpu.memory_space<vmem>> -> memref<1x72x32xi32, #tpu.memory_space<vmem>>
          %dma_start3A_760 = tpu.memref_squeeze %dma_start3A_759 : memref<1x72x32xi32, #tpu.memory_space<vmem>> -> memref<72x32xi32, #tpu.memory_space<vmem>>
          %dma_start3A_761 = arith.constant 128 : i32
          %dma_start3A_762 = tpu.memref_slice %arg5[%rem3A_40, %add3A_744, %dma_start3A_761] : memref<2x16x200xi32, #tpu.memory_space<vmem>> -> memref<1x1x72xi32, #tpu.memory_space<vmem>>
          %dma_start3A_763 = tpu.memref_squeeze %dma_start3A_762 : memref<1x1x72xi32, #tpu.memory_space<vmem>> -> memref<72xi32, #tpu.memory_space<vmem>>
          %dma_start3A_764 = arith.constant 0 : i32
          %dma_start3A_765 = arith.constant 0 : i32
          %dma_start3A_766 = tpu.memref_slice %arg3[%dma_start3A_764, %dma_start3A_765] : memref<1000000x32xi32, #tpu.memory_space<hbm>> -> memref<1000000x32xi32, #tpu.memory_space<hbm>>
          tpu.enqueue_indirect_dma source(%dma_start3A_766 : memref<1000000x32xi32, #tpu.memory_space<hbm>>) target(%dma_start3A_760 : memref<72x32xi32, #tpu.memory_space<vmem>>) offsets(%dma_start3A_763 : memref<72xi32, #tpu.memory_space<vmem>>) semaphore(%arg15 : memref<!tpu.dma_semaphore, #tpu.memory_space<semaphore_mem>>)
        } else {
        }
        %scan3A_742 = arith.constant 0 : i32
        scf.yield %scan3A_742 : i32
      }
      %scan3A_246 = arith.constant 2 : i32
      %mul3A_247 = arith.constant 16 : i32
      %mul3A_248 = arith.muli %scan3A_38, %mul3A_247 : i32
      %add3A_249 = arith.addi %mul3A_2, %mul3A_248 : i32
      %dma_start3A_250 = arith.constant 0 : i32
      %dma_start3A_251 = arith.constant 0 : i32
      %dma_start3A_252 = tpu.memref_slice %arg7[%rem3A_40, %dma_start3A_250, %dma_start3A_251] : memref<2x16x64xf32, #tpu.memory_space<vmem>> -> memref<1x16x64xf32, #tpu.memory_space<vmem>>
      %dma_start3A_253 = tpu.memref_squeeze %dma_start3A_252 : memref<1x16x64xf32, #tpu.memory_space<vmem>> -> memref<16x64xf32, #tpu.memory_space<vmem>>
      %dma_start3A_254 = arith.constant 0 : i32
      %dma_start3A_255 = tpu.memref_slice %arg4[%add3A_249, %dma_start3A_254] : memref<16384x64xf32, #tpu.memory_space<hbm>> -> memref<16x64xf32, #tpu.memory_space<hbm>>
      %dma_start3A_256 = arith.constant 0 : i32
      %dma_start3A_257 = tpu.memref_slice %arg4[%add3A_249, %dma_start3A_256] : memref<16384x64xf32, #tpu.memory_space<hbm>> -> memref<16x64xf32, #tpu.memory_space<hbm>>
      %dma_start3A_258 = arith.constant 0 : i32
      %dma_start3A_259 = arith.constant 0 : i32
      %dma_start3A_260 = tpu.memref_slice %arg7[%rem3A_40, %dma_start3A_258, %dma_start3A_259] : memref<2x16x64xf32, #tpu.memory_space<vmem>> -> memref<1x16x64xf32, #tpu.memory_space<vmem>>
      %dma_start3A_261 = tpu.memref_squeeze %dma_start3A_260 : memref<1x16x64xf32, #tpu.memory_space<vmem>> -> memref<16x64xf32, #tpu.memory_space<vmem>>
      tpu.enqueue_dma source(%dma_start3A_261 : memref<16x64xf32, #tpu.memory_space<vmem>>) target(%dma_start3A_257 : memref<16x64xf32, #tpu.memory_space<hbm>>) target_semaphore(%arg17 : memref<!tpu.dma_semaphore, #tpu.memory_space<semaphore_mem>>)
      %add3A_262 = arith.constant 1 : i32
      %add3A_263 = arith.addi %scan3A_38, %add3A_262 : i32
      %lt3A_264 = arith.constant 32 : i32
      %lt3A_265 = arith.cmpi slt, %add3A_263, %lt3A_264 : i32
      %convert_element_type3A_266 = arith.extui %lt3A_265 : i1 to i32
      %cond3A_267 = arith.constant 0 : i32
      %cond3A_268 = arith.cmpi ne, %convert_element_type3A_266, %cond3A_267 : i32
      scf.if %cond3A_268 {
        %sub3A = arith.constant 1 : i32
        %sub3A_270 = arith.subi %sub3A, %rem3A_40 : i32
        %add3A_271 = arith.constant 1 : i32
        %add3A_272 = arith.addi %scan3A_38, %add3A_271 : i32
        %mul3A_273 = arith.constant 16 : i32
        %mul3A_274 = arith.muli %add3A_272, %mul3A_273 : i32
        %add3A_275 = arith.addi %mul3A_2, %mul3A_274 : i32
        %dma_wait3A_276 = arith.constant 0 : i32
        %dma_wait3A_277 = arith.constant 0 : i32
        %dma_wait3A_278 = tpu.memref_slice %arg5[%sub3A_270, %dma_wait3A_276, %dma_wait3A_277] : memref<2x16x200xi32, #tpu.memory_space<vmem>> -> memref<1x16x200xi32, #tpu.memory_space<vmem>>
        %dma_wait3A_279 = tpu.memref_squeeze %dma_wait3A_278 : memref<1x16x200xi32, #tpu.memory_space<vmem>> -> memref<16x200xi32, #tpu.memory_space<vmem>>
        %dma_wait3A_280 = arith.constant 0 : i32
        %dma_wait3A_281 = tpu.memref_slice %arg2[%add3A_275, %dma_wait3A_280] : memref<16384x200xi32, #tpu.memory_space<hbm>> -> memref<16x200xi32, #tpu.memory_space<hbm>>
        %dma_wait3A_282 = arith.constant 0 : i32
        %dma_wait3A_283 = arith.constant 0 : i32
        %dma_wait3A_284 = tpu.memref_slice %arg5[%sub3A_270, %dma_wait3A_282, %dma_wait3A_283] : memref<2x16x200xi32, #tpu.memory_space<vmem>> -> memref<1x16x200xi32, #tpu.memory_space<vmem>>
        %dma_wait3A_285 = tpu.memref_squeeze %dma_wait3A_284 : memref<1x16x200xi32, #tpu.memory_space<vmem>> -> memref<16x200xi32, #tpu.memory_space<vmem>>
        %dma_wait3A_286 = arith.constant 0 : i32
        %dma_wait3A_287 = tpu.memref_slice %arg2[%add3A_275, %dma_wait3A_286] : memref<16384x200xi32, #tpu.memory_space<hbm>> -> memref<16x200xi32, #tpu.memory_space<hbm>>
        tpu.wait_dma2 semaphore(%arg16 : memref<!tpu.dma_semaphore, #tpu.memory_space<semaphore_mem>>) src(%dma_wait3A_287 : memref<16x200xi32, #tpu.memory_space<hbm>>) dst(%dma_wait3A_285 : memref<16x200xi32, #tpu.memory_space<vmem>>)
      } else {
      }
      %scan3A_269 = arith.constant 0 : i32
      scf.yield %scan3A_269 : i32
    }
    %scan3A_8 = arith.constant 32 : i32
    %add3A_9 = arith.constant 480 : i32
    %add3A_10 = arith.addi %mul3A_2, %add3A_9 : i32
    %dma_wait3A = arith.constant 0 : i32
    %dma_wait3A_11 = arith.constant 0 : i32
    %dma_wait3A_12 = arith.constant 0 : i32
    %dma_wait3A_13 = tpu.memref_slice %arg7[%dma_wait3A, %dma_wait3A_11, %dma_wait3A_12] : memref<2x16x64xf32, #tpu.memory_space<vmem>> -> memref<1x16x64xf32, #tpu.memory_space<vmem>>
    %dma_wait3A_14 = tpu.memref_squeeze %dma_wait3A_13 : memref<1x16x64xf32, #tpu.memory_space<vmem>> -> memref<16x64xf32, #tpu.memory_space<vmem>>
    %dma_wait3A_15 = arith.constant 0 : i32
    %dma_wait3A_16 = tpu.memref_slice %arg4[%add3A_10, %dma_wait3A_15] : memref<16384x64xf32, #tpu.memory_space<hbm>> -> memref<16x64xf32, #tpu.memory_space<hbm>>
    %dma_wait3A_17 = arith.constant 0 : i32
    %dma_wait3A_18 = tpu.memref_slice %arg4[%add3A_10, %dma_wait3A_17] : memref<16384x64xf32, #tpu.memory_space<hbm>> -> memref<16x64xf32, #tpu.memory_space<hbm>>
    %dma_wait3A_19 = arith.constant 0 : i32
    %dma_wait3A_20 = arith.constant 0 : i32
    %dma_wait3A_21 = tpu.memref_slice %arg7[%dma_wait3A, %dma_wait3A_19, %dma_wait3A_20] : memref<2x16x64xf32, #tpu.memory_space<vmem>> -> memref<1x16x64xf32, #tpu.memory_space<vmem>>
    %dma_wait3A_22 = tpu.memref_squeeze %dma_wait3A_21 : memref<1x16x64xf32, #tpu.memory_space<vmem>> -> memref<16x64xf32, #tpu.memory_space<vmem>>
    tpu.wait_dma2 semaphore(%arg17 : memref<!tpu.dma_semaphore, #tpu.memory_space<semaphore_mem>>) src(%dma_wait3A_22 : memref<16x64xf32, #tpu.memory_space<vmem>>) dst(%dma_wait3A_18 : memref<16x64xf32, #tpu.memory_space<hbm>>)
    %add3A_23 = arith.constant 496 : i32
    %add3A_24 = arith.addi %mul3A_2, %add3A_23 : i32
    %dma_wait3A_25 = arith.constant 1 : i32
    %dma_wait3A_26 = arith.constant 0 : i32
    %dma_wait3A_27 = arith.constant 0 : i32
    %dma_wait3A_28 = tpu.memref_slice %arg7[%dma_wait3A_25, %dma_wait3A_26, %dma_wait3A_27] : memref<2x16x64xf32, #tpu.memory_space<vmem>> -> memref<1x16x64xf32, #tpu.memory_space<vmem>>
    %dma_wait3A_29 = tpu.memref_squeeze %dma_wait3A_28 : memref<1x16x64xf32, #tpu.memory_space<vmem>> -> memref<16x64xf32, #tpu.memory_space<vmem>>
    %dma_wait3A_30 = arith.constant 0 : i32
    %dma_wait3A_31 = tpu.memref_slice %arg4[%add3A_24, %dma_wait3A_30] : memref<16384x64xf32, #tpu.memory_space<hbm>> -> memref<16x64xf32, #tpu.memory_space<hbm>>
    %dma_wait3A_32 = arith.constant 0 : i32
    %dma_wait3A_33 = tpu.memref_slice %arg4[%add3A_24, %dma_wait3A_32] : memref<16384x64xf32, #tpu.memory_space<hbm>> -> memref<16x64xf32, #tpu.memory_space<hbm>>
    %dma_wait3A_34 = arith.constant 0 : i32
    %dma_wait3A_35 = arith.constant 0 : i32
    %dma_wait3A_36 = tpu.memref_slice %arg7[%dma_wait3A_25, %dma_wait3A_34, %dma_wait3A_35] : memref<2x16x64xf32, #tpu.memory_space<vmem>> -> memref<1x16x64xf32, #tpu.memory_space<vmem>>
    %dma_wait3A_37 = tpu.memref_squeeze %dma_wait3A_36 : memref<1x16x64xf32, #tpu.memory_space<vmem>> -> memref<16x64xf32, #tpu.memory_space<vmem>>
    tpu.wait_dma2 semaphore(%arg17 : memref<!tpu.dma_semaphore, #tpu.memory_space<semaphore_mem>>) src(%dma_wait3A_37 : memref<16x64xf32, #tpu.memory_space<vmem>>) dst(%dma_wait3A_33 : memref<16x64xf32, #tpu.memory_space<hbm>>)
    return
  }
}

module attributes {stable_mosaic.version = 14 : i64} {
  func.func @_repack_body(%arg0: i32, %arg1: memref<8x2048xf32, #tpu.memory_space<vmem>>, %arg2: memref<8x2048xf32, #tpu.memory_space<vmem>>, %arg3: memref<8x2048xf32, #tpu.memory_space<vmem>>, %arg4: memref<8x2048xf32, #tpu.memory_space<vmem>>, %arg5: memref<8x2048xf32, #tpu.memory_space<vmem>>, %arg6: memref<8x2048xf32, #tpu.memory_space<vmem>>, %arg7: memref<8x2048xf32, #tpu.memory_space<vmem>>, %arg8: memref<8x2048xf32, #tpu.memory_space<vmem>>, %arg9: memref<512x128xi32, #tpu.memory_space<vmem>>) attributes {dimension_semantics = [#tpu.dimension_semantics<arbitrary>], iteration_bounds = array<i64: 489>, scalar_prefetch = 0 : i64, scratch_operands = 0 : i64, tpu.core_type = #tpu.core_type<tc>, window_params = [{transform_indices = @transform_0, window_bounds = array<i64: 8, 2048>}, {transform_indices = @transform_1, window_bounds = array<i64: 8, 2048>}, {transform_indices = @transform_2, window_bounds = array<i64: 8, 2048>}, {transform_indices = @transform_3, window_bounds = array<i64: 8, 2048>}, {transform_indices = @transform_4, window_bounds = array<i64: 8, 2048>}, {transform_indices = @transform_5, window_bounds = array<i64: 8, 2048>}, {transform_indices = @transform_6, window_bounds = array<i64: 8, 2048>}, {transform_indices = @transform_7, window_bounds = array<i64: 8, 2048>}, {transform_indices = @transform_8, window_bounds = array<i64: 512, 128>}]} {
    %get3A = arith.constant 0 : index
    %get3A_0 = arith.constant 0 : index
    %get3A_1 = vector.load %arg1[%get3A, %get3A_0] : memref<8x2048xf32, #tpu.memory_space<vmem>>, vector<8x2048xf32>
    %get3A_2 = arith.constant 0 : index
    %get3A_3 = arith.constant 0 : index
    %get3A_4 = vector.load %arg2[%get3A_2, %get3A_3] : memref<8x2048xf32, #tpu.memory_space<vmem>>, vector<8x2048xf32>
    %get3A_5 = arith.constant 0 : index
    %get3A_6 = arith.constant 0 : index
    %get3A_7 = vector.load %arg3[%get3A_5, %get3A_6] : memref<8x2048xf32, #tpu.memory_space<vmem>>, vector<8x2048xf32>
    %get3A_8 = arith.constant 0 : index
    %get3A_9 = arith.constant 0 : index
    %get3A_10 = vector.load %arg4[%get3A_8, %get3A_9] : memref<8x2048xf32, #tpu.memory_space<vmem>>, vector<8x2048xf32>
    %get3A_11 = arith.constant 0 : index
    %get3A_12 = arith.constant 0 : index
    %get3A_13 = vector.load %arg5[%get3A_11, %get3A_12] : memref<8x2048xf32, #tpu.memory_space<vmem>>, vector<8x2048xf32>
    %get3A_14 = arith.constant 0 : index
    %get3A_15 = arith.constant 0 : index
    %get3A_16 = vector.load %arg6[%get3A_14, %get3A_15] : memref<8x2048xf32, #tpu.memory_space<vmem>>, vector<8x2048xf32>
    %get3A_17 = arith.constant 0 : index
    %get3A_18 = arith.constant 0 : index
    %get3A_19 = vector.load %arg7[%get3A_17, %get3A_18] : memref<8x2048xf32, #tpu.memory_space<vmem>>, vector<8x2048xf32>
    %get3A_20 = arith.constant 0 : index
    %get3A_21 = arith.constant 0 : index
    %get3A_22 = vector.load %arg8[%get3A_20, %get3A_21] : memref<8x2048xf32, #tpu.memory_space<vmem>>, vector<8x2048xf32>
    %concatenate3A = tpu.concatenate %get3A_1, %get3A_4, %get3A_7, %get3A_10, %get3A_13, %get3A_16, %get3A_19, %get3A_22 in 0 : vector<8x2048xf32>, vector<8x2048xf32>, vector<8x2048xf32>, vector<8x2048xf32>, vector<8x2048xf32>, vector<8x2048xf32>, vector<8x2048xf32>, vector<8x2048xf32> -> vector<64x2048xf32>
    %iota3A = tpu.iota {dimensions = array<i32: 0>} : vector<128x128xi32>
    %iota3A_23 = tpu.iota {dimensions = array<i32: 1>} : vector<128x128xi32>
    %jit3A = arith.constant 32 : i32
    %eq3A = arith.constant 0 : i32
    %eq3A_24 = arith.cmpi eq, %jit3A, %eq3A : i32
    %jit3A_25 = arith.constant 1 : i32
    %select_n3A = arith.select %eq3A_24, %jit3A_25, %jit3A : i32
    %rem3A = vector.broadcast %select_n3A : i32 to vector<128x128xi32>
    %rem3A_26 = arith.remsi %iota3A, %rem3A : vector<128x128xi32>
    %ne3A = arith.constant 0 : i32
    %ne3A_27 = vector.broadcast %ne3A : i32 to vector<128x128xi32>
    %ne3A_28 = arith.cmpi ne, %rem3A_26, %ne3A_27 : vector<128x128xi32>
    %lt3A = arith.constant 0 : i32
    %lt3A_29 = vector.broadcast %lt3A : i32 to vector<128x128xi32>
    %lt3A_30 = arith.cmpi slt, %rem3A_26, %lt3A_29 : vector<128x128xi32>
    %lt3A_31 = arith.constant 0 : i32
    %lt3A_32 = arith.cmpi slt, %select_n3A, %lt3A_31 : i32
    %ne3A_33 = vector.broadcast %lt3A_32 : i1 to vector<128x128xi1>
    %ne3A_34 = vector.broadcast %ne3A_33 : vector<128x128xi1> to vector<128x128xi1>
    %ne3A_35 = arith.xori %lt3A_30, %ne3A_34 : vector<128x128xi1>
    %and3A = arith.andi %ne3A_35, %ne3A_28 : vector<128x128xi1>
    %add3A = vector.broadcast %select_n3A : i32 to vector<128x128xi32>
    %add3A_36 = arith.addi %rem3A_26, %add3A : vector<128x128xi32>
    %select_n3A_37 = arith.select %and3A, %add3A_36, %rem3A_26 : vector<128x128xi1>, vector<128x128xi32>
    %mul3A = arith.constant 4 : i32
    %mul3A_38 = vector.broadcast %mul3A : i32 to vector<128x128xi32>
    %mul3A_39 = arith.muli %mul3A_38, %select_n3A_37 : vector<128x128xi32>
    %jit3A_40 = arith.constant 32 : i32
    %div3A = vector.broadcast %jit3A_40 : i32 to vector<128x128xi32>
    %div3A_41 = arith.divsi %iota3A, %div3A : vector<128x128xi32>
    %sign3A = arith.constant 0 : i32
    %sign3A_42 = vector.broadcast %sign3A : i32 to vector<128x128xi32>
    %sign3A_43 = arith.cmpi sgt, %iota3A, %sign3A_42 : vector<128x128xi32>
    %sign3A_44 = arith.extui %sign3A_43 : vector<128x128xi1> to vector<128x128xi32>
    %sign3A_45 = arith.constant 0 : i32
    %sign3A_46 = vector.broadcast %sign3A_45 : i32 to vector<128x128xi32>
    %sign3A_47 = arith.cmpi slt, %iota3A, %sign3A_46 : vector<128x128xi32>
    %sign3A_48 = arith.extui %sign3A_47 : vector<128x128xi1> to vector<128x128xi32>
    %sign3A_49 = arith.subi %sign3A_44, %sign3A_48 : vector<128x128xi32>
    %sign3A_50 = arith.constant 0 : i32
    %sign3A_51 = arith.cmpi sgt, %jit3A_40, %sign3A_50 : i32
    %sign3A_52 = arith.extui %sign3A_51 : i1 to i32
    %sign3A_53 = arith.constant 0 : i32
    %sign3A_54 = arith.cmpi slt, %jit3A_40, %sign3A_53 : i32
    %sign3A_55 = arith.extui %sign3A_54 : i1 to i32
    %sign3A_56 = arith.subi %sign3A_52, %sign3A_55 : i32
    %ne3A_57 = vector.broadcast %sign3A_56 : i32 to vector<128x128xi32>
    %ne3A_58 = arith.cmpi ne, %sign3A_49, %ne3A_57 : vector<128x128xi32>
    %rem3A_59 = vector.broadcast %jit3A_40 : i32 to vector<128x128xi32>
    %rem3A_60 = arith.remsi %iota3A, %rem3A_59 : vector<128x128xi32>
    %ne3A_61 = arith.constant 0 : i32
    %ne3A_62 = vector.broadcast %ne3A_61 : i32 to vector<128x128xi32>
    %ne3A_63 = arith.cmpi ne, %rem3A_60, %ne3A_62 : vector<128x128xi32>
    %and3A_64 = arith.andi %ne3A_58, %ne3A_63 : vector<128x128xi1>
    %sub3A = arith.constant 1 : i32
    %sub3A_65 = vector.broadcast %sub3A : i32 to vector<128x128xi32>
    %sub3A_66 = arith.subi %div3A_41, %sub3A_65 : vector<128x128xi32>
    %select_n3A_67 = arith.select %and3A_64, %sub3A_66, %div3A_41 : vector<128x128xi1>, vector<128x128xi32>
    %add3A_68 = arith.addi %mul3A_39, %select_n3A_67 : vector<128x128xi32>
    %eq3A_69 = arith.cmpi eq, %iota3A_23, %add3A_68 : vector<128x128xi32>
    %convert_element_type3A = arith.extui %eq3A_69 : vector<128x128xi1> to vector<128x128xi32>
    %convert_element_type3A_70 = arith.sitofp %convert_element_type3A : vector<128x128xi32> to vector<128x128xf32>
    %mul3A_71 = arith.constant 1.000000e+00 : f32
    %mul3A_72 = vector.broadcast %mul3A_71 : f32 to vector<128x128xf32>
    %mul3A_73 = arith.mulf %mul3A_72, %convert_element_type3A_70 : vector<128x128xf32>
    %slice3A = vector.extract_strided_slice %concatenate3A {offsets = [0, 0], sizes = [64, 128], strides = [1, 1]} : vector<64x2048xf32> to vector<64x128xf32>
    %dot_general3A = arith.constant dense<0.000000e+00> : vector<128x64xf32>
    %dot_general3A_74 = tpu.matmul %mul3A_73, %slice3A, %dot_general3A {dimension_numbers = #tpu.dot_dimension_numbers<[1], [1], [0], [0], [0, 0, 1, 0], [], []>, transpose_lhs_hint = false} : vector<128x128xf32>, vector<64x128xf32>, vector<128x64xf32> -> vector<128x64xf32>
    %convert_element_type3A_75 = arith.truncf %dot_general3A_74 : vector<128x64xf32> to vector<128x64xbf16>
    %bitcast_convert_type3A = tpu.bitcast %convert_element_type3A_75 : vector<128x64xbf16> -> vector<128x64xi16>
    %slice3A_76 = vector.extract_strided_slice %bitcast_convert_type3A {offsets = [0, 0], sizes = [128, 32], strides = [1, 1]} : vector<128x64xi16> to vector<128x32xi16>
    %convert_element_type3A_77 = arith.extui %slice3A_76 : vector<128x32xi16> to vector<128x32xi32>
    %slice3A_78 = vector.extract_strided_slice %bitcast_convert_type3A {offsets = [0, 32], sizes = [128, 32], strides = [1, 1]} : vector<128x64xi16> to vector<128x32xi16>
    %convert_element_type3A_79 = arith.extui %slice3A_78 : vector<128x32xi16> to vector<128x32xi32>
    %shift_left3A = arith.constant 16 : i32
    %shift_left3A_80 = vector.broadcast %shift_left3A : i32 to vector<128x32xi32>
    %shift_left3A_81 = arith.shli %convert_element_type3A_79, %shift_left3A_80 : vector<128x32xi32>
    %or3A = arith.ori %convert_element_type3A_77, %shift_left3A_81 : vector<128x32xi32>
    %slice3A_82 = vector.extract_strided_slice %or3A {offsets = [0, 0], sizes = [32, 32], strides = [1, 1]} : vector<128x32xi32> to vector<32x32xi32>
    %swap3A = arith.constant 0 : index
    %swap3A_83 = arith.constant 0 : index
    %swap3A_84 = vector.load %arg9[%swap3A, %swap3A_83] : memref<512x128xi32, #tpu.memory_space<vmem>>, vector<32x32xi32>
    tpu.vector_store %arg9[%swap3A, %swap3A_83], %slice3A_82 {strides = array<i32>} : memref<512x128xi32, #tpu.memory_space<vmem>>, vector<32x32xi32>,
    %slice3A_85 = vector.extract_strided_slice %or3A {offsets = [32, 0], sizes = [32, 32], strides = [1, 1]} : vector<128x32xi32> to vector<32x32xi32>
    %swap3A_86 = arith.constant 0 : index
    %swap3A_87 = arith.constant 32 : index
    %swap3A_88 = vector.load %arg9[%swap3A_86, %swap3A_87] : memref<512x128xi32, #tpu.memory_space<vmem>>, vector<32x32xi32>
    tpu.vector_store %arg9[%swap3A_86, %swap3A_87], %slice3A_85 {strides = array<i32>} : memref<512x128xi32, #tpu.memory_space<vmem>>, vector<32x32xi32>,
    %slice3A_89 = vector.extract_strided_slice %or3A {offsets = [64, 0], sizes = [32, 32], strides = [1, 1]} : vector<128x32xi32> to vector<32x32xi32>
    %swap3A_90 = arith.constant 0 : index
    %swap3A_91 = arith.constant 64 : index
    %swap3A_92 = vector.load %arg9[%swap3A_90, %swap3A_91] : memref<512x128xi32, #tpu.memory_space<vmem>>, vector<32x32xi32>
    tpu.vector_store %arg9[%swap3A_90, %swap3A_91], %slice3A_89 {strides = array<i32>} : memref<512x128xi32, #tpu.memory_space<vmem>>, vector<32x32xi32>,
    %slice3A_93 = vector.extract_strided_slice %or3A {offsets = [96, 0], sizes = [32, 32], strides = [1, 1]} : vector<128x32xi32> to vector<32x32xi32>
    %swap3A_94 = arith.constant 0 : index
    %swap3A_95 = arith.constant 96 : index
    %swap3A_96 = vector.load %arg9[%swap3A_94, %swap3A_95] : memref<512x128xi32, #tpu.memory_space<vmem>>, vector<32x32xi32>
    tpu.vector_store %arg9[%swap3A_94, %swap3A_95], %slice3A_93 {strides = array<i32>} : memref<512x128xi32, #tpu.memory_space<vmem>>, vector<32x32xi32>,
    %slice3A_97 = vector.extract_strided_slice %concatenate3A {offsets = [0, 128], sizes = [64, 128], strides = [1, 1]} : vector<64x2048xf32> to vector<64x128xf32>
    %dot_general3A_98 = arith.constant dense<0.000000e+00> : vector<128x64xf32>
    %dot_general3A_99 = tpu.matmul %mul3A_73, %slice3A_97, %dot_general3A_98 {dimension_numbers = #tpu.dot_dimension_numbers<[1], [1], [0], [0], [0, 0, 1, 0], [], []>, transpose_lhs_hint = false} : vector<128x128xf32>, vector<64x128xf32>, vector<128x64xf32> -> vector<128x64xf32>
    %convert_element_type3A_100 = arith.truncf %dot_general3A_99 : vector<128x64xf32> to vector<128x64xbf16>
    %bitcast_convert_type3A_101 = tpu.bitcast %convert_element_type3A_100 : vector<128x64xbf16> -> vector<128x64xi16>
    %slice3A_102 = vector.extract_strided_slice %bitcast_convert_type3A_101 {offsets = [0, 0], sizes = [128, 32], strides = [1, 1]} : vector<128x64xi16> to vector<128x32xi16>
    %convert_element_type3A_103 = arith.extui %slice3A_102 : vector<128x32xi16> to vector<128x32xi32>
    %slice3A_104 = vector.extract_strided_slice %bitcast_convert_type3A_101 {offsets = [0, 32], sizes = [128, 32], strides = [1, 1]} : vector<128x64xi16> to vector<128x32xi16>
    %convert_element_type3A_105 = arith.extui %slice3A_104 : vector<128x32xi16> to vector<128x32xi32>
    %shift_left3A_106 = arith.constant 16 : i32
    %shift_left3A_107 = vector.broadcast %shift_left3A_106 : i32 to vector<128x32xi32>
    %shift_left3A_108 = arith.shli %convert_element_type3A_105, %shift_left3A_107 : vector<128x32xi32>
    %or3A_109 = arith.ori %convert_element_type3A_103, %shift_left3A_108 : vector<128x32xi32>
    %slice3A_110 = vector.extract_strided_slice %or3A_109 {offsets = [0, 0], sizes = [32, 32], strides = [1, 1]} : vector<128x32xi32> to vector<32x32xi32>
    %swap3A_111 = arith.constant 32 : index
    %swap3A_112 = arith.constant 0 : index
    %swap3A_113 = vector.load %arg9[%swap3A_111, %swap3A_112] : memref<512x128xi32, #tpu.memory_space<vmem>>, vector<32x32xi32>
    tpu.vector_store %arg9[%swap3A_111, %swap3A_112], %slice3A_110 {strides = array<i32>} : memref<512x128xi32, #tpu.memory_space<vmem>>, vector<32x32xi32>,
    %slice3A_114 = vector.extract_strided_slice %or3A_109 {offsets = [32, 0], sizes = [32, 32], strides = [1, 1]} : vector<128x32xi32> to vector<32x32xi32>
    %swap3A_115 = arith.constant 32 : index
    %swap3A_116 = arith.constant 32 : index
    %swap3A_117 = vector.load %arg9[%swap3A_115, %swap3A_116] : memref<512x128xi32, #tpu.memory_space<vmem>>, vector<32x32xi32>
    tpu.vector_store %arg9[%swap3A_115, %swap3A_116], %slice3A_114 {strides = array<i32>} : memref<512x128xi32, #tpu.memory_space<vmem>>, vector<32x32xi32>,
    %slice3A_118 = vector.extract_strided_slice %or3A_109 {offsets = [64, 0], sizes = [32, 32], strides = [1, 1]} : vector<128x32xi32> to vector<32x32xi32>
    %swap3A_119 = arith.constant 32 : index
    %swap3A_120 = arith.constant 64 : index
    %swap3A_121 = vector.load %arg9[%swap3A_119, %swap3A_120] : memref<512x128xi32, #tpu.memory_space<vmem>>, vector<32x32xi32>
    tpu.vector_store %arg9[%swap3A_119, %swap3A_120], %slice3A_118 {strides = array<i32>} : memref<512x128xi32, #tpu.memory_space<vmem>>, vector<32x32xi32>,
    %slice3A_122 = vector.extract_strided_slice %or3A_109 {offsets = [96, 0], sizes = [32, 32], strides = [1, 1]} : vector<128x32xi32> to vector<32x32xi32>
    %swap3A_123 = arith.constant 32 : index
    %swap3A_124 = arith.constant 96 : index
    %swap3A_125 = vector.load %arg9[%swap3A_123, %swap3A_124] : memref<512x128xi32, #tpu.memory_space<vmem>>, vector<32x32xi32>
    tpu.vector_store %arg9[%swap3A_123, %swap3A_124], %slice3A_122 {strides = array<i32>} : memref<512x128xi32, #tpu.memory_space<vmem>>, vector<32x32xi32>,
    %slice3A_126 = vector.extract_strided_slice %concatenate3A {offsets = [0, 256], sizes = [64, 128], strides = [1, 1]} : vector<64x2048xf32> to vector<64x128xf32>
    %dot_general3A_127 = arith.constant dense<0.000000e+00> : vector<128x64xf32>
    %dot_general3A_128 = tpu.matmul %mul3A_73, %slice3A_126, %dot_general3A_127 {dimension_numbers = #tpu.dot_dimension_numbers<[1], [1], [0], [0], [0, 0, 1, 0], [], []>, transpose_lhs_hint = false} : vector<128x128xf32>, vector<64x128xf32>, vector<128x64xf32> -> vector<128x64xf32>
    %convert_element_type3A_129 = arith.truncf %dot_general3A_128 : vector<128x64xf32> to vector<128x64xbf16>
    %bitcast_convert_type3A_130 = tpu.bitcast %convert_element_type3A_129 : vector<128x64xbf16> -> vector<128x64xi16>
    %slice3A_131 = vector.extract_strided_slice %bitcast_convert_type3A_130 {offsets = [0, 0], sizes = [128, 32], strides = [1, 1]} : vector<128x64xi16> to vector<128x32xi16>
    %convert_element_type3A_132 = arith.extui %slice3A_131 : vector<128x32xi16> to vector<128x32xi32>
    %slice3A_133 = vector.extract_strided_slice %bitcast_convert_type3A_130 {offsets = [0, 32], sizes = [128, 32], strides = [1, 1]} : vector<128x64xi16> to vector<128x32xi16>
    %convert_element_type3A_134 = arith.extui %slice3A_133 : vector<128x32xi16> to vector<128x32xi32>
    %shift_left3A_135 = arith.constant 16 : i32
    %shift_left3A_136 = vector.broadcast %shift_left3A_135 : i32 to vector<128x32xi32>
    %shift_left3A_137 = arith.shli %convert_element_type3A_134, %shift_left3A_136 : vector<128x32xi32>
    %or3A_138 = arith.ori %convert_element_type3A_132, %shift_left3A_137 : vector<128x32xi32>
    %slice3A_139 = vector.extract_strided_slice %or3A_138 {offsets = [0, 0], sizes = [32, 32], strides = [1, 1]} : vector<128x32xi32> to vector<32x32xi32>
    %swap3A_140 = arith.constant 64 : index
    %swap3A_141 = arith.constant 0 : index
    %swap3A_142 = vector.load %arg9[%swap3A_140, %swap3A_141] : memref<512x128xi32, #tpu.memory_space<vmem>>, vector<32x32xi32>
    tpu.vector_store %arg9[%swap3A_140, %swap3A_141], %slice3A_139 {strides = array<i32>} : memref<512x128xi32, #tpu.memory_space<vmem>>, vector<32x32xi32>,
    %slice3A_143 = vector.extract_strided_slice %or3A_138 {offsets = [32, 0], sizes = [32, 32], strides = [1, 1]} : vector<128x32xi32> to vector<32x32xi32>
    %swap3A_144 = arith.constant 64 : index
    %swap3A_145 = arith.constant 32 : index
    %swap3A_146 = vector.load %arg9[%swap3A_144, %swap3A_145] : memref<512x128xi32, #tpu.memory_space<vmem>>, vector<32x32xi32>
    tpu.vector_store %arg9[%swap3A_144, %swap3A_145], %slice3A_143 {strides = array<i32>} : memref<512x128xi32, #tpu.memory_space<vmem>>, vector<32x32xi32>,
    %slice3A_147 = vector.extract_strided_slice %or3A_138 {offsets = [64, 0], sizes = [32, 32], strides = [1, 1]} : vector<128x32xi32> to vector<32x32xi32>
    %swap3A_148 = arith.constant 64 : index
    %swap3A_149 = arith.constant 64 : index
    %swap3A_150 = vector.load %arg9[%swap3A_148, %swap3A_149] : memref<512x128xi32, #tpu.memory_space<vmem>>, vector<32x32xi32>
    tpu.vector_store %arg9[%swap3A_148, %swap3A_149], %slice3A_147 {strides = array<i32>} : memref<512x128xi32, #tpu.memory_space<vmem>>, vector<32x32xi32>,
    %slice3A_151 = vector.extract_strided_slice %or3A_138 {offsets = [96, 0], sizes = [32, 32], strides = [1, 1]} : vector<128x32xi32> to vector<32x32xi32>
    %swap3A_152 = arith.constant 64 : index
    %swap3A_153 = arith.constant 96 : index
    %swap3A_154 = vector.load %arg9[%swap3A_152, %swap3A_153] : memref<512x128xi32, #tpu.memory_space<vmem>>, vector<32x32xi32>
    tpu.vector_store %arg9[%swap3A_152, %swap3A_153], %slice3A_151 {strides = array<i32>} : memref<512x128xi32, #tpu.memory_space<vmem>>, vector<32x32xi32>,
    %slice3A_155 = vector.extract_strided_slice %concatenate3A {offsets = [0, 384], sizes = [64, 128], strides = [1, 1]} : vector<64x2048xf32> to vector<64x128xf32>
    %dot_general3A_156 = arith.constant dense<0.000000e+00> : vector<128x64xf32>
    %dot_general3A_157 = tpu.matmul %mul3A_73, %slice3A_155, %dot_general3A_156 {dimension_numbers = #tpu.dot_dimension_numbers<[1], [1], [0], [0], [0, 0, 1, 0], [], []>, transpose_lhs_hint = false} : vector<128x128xf32>, vector<64x128xf32>, vector<128x64xf32> -> vector<128x64xf32>
    %convert_element_type3A_158 = arith.truncf %dot_general3A_157 : vector<128x64xf32> to vector<128x64xbf16>
    %bitcast_convert_type3A_159 = tpu.bitcast %convert_element_type3A_158 : vector<128x64xbf16> -> vector<128x64xi16>
    %slice3A_160 = vector.extract_strided_slice %bitcast_convert_type3A_159 {offsets = [0, 0], sizes = [128, 32], strides = [1, 1]} : vector<128x64xi16> to vector<128x32xi16>
    %convert_element_type3A_161 = arith.extui %slice3A_160 : vector<128x32xi16> to vector<128x32xi32>
    %slice3A_162 = vector.extract_strided_slice %bitcast_convert_type3A_159 {offsets = [0, 32], sizes = [128, 32], strides = [1, 1]} : vector<128x64xi16> to vector<128x32xi16>
    %convert_element_type3A_163 = arith.extui %slice3A_162 : vector<128x32xi16> to vector<128x32xi32>
    %shift_left3A_164 = arith.constant 16 : i32
    %shift_left3A_165 = vector.broadcast %shift_left3A_164 : i32 to vector<128x32xi32>
    %shift_left3A_166 = arith.shli %convert_element_type3A_163, %shift_left3A_165 : vector<128x32xi32>
    %or3A_167 = arith.ori %convert_element_type3A_161, %shift_left3A_166 : vector<128x32xi32>
    %slice3A_168 = vector.extract_strided_slice %or3A_167 {offsets = [0, 0], sizes = [32, 32], strides = [1, 1]} : vector<128x32xi32> to vector<32x32xi32>
    %swap3A_169 = arith.constant 96 : index
    %swap3A_170 = arith.constant 0 : index
    %swap3A_171 = vector.load %arg9[%swap3A_169, %swap3A_170] : memref<512x128xi32, #tpu.memory_space<vmem>>, vector<32x32xi32>
    tpu.vector_store %arg9[%swap3A_169, %swap3A_170], %slice3A_168 {strides = array<i32>} : memref<512x128xi32, #tpu.memory_space<vmem>>, vector<32x32xi32>,
    %slice3A_172 = vector.extract_strided_slice %or3A_167 {offsets = [32, 0], sizes = [32, 32], strides = [1, 1]} : vector<128x32xi32> to vector<32x32xi32>
    %swap3A_173 = arith.constant 96 : index
    %swap3A_174 = arith.constant 32 : index
    %swap3A_175 = vector.load %arg9[%swap3A_173, %swap3A_174] : memref<512x128xi32, #tpu.memory_space<vmem>>, vector<32x32xi32>
    tpu.vector_store %arg9[%swap3A_173, %swap3A_174], %slice3A_172 {strides = array<i32>} : memref<512x128xi32, #tpu.memory_space<vmem>>, vector<32x32xi32>,
    %slice3A_176 = vector.extract_strided_slice %or3A_167 {offsets = [64, 0], sizes = [32, 32], strides = [1, 1]} : vector<128x32xi32> to vector<32x32xi32>
    %swap3A_177 = arith.constant 96 : index
    %swap3A_178 = arith.constant 64 : index
    %swap3A_179 = vector.load %arg9[%swap3A_177, %swap3A_178] : memref<512x128xi32, #tpu.memory_space<vmem>>, vector<32x32xi32>
    tpu.vector_store %arg9[%swap3A_177, %swap3A_178], %slice3A_176 {strides = array<i32>} : memref<512x128xi32, #tpu.memory_space<vmem>>, vector<32x32xi32>,
    %slice3A_180 = vector.extract_strided_slice %or3A_167 {offsets = [96, 0], sizes = [32, 32], strides = [1, 1]} : vector<128x32xi32> to vector<32x32xi32>
    %swap3A_181 = arith.constant 96 : index
    %swap3A_182 = arith.constant 96 : index
    %swap3A_183 = vector.load %arg9[%swap3A_181, %swap3A_182] : memref<512x128xi32, #tpu.memory_space<vmem>>, vector<32x32xi32>
    tpu.vector_store %arg9[%swap3A_181, %swap3A_182], %slice3A_180 {strides = array<i32>} : memref<512x128xi32, #tpu.memory_space<vmem>>, vector<32x32xi32>,
    %slice3A_184 = vector.extract_strided_slice %concatenate3A {offsets = [0, 512], sizes = [64, 128], strides = [1, 1]} : vector<64x2048xf32> to vector<64x128xf32>
    %dot_general3A_185 = arith.constant dense<0.000000e+00> : vector<128x64xf32>
    %dot_general3A_186 = tpu.matmul %mul3A_73, %slice3A_184, %dot_general3A_185 {dimension_numbers = #tpu.dot_dimension_numbers<[1], [1], [0], [0], [0, 0, 1, 0], [], []>, transpose_lhs_hint = false} : vector<128x128xf32>, vector<64x128xf32>, vector<128x64xf32> -> vector<128x64xf32>
    %convert_element_type3A_187 = arith.truncf %dot_general3A_186 : vector<128x64xf32> to vector<128x64xbf16>
    %bitcast_convert_type3A_188 = tpu.bitcast %convert_element_type3A_187 : vector<128x64xbf16> -> vector<128x64xi16>
    %slice3A_189 = vector.extract_strided_slice %bitcast_convert_type3A_188 {offsets = [0, 0], sizes = [128, 32], strides = [1, 1]} : vector<128x64xi16> to vector<128x32xi16>
    %convert_element_type3A_190 = arith.extui %slice3A_189 : vector<128x32xi16> to vector<128x32xi32>
    %slice3A_191 = vector.extract_strided_slice %bitcast_convert_type3A_188 {offsets = [0, 32], sizes = [128, 32], strides = [1, 1]} : vector<128x64xi16> to vector<128x32xi16>
    %convert_element_type3A_192 = arith.extui %slice3A_191 : vector<128x32xi16> to vector<128x32xi32>
    %shift_left3A_193 = arith.constant 16 : i32
    %shift_left3A_194 = vector.broadcast %shift_left3A_193 : i32 to vector<128x32xi32>
    %shift_left3A_195 = arith.shli %convert_element_type3A_192, %shift_left3A_194 : vector<128x32xi32>
    %or3A_196 = arith.ori %convert_element_type3A_190, %shift_left3A_195 : vector<128x32xi32>
    %slice3A_197 = vector.extract_strided_slice %or3A_196 {offsets = [0, 0], sizes = [32, 32], strides = [1, 1]} : vector<128x32xi32> to vector<32x32xi32>
    %swap3A_198 = arith.constant 128 : index
    %swap3A_199 = arith.constant 0 : index
    %swap3A_200 = vector.load %arg9[%swap3A_198, %swap3A_199] : memref<512x128xi32, #tpu.memory_space<vmem>>, vector<32x32xi32>
    tpu.vector_store %arg9[%swap3A_198, %swap3A_199], %slice3A_197 {strides = array<i32>} : memref<512x128xi32, #tpu.memory_space<vmem>>, vector<32x32xi32>,
    %slice3A_201 = vector.extract_strided_slice %or3A_196 {offsets = [32, 0], sizes = [32, 32], strides = [1, 1]} : vector<128x32xi32> to vector<32x32xi32>
    %swap3A_202 = arith.constant 128 : index
    %swap3A_203 = arith.constant 32 : index
    %swap3A_204 = vector.load %arg9[%swap3A_202, %swap3A_203] : memref<512x128xi32, #tpu.memory_space<vmem>>, vector<32x32xi32>
    tpu.vector_store %arg9[%swap3A_202, %swap3A_203], %slice3A_201 {strides = array<i32>} : memref<512x128xi32, #tpu.memory_space<vmem>>, vector<32x32xi32>,
    %slice3A_205 = vector.extract_strided_slice %or3A_196 {offsets = [64, 0], sizes = [32, 32], strides = [1, 1]} : vector<128x32xi32> to vector<32x32xi32>
    %swap3A_206 = arith.constant 128 : index
    %swap3A_207 = arith.constant 64 : index
    %swap3A_208 = vector.load %arg9[%swap3A_206, %swap3A_207] : memref<512x128xi32, #tpu.memory_space<vmem>>, vector<32x32xi32>
    tpu.vector_store %arg9[%swap3A_206, %swap3A_207], %slice3A_205 {strides = array<i32>} : memref<512x128xi32, #tpu.memory_space<vmem>>, vector<32x32xi32>,
    %slice3A_209 = vector.extract_strided_slice %or3A_196 {offsets = [96, 0], sizes = [32, 32], strides = [1, 1]} : vector<128x32xi32> to vector<32x32xi32>
    %swap3A_210 = arith.constant 128 : index
    %swap3A_211 = arith.constant 96 : index
    %swap3A_212 = vector.load %arg9[%swap3A_210, %swap3A_211] : memref<512x128xi32, #tpu.memory_space<vmem>>, vector<32x32xi32>
    tpu.vector_store %arg9[%swap3A_210, %swap3A_211], %slice3A_209 {strides = array<i32>} : memref<512x128xi32, #tpu.memory_space<vmem>>, vector<32x32xi32>,
    %slice3A_213 = vector.extract_strided_slice %concatenate3A {offsets = [0, 640], sizes = [64, 128], strides = [1, 1]} : vector<64x2048xf32> to vector<64x128xf32>
    %dot_general3A_214 = arith.constant dense<0.000000e+00> : vector<128x64xf32>
    %dot_general3A_215 = tpu.matmul %mul3A_73, %slice3A_213, %dot_general3A_214 {dimension_numbers = #tpu.dot_dimension_numbers<[1], [1], [0], [0], [0, 0, 1, 0], [], []>, transpose_lhs_hint = false} : vector<128x128xf32>, vector<64x128xf32>, vector<128x64xf32> -> vector<128x64xf32>
    %convert_element_type3A_216 = arith.truncf %dot_general3A_215 : vector<128x64xf32> to vector<128x64xbf16>
    %bitcast_convert_type3A_217 = tpu.bitcast %convert_element_type3A_216 : vector<128x64xbf16> -> vector<128x64xi16>
    %slice3A_218 = vector.extract_strided_slice %bitcast_convert_type3A_217 {offsets = [0, 0], sizes = [128, 32], strides = [1, 1]} : vector<128x64xi16> to vector<128x32xi16>
    %convert_element_type3A_219 = arith.extui %slice3A_218 : vector<128x32xi16> to vector<128x32xi32>
    %slice3A_220 = vector.extract_strided_slice %bitcast_convert_type3A_217 {offsets = [0, 32], sizes = [128, 32], strides = [1, 1]} : vector<128x64xi16> to vector<128x32xi16>
    %convert_element_type3A_221 = arith.extui %slice3A_220 : vector<128x32xi16> to vector<128x32xi32>
    %shift_left3A_222 = arith.constant 16 : i32
    %shift_left3A_223 = vector.broadcast %shift_left3A_222 : i32 to vector<128x32xi32>
    %shift_left3A_224 = arith.shli %convert_element_type3A_221, %shift_left3A_223 : vector<128x32xi32>
    %or3A_225 = arith.ori %convert_element_type3A_219, %shift_left3A_224 : vector<128x32xi32>
    %slice3A_226 = vector.extract_strided_slice %or3A_225 {offsets = [0, 0], sizes = [32, 32], strides = [1, 1]} : vector<128x32xi32> to vector<32x32xi32>
    %swap3A_227 = arith.constant 160 : index
    %swap3A_228 = arith.constant 0 : index
    %swap3A_229 = vector.load %arg9[%swap3A_227, %swap3A_228] : memref<512x128xi32, #tpu.memory_space<vmem>>, vector<32x32xi32>
    tpu.vector_store %arg9[%swap3A_227, %swap3A_228], %slice3A_226 {strides = array<i32>} : memref<512x128xi32, #tpu.memory_space<vmem>>, vector<32x32xi32>,
    %slice3A_230 = vector.extract_strided_slice %or3A_225 {offsets = [32, 0], sizes = [32, 32], strides = [1, 1]} : vector<128x32xi32> to vector<32x32xi32>
    %swap3A_231 = arith.constant 160 : index
    %swap3A_232 = arith.constant 32 : index
    %swap3A_233 = vector.load %arg9[%swap3A_231, %swap3A_232] : memref<512x128xi32, #tpu.memory_space<vmem>>, vector<32x32xi32>
    tpu.vector_store %arg9[%swap3A_231, %swap3A_232], %slice3A_230 {strides = array<i32>} : memref<512x128xi32, #tpu.memory_space<vmem>>, vector<32x32xi32>,
    %slice3A_234 = vector.extract_strided_slice %or3A_225 {offsets = [64, 0], sizes = [32, 32], strides = [1, 1]} : vector<128x32xi32> to vector<32x32xi32>
    %swap3A_235 = arith.constant 160 : index
    %swap3A_236 = arith.constant 64 : index
    %swap3A_237 = vector.load %arg9[%swap3A_235, %swap3A_236] : memref<512x128xi32, #tpu.memory_space<vmem>>, vector<32x32xi32>
    tpu.vector_store %arg9[%swap3A_235, %swap3A_236], %slice3A_234 {strides = array<i32>} : memref<512x128xi32, #tpu.memory_space<vmem>>, vector<32x32xi32>,
    %slice3A_238 = vector.extract_strided_slice %or3A_225 {offsets = [96, 0], sizes = [32, 32], strides = [1, 1]} : vector<128x32xi32> to vector<32x32xi32>
    %swap3A_239 = arith.constant 160 : index
    %swap3A_240 = arith.constant 96 : index
    %swap3A_241 = vector.load %arg9[%swap3A_239, %swap3A_240] : memref<512x128xi32, #tpu.memory_space<vmem>>, vector<32x32xi32>
    tpu.vector_store %arg9[%swap3A_239, %swap3A_240], %slice3A_238 {strides = array<i32>} : memref<512x128xi32, #tpu.memory_space<vmem>>, vector<32x32xi32>,
    %slice3A_242 = vector.extract_strided_slice %concatenate3A {offsets = [0, 768], sizes = [64, 128], strides = [1, 1]} : vector<64x2048xf32> to vector<64x128xf32>
    %dot_general3A_243 = arith.constant dense<0.000000e+00> : vector<128x64xf32>
    %dot_general3A_244 = tpu.matmul %mul3A_73, %slice3A_242, %dot_general3A_243 {dimension_numbers = #tpu.dot_dimension_numbers<[1], [1], [0], [0], [0, 0, 1, 0], [], []>, transpose_lhs_hint = false} : vector<128x128xf32>, vector<64x128xf32>, vector<128x64xf32> -> vector<128x64xf32>
    %convert_element_type3A_245 = arith.truncf %dot_general3A_244 : vector<128x64xf32> to vector<128x64xbf16>
    %bitcast_convert_type3A_246 = tpu.bitcast %convert_element_type3A_245 : vector<128x64xbf16> -> vector<128x64xi16>
    %slice3A_247 = vector.extract_strided_slice %bitcast_convert_type3A_246 {offsets = [0, 0], sizes = [128, 32], strides = [1, 1]} : vector<128x64xi16> to vector<128x32xi16>
    %convert_element_type3A_248 = arith.extui %slice3A_247 : vector<128x32xi16> to vector<128x32xi32>
    %slice3A_249 = vector.extract_strided_slice %bitcast_convert_type3A_246 {offsets = [0, 32], sizes = [128, 32], strides = [1, 1]} : vector<128x64xi16> to vector<128x32xi16>
    %convert_element_type3A_250 = arith.extui %slice3A_249 : vector<128x32xi16> to vector<128x32xi32>
    %shift_left3A_251 = arith.constant 16 : i32
    %shift_left3A_252 = vector.broadcast %shift_left3A_251 : i32 to vector<128x32xi32>
    %shift_left3A_253 = arith.shli %convert_element_type3A_250, %shift_left3A_252 : vector<128x32xi32>
    %or3A_254 = arith.ori %convert_element_type3A_248, %shift_left3A_253 : vector<128x32xi32>
    %slice3A_255 = vector.extract_strided_slice %or3A_254 {offsets = [0, 0], sizes = [32, 32], strides = [1, 1]} : vector<128x32xi32> to vector<32x32xi32>
    %swap3A_256 = arith.constant 192 : index
    %swap3A_257 = arith.constant 0 : index
    %swap3A_258 = vector.load %arg9[%swap3A_256, %swap3A_257] : memref<512x128xi32, #tpu.memory_space<vmem>>, vector<32x32xi32>
    tpu.vector_store %arg9[%swap3A_256, %swap3A_257], %slice3A_255 {strides = array<i32>} : memref<512x128xi32, #tpu.memory_space<vmem>>, vector<32x32xi32>,
    %slice3A_259 = vector.extract_strided_slice %or3A_254 {offsets = [32, 0], sizes = [32, 32], strides = [1, 1]} : vector<128x32xi32> to vector<32x32xi32>
    %swap3A_260 = arith.constant 192 : index
    %swap3A_261 = arith.constant 32 : index
    %swap3A_262 = vector.load %arg9[%swap3A_260, %swap3A_261] : memref<512x128xi32, #tpu.memory_space<vmem>>, vector<32x32xi32>
    tpu.vector_store %arg9[%swap3A_260, %swap3A_261], %slice3A_259 {strides = array<i32>} : memref<512x128xi32, #tpu.memory_space<vmem>>, vector<32x32xi32>,
    %slice3A_263 = vector.extract_strided_slice %or3A_254 {offsets = [64, 0], sizes = [32, 32], strides = [1, 1]} : vector<128x32xi32> to vector<32x32xi32>
    %swap3A_264 = arith.constant 192 : index
    %swap3A_265 = arith.constant 64 : index
    %swap3A_266 = vector.load %arg9[%swap3A_264, %swap3A_265] : memref<512x128xi32, #tpu.memory_space<vmem>>, vector<32x32xi32>
    tpu.vector_store %arg9[%swap3A_264, %swap3A_265], %slice3A_263 {strides = array<i32>} : memref<512x128xi32, #tpu.memory_space<vmem>>, vector<32x32xi32>,
    %slice3A_267 = vector.extract_strided_slice %or3A_254 {offsets = [96, 0], sizes = [32, 32], strides = [1, 1]} : vector<128x32xi32> to vector<32x32xi32>
    %swap3A_268 = arith.constant 192 : index
    %swap3A_269 = arith.constant 96 : index
    %swap3A_270 = vector.load %arg9[%swap3A_268, %swap3A_269] : memref<512x128xi32, #tpu.memory_space<vmem>>, vector<32x32xi32>
    tpu.vector_store %arg9[%swap3A_268, %swap3A_269], %slice3A_267 {strides = array<i32>} : memref<512x128xi32, #tpu.memory_space<vmem>>, vector<32x32xi32>,
    %slice3A_271 = vector.extract_strided_slice %concatenate3A {offsets = [0, 896], sizes = [64, 128], strides = [1, 1]} : vector<64x2048xf32> to vector<64x128xf32>
    %dot_general3A_272 = arith.constant dense<0.000000e+00> : vector<128x64xf32>
    %dot_general3A_273 = tpu.matmul %mul3A_73, %slice3A_271, %dot_general3A_272 {dimension_numbers = #tpu.dot_dimension_numbers<[1], [1], [0], [0], [0, 0, 1, 0], [], []>, transpose_lhs_hint = false} : vector<128x128xf32>, vector<64x128xf32>, vector<128x64xf32> -> vector<128x64xf32>
    %convert_element_type3A_274 = arith.truncf %dot_general3A_273 : vector<128x64xf32> to vector<128x64xbf16>
    %bitcast_convert_type3A_275 = tpu.bitcast %convert_element_type3A_274 : vector<128x64xbf16> -> vector<128x64xi16>
    %slice3A_276 = vector.extract_strided_slice %bitcast_convert_type3A_275 {offsets = [0, 0], sizes = [128, 32], strides = [1, 1]} : vector<128x64xi16> to vector<128x32xi16>
    %convert_element_type3A_277 = arith.extui %slice3A_276 : vector<128x32xi16> to vector<128x32xi32>
    %slice3A_278 = vector.extract_strided_slice %bitcast_convert_type3A_275 {offsets = [0, 32], sizes = [128, 32], strides = [1, 1]} : vector<128x64xi16> to vector<128x32xi16>
    %convert_element_type3A_279 = arith.extui %slice3A_278 : vector<128x32xi16> to vector<128x32xi32>
    %shift_left3A_280 = arith.constant 16 : i32
    %shift_left3A_281 = vector.broadcast %shift_left3A_280 : i32 to vector<128x32xi32>
    %shift_left3A_282 = arith.shli %convert_element_type3A_279, %shift_left3A_281 : vector<128x32xi32>
    %or3A_283 = arith.ori %convert_element_type3A_277, %shift_left3A_282 : vector<128x32xi32>
    %slice3A_284 = vector.extract_strided_slice %or3A_283 {offsets = [0, 0], sizes = [32, 32], strides = [1, 1]} : vector<128x32xi32> to vector<32x32xi32>
    %swap3A_285 = arith.constant 224 : index
    %swap3A_286 = arith.constant 0 : index
    %swap3A_287 = vector.load %arg9[%swap3A_285, %swap3A_286] : memref<512x128xi32, #tpu.memory_space<vmem>>, vector<32x32xi32>
    tpu.vector_store %arg9[%swap3A_285, %swap3A_286], %slice3A_284 {strides = array<i32>} : memref<512x128xi32, #tpu.memory_space<vmem>>, vector<32x32xi32>,
    %slice3A_288 = vector.extract_strided_slice %or3A_283 {offsets = [32, 0], sizes = [32, 32], strides = [1, 1]} : vector<128x32xi32> to vector<32x32xi32>
    %swap3A_289 = arith.constant 224 : index
    %swap3A_290 = arith.constant 32 : index
    %swap3A_291 = vector.load %arg9[%swap3A_289, %swap3A_290] : memref<512x128xi32, #tpu.memory_space<vmem>>, vector<32x32xi32>
    tpu.vector_store %arg9[%swap3A_289, %swap3A_290], %slice3A_288 {strides = array<i32>} : memref<512x128xi32, #tpu.memory_space<vmem>>, vector<32x32xi32>,
    %slice3A_292 = vector.extract_strided_slice %or3A_283 {offsets = [64, 0], sizes = [32, 32], strides = [1, 1]} : vector<128x32xi32> to vector<32x32xi32>
    %swap3A_293 = arith.constant 224 : index
    %swap3A_294 = arith.constant 64 : index
    %swap3A_295 = vector.load %arg9[%swap3A_293, %swap3A_294] : memref<512x128xi32, #tpu.memory_space<vmem>>, vector<32x32xi32>
    tpu.vector_store %arg9[%swap3A_293, %swap3A_294], %slice3A_292 {strides = array<i32>} : memref<512x128xi32, #tpu.memory_space<vmem>>, vector<32x32xi32>,
    %slice3A_296 = vector.extract_strided_slice %or3A_283 {offsets = [96, 0], sizes = [32, 32], strides = [1, 1]} : vector<128x32xi32> to vector<32x32xi32>
    %swap3A_297 = arith.constant 224 : index
    %swap3A_298 = arith.constant 96 : index
    %swap3A_299 = vector.load %arg9[%swap3A_297, %swap3A_298] : memref<512x128xi32, #tpu.memory_space<vmem>>, vector<32x32xi32>
    tpu.vector_store %arg9[%swap3A_297, %swap3A_298], %slice3A_296 {strides = array<i32>} : memref<512x128xi32, #tpu.memory_space<vmem>>, vector<32x32xi32>,
    %slice3A_300 = vector.extract_strided_slice %concatenate3A {offsets = [0, 1024], sizes = [64, 128], strides = [1, 1]} : vector<64x2048xf32> to vector<64x128xf32>
    %dot_general3A_301 = arith.constant dense<0.000000e+00> : vector<128x64xf32>
    %dot_general3A_302 = tpu.matmul %mul3A_73, %slice3A_300, %dot_general3A_301 {dimension_numbers = #tpu.dot_dimension_numbers<[1], [1], [0], [0], [0, 0, 1, 0], [], []>, transpose_lhs_hint = false} : vector<128x128xf32>, vector<64x128xf32>, vector<128x64xf32> -> vector<128x64xf32>
    %convert_element_type3A_303 = arith.truncf %dot_general3A_302 : vector<128x64xf32> to vector<128x64xbf16>
    %bitcast_convert_type3A_304 = tpu.bitcast %convert_element_type3A_303 : vector<128x64xbf16> -> vector<128x64xi16>
    %slice3A_305 = vector.extract_strided_slice %bitcast_convert_type3A_304 {offsets = [0, 0], sizes = [128, 32], strides = [1, 1]} : vector<128x64xi16> to vector<128x32xi16>
    %convert_element_type3A_306 = arith.extui %slice3A_305 : vector<128x32xi16> to vector<128x32xi32>
    %slice3A_307 = vector.extract_strided_slice %bitcast_convert_type3A_304 {offsets = [0, 32], sizes = [128, 32], strides = [1, 1]} : vector<128x64xi16> to vector<128x32xi16>
    %convert_element_type3A_308 = arith.extui %slice3A_307 : vector<128x32xi16> to vector<128x32xi32>
    %shift_left3A_309 = arith.constant 16 : i32
    %shift_left3A_310 = vector.broadcast %shift_left3A_309 : i32 to vector<128x32xi32>
    %shift_left3A_311 = arith.shli %convert_element_type3A_308, %shift_left3A_310 : vector<128x32xi32>
    %or3A_312 = arith.ori %convert_element_type3A_306, %shift_left3A_311 : vector<128x32xi32>
    %slice3A_313 = vector.extract_strided_slice %or3A_312 {offsets = [0, 0], sizes = [32, 32], strides = [1, 1]} : vector<128x32xi32> to vector<32x32xi32>
    %swap3A_314 = arith.constant 256 : index
    %swap3A_315 = arith.constant 0 : index
    %swap3A_316 = vector.load %arg9[%swap3A_314, %swap3A_315] : memref<512x128xi32, #tpu.memory_space<vmem>>, vector<32x32xi32>
    tpu.vector_store %arg9[%swap3A_314, %swap3A_315], %slice3A_313 {strides = array<i32>} : memref<512x128xi32, #tpu.memory_space<vmem>>, vector<32x32xi32>,
    %slice3A_317 = vector.extract_strided_slice %or3A_312 {offsets = [32, 0], sizes = [32, 32], strides = [1, 1]} : vector<128x32xi32> to vector<32x32xi32>
    %swap3A_318 = arith.constant 256 : index
    %swap3A_319 = arith.constant 32 : index
    %swap3A_320 = vector.load %arg9[%swap3A_318, %swap3A_319] : memref<512x128xi32, #tpu.memory_space<vmem>>, vector<32x32xi32>
    tpu.vector_store %arg9[%swap3A_318, %swap3A_319], %slice3A_317 {strides = array<i32>} : memref<512x128xi32, #tpu.memory_space<vmem>>, vector<32x32xi32>,
    %slice3A_321 = vector.extract_strided_slice %or3A_312 {offsets = [64, 0], sizes = [32, 32], strides = [1, 1]} : vector<128x32xi32> to vector<32x32xi32>
    %swap3A_322 = arith.constant 256 : index
    %swap3A_323 = arith.constant 64 : index
    %swap3A_324 = vector.load %arg9[%swap3A_322, %swap3A_323] : memref<512x128xi32, #tpu.memory_space<vmem>>, vector<32x32xi32>
    tpu.vector_store %arg9[%swap3A_322, %swap3A_323], %slice3A_321 {strides = array<i32>} : memref<512x128xi32, #tpu.memory_space<vmem>>, vector<32x32xi32>,
    %slice3A_325 = vector.extract_strided_slice %or3A_312 {offsets = [96, 0], sizes = [32, 32], strides = [1, 1]} : vector<128x32xi32> to vector<32x32xi32>
    %swap3A_326 = arith.constant 256 : index
    %swap3A_327 = arith.constant 96 : index
    %swap3A_328 = vector.load %arg9[%swap3A_326, %swap3A_327] : memref<512x128xi32, #tpu.memory_space<vmem>>, vector<32x32xi32>
    tpu.vector_store %arg9[%swap3A_326, %swap3A_327], %slice3A_325 {strides = array<i32>} : memref<512x128xi32, #tpu.memory_space<vmem>>, vector<32x32xi32>,
    %slice3A_329 = vector.extract_strided_slice %concatenate3A {offsets = [0, 1152], sizes = [64, 128], strides = [1, 1]} : vector<64x2048xf32> to vector<64x128xf32>
    %dot_general3A_330 = arith.constant dense<0.000000e+00> : vector<128x64xf32>
    %dot_general3A_331 = tpu.matmul %mul3A_73, %slice3A_329, %dot_general3A_330 {dimension_numbers = #tpu.dot_dimension_numbers<[1], [1], [0], [0], [0, 0, 1, 0], [], []>, transpose_lhs_hint = false} : vector<128x128xf32>, vector<64x128xf32>, vector<128x64xf32> -> vector<128x64xf32>
    %convert_element_type3A_332 = arith.truncf %dot_general3A_331 : vector<128x64xf32> to vector<128x64xbf16>
    %bitcast_convert_type3A_333 = tpu.bitcast %convert_element_type3A_332 : vector<128x64xbf16> -> vector<128x64xi16>
    %slice3A_334 = vector.extract_strided_slice %bitcast_convert_type3A_333 {offsets = [0, 0], sizes = [128, 32], strides = [1, 1]} : vector<128x64xi16> to vector<128x32xi16>
    %convert_element_type3A_335 = arith.extui %slice3A_334 : vector<128x32xi16> to vector<128x32xi32>
    %slice3A_336 = vector.extract_strided_slice %bitcast_convert_type3A_333 {offsets = [0, 32], sizes = [128, 32], strides = [1, 1]} : vector<128x64xi16> to vector<128x32xi16>
    %convert_element_type3A_337 = arith.extui %slice3A_336 : vector<128x32xi16> to vector<128x32xi32>
    %shift_left3A_338 = arith.constant 16 : i32
    %shift_left3A_339 = vector.broadcast %shift_left3A_338 : i32 to vector<128x32xi32>
    %shift_left3A_340 = arith.shli %convert_element_type3A_337, %shift_left3A_339 : vector<128x32xi32>
    %or3A_341 = arith.ori %convert_element_type3A_335, %shift_left3A_340 : vector<128x32xi32>
    %slice3A_342 = vector.extract_strided_slice %or3A_341 {offsets = [0, 0], sizes = [32, 32], strides = [1, 1]} : vector<128x32xi32> to vector<32x32xi32>
    %swap3A_343 = arith.constant 288 : index
    %swap3A_344 = arith.constant 0 : index
    %swap3A_345 = vector.load %arg9[%swap3A_343, %swap3A_344] : memref<512x128xi32, #tpu.memory_space<vmem>>, vector<32x32xi32>
    tpu.vector_store %arg9[%swap3A_343, %swap3A_344], %slice3A_342 {strides = array<i32>} : memref<512x128xi32, #tpu.memory_space<vmem>>, vector<32x32xi32>,
    %slice3A_346 = vector.extract_strided_slice %or3A_341 {offsets = [32, 0], sizes = [32, 32], strides = [1, 1]} : vector<128x32xi32> to vector<32x32xi32>
    %swap3A_347 = arith.constant 288 : index
    %swap3A_348 = arith.constant 32 : index
    %swap3A_349 = vector.load %arg9[%swap3A_347, %swap3A_348] : memref<512x128xi32, #tpu.memory_space<vmem>>, vector<32x32xi32>
    tpu.vector_store %arg9[%swap3A_347, %swap3A_348], %slice3A_346 {strides = array<i32>} : memref<512x128xi32, #tpu.memory_space<vmem>>, vector<32x32xi32>,
    %slice3A_350 = vector.extract_strided_slice %or3A_341 {offsets = [64, 0], sizes = [32, 32], strides = [1, 1]} : vector<128x32xi32> to vector<32x32xi32>
    %swap3A_351 = arith.constant 288 : index
    %swap3A_352 = arith.constant 64 : index
    %swap3A_353 = vector.load %arg9[%swap3A_351, %swap3A_352] : memref<512x128xi32, #tpu.memory_space<vmem>>, vector<32x32xi32>
    tpu.vector_store %arg9[%swap3A_351, %swap3A_352], %slice3A_350 {strides = array<i32>} : memref<512x128xi32, #tpu.memory_space<vmem>>, vector<32x32xi32>,
    %slice3A_354 = vector.extract_strided_slice %or3A_341 {offsets = [96, 0], sizes = [32, 32], strides = [1, 1]} : vector<128x32xi32> to vector<32x32xi32>
    %swap3A_355 = arith.constant 288 : index
    %swap3A_356 = arith.constant 96 : index
    %swap3A_357 = vector.load %arg9[%swap3A_355, %swap3A_356] : memref<512x128xi32, #tpu.memory_space<vmem>>, vector<32x32xi32>
    tpu.vector_store %arg9[%swap3A_355, %swap3A_356], %slice3A_354 {strides = array<i32>} : memref<512x128xi32, #tpu.memory_space<vmem>>, vector<32x32xi32>,
    %slice3A_358 = vector.extract_strided_slice %concatenate3A {offsets = [0, 1280], sizes = [64, 128], strides = [1, 1]} : vector<64x2048xf32> to vector<64x128xf32>
    %dot_general3A_359 = arith.constant dense<0.000000e+00> : vector<128x64xf32>
    %dot_general3A_360 = tpu.matmul %mul3A_73, %slice3A_358, %dot_general3A_359 {dimension_numbers = #tpu.dot_dimension_numbers<[1], [1], [0], [0], [0, 0, 1, 0], [], []>, transpose_lhs_hint = false} : vector<128x128xf32>, vector<64x128xf32>, vector<128x64xf32> -> vector<128x64xf32>
    %convert_element_type3A_361 = arith.truncf %dot_general3A_360 : vector<128x64xf32> to vector<128x64xbf16>
    %bitcast_convert_type3A_362 = tpu.bitcast %convert_element_type3A_361 : vector<128x64xbf16> -> vector<128x64xi16>
    %slice3A_363 = vector.extract_strided_slice %bitcast_convert_type3A_362 {offsets = [0, 0], sizes = [128, 32], strides = [1, 1]} : vector<128x64xi16> to vector<128x32xi16>
    %convert_element_type3A_364 = arith.extui %slice3A_363 : vector<128x32xi16> to vector<128x32xi32>
    %slice3A_365 = vector.extract_strided_slice %bitcast_convert_type3A_362 {offsets = [0, 32], sizes = [128, 32], strides = [1, 1]} : vector<128x64xi16> to vector<128x32xi16>
    %convert_element_type3A_366 = arith.extui %slice3A_365 : vector<128x32xi16> to vector<128x32xi32>
    %shift_left3A_367 = arith.constant 16 : i32
    %shift_left3A_368 = vector.broadcast %shift_left3A_367 : i32 to vector<128x32xi32>
    %shift_left3A_369 = arith.shli %convert_element_type3A_366, %shift_left3A_368 : vector<128x32xi32>
    %or3A_370 = arith.ori %convert_element_type3A_364, %shift_left3A_369 : vector<128x32xi32>
    %slice3A_371 = vector.extract_strided_slice %or3A_370 {offsets = [0, 0], sizes = [32, 32], strides = [1, 1]} : vector<128x32xi32> to vector<32x32xi32>
    %swap3A_372 = arith.constant 320 : index
    %swap3A_373 = arith.constant 0 : index
    %swap3A_374 = vector.load %arg9[%swap3A_372, %swap3A_373] : memref<512x128xi32, #tpu.memory_space<vmem>>, vector<32x32xi32>
    tpu.vector_store %arg9[%swap3A_372, %swap3A_373], %slice3A_371 {strides = array<i32>} : memref<512x128xi32, #tpu.memory_space<vmem>>, vector<32x32xi32>,
    %slice3A_375 = vector.extract_strided_slice %or3A_370 {offsets = [32, 0], sizes = [32, 32], strides = [1, 1]} : vector<128x32xi32> to vector<32x32xi32>
    %swap3A_376 = arith.constant 320 : index
    %swap3A_377 = arith.constant 32 : index
    %swap3A_378 = vector.load %arg9[%swap3A_376, %swap3A_377] : memref<512x128xi32, #tpu.memory_space<vmem>>, vector<32x32xi32>
    tpu.vector_store %arg9[%swap3A_376, %swap3A_377], %slice3A_375 {strides = array<i32>} : memref<512x128xi32, #tpu.memory_space<vmem>>, vector<32x32xi32>,
    %slice3A_379 = vector.extract_strided_slice %or3A_370 {offsets = [64, 0], sizes = [32, 32], strides = [1, 1]} : vector<128x32xi32> to vector<32x32xi32>
    %swap3A_380 = arith.constant 320 : index
    %swap3A_381 = arith.constant 64 : index
    %swap3A_382 = vector.load %arg9[%swap3A_380, %swap3A_381] : memref<512x128xi32, #tpu.memory_space<vmem>>, vector<32x32xi32>
    tpu.vector_store %arg9[%swap3A_380, %swap3A_381], %slice3A_379 {strides = array<i32>} : memref<512x128xi32, #tpu.memory_space<vmem>>, vector<32x32xi32>,
    %slice3A_383 = vector.extract_strided_slice %or3A_370 {offsets = [96, 0], sizes = [32, 32], strides = [1, 1]} : vector<128x32xi32> to vector<32x32xi32>
    %swap3A_384 = arith.constant 320 : index
    %swap3A_385 = arith.constant 96 : index
    %swap3A_386 = vector.load %arg9[%swap3A_384, %swap3A_385] : memref<512x128xi32, #tpu.memory_space<vmem>>, vector<32x32xi32>
    tpu.vector_store %arg9[%swap3A_384, %swap3A_385], %slice3A_383 {strides = array<i32>} : memref<512x128xi32, #tpu.memory_space<vmem>>, vector<32x32xi32>,
    %slice3A_387 = vector.extract_strided_slice %concatenate3A {offsets = [0, 1408], sizes = [64, 128], strides = [1, 1]} : vector<64x2048xf32> to vector<64x128xf32>
    %dot_general3A_388 = arith.constant dense<0.000000e+00> : vector<128x64xf32>
    %dot_general3A_389 = tpu.matmul %mul3A_73, %slice3A_387, %dot_general3A_388 {dimension_numbers = #tpu.dot_dimension_numbers<[1], [1], [0], [0], [0, 0, 1, 0], [], []>, transpose_lhs_hint = false} : vector<128x128xf32>, vector<64x128xf32>, vector<128x64xf32> -> vector<128x64xf32>
    %convert_element_type3A_390 = arith.truncf %dot_general3A_389 : vector<128x64xf32> to vector<128x64xbf16>
    %bitcast_convert_type3A_391 = tpu.bitcast %convert_element_type3A_390 : vector<128x64xbf16> -> vector<128x64xi16>
    %slice3A_392 = vector.extract_strided_slice %bitcast_convert_type3A_391 {offsets = [0, 0], sizes = [128, 32], strides = [1, 1]} : vector<128x64xi16> to vector<128x32xi16>
    %convert_element_type3A_393 = arith.extui %slice3A_392 : vector<128x32xi16> to vector<128x32xi32>
    %slice3A_394 = vector.extract_strided_slice %bitcast_convert_type3A_391 {offsets = [0, 32], sizes = [128, 32], strides = [1, 1]} : vector<128x64xi16> to vector<128x32xi16>
    %convert_element_type3A_395 = arith.extui %slice3A_394 : vector<128x32xi16> to vector<128x32xi32>
    %shift_left3A_396 = arith.constant 16 : i32
    %shift_left3A_397 = vector.broadcast %shift_left3A_396 : i32 to vector<128x32xi32>
    %shift_left3A_398 = arith.shli %convert_element_type3A_395, %shift_left3A_397 : vector<128x32xi32>
    %or3A_399 = arith.ori %convert_element_type3A_393, %shift_left3A_398 : vector<128x32xi32>
    %slice3A_400 = vector.extract_strided_slice %or3A_399 {offsets = [0, 0], sizes = [32, 32], strides = [1, 1]} : vector<128x32xi32> to vector<32x32xi32>
    %swap3A_401 = arith.constant 352 : index
    %swap3A_402 = arith.constant 0 : index
    %swap3A_403 = vector.load %arg9[%swap3A_401, %swap3A_402] : memref<512x128xi32, #tpu.memory_space<vmem>>, vector<32x32xi32>
    tpu.vector_store %arg9[%swap3A_401, %swap3A_402], %slice3A_400 {strides = array<i32>} : memref<512x128xi32, #tpu.memory_space<vmem>>, vector<32x32xi32>,
    %slice3A_404 = vector.extract_strided_slice %or3A_399 {offsets = [32, 0], sizes = [32, 32], strides = [1, 1]} : vector<128x32xi32> to vector<32x32xi32>
    %swap3A_405 = arith.constant 352 : index
    %swap3A_406 = arith.constant 32 : index
    %swap3A_407 = vector.load %arg9[%swap3A_405, %swap3A_406] : memref<512x128xi32, #tpu.memory_space<vmem>>, vector<32x32xi32>
    tpu.vector_store %arg9[%swap3A_405, %swap3A_406], %slice3A_404 {strides = array<i32>} : memref<512x128xi32, #tpu.memory_space<vmem>>, vector<32x32xi32>,
    %slice3A_408 = vector.extract_strided_slice %or3A_399 {offsets = [64, 0], sizes = [32, 32], strides = [1, 1]} : vector<128x32xi32> to vector<32x32xi32>
    %swap3A_409 = arith.constant 352 : index
    %swap3A_410 = arith.constant 64 : index
    %swap3A_411 = vector.load %arg9[%swap3A_409, %swap3A_410] : memref<512x128xi32, #tpu.memory_space<vmem>>, vector<32x32xi32>
    tpu.vector_store %arg9[%swap3A_409, %swap3A_410], %slice3A_408 {strides = array<i32>} : memref<512x128xi32, #tpu.memory_space<vmem>>, vector<32x32xi32>,
    %slice3A_412 = vector.extract_strided_slice %or3A_399 {offsets = [96, 0], sizes = [32, 32], strides = [1, 1]} : vector<128x32xi32> to vector<32x32xi32>
    %swap3A_413 = arith.constant 352 : index
    %swap3A_414 = arith.constant 96 : index
    %swap3A_415 = vector.load %arg9[%swap3A_413, %swap3A_414] : memref<512x128xi32, #tpu.memory_space<vmem>>, vector<32x32xi32>
    tpu.vector_store %arg9[%swap3A_413, %swap3A_414], %slice3A_412 {strides = array<i32>} : memref<512x128xi32, #tpu.memory_space<vmem>>, vector<32x32xi32>,
    %slice3A_416 = vector.extract_strided_slice %concatenate3A {offsets = [0, 1536], sizes = [64, 128], strides = [1, 1]} : vector<64x2048xf32> to vector<64x128xf32>
    %dot_general3A_417 = arith.constant dense<0.000000e+00> : vector<128x64xf32>
    %dot_general3A_418 = tpu.matmul %mul3A_73, %slice3A_416, %dot_general3A_417 {dimension_numbers = #tpu.dot_dimension_numbers<[1], [1], [0], [0], [0, 0, 1, 0], [], []>, transpose_lhs_hint = false} : vector<128x128xf32>, vector<64x128xf32>, vector<128x64xf32> -> vector<128x64xf32>
    %convert_element_type3A_419 = arith.truncf %dot_general3A_418 : vector<128x64xf32> to vector<128x64xbf16>
    %bitcast_convert_type3A_420 = tpu.bitcast %convert_element_type3A_419 : vector<128x64xbf16> -> vector<128x64xi16>
    %slice3A_421 = vector.extract_strided_slice %bitcast_convert_type3A_420 {offsets = [0, 0], sizes = [128, 32], strides = [1, 1]} : vector<128x64xi16> to vector<128x32xi16>
    %convert_element_type3A_422 = arith.extui %slice3A_421 : vector<128x32xi16> to vector<128x32xi32>
    %slice3A_423 = vector.extract_strided_slice %bitcast_convert_type3A_420 {offsets = [0, 32], sizes = [128, 32], strides = [1, 1]} : vector<128x64xi16> to vector<128x32xi16>
    %convert_element_type3A_424 = arith.extui %slice3A_423 : vector<128x32xi16> to vector<128x32xi32>
    %shift_left3A_425 = arith.constant 16 : i32
    %shift_left3A_426 = vector.broadcast %shift_left3A_425 : i32 to vector<128x32xi32>
    %shift_left3A_427 = arith.shli %convert_element_type3A_424, %shift_left3A_426 : vector<128x32xi32>
    %or3A_428 = arith.ori %convert_element_type3A_422, %shift_left3A_427 : vector<128x32xi32>
    %slice3A_429 = vector.extract_strided_slice %or3A_428 {offsets = [0, 0], sizes = [32, 32], strides = [1, 1]} : vector<128x32xi32> to vector<32x32xi32>
    %swap3A_430 = arith.constant 384 : index
    %swap3A_431 = arith.constant 0 : index
    %swap3A_432 = vector.load %arg9[%swap3A_430, %swap3A_431] : memref<512x128xi32, #tpu.memory_space<vmem>>, vector<32x32xi32>
    tpu.vector_store %arg9[%swap3A_430, %swap3A_431], %slice3A_429 {strides = array<i32>} : memref<512x128xi32, #tpu.memory_space<vmem>>, vector<32x32xi32>,
    %slice3A_433 = vector.extract_strided_slice %or3A_428 {offsets = [32, 0], sizes = [32, 32], strides = [1, 1]} : vector<128x32xi32> to vector<32x32xi32>
    %swap3A_434 = arith.constant 384 : index
    %swap3A_435 = arith.constant 32 : index
    %swap3A_436 = vector.load %arg9[%swap3A_434, %swap3A_435] : memref<512x128xi32, #tpu.memory_space<vmem>>, vector<32x32xi32>
    tpu.vector_store %arg9[%swap3A_434, %swap3A_435], %slice3A_433 {strides = array<i32>} : memref<512x128xi32, #tpu.memory_space<vmem>>, vector<32x32xi32>,
    %slice3A_437 = vector.extract_strided_slice %or3A_428 {offsets = [64, 0], sizes = [32, 32], strides = [1, 1]} : vector<128x32xi32> to vector<32x32xi32>
    %swap3A_438 = arith.constant 384 : index
    %swap3A_439 = arith.constant 64 : index
    %swap3A_440 = vector.load %arg9[%swap3A_438, %swap3A_439] : memref<512x128xi32, #tpu.memory_space<vmem>>, vector<32x32xi32>
    tpu.vector_store %arg9[%swap3A_438, %swap3A_439], %slice3A_437 {strides = array<i32>} : memref<512x128xi32, #tpu.memory_space<vmem>>, vector<32x32xi32>,
    %slice3A_441 = vector.extract_strided_slice %or3A_428 {offsets = [96, 0], sizes = [32, 32], strides = [1, 1]} : vector<128x32xi32> to vector<32x32xi32>
    %swap3A_442 = arith.constant 384 : index
    %swap3A_443 = arith.constant 96 : index
    %swap3A_444 = vector.load %arg9[%swap3A_442, %swap3A_443] : memref<512x128xi32, #tpu.memory_space<vmem>>, vector<32x32xi32>
    tpu.vector_store %arg9[%swap3A_442, %swap3A_443], %slice3A_441 {strides = array<i32>} : memref<512x128xi32, #tpu.memory_space<vmem>>, vector<32x32xi32>,
    %slice3A_445 = vector.extract_strided_slice %concatenate3A {offsets = [0, 1664], sizes = [64, 128], strides = [1, 1]} : vector<64x2048xf32> to vector<64x128xf32>
    %dot_general3A_446 = arith.constant dense<0.000000e+00> : vector<128x64xf32>
    %dot_general3A_447 = tpu.matmul %mul3A_73, %slice3A_445, %dot_general3A_446 {dimension_numbers = #tpu.dot_dimension_numbers<[1], [1], [0], [0], [0, 0, 1, 0], [], []>, transpose_lhs_hint = false} : vector<128x128xf32>, vector<64x128xf32>, vector<128x64xf32> -> vector<128x64xf32>
    %convert_element_type3A_448 = arith.truncf %dot_general3A_447 : vector<128x64xf32> to vector<128x64xbf16>
    %bitcast_convert_type3A_449 = tpu.bitcast %convert_element_type3A_448 : vector<128x64xbf16> -> vector<128x64xi16>
    %slice3A_450 = vector.extract_strided_slice %bitcast_convert_type3A_449 {offsets = [0, 0], sizes = [128, 32], strides = [1, 1]} : vector<128x64xi16> to vector<128x32xi16>
    %convert_element_type3A_451 = arith.extui %slice3A_450 : vector<128x32xi16> to vector<128x32xi32>
    %slice3A_452 = vector.extract_strided_slice %bitcast_convert_type3A_449 {offsets = [0, 32], sizes = [128, 32], strides = [1, 1]} : vector<128x64xi16> to vector<128x32xi16>
    %convert_element_type3A_453 = arith.extui %slice3A_452 : vector<128x32xi16> to vector<128x32xi32>
    %shift_left3A_454 = arith.constant 16 : i32
    %shift_left3A_455 = vector.broadcast %shift_left3A_454 : i32 to vector<128x32xi32>
    %shift_left3A_456 = arith.shli %convert_element_type3A_453, %shift_left3A_455 : vector<128x32xi32>
    %or3A_457 = arith.ori %convert_element_type3A_451, %shift_left3A_456 : vector<128x32xi32>
    %slice3A_458 = vector.extract_strided_slice %or3A_457 {offsets = [0, 0], sizes = [32, 32], strides = [1, 1]} : vector<128x32xi32> to vector<32x32xi32>
    %swap3A_459 = arith.constant 416 : index
    %swap3A_460 = arith.constant 0 : index
    %swap3A_461 = vector.load %arg9[%swap3A_459, %swap3A_460] : memref<512x128xi32, #tpu.memory_space<vmem>>, vector<32x32xi32>
    tpu.vector_store %arg9[%swap3A_459, %swap3A_460], %slice3A_458 {strides = array<i32>} : memref<512x128xi32, #tpu.memory_space<vmem>>, vector<32x32xi32>,
    %slice3A_462 = vector.extract_strided_slice %or3A_457 {offsets = [32, 0], sizes = [32, 32], strides = [1, 1]} : vector<128x32xi32> to vector<32x32xi32>
    %swap3A_463 = arith.constant 416 : index
    %swap3A_464 = arith.constant 32 : index
    %swap3A_465 = vector.load %arg9[%swap3A_463, %swap3A_464] : memref<512x128xi32, #tpu.memory_space<vmem>>, vector<32x32xi32>
    tpu.vector_store %arg9[%swap3A_463, %swap3A_464], %slice3A_462 {strides = array<i32>} : memref<512x128xi32, #tpu.memory_space<vmem>>, vector<32x32xi32>,
    %slice3A_466 = vector.extract_strided_slice %or3A_457 {offsets = [64, 0], sizes = [32, 32], strides = [1, 1]} : vector<128x32xi32> to vector<32x32xi32>
    %swap3A_467 = arith.constant 416 : index
    %swap3A_468 = arith.constant 64 : index
    %swap3A_469 = vector.load %arg9[%swap3A_467, %swap3A_468] : memref<512x128xi32, #tpu.memory_space<vmem>>, vector<32x32xi32>
    tpu.vector_store %arg9[%swap3A_467, %swap3A_468], %slice3A_466 {strides = array<i32>} : memref<512x128xi32, #tpu.memory_space<vmem>>, vector<32x32xi32>,
    %slice3A_470 = vector.extract_strided_slice %or3A_457 {offsets = [96, 0], sizes = [32, 32], strides = [1, 1]} : vector<128x32xi32> to vector<32x32xi32>
    %swap3A_471 = arith.constant 416 : index
    %swap3A_472 = arith.constant 96 : index
    %swap3A_473 = vector.load %arg9[%swap3A_471, %swap3A_472] : memref<512x128xi32, #tpu.memory_space<vmem>>, vector<32x32xi32>
    tpu.vector_store %arg9[%swap3A_471, %swap3A_472], %slice3A_470 {strides = array<i32>} : memref<512x128xi32, #tpu.memory_space<vmem>>, vector<32x32xi32>,
    %slice3A_474 = vector.extract_strided_slice %concatenate3A {offsets = [0, 1792], sizes = [64, 128], strides = [1, 1]} : vector<64x2048xf32> to vector<64x128xf32>
    %dot_general3A_475 = arith.constant dense<0.000000e+00> : vector<128x64xf32>
    %dot_general3A_476 = tpu.matmul %mul3A_73, %slice3A_474, %dot_general3A_475 {dimension_numbers = #tpu.dot_dimension_numbers<[1], [1], [0], [0], [0, 0, 1, 0], [], []>, transpose_lhs_hint = false} : vector<128x128xf32>, vector<64x128xf32>, vector<128x64xf32> -> vector<128x64xf32>
    %convert_element_type3A_477 = arith.truncf %dot_general3A_476 : vector<128x64xf32> to vector<128x64xbf16>
    %bitcast_convert_type3A_478 = tpu.bitcast %convert_element_type3A_477 : vector<128x64xbf16> -> vector<128x64xi16>
    %slice3A_479 = vector.extract_strided_slice %bitcast_convert_type3A_478 {offsets = [0, 0], sizes = [128, 32], strides = [1, 1]} : vector<128x64xi16> to vector<128x32xi16>
    %convert_element_type3A_480 = arith.extui %slice3A_479 : vector<128x32xi16> to vector<128x32xi32>
    %slice3A_481 = vector.extract_strided_slice %bitcast_convert_type3A_478 {offsets = [0, 32], sizes = [128, 32], strides = [1, 1]} : vector<128x64xi16> to vector<128x32xi16>
    %convert_element_type3A_482 = arith.extui %slice3A_481 : vector<128x32xi16> to vector<128x32xi32>
    %shift_left3A_483 = arith.constant 16 : i32
    %shift_left3A_484 = vector.broadcast %shift_left3A_483 : i32 to vector<128x32xi32>
    %shift_left3A_485 = arith.shli %convert_element_type3A_482, %shift_left3A_484 : vector<128x32xi32>
    %or3A_486 = arith.ori %convert_element_type3A_480, %shift_left3A_485 : vector<128x32xi32>
    %slice3A_487 = vector.extract_strided_slice %or3A_486 {offsets = [0, 0], sizes = [32, 32], strides = [1, 1]} : vector<128x32xi32> to vector<32x32xi32>
    %swap3A_488 = arith.constant 448 : index
    %swap3A_489 = arith.constant 0 : index
    %swap3A_490 = vector.load %arg9[%swap3A_488, %swap3A_489] : memref<512x128xi32, #tpu.memory_space<vmem>>, vector<32x32xi32>
    tpu.vector_store %arg9[%swap3A_488, %swap3A_489], %slice3A_487 {strides = array<i32>} : memref<512x128xi32, #tpu.memory_space<vmem>>, vector<32x32xi32>,
    %slice3A_491 = vector.extract_strided_slice %or3A_486 {offsets = [32, 0], sizes = [32, 32], strides = [1, 1]} : vector<128x32xi32> to vector<32x32xi32>
    %swap3A_492 = arith.constant 448 : index
    %swap3A_493 = arith.constant 32 : index
    %swap3A_494 = vector.load %arg9[%swap3A_492, %swap3A_493] : memref<512x128xi32, #tpu.memory_space<vmem>>, vector<32x32xi32>
    tpu.vector_store %arg9[%swap3A_492, %swap3A_493], %slice3A_491 {strides = array<i32>} : memref<512x128xi32, #tpu.memory_space<vmem>>, vector<32x32xi32>,
    %slice3A_495 = vector.extract_strided_slice %or3A_486 {offsets = [64, 0], sizes = [32, 32], strides = [1, 1]} : vector<128x32xi32> to vector<32x32xi32>
    %swap3A_496 = arith.constant 448 : index
    %swap3A_497 = arith.constant 64 : index
    %swap3A_498 = vector.load %arg9[%swap3A_496, %swap3A_497] : memref<512x128xi32, #tpu.memory_space<vmem>>, vector<32x32xi32>
    tpu.vector_store %arg9[%swap3A_496, %swap3A_497], %slice3A_495 {strides = array<i32>} : memref<512x128xi32, #tpu.memory_space<vmem>>, vector<32x32xi32>,
    %slice3A_499 = vector.extract_strided_slice %or3A_486 {offsets = [96, 0], sizes = [32, 32], strides = [1, 1]} : vector<128x32xi32> to vector<32x32xi32>
    %swap3A_500 = arith.constant 448 : index
    %swap3A_501 = arith.constant 96 : index
    %swap3A_502 = vector.load %arg9[%swap3A_500, %swap3A_501] : memref<512x128xi32, #tpu.memory_space<vmem>>, vector<32x32xi32>
    tpu.vector_store %arg9[%swap3A_500, %swap3A_501], %slice3A_499 {strides = array<i32>} : memref<512x128xi32, #tpu.memory_space<vmem>>, vector<32x32xi32>,
    %slice3A_503 = vector.extract_strided_slice %concatenate3A {offsets = [0, 1920], sizes = [64, 128], strides = [1, 1]} : vector<64x2048xf32> to vector<64x128xf32>
    %dot_general3A_504 = arith.constant dense<0.000000e+00> : vector<128x64xf32>
    %dot_general3A_505 = tpu.matmul %mul3A_73, %slice3A_503, %dot_general3A_504 {dimension_numbers = #tpu.dot_dimension_numbers<[1], [1], [0], [0], [0, 0, 1, 0], [], []>, transpose_lhs_hint = false} : vector<128x128xf32>, vector<64x128xf32>, vector<128x64xf32> -> vector<128x64xf32>
    %convert_element_type3A_506 = arith.truncf %dot_general3A_505 : vector<128x64xf32> to vector<128x64xbf16>
    %bitcast_convert_type3A_507 = tpu.bitcast %convert_element_type3A_506 : vector<128x64xbf16> -> vector<128x64xi16>
    %slice3A_508 = vector.extract_strided_slice %bitcast_convert_type3A_507 {offsets = [0, 0], sizes = [128, 32], strides = [1, 1]} : vector<128x64xi16> to vector<128x32xi16>
    %convert_element_type3A_509 = arith.extui %slice3A_508 : vector<128x32xi16> to vector<128x32xi32>
    %slice3A_510 = vector.extract_strided_slice %bitcast_convert_type3A_507 {offsets = [0, 32], sizes = [128, 32], strides = [1, 1]} : vector<128x64xi16> to vector<128x32xi16>
    %convert_element_type3A_511 = arith.extui %slice3A_510 : vector<128x32xi16> to vector<128x32xi32>
    %shift_left3A_512 = arith.constant 16 : i32
    %shift_left3A_513 = vector.broadcast %shift_left3A_512 : i32 to vector<128x32xi32>
    %shift_left3A_514 = arith.shli %convert_element_type3A_511, %shift_left3A_513 : vector<128x32xi32>
    %or3A_515 = arith.ori %convert_element_type3A_509, %shift_left3A_514 : vector<128x32xi32>
    %slice3A_516 = vector.extract_strided_slice %or3A_515 {offsets = [0, 0], sizes = [32, 32], strides = [1, 1]} : vector<128x32xi32> to vector<32x32xi32>
    %swap3A_517 = arith.constant 480 : index
    %swap3A_518 = arith.constant 0 : index
    %swap3A_519 = vector.load %arg9[%swap3A_517, %swap3A_518] : memref<512x128xi32, #tpu.memory_space<vmem>>, vector<32x32xi32>
    tpu.vector_store %arg9[%swap3A_517, %swap3A_518], %slice3A_516 {strides = array<i32>} : memref<512x128xi32, #tpu.memory_space<vmem>>, vector<32x32xi32>,
    %slice3A_520 = vector.extract_strided_slice %or3A_515 {offsets = [32, 0], sizes = [32, 32], strides = [1, 1]} : vector<128x32xi32> to vector<32x32xi32>
    %swap3A_521 = arith.constant 480 : index
    %swap3A_522 = arith.constant 32 : index
    %swap3A_523 = vector.load %arg9[%swap3A_521, %swap3A_522] : memref<512x128xi32, #tpu.memory_space<vmem>>, vector<32x32xi32>
    tpu.vector_store %arg9[%swap3A_521, %swap3A_522], %slice3A_520 {strides = array<i32>} : memref<512x128xi32, #tpu.memory_space<vmem>>, vector<32x32xi32>,
    %slice3A_524 = vector.extract_strided_slice %or3A_515 {offsets = [64, 0], sizes = [32, 32], strides = [1, 1]} : vector<128x32xi32> to vector<32x32xi32>
    %swap3A_525 = arith.constant 480 : index
    %swap3A_526 = arith.constant 64 : index
    %swap3A_527 = vector.load %arg9[%swap3A_525, %swap3A_526] : memref<512x128xi32, #tpu.memory_space<vmem>>, vector<32x32xi32>
    tpu.vector_store %arg9[%swap3A_525, %swap3A_526], %slice3A_524 {strides = array<i32>} : memref<512x128xi32, #tpu.memory_space<vmem>>, vector<32x32xi32>,
    %slice3A_528 = vector.extract_strided_slice %or3A_515 {offsets = [96, 0], sizes = [32, 32], strides = [1, 1]} : vector<128x32xi32> to vector<32x32xi32>
    %swap3A_529 = arith.constant 480 : index
    %swap3A_530 = arith.constant 96 : index
    %swap3A_531 = vector.load %arg9[%swap3A_529, %swap3A_530] : memref<512x128xi32, #tpu.memory_space<vmem>>, vector<32x32xi32>
    tpu.vector_store %arg9[%swap3A_529, %swap3A_530], %slice3A_528 {strides = array<i32>} : memref<512x128xi32, #tpu.memory_space<vmem>>, vector<32x32xi32>,
    return
  }
  func.func @transform_0(%arg0: i32) -> (i32, i32) {
    %c0_i32 = arith.constant 0 : i32
    %c0_i32_0 = arith.constant 0 : i32
    return %c0_i32, %arg0 : i32, i32
  }
  func.func @transform_1(%arg0: i32) -> (i32, i32) {
    %c1_i32 = arith.constant 1 : i32
    %c0_i32 = arith.constant 0 : i32
    return %c1_i32, %arg0 : i32, i32
  }
  func.func @transform_2(%arg0: i32) -> (i32, i32) {
    %c2_i32 = arith.constant 2 : i32
    %c0_i32 = arith.constant 0 : i32
    return %c2_i32, %arg0 : i32, i32
  }
  func.func @transform_3(%arg0: i32) -> (i32, i32) {
    %c3_i32 = arith.constant 3 : i32
    %c0_i32 = arith.constant 0 : i32
    return %c3_i32, %arg0 : i32, i32
  }
  func.func @transform_4(%arg0: i32) -> (i32, i32) {
    %c4_i32 = arith.constant 4 : i32
    %c0_i32 = arith.constant 0 : i32
    return %c4_i32, %arg0 : i32, i32
  }
  func.func @transform_5(%arg0: i32) -> (i32, i32) {
    %c5_i32 = arith.constant 5 : i32
    %c0_i32 = arith.constant 0 : i32
    return %c5_i32, %arg0 : i32, i32
  }
  func.func @transform_6(%arg0: i32) -> (i32, i32) {
    %c6_i32 = arith.constant 6 : i32
    %c0_i32 = arith.constant 0 : i32
    return %c6_i32, %arg0 : i32, i32
  }
  func.func @transform_7(%arg0: i32) -> (i32, i32) {
    %c7_i32 = arith.constant 7 : i32
    %c0_i32 = arith.constant 0 : i32
    return %c7_i32, %arg0 : i32, i32
  }
  func.func @transform_8(%arg0: i32) -> (i32, i32) {
    %c0_i32 = arith.constant 0 : i32
    %c0_i32_0 = arith.constant 0 : i32
    return %arg0, %c0_i32 : i32, i32
  }
}

module attributes {stable_mosaic.version = 14 : i64} {
  func.func @_mlp_body(%arg0: i32, %arg1: memref<1024x64xf32, #tpu.memory_space<vmem>>, %arg2: memref<64x704xf32, #tpu.memory_space<vmem>>, %arg3: memref<1x704xf32, #tpu.memory_space<vmem>>, %arg4: memref<704x128xf32, #tpu.memory_space<vmem>>, %arg5: memref<1x128xf32, #tpu.memory_space<vmem>>, %arg6: memref<1024x128xf32, #tpu.memory_space<vmem>>) attributes {dimension_semantics = [#tpu.dimension_semantics<arbitrary>], iteration_bounds = array<i64: 16>, scalar_prefetch = 0 : i64, scratch_operands = 0 : i64, tpu.core_type = #tpu.core_type<tc>, window_params = [{transform_indices = @transform_0, window_bounds = array<i64: 1024, 64>}, {pipeline_mode = #tpu.pipeline_mode<synchronous>, transform_indices = @transform_1, window_bounds = array<i64: 64, 704>}, {pipeline_mode = #tpu.pipeline_mode<synchronous>, transform_indices = @transform_2, window_bounds = array<i64: 1, 704>}, {pipeline_mode = #tpu.pipeline_mode<synchronous>, transform_indices = @transform_3, window_bounds = array<i64: 704, 128>}, {pipeline_mode = #tpu.pipeline_mode<synchronous>, transform_indices = @transform_4, window_bounds = array<i64: 1, 128>}, {transform_indices = @transform_5, window_bounds = array<i64: 1024, 128>}]} {
    %get3A = arith.constant 0 : index
    %get3A_0 = arith.constant 0 : index
    %get3A_1 = vector.load %arg1[%get3A, %get3A_0] : memref<1024x64xf32, #tpu.memory_space<vmem>>, vector<1024x64xf32>
    %get3A_2 = arith.constant 0 : index
    %get3A_3 = arith.constant 0 : index
    %get3A_4 = vector.load %arg2[%get3A_2, %get3A_3] : memref<64x704xf32, #tpu.memory_space<vmem>>, vector<64x704xf32>
    %dot_general3A = arith.constant dense<0.000000e+00> : vector<1024x704xf32>
    %dot_general3A_5 = tpu.matmul %get3A_1, %get3A_4, %dot_general3A {dimension_numbers = #tpu.dot_dimension_numbers<[1], [0], [0], [1], [0, 0, 1, 1], [], []>, transpose_lhs_hint = false} : vector<1024x64xf32>, vector<64x704xf32>, vector<1024x704xf32> -> vector<1024x704xf32>
    %get3A_6 = arith.constant 0 : index
    %get3A_7 = arith.constant 0 : index
    %get3A_8 = vector.load %arg3[%get3A_6, %get3A_7] : memref<1x704xf32, #tpu.memory_space<vmem>>, vector<1x704xf32>
    %add3A = vector.broadcast %get3A_8 : vector<1x704xf32> to vector<1024x704xf32>
    %add3A_9 = arith.addf %dot_general3A_5, %add3A : vector<1024x704xf32>
    %max3A = arith.constant 0.000000e+00 : f32
    %max3A_10 = vector.broadcast %max3A : f32 to vector<1024x704xf32>
    %max3A_11 = arith.maximumf %add3A_9, %max3A_10 : vector<1024x704xf32>
    %get3A_12 = arith.constant 0 : index
    %get3A_13 = arith.constant 0 : index
    %get3A_14 = vector.load %arg4[%get3A_12, %get3A_13] : memref<704x128xf32, #tpu.memory_space<vmem>>, vector<704x128xf32>
    %dot_general3A_15 = arith.constant dense<0.000000e+00> : vector<1024x128xf32>
    %dot_general3A_16 = tpu.matmul %max3A_11, %get3A_14, %dot_general3A_15 {dimension_numbers = #tpu.dot_dimension_numbers<[1], [0], [0], [1], [0, 0, 1, 1], [], []>, transpose_lhs_hint = false} : vector<1024x704xf32>, vector<704x128xf32>, vector<1024x128xf32> -> vector<1024x128xf32>
    %get3A_17 = arith.constant 0 : index
    %get3A_18 = arith.constant 0 : index
    %get3A_19 = vector.load %arg5[%get3A_17, %get3A_18] : memref<1x128xf32, #tpu.memory_space<vmem>>, vector<1x128xf32>
    %add3A_20 = vector.broadcast %get3A_19 : vector<1x128xf32> to vector<1024x128xf32>
    %add3A_21 = arith.addf %dot_general3A_16, %add3A_20 : vector<1024x128xf32>
    %reduce_max3A = arith.constant dense<0xFF800000> : vector<1024xf32>
    %reduce_max3A_22 = vector.multi_reduction <maximumf>, %add3A_21, %reduce_max3A [1] : vector<1024x128xf32> to vector<1024xf32>
    %broadcast_in_dim3A = vector.shape_cast %reduce_max3A_22 : vector<1024xf32> to vector<1024x1xf32>
    %sub3A = vector.broadcast %broadcast_in_dim3A : vector<1024x1xf32> to vector<1024x128xf32>
    %sub3A_23 = arith.subf %add3A_21, %sub3A : vector<1024x128xf32>
    %exp3A = math.exp %sub3A_23 : vector<1024x128xf32>
    %reduce_sum3A = arith.constant dense<0.000000e+00> : vector<1024xf32>
    %reduce_sum3A_24 = vector.multi_reduction <add>, %exp3A, %reduce_sum3A [1] : vector<1024x128xf32> to vector<1024xf32>
    %broadcast_in_dim3A_25 = vector.shape_cast %reduce_sum3A_24 : vector<1024xf32> to vector<1024x1xf32>
    %log3A = math.log %broadcast_in_dim3A_25 : vector<1024x1xf32>
    %add3A_26 = arith.addf %log3A, %broadcast_in_dim3A : vector<1024x1xf32>
    %sub3A_27 = vector.broadcast %add3A_26 : vector<1024x1xf32> to vector<1024x128xf32>
    %sub3A_28 = arith.subf %add3A_21, %sub3A_27 : vector<1024x128xf32>
    %swap3A = arith.constant 0 : index
    %swap3A_29 = arith.constant 0 : index
    %swap3A_30 = vector.load %arg6[%swap3A, %swap3A_29] : memref<1024x128xf32, #tpu.memory_space<vmem>>, vector<1024x128xf32>
    tpu.vector_store %arg6[%swap3A, %swap3A_29], %sub3A_28 {strides = array<i32>} : memref<1024x128xf32, #tpu.memory_space<vmem>>, vector<1024x128xf32>,
    return
  }
  func.func @transform_0(%arg0: i32) -> (i32, i32) {
    %c0_i32 = arith.constant 0 : i32
    %c0_i32_0 = arith.constant 0 : i32
    return %arg0, %c0_i32 : i32, i32
  }
  func.func @transform_1(%arg0: i32) -> (i32, i32) {
    %c0_i32 = arith.constant 0 : i32
    %c0_i32_0 = arith.constant 0 : i32
    %c0_i32_1 = arith.constant 0 : i32
    return %c0_i32, %c0_i32_0 : i32, i32
  }
  func.func @transform_2(%arg0: i32) -> (i32, i32) {
    %c0_i32 = arith.constant 0 : i32
    %c0_i32_0 = arith.constant 0 : i32
    %c0_i32_1 = arith.constant 0 : i32
    return %c0_i32, %c0_i32_0 : i32, i32
  }
  func.func @transform_3(%arg0: i32) -> (i32, i32) {
    %c0_i32 = arith.constant 0 : i32
    %c0_i32_0 = arith.constant 0 : i32
    %c0_i32_1 = arith.constant 0 : i32
    return %c0_i32, %c0_i32_0 : i32, i32
  }
  func.func @transform_4(%arg0: i32) -> (i32, i32) {
    %c0_i32 = arith.constant 0 : i32
    %c0_i32_0 = arith.constant 0 : i32
    %c0_i32_1 = arith.constant 0 : i32
    return %c0_i32, %c0_i32_0 : i32, i32
  }
  func.func @transform_5(%arg0: i32) -> (i32, i32) {
    %c0_i32 = arith.constant 0 : i32
    %c0_i32_0 = arith.constant 0 : i32
    return %arg0, %c0_i32 : i32, i32
  }
}

</mosaic_0001>

<sc_bundles>
// kernel: kernel.5.cloned.1.call-start
scs
__scs_entry_jumppad:
0x0: {  	(pc) =	sbr.rel $0x88, $3  }
0x1: {  	(tag) =	ssettag $0x0;
	lr =	simm.s32 $0x1  }
0x2: {  	[smem:$0x3F9B] =	sst lr;
	_ =	strace $0xD0000000  }
0x3: {  	_ = 	snop  }
0x4: {  	_ = 	snop  }
0x5: {  	_ = 	snop  }
0x6: {  	_ = 	snop  }
0x7: {  	_ = 	snop  }
__scs_overlays_trampoline_lowered:
0x8: {  	[smem:$0x3FAA] =	sst s0  }
0x9: {  	[smem:$0x3FAB] =	sst s1  }
0xa: {  	[smem:$0x3FAC] =	sst s2  }
0xb: {  	[smem:$0x3FAD] =	sst s3  }
0xc: {  	[smem:$0x3FAE] =	sst s4  }
0xd: {  	[smem:$0x3FAF] =	sst s5  }
0xe: {  	[smem:$0x3FB0] =	sst s6  }
0xf: {  	[smem:$0x3FB1] =	sst s7  }
0x10: {  	[smem:$0x3FB2] =	sst s8  }
0x11: {  	[smem:$0x3FB3] =	sst s9;
	s0 =	simm.s32 @!p0 $0x0  }
0x12: {  	s1 =	sld [smem:$0x3F99];
	s0 =	simm.s32 @p0 $0x1  }
0x13: {  	[smem:$0x3FB4] =	sst s0;
	s0 =	simm.s32 @!p1 $0x0  }
0x14: {  	s2 =	sld [smem:$0x3F98];
	s0 =	simm.s32 @p1 $0x1  }
0x15: {  	[smem:$0x3FB5] =	sst s0;
	s0 =	simm.s32 @!p2 $0x0  }
0x16: {  	s3 =	sld [smem:$0x3FDB];
	s0 =	simm.s32 @p2 $0x1  }
0x17: {  	s4 =	simm.s32 $0x1BF5;
	[smem:$0x3FB7] =	sst s0  }
0x18: {  	s0 =	sld [smem:$0x3F9A];
	_ =	swait.ge [sflag:s4], $0x0  }
0x19: {  	s7 =	sld [smem:$0x3F9B]  }
0x1a: {  	s8 =	sadd.s32 $0xFFFFE003, lr  }
0x1b: {  	s9 =	sadd.s32 $0xFFFFFEF7, lr;
	s5 =	simm.s32 $0xFFFFFFFF;
	p2 =	slt.u32 s8, $0xFFFFF086  }
0x1c: {  	p1 =	slt.u32 s9, $0xF7A;
	s5 =	simm.s32 @!p2 $0x0  }
0x1d: {  	s5 =	simm.s32 @p1 $0x1;
	p0 =	seq.s32 s7, s2  }
0x1e: {  	s7 =	smul.u32 @!p0 $0xF7A, s2;
	p2 =	seq.s32 @!p0 s5, $0x0  }
0x1f: {  	s9 =	smul.u32 $0xF7A, s1;
	s8 =	simm.s32 @!p0 $0x1BF5;
	p2 =	por !p2, p0  }
0x20: {  	[sflag:s8] =	ssyncset.s32 @!p0 $0xFFFFF086;
	s6 =	sadd.s32 @!p0 s3, s7;
	s7 =	simm.s32 @!p0 $0x108  }
0x21: {  	s3 =	sadd.s32 s3, s9;
	s6 =	sadd.s32 @!p0 $0x88, s6;
	s7 =	simm.s32 @p2 $0x1082  }
0x22: {  	[simem:s7], [sflag:s8] =	dma.local @!p0 [hbm:s6], $0xF7A  }
0x23: {  	s9 =	sor.u32 $0xD0000000, s2;
	s6 =	simm.s32 $0x108;
	_ =	swait.ge @!p0 [sflag:s8], $0x0  }
0x24: {  	s3 =	sadd.s32 $0x88, s3;
	s6 =	simm.s32 @!p1 $0x1082;
	[sflag:s4] =	ssyncset.s32 $0xFFFFF086  }
0x25: {  	[simem:s6], [sflag:s4] =	dma.local [hbm:s3], $0xF7A  }
0x26: {  	[smem:$0x3F9B] =	sst s1;
	(tag) =	ssettag s2;
	_ =	strace s9  }
0x27: {  	s1 =	sld [smem:$0x3FAB]  }
0x28: {  	s2 =	sld [smem:$0x3FAC]  }
0x29: {  	s4 =	sld [smem:$0x3FAE]  }
0x2a: {  	p0 =	seq.s32 s5, $0x0;
	s5 =	sld [smem:$0x3FAF]  }
0x2b: {  	s6 =	sld [smem:$0x3FB0]  }
0x2c: {  	s7 =	sld [smem:$0x3FB1]  }
0x2d: {  	s3 =	simm.s32 $0x108;
	s8 =	sld [smem:$0x3FB2]  }
0x2e: {  	s3 =	simm.s32 @!p0 $0x1082;
	s9 =	sld [smem:$0x3FB3]  }
0x2f: {  	lr =	sadd.s32 s0, s3;
	s0 =	sld [smem:$0x3FAA]  }
0x30: {  	s3 =	sld [smem:$0x3FAD]  }
0x31: {  	[smem:$0x3FB6] =	sst s10  }
0x32: {  	s10 =	sld [smem:$0x3FB4];
	_ =	sdelay $0x3  }
0x33: {  	p0 =	seq.s32 s10, $0x1;
	s10 =	sld [smem:$0x3FB6];
	_ =	sdelay $0x3  }
0x34: {  	[smem:$0x3FB6] =	sst s10  }
0x35: {  	s10 =	sld [smem:$0x3FB5];
	_ =	sdelay $0x3  }
0x36: {  	p1 =	seq.s32 s10, $0x1;
	s10 =	sld [smem:$0x3FB6];
	_ =	sdelay $0x3  }
0x37: {  	[smem:$0x3FB6] =	sst s10  }
0x38: {  	s10 =	sld [smem:$0x3FB7]  }
0x39: {  	_ = 	snop;
	(pc) =	sbr.ind lr, $3  }
0x3a: {  	_ = 	snop  }
0x3b: {  	_ = 	snop  }
0x3c: {  	p2 =	seq.s32 s10, $0x1;
	s10 =	sld [smem:$0x3FB6]  }
0x3d: {  	_ =	shalt  }
0x3e: {  	_ =	shalt  }
0x3f: {  	_ =	shalt  }
0x40: {  	_ =	shalt  }
0x41: {  	_ =	shalt  }
0x42: {  	_ =	shalt  }
0x43: {  	_ =	shalt  }
0x44: {  	_ =	shalt  }
0x45: {  	_ =	shalt  }
0x46: {  	_ =	shalt  }
0x47: {  	_ =	shalt  }
0x48: {  	_ =	shalt  }
0x49: {  	_ =	shalt  }
0x4a: {  	_ =	shalt  }
0x4b: {  	_ =	shalt  }
0x4c: {  	_ =	shalt  }
0x4d: {  	_ =	shalt  }
0x4e: {  	_ =	shalt  }
0x4f: {  	_ =	shalt  }
0x50: {  	_ =	shalt  }
0x51: {  	_ =	shalt  }
0x52: {  	_ =	shalt  }
0x53: {  	_ =	shalt  }
0x54: {  	_ =	shalt  }
0x55: {  	_ =	shalt  }
0x56: {  	_ =	shalt  }
0x57: {  	_ =	shalt  }
0x58: {  	_ =	shalt  }
0x59: {  	_ =	shalt  }
0x5a: {  	_ =	shalt  }
0x5b: {  	_ =	shalt  }
0x5c: {  	_ =	shalt  }
0x5d: {  	_ =	shalt  }
0x5e: {  	_ =	shalt  }
0x5f: {  	_ =	shalt  }
0x60: {  	_ =	shalt  }
0x61: {  	_ =	shalt  }
0x62: {  	_ =	shalt  }
0x63: {  	_ =	shalt  }
0x64: {  	_ =	shalt  }
0x65: {  	_ =	shalt  }
0x66: {  	_ =	shalt  }
0x67: {  	_ =	shalt  }
0x68: {  	_ =	shalt  }
0x69: {  	_ =	shalt  }
0x6a: {  	_ =	shalt  }
0x6b: {  	_ =	shalt  }
0x6c: {  	_ =	shalt  }
0x6d: {  	_ =	shalt  }
0x6e: {  	_ =	shalt  }
0x6f: {  	_ =	shalt  }
0x70: {  	_ =	shalt  }
0x71: {  	_ =	shalt  }
0x72: {  	_ =	shalt  }
0x73: {  	_ =	shalt  }
0x74: {  	_ =	shalt  }
0x75: {  	_ =	shalt  }
0x76: {  	_ =	shalt  }
0x77: {  	_ =	shalt  }
0x78: {  	_ =	shalt  }
0x79: {  	_ =	shalt  }
0x7a: {  	_ =	shalt  }
0x7b: {  	_ =	shalt  }
0x7c: {  	_ =	shalt  }
0x7d: {  	_ =	shalt  }
0x7e: {  	_ =	shalt  }
0x7f: {  	_ =	shalt  }
0x80: {  	_ =	shalt  }
0x81: {  	_ =	shalt  }
0x82: {  	_ =	shalt  }
0x83: {  	_ =	shalt  }
0x84: {  	_ =	shalt  }
0x85: {  	_ =	shalt  }
0x86: {  	_ =	shalt  }
0x87: {  	_ =	shalt  }
.Lfunc_end0:
.L_simem_size_0:
called_computation_lowered:
.L_overlay_start_0:
0x88: {  	s2 =	sld [smem:$0x3FD9]  }
0x89: {  	s3 =	sld [smem:$0x3FFE];
	_ =	sdelay $0x1  }
0x8a: {  	s1 =	srdreg.scid  }
0x8b: {  	s0 =	sand.u32 $0x1, s1  }
0x8c: {  	s16 =	sshll.u32 s0, $0xA;
	s2 =	sadd.s32 s3, s2  }
0x8d: {  	s2 =	sadd.s32 s2, s16  }
0x8e: {  	[smem:$0x3FC2] =	sst s2  }
0x8f: {  	_ = 	snop  }
0x90: {  	(tm) =	ssettm $0x1  }
0x91: {  	s17 =	sld [smem:$0x3FFB];
	_ =	sdelay $0x3  }
0x92: {  	_ =	strace s17  }
0x93: {  	s2 =	sld [smem:$0x3FFC];
	_ =	sdelay $0x3  }
0x94: {  	_ =	strace s2  }
0x95: {  	s2 =	sld [smem:$0x3FFD];
	_ =	sdelay $0x3  }
0x96: {  	_ =	strace s2  }
0x97: {  	_ =	strace $0x8FFFFFFF  }
0x98: {  	s18 =	sld [smem:$0x3FDB];
	_ =	sdelay $0x1  }
0x99: {  	s19 =	simm.s32 $_scs_section_size  }
0x9a: {  	s4 =	simm.s32 $_size__tile_overlayer_lowered;
	s5 =	simm.s32 $_tile_overlayer_lowered  }
0x9b: {  	s22 =	simm.s32 $0x1BFF;
	s21 =	sshll.u32 s5, $0x1;
	s2 =	sadd.s32 s19, s18  }
0x9c: {  	s6 =	simm.s32 $0x0;
	s20 =	sshll.u32 s4, $0x1;
	s4 =	sadd.s32 s21, s2  }
0x9d: {  	[timem:s6], [sflag:s22] =	dma.local [hbm:s4], s20  }
0x9e: {  	_ =	swait.ge [sflag:s22], s20  }
0x9f: {  	s3 =	ssub.s32 $0x0, s20;
	[sflag:s22] =	ssyncset.done $0x0  }
0xa0: {  	[sflag:s22] =	ssyncadd.s32 s3;
	_ =	sdelay $0x1  }
0xa1: {  	s23 =	simm.s32 $0x1B8B  }
0xa2: {  	_ =	swait.ge [sflag:s23], $0x1  }
0xa3: {  	[sflag:s23] =	ssyncset.done $0x0  }
0xa4: {  	s25 =	simm.s32 $0x1B8E;
	s24 =	sld [smem:$0x3FFE];
	[sflag:s23] =	ssyncadd.s32 $0xFFFFFFFF  }
0xa5: {  	s26 =	simm.s32 $execute0_lowered;
	[smem:$0x3FD2] =	sst s25  }
0xa6: {  	s4 =	sshll.u32 s26, $0x1;
	_ =	strace $0x80000046;
	[dreg:$0x1] =	wrdreg $0xFFFFFFFF  }
0xa7: {  	s28 =	simm.s32 $_size_execute0_lowered;
	s2 =	sadd.s32 s2, s4;
	[dreg:$0x0] =	wrdreg $0x0  }
0xa8: {  	s4 =	sshll.u32 s28, $0x1;
	[dreg:$0x2] =	wrdreg s2  }
0xa9: {  	[dreg:$0x3] =	wrdreg s4  }
0xaa: {  	[dreg:$0x4] =	wrdreg $0xC0  }
0xab: {  	_ =	task [dreg:s6], $0x5FFFF  }
0xac: {  	[dreg:$0x1] =	wrdreg $0xFFFFFFFF  }
0xad: {  	[dreg:$0x0] =	wrdreg $0x60  }
0xae: {  	[dreg:$0x2] =	wrdreg s24  }
0xaf: {  	[dreg:$0x3] =	wrdreg $0x9  }
0xb0: {  	_ =	task.clear_ibuf [dreg:s6], $0x4FFFF;
	_ =	strace $0x90000046  }
0xb1: {  	s29 =	simm.s32 $0x9;
	_ =	strace $0x80000048  }
0xb2: {  	_ =	swait.ge [sflag:s29], $0x1  }
0xb3: {  	[sflag:s29] =	ssyncadd.s32 $0xFFFFFFFF  }
0xb4: {  	_ =	strace $0x90000048  }
0xb5: {  	_ =	sfence  }
0xb6: {  	s30 =	sld [smem:$0x0];
	_ =	sdelay $0x2  }
0xb7: {  	s31 =	sshll.u32 s1, $0xD;
	s1 =	sshrl.u32 s1, $0x2  }
0xb8: {  	s3 =	sand.u32 $0x4000, s31;
	s1 =	sadd.s32 s1, s30  }
0xb9: {  	s0 =	sor.u32 s3, s0;
	s1 =	sshll.u32 s1, $0x11  }
0xba: {  	s0 =	sor.u32 s1, s0  }
0xbb: {  	s0 =	sadd.s32 $0x8F2B, s0  }
0xbc: {  	[sflag:s0] =	ssyncadd.remote.s32 $0x1  }
0xbd: {  	_ =	sfence.sel $0xFFFF  }
0xbe: {  	[dreg:$0x0] =	wrdreg $0xFFFFFFFF;
	(pc) =	sbr.abs _section_cstart, $3  }
0xbf: {  	[dreg:$0x1] =	wrdreg $0xFFFFFFFF  }
0xc0: {  	_ =	task.clear_ibuf [dreg:s6], $0x2FFFF;
	_ =	strace $0x9FFFFFFF  }
0xc1: {  	(tm) =	ssettm $0x7FFFFFFF  }
tec
execute0_lowered:
.L_overlay_start_1:
0x0: {  	(tag) =	ssettag $0x1  }
0x1: {  	s0 =	rddreg [dreg:$0x0];
	s1 =	srdreg.scid;
	s3 =	simm.s32 $0x0  }
0x2: {  	s2 =	stileid.u32;
	s10 =	simm.s32 $0x80;
	s12 =	simm.s32 $0x48  }
0x3: {  	s29 =	simm.s32 $0x1;
	s30 =	simm.s32 $0x2;
	s31 =	simm.s32 $0x3  }
0x4: {  	s6 =	simm.s32 $0x6;
	s8 =	simm.s32 $0x7;
	s28 =	simm.s32 $0x0  }
0x5: {  	s1 =	sand.u32 $0x1, s1;
	[smem:$0x7FF] =	sst s3;
	s2 =	sshll.u32 s2, $0xA  }
0x6: {  	s4 =	sadd.s32 $0xE00, s0;
	s23 =	sshll.u32 s1, $0x9;
	s1 =	ssub.s32 $0x2, s1  }
0x7: {  	_ =	strace $0x80000047;
	s3 =	sor.u32 s23, s2;
	s24 =	sshrl.u32 s1, $0x1  }
0x8: {  	s2 =	sshll.u32 s3, $0x3;
	[dreg:$0x3] =	wrdreg s3;
	s3 =	smul.u32 $0x19, s3  }
.Ltmp0:
0x9: {  	[dreg:$0x2] =	wrdreg s4;
	s1 =	ssub.s32 s1, s24;
	(pc) =	sbr.rel .LBB2_1-.Ltmp0, $4  }
0xa: {  	s5 =	sadd.s32 $0x64E00, s0;
	[dreg:$0x7] =	wrdreg s28;
	s26 =	smax.u32 s1, $0x1  }
0xb: {  	s0 =	sadd.s32 s2, s0;
	s25 =	sadd.s32 s4, s3;
	[dreg:$0x6] =	wrdreg s26  }
0xc: {  	s9 =	simm.s32 $0x8;
	s0 =	sadd.s32 $0x435800, s0;
	[dreg:$0x4] =	wrdreg s25  }
0xd: {  	s1 =	simm.s32 $0x5;
	[dreg:$0x5] =	wrdreg s0;
	s0 =	simm.s32 $0x4  }
.LBB2_25:
0xe: {  	s3 =	simm.s32 $0xA  }
0xf: {  	_ =	swait.ge [sflag:s3], $0x400  }
0x10: {  	[sflag:s3] =	ssyncset.done $0x0  }
0x11: {  	[sflag:s3] =	ssyncadd.s32 $0xFFFFFC00  }
0x12: {  	_ =	swait.ge [sflag:s3], $0x400  }
0x13: {  	s4 =	rddreg [dreg:$0x7]  }
0x14: {  	s2 =	rddreg [dreg:$0x6];
	s4 =	sadd.s32 $0x1, s4  }
0x15: {  	p0 =	sne.s32 s4, s2  }
.Ltmp1:
0x16: {  	_ = 	snop;
	(pc) =	sbr.rel @!p0 .LBB2_26-.Ltmp1, $3  }
0x17: {  	_ =	sdelay $0x1  }
0x18: {  	[sflag:s3] =	ssyncset.done $0x0  }
0x19: {  	[sflag:s3] =	ssyncadd.s32 $0xFFFFFC00;
	[dreg:$0x7] =	wrdreg s4  }
.LBB2_1:
0x1a: {  	s2 =	simm.s32 $0x0  }
.Ltmp2:
0x1b: {  	s3 =	rddreg [dreg:$0x4];
	s28 =	simm.s32 $0xB;
	(pc) =	sbr.rel .LBB2_2-.Ltmp2, $4  }
0x1c: {  	[tilespmem:s2], [sflag:$0xB] =	stream.linear.gather [hbm4b:s3+s2], $0xC80, $0x38;
	[tilespmem:$0xE900] =	vst v63  }
0x1d: {  	_ =	swait.ge [sflag:s28], $0xC80  }
0x1e: {  	[sflag:s28] =	ssyncset.done $0x0  }
0x1f: {  	s4 =	simm.s32 $0x0;
	[sflag:s28] =	ssyncadd.s32 $0xFFFFF380  }
.LBB2_24:
0x20: {  	s2 =	rddreg [dreg:$0x8]  }
0x21: {  	s3 =	rddreg [dreg:$0x5];
	s2 =	sshll.u32 s2, $0x7  }
0x22: {  	s28 =	simm.s32 $0x0;
	s2 =	sadd.s32 s2, s3  }
0x23: {  	[hbm4b:s2+s28] =	stream.linear.scatter [tilespmem:s11], [sflag:$0xA], $0x400, $0x38;
	[tilespmem:$0xE900] =	vst v63  }
0x24: {  	s2 =	simm.s32 @!p0 $0x9  }
0x25: {  	_ =	swait.ge @!p0 [sflag:s2], $0xC80  }
0x26: {  	s4 =	rddreg [dreg:$0x9]  }
0x27: {  	p1 =	slt.u32 s4, $0x20  }
.Ltmp3:
0x28: {  	_ = 	snop;
	(pc) =	sbr.rel @!p1 .LBB2_25-.Ltmp3, $3  }
0x29: {  	_ =	sdelay $0x1  }
0x2a: {  	[sflag:s2] =	ssyncset.done @!p0 $0x0  }
0x2b: {  	[sflag:s2] =	ssyncadd.s32 @!p0 $0xFFFFF380  }
.LBB2_2:
0x2c: {  	p0 =	slt.u32 s4, $0x2  }
0x2d: {  	p1 =	seq.s32 @!p0 s4, $0x1F  }
0x2e: {  	p1 =	por p0, !p1  }
.Ltmp4:
0x2f: {  	_ = 	snop;
	(pc) =	sbr.rel @p1 .LBB2_4-.Ltmp4, $4  }
0x30: {  	s3 =	simm.s32 @!p0 $0xA  }
0x31: {  	_ =	swait.ge @!p0 [sflag:s3], $0x400  }
0x32: {  	[sflag:s3] =	ssyncset.done @!p0 $0x0  }
0x33: {  	s2 =	sand.u32 $0x1, s4;
	[dreg:$0x8] =	wrdreg s4;
	[sflag:s3] =	ssyncadd.s32 @!p0 $0xFFFFFC00  }
.Ltmp5:
0x34: {  	(pc) =	sbr.rel .LBB2_5-.Ltmp5, $3  }
0x35: {  	_ =	sdelay $0x1  }
0x36: {  	s3 =	simm.s32 @!p0 $0x20  }
0x37: {  	p0 =	por @!p0 $0x1, $0x1;
	[dreg:$0x9] =	wrdreg s3  }
.LBB2_4:
0x38: {  	s3 =	sadd.s32 $0x1, s4;
	s7 =	rddreg [dreg:$0x3]  }
0x39: {  	s25 =	sxor.u32 $0x1, s2;
	[dreg:$0x9] =	wrdreg s3;
	s3 =	sshll.u32 s3, $0x4  }
0x3a: {  	s4 =	smul.u32 $0x3200, s25;
	s3 =	sadd.s32 s7, s3  }
0x3b: {  	s3 =	smul.u32 $0x19, s3  }
0x3c: {  	s26 =	rddreg [dreg:$0x2];
	s28 =	simm.s32 $0x0  }
0x3d: {  	p0 =	por $0x0, $0x0;
	s4 =	sshrl.u32 s4, $0x2;
	s3 =	sadd.s32 s26, s3  }
0x3e: {  	[tilespmem:s4], [sflag:$0x9] =	stream.linear.gather [hbm4b:s3+s28], $0xC80, $0x38;
	[tilespmem:$0xE900] =	vst v63  }
.LBB2_5:
0x3f: {  	s3 =	smul.u32 $0x3200, s2  }
0x40: {  	s4 =	simm.s32 $0x1900  }
0x41: {  	s7 =	simm.s32 $0x2900;
	s17 =	simm.s32 $0x3200;
	s3 =	sshrl.u32 s3, $0x2  }
0x42: {  	[tilespmem:s4], [sflag:$0x1] =	stream.indirect.gather [hbm4b:s5+s10], $0x20, s3, s10, $0xb8;
	[tilespmem:$0xE900] =	vst v63  }
0x43: {  	s19 =	simm.s32 $0x4200;
	s21 =	simm.s32 $0x4B00;
	s15 =	sadd.s32 $0x80, s3  }
0x44: {  	[tilespmem:s7], [sflag:$0x1] =	stream.indirect.gather [hbm4b:s5+s12], $0x20, s15, s12, $0xb8;
	[tilespmem:$0xE900] =	vst v63  }
0x45: {  	s23 =	simm.s32 $0x5B00;
	s25 =	simm.s32 $0x6400;
	s16 =	sadd.s32 $0xC8, s3  }
0x46: {  	[tilespmem:s17], [sflag:$0x2] =	stream.indirect.gather [hbm4b:s5+s10], $0x20, s16, s10, $0xb8;
	[tilespmem:$0xE900] =	vst v63  }
0x47: {  	s28 =	simm.s32 $0x7400;
	s11 =	simm.s32 $0x7D00;
	s18 =	sadd.s32 $0x148, s3  }
0x48: {  	[tilespmem:s19], [sflag:$0x2] =	stream.indirect.gather [hbm4b:s5+s12], $0x20, s18, s12, $0xb8;
	[tilespmem:$0xE900] =	vst v63  }
0x49: {  	s14 =	simm.s32 $0x8D00;
	p1 =	por $0x0, $0x0;
	s20 =	sadd.s32 $0x190, s3  }
0x4a: {  	[tilespmem:s21], [sflag:$0x3] =	stream.indirect.gather [hbm4b:s5+s10], $0x20, s20, s10, $0xb8;
	[tilespmem:$0xE900] =	vst v63  }
0x4b: {  	s22 =	sadd.s32 $0x210, s3;
	s24 =	sadd.s32 $0x258, s3;
	s26 =	sadd.s32 $0x2D8, s3  }
0x4c: {  	[tilespmem:s23], [sflag:$0x3] =	stream.indirect.gather [hbm4b:s5+s12], $0x20, s22, s12, $0xb8;
	[tilespmem:$0xE900] =	vst v63  }
0x4d: {  	s13 =	sadd.s32 $0x3A0, s3;
	s4 =	sadd.s32 $0xC38, s3;
	s7 =	sadd.s32 $0x320, s3  }
0x4e: {  	[tilespmem:s25], [sflag:$0x4] =	stream.indirect.gather [hbm4b:s5+s10], $0x20, s24, s10, $0xb8;
	[tilespmem:$0xE900] =	vst v63  }
0x4f: {  	s15 =	sadd.s32 $0x3E8, s3;
	s16 =	simm.s32 $0x9600;
	s17 =	sadd.s32 $0x468, s3  }
0x50: {  	[tilespmem:s28], [sflag:$0x4] =	stream.indirect.gather [hbm4b:s5+s12], $0x20, s26, s12, $0xb8;
	[tilespmem:$0xE900] =	vst v63  }
0x51: {  	s18 =	simm.s32 $0xA600;
	s19 =	sadd.s32 $0x4B0, s3;
	s20 =	simm.s32 $0xAF00  }
0x52: {  	[tilespmem:s11], [sflag:$0x5] =	stream.indirect.gather [hbm4b:s5+s10], $0x20, s7, s10, $0xb8;
	[tilespmem:$0xE900] =	vst v63  }
0x53: {  	s21 =	sadd.s32 $0x530, s3;
	s22 =	simm.s32 $0xBF00;
	s23 =	sadd.s32 $0x578, s3  }
0x54: {  	[tilespmem:s14], [sflag:$0x5] =	stream.indirect.gather [hbm4b:s5+s12], $0x20, s13, s12, $0xb8;
	[tilespmem:$0xE900] =	vst v63  }
0x55: {  	s24 =	simm.s32 $0xC800;
	s25 =	sadd.s32 $0x5F8, s3;
	s28 =	sshll.u32 s2, $0xA  }
0x56: {  	[tilespmem:s16], [sflag:$0x6] =	stream.indirect.gather [hbm4b:s5+s10], $0x20, s15, s10, $0xb8;
	[tilespmem:$0xE900] =	vst v63  }
0x57: {  	s26 =	simm.s32 $0xD800;
	s2 =	sadd.s32 $0xB70, s3;
	s11 =	sor.u32 $0xE100, s28  }
0x58: {  	[tilespmem:s18], [sflag:$0x6] =	stream.indirect.gather [hbm4b:s5+s12], $0x20, s17, s12, $0xb8;
	[tilespmem:$0xE900] =	vst v63  }
0x59: {  	s7 =	sadd.s32 $0xBB8, s3;
	s13 =	sadd.s32 $0x640, s3;
	s14 =	sadd.s32 $0x6C0, s3  }
0x5a: {  	[tilespmem:s20], [sflag:$0x7] =	stream.indirect.gather [hbm4b:s5+s10], $0x20, s19, s10, $0xb8;
	[tilespmem:$0xE900] =	vst v63  }
0x5b: {  	s15 =	sadd.s32 $0x708, s3;
	s16 =	sadd.s32 $0x788, s3;
	s17 =	sadd.s32 $0x7D0, s3  }
0x5c: {  	[tilespmem:s22], [sflag:$0x7] =	stream.indirect.gather [hbm4b:s5+s12], $0x20, s21, s12, $0xb8;
	[tilespmem:$0xE900] =	vst v63  }
0x5d: {  	s18 =	sadd.s32 $0x850, s3;
	s19 =	sadd.s32 $0x898, s3;
	s20 =	sadd.s32 $0x918, s3  }
0x5e: {  	[tilespmem:s24], [sflag:$0x8] =	stream.indirect.gather [hbm4b:s5+s10], $0x20, s23, s10, $0xb8;
	[tilespmem:$0xE900] =	vst v63  }
0x5f: {  	s21 =	sadd.s32 $0x960, s3;
	s22 =	sadd.s32 $0x9E0, s3;
	s23 =	sadd.s32 $0xA28, s3  }
0x60: {  	[tilespmem:s26], [sflag:$0x8] =	stream.indirect.gather [hbm4b:s5+s12], $0x20, s25, s12, $0xb8;
	[tilespmem:$0xE900] =	vst v63  }
0x61: {  	v0 =	vmov s11;
	s24 =	sadd.s32 $0xAA8, s3;
	s25 =	sadd.s32 $0xAF0, s3;
	s3 =	simm.s32 $0x0  }
.LBB2_6:
0x62: {  	_ =	swait.ge [sflag:s29], $0x1000  }
0x63: {  	[sflag:s29] =	ssyncset.done $0x0  }
0x64: {  	[sflag:s29] =	ssyncadd.s32 $0xFFFFF000  }
0x65: {  	_ =	swait.ge [sflag:s29], $0x900  }
0x66: {  	[sflag:s29] =	ssyncset.done $0x0  }
0x67: {  	s26 =	simm.s32 $0x0;
	[sflag:s29] =	ssyncadd.s32 $0xFFFFF700  }
0x68: {  	v2 =	vld [tilespmem:s26+$0x1900]  }
0x69: {  	v3 =	vld [tilespmem:s26+$0x1910]  }
0x6a: {  	v4 =	vld [tilespmem:s26+$0x1940]  }
0x6b: {  	v10 =	vld [tilespmem:s26+$0x1950];
	_ =	sdelay $0x2  }
0x6c: {  	v1 =	vimm.f32 $0.0e+00;
	v7 =	vld [tilespmem:s26+$0x1980];
	v6 =	vshll.u32 v2, $0x10  }
0x6d: {  	v5 =	vld [tilespmem:s26+$0x1990];
	v2 =	vadd.f32 v2, v1;
	v8 =	vshll.u32 v3, $0x10;
	v11 =	vadd.f32 v3, v1  }
0x6e: {  	v9 =	vld [tilespmem:s26+$0x19C0];
	v3 =	vshll.u32 v4, $0x10;
	v15 =	vshll.u32 v10, $0x10;
	v6 =	vadd.f32 v6, v1  }
0x6f: {  	v12 =	vadd.f32 v8, v1;
	v8 =	vld [tilespmem:s26+$0x19D0];
	v13 =	vadd.f32 v4, v2;
	v2 =	vimm.f32 $0.0e+00  }
0x70: {  	s28 =	simm.s32 $0x400;
	v4 =	vimm.f32 $0.0e+00;
	v14 =	vadd.f32 v3, v6;
	v6 =	vld [tilespmem:s26+$0x1920];
	v3 =	vimm.f32 $0.0e+00  }
.LBB2_7:
0x71: {  	p2 =	sne.s32 s28, $0x6000;
	v16 =	vld [tilespmem:s26+$0x1930];
	v12 =	vadd.f32 v15, v12;
	v10 =	vadd.f32 v10, v11;
	v11 =	vshll.u32 v7, $0x10  }
0x72: {  	v15 =	vld [tilespmem:s26+$0x1960];
	v11 =	vadd.f32 v11, v14;
	v7 =	vadd.f32 v7, v13;
	v13 =	vshll.u32 v5, $0x10  }
0x73: {  	v14 =	vld [tilespmem:s26+$0x1970];
	v12 =	vadd.f32 v13, v12;
	v5 =	vadd.f32 v5, v10;
	v10 =	vshll.u32 v9, $0x10  }
0x74: {  	v13 =	vld [tilespmem:s26+$0x19A0];
	v11 =	vadd.f32 v10, v11;
	v9 =	vadd.f32 v9, v7;
	v7 =	vshll.u32 v8, $0x10  }
0x75: {  	v10 =	vshll.u32 v6, $0x10;
	v17 =	vld [tilespmem:s26+$0x19B0];
	v12 =	vadd.f32 v7, v12;
	v8 =	vadd.f32 v8, v5  }
0x76: {  	v2 =	vadd.f32 v6, v2;
	v1 =	vadd.f32 v10, v1;
	v5 =	vshll.u32 v16, $0x10;
	v6 =	vld [tilespmem:s26+$0x19E0]  }
0x77: {  	v3 =	vadd.f32 v16, v3;
	v4 =	vadd.f32 v5, v4;
	v5 =	vshll.u32 v15, $0x10;
	v16 =	vld [tilespmem:s26+$0x19F0];
	s26 =	sshra.s32 s28, $0x2  }
0x78: {  	v2 =	vadd.f32 v15, v2;
	v18 =	vld [tilespmem:s26+$0x1900];
	v1 =	vadd.f32 v5, v1;
	v5 =	vshll.u32 v14, $0x10  }
0x79: {  	v3 =	vadd.f32 v14, v3;
	v15 =	vld [tilespmem:s26+$0x1910];
	v4 =	vadd.f32 v5, v4;
	v5 =	vshll.u32 v13, $0x10  }
0x7a: {  	v2 =	vadd.f32 v13, v2;
	v19 =	vld [tilespmem:s26+$0x1940];
	v1 =	vadd.f32 v5, v1;
	v5 =	vshll.u32 v17, $0x10  }
0x7b: {  	v3 =	vadd.f32 v17, v3;
	v10 =	vld [tilespmem:s26+$0x1950];
	v4 =	vadd.f32 v5, v4;
	v5 =	vshll.u32 v6, $0x10  }
.Ltmp6:
0x7c: {  	v2 =	vadd.f32 v6, v2;
	v7 =	vld [tilespmem:s26+$0x1980];
	v1 =	vadd.f32 v5, v1;
	v6 =	vshll.u32 v16, $0x10;
	(pc) =	sbr.rel @p2 .LBB2_7-.Ltmp6, $4  }
0x7d: {  	v3 =	vadd.f32 v16, v3;
	v13 =	vshll.u32 v18, $0x10;
	v5 =	vld [tilespmem:s26+$0x1990];
	v4 =	vadd.f32 v6, v4  }
0x7e: {  	v16 =	vadd.f32 v18, v9;
	v13 =	vadd.f32 v13, v11;
	v6 =	vshll.u32 v15, $0x10;
	v9 =	vld [tilespmem:s26+$0x19C0]  }
0x7f: {  	v11 =	vadd.f32 v15, v8;
	v12 =	vadd.f32 v6, v12;
	v14 =	vshll.u32 v19, $0x10;
	v8 =	vld [tilespmem:s26+$0x19D0]  }
0x80: {  	s28 =	sadd.s32 $0x400, s28;
	v6 =	vld [tilespmem:s26+$0x1920];
	v14 =	vadd.f32 v14, v13;
	v13 =	vadd.f32 v19, v16;
	v15 =	vshll.u32 v10, $0x10  }
0x81: {  	v16 =	vld [tilespmem:s26+$0x1930];
	v12 =	vadd.f32 v15, v12;
	v15 =	vshll.u32 v7, $0x10  }
0x82: {  	v10 =	vadd.f32 v10, v11;
	v11 =	vld [tilespmem:s26+$0x1960];
	v14 =	vadd.f32 v15, v14;
	v15 =	vshll.u32 v5, $0x10  }
0x83: {  	v7 =	vadd.f32 v7, v13;
	v13 =	vld [tilespmem:s26+$0x1970];
	v12 =	vadd.f32 v15, v12;
	v15 =	vshll.u32 v9, $0x10  }
0x84: {  	v5 =	vadd.f32 v5, v10;
	v10 =	vld [tilespmem:s26+$0x19A0];
	v14 =	vadd.f32 v15, v14;
	v15 =	vshll.u32 v8, $0x10  }
0x85: {  	v17 =	vld [tilespmem:s26+$0x19B0];
	v7 =	vadd.f32 v9, v7;
	v9 =	vshll.u32 v6, $0x10;
	v12 =	vadd.f32 v15, v12  }
0x86: {  	v5 =	vadd.f32 v8, v5;
	v1 =	vadd.f32 v9, v1;
	v8 =	vshll.u32 v16, $0x10;
	v9 =	vld [tilespmem:s26+$0x19E0]  }
0x87: {  	v2 =	vadd.f32 v6, v2;
	v6 =	vshll.u32 v11, $0x10;
	v4 =	vadd.f32 v8, v4  }
0x88: {  	v3 =	vadd.f32 v16, v3;
	v8 =	vld [tilespmem:s26+$0x19F0];
	v1 =	vadd.f32 v6, v1;
	v6 =	vshll.u32 v13, $0x10  }
0x89: {  	v2 =	vadd.f32 v11, v2;
	v4 =	vadd.f32 v6, v4;
	v6 =	vshll.u32 v10, $0x10  }
0x8a: {  	v3 =	vadd.f32 v13, v3;
	v1 =	vadd.f32 v6, v1  }
0x8b: {  	v2 =	vadd.f32 v10, v2;
	v6 =	vshll.u32 v17, $0x10;
	v10 =	vshll.u32 v9, $0x10  }
0x8c: {  	v4 =	vadd.f32 v6, v4;
	v1 =	vadd.f32 v10, v1  }
0x8d: {  	v3 =	vadd.f32 v17, v3;
	v2 =	vadd.f32 v9, v2;
	v6 =	vshll.u32 v8, $0x10  }
0x8e: {  	v4 =	vadd.f32 v6, v4;
	v1 =	vadd.f32 v1, v14  }
0x8f: {  	s3 =	sshra.s32 s3, $0x2;
	v3 =	vadd.f32 v8, v3;
	v2 =	vadd.f32 v2, v7  }
0x90: {  	v4 =	vadd.f32 v4, v12;
	[tilespmem:v0+s3+$0x0 ss:$0x1] =	vst.idx.msk $0xffff, v1  }
0x91: {  	v1 =	vadd.f32 v3, v5;
	[tilespmem:v0+s3+$0x10 ss:$0x1] =	vst.idx.msk $0xffff, v2  }
0x92: {  	[tilespmem:v0+s3+$0x20 ss:$0x1] =	vst.idx.msk $0xffff, v4  }
0x93: {  	s28 =	simm.s32 @!p1 $0x1900;
	s26 =	simm.s32 @!p1 $0x80;
	[tilespmem:v0+s3+$0x30 ss:$0x1] =	vst.idx.msk $0xffff, v1  }
0x94: {  	[tilespmem:s28], [sflag:$0x1] =	stream.indirect.gather @!p1 [hbm4b:s5+s26], $0x20, s13, s26, $0xb8;
	[tilespmem:$0xE900] =	vst v63  }
0x95: {  	s26 =	simm.s32 @!p1 $0x48;
	s28 =	simm.s32 @!p1 $0x2900  }
0x96: {  	[tilespmem:s28], [sflag:$0x1] =	stream.indirect.gather @!p1 [hbm4b:s5+s26], $0x20, s14, s26, $0xb8;
	[tilespmem:$0xE900] =	vst v63  }
0x97: {  	_ =	swait.ge [sflag:s30], $0x1000  }
0x98: {  	[sflag:s30] =	ssyncset.done $0x0  }
0x99: {  	[sflag:s30] =	ssyncadd.s32 $0xFFFFF000  }
0x9a: {  	_ =	swait.ge [sflag:s30], $0x900  }
0x9b: {  	[sflag:s30] =	ssyncset.done $0x0  }
0x9c: {  	s26 =	simm.s32 $0x0;
	[sflag:s30] =	ssyncadd.s32 $0xFFFFF700  }
0x9d: {  	v2 =	vld [tilespmem:s26+$0x3200]  }
0x9e: {  	v3 =	vld [tilespmem:s26+$0x3210]  }
0x9f: {  	v10 =	vld [tilespmem:s26+$0x3250]  }
0xa0: {  	v4 =	vld [tilespmem:s26+$0x3240];
	_ =	sdelay $0x2  }
0xa1: {  	v1 =	vimm.f32 $0.0e+00;
	v6 =	vld [tilespmem:s26+$0x3280];
	v7 =	vshll.u32 v2, $0x10  }
0xa2: {  	v5 =	vld [tilespmem:s26+$0x3290];
	v2 =	vadd.f32 v2, v1;
	v11 =	vadd.f32 v3, v1;
	v15 =	vshll.u32 v10, $0x10  }
0xa3: {  	v9 =	vld [tilespmem:s26+$0x32C0];
	v8 =	vadd.f32 v7, v1;
	v7 =	vshll.u32 v3, $0x10;
	v3 =	vshll.u32 v4, $0x10  }
0xa4: {  	v12 =	vadd.f32 v7, v1;
	v7 =	vld [tilespmem:s26+$0x32D0];
	v13 =	vadd.f32 v4, v2;
	v2 =	vimm.f32 $0.0e+00  }
0xa5: {  	s3 =	sadd.s32 s3, s11;
	s28 =	simm.s32 $0x400;
	v4 =	vimm.f32 $0.0e+00;
	v14 =	vadd.f32 v3, v8;
	v8 =	vld [tilespmem:s26+$0x3220];
	v3 =	vimm.f32 $0.0e+00  }
.LBB2_9:
0xa6: {  	p2 =	sne.s32 s28, $0x6000;
	v16 =	vld [tilespmem:s26+$0x3230];
	v12 =	vadd.f32 v15, v12;
	v10 =	vadd.f32 v10, v11;
	v11 =	vshll.u32 v6, $0x10  }
0xa7: {  	v15 =	vld [tilespmem:s26+$0x3260];
	v11 =	vadd.f32 v11, v14;
	v6 =	vadd.f32 v6, v13;
	v13 =	vshll.u32 v5, $0x10  }
0xa8: {  	v14 =	vld [tilespmem:s26+$0x3270];
	v12 =	vadd.f32 v13, v12;
	v5 =	vadd.f32 v5, v10;
	v10 =	vshll.u32 v9, $0x10  }
0xa9: {  	v13 =	vld [tilespmem:s26+$0x32A0];
	v11 =	vadd.f32 v10, v11;
	v9 =	vadd.f32 v9, v6;
	v6 =	vshll.u32 v7, $0x10  }
0xaa: {  	v10 =	vshll.u32 v8, $0x10;
	v17 =	vld [tilespmem:s26+$0x32B0];
	v12 =	vadd.f32 v6, v12;
	v7 =	vadd.f32 v7, v5  }
0xab: {  	v2 =	vadd.f32 v8, v2;
	v1 =	vadd.f32 v10, v1;
	v5 =	vshll.u32 v16, $0x10;
	v8 =	vld [tilespmem:s26+$0x32E0]  }
0xac: {  	v3 =	vadd.f32 v16, v3;
	v4 =	vadd.f32 v5, v4;
	v5 =	vshll.u32 v15, $0x10;
	v16 =	vld [tilespmem:s26+$0x32F0];
	s26 =	sshra.s32 s28, $0x2  }
0xad: {  	v2 =	vadd.f32 v15, v2;
	v18 =	vld [tilespmem:s26+$0x3200];
	v1 =	vadd.f32 v5, v1;
	v5 =	vshll.u32 v14, $0x10  }
0xae: {  	v3 =	vadd.f32 v14, v3;
	v15 =	vld [tilespmem:s26+$0x3210];
	v4 =	vadd.f32 v5, v4;
	v5 =	vshll.u32 v13, $0x10  }
0xaf: {  	v2 =	vadd.f32 v13, v2;
	v19 =	vld [tilespmem:s26+$0x3240];
	v1 =	vadd.f32 v5, v1;
	v5 =	vshll.u32 v17, $0x10  }
0xb0: {  	v3 =	vadd.f32 v17, v3;
	v10 =	vld [tilespmem:s26+$0x3250];
	v4 =	vadd.f32 v5, v4;
	v5 =	vshll.u32 v8, $0x10  }
.Ltmp7:
0xb1: {  	v2 =	vadd.f32 v8, v2;
	v6 =	vld [tilespmem:s26+$0x3280];
	v1 =	vadd.f32 v5, v1;
	v8 =	vshll.u32 v16, $0x10;
	(pc) =	sbr.rel @p2 .LBB2_9-.Ltmp7, $4  }
0xb2: {  	v3 =	vadd.f32 v16, v3;
	v13 =	vshll.u32 v18, $0x10;
	v5 =	vld [tilespmem:s26+$0x3290];
	v4 =	vadd.f32 v8, v4  }
0xb3: {  	v16 =	vadd.f32 v18, v9;
	v13 =	vadd.f32 v13, v11;
	v8 =	vshll.u32 v15, $0x10;
	v9 =	vld [tilespmem:s26+$0x32C0]  }
0xb4: {  	v11 =	vadd.f32 v15, v7;
	v12 =	vadd.f32 v8, v12;
	v14 =	vshll.u32 v19, $0x10;
	v7 =	vld [tilespmem:s26+$0x32D0]  }
0xb5: {  	s28 =	sadd.s32 $0x400, s28;
	v8 =	vld [tilespmem:s26+$0x3220];
	v14 =	vadd.f32 v14, v13;
	v13 =	vadd.f32 v19, v16;
	v15 =	vshll.u32 v10, $0x10  }
0xb6: {  	v16 =	vld [tilespmem:s26+$0x3230];
	v12 =	vadd.f32 v15, v12;
	v15 =	vshll.u32 v6, $0x10;
	v10 =	vadd.f32 v10, v11  }
0xb7: {  	v11 =	vld [tilespmem:s26+$0x3260];
	v14 =	vadd.f32 v15, v14;
	v15 =	vshll.u32 v5, $0x10;
	v6 =	vadd.f32 v6, v13  }
0xb8: {  	v13 =	vld [tilespmem:s26+$0x3270];
	v12 =	vadd.f32 v15, v12;
	v15 =	vshll.u32 v9, $0x10;
	v5 =	vadd.f32 v5, v10  }
0xb9: {  	v10 =	vld [tilespmem:s26+$0x32A0];
	v14 =	vadd.f32 v15, v14;
	v15 =	vshll.u32 v7, $0x10;
	v6 =	vadd.f32 v9, v6  }
0xba: {  	v17 =	vld [tilespmem:s26+$0x32B0];
	v9 =	vshll.u32 v8, $0x10;
	v12 =	vadd.f32 v15, v12;
	v2 =	vadd.f32 v8, v2  }
0xbb: {  	v5 =	vadd.f32 v7, v5;
	v1 =	vadd.f32 v9, v1;
	v7 =	vshll.u32 v16, $0x10;
	v9 =	vld [tilespmem:s26+$0x32E0]  }
0xbc: {  	v8 =	vld [tilespmem:s26+$0x32F0];
	v4 =	vadd.f32 v7, v4;
	v7 =	vshll.u32 v11, $0x10;
	v2 =	vadd.f32 v11, v2  }
0xbd: {  	v3 =	vadd.f32 v16, v3;
	v1 =	vadd.f32 v7, v1;
	v7 =	vshll.u32 v13, $0x10  }
0xbe: {  	v4 =	vadd.f32 v7, v4;
	v7 =	vshll.u32 v10, $0x10;
	v2 =	vadd.f32 v10, v2  }
0xbf: {  	v3 =	vadd.f32 v13, v3;
	v1 =	vadd.f32 v7, v1;
	v7 =	vshll.u32 v17, $0x10  }
0xc0: {  	v10 =	vshll.u32 v9, $0x10;
	v4 =	vadd.f32 v7, v4;
	v2 =	vadd.f32 v9, v2  }
0xc1: {  	v3 =	vadd.f32 v17, v3;
	v7 =	vshll.u32 v8, $0x10;
	v1 =	vadd.f32 v10, v1  }
0xc2: {  	v4 =	vadd.f32 v7, v4;
	v2 =	vadd.f32 v2, v6  }
0xc3: {  	v3 =	vadd.f32 v8, v3;
	v1 =	vadd.f32 v1, v14  }
0xc4: {  	v4 =	vadd.f32 v4, v12;
	[tilespmem:s3+$0x50] =	vst v2  }
0xc5: {  	[tilespmem:s3+$0x40] =	vst v1;
	v1 =	vadd.f32 v3, v5  }
0xc6: {  	[tilespmem:s3+$0x60] =	vst v4  }
0xc7: {  	s28 =	simm.s32 @!p1 $0x3200;
	s26 =	simm.s32 @!p1 $0x80;
	[tilespmem:s3+$0x70] =	vst v1  }
0xc8: {  	[tilespmem:s28], [sflag:$0x2] =	stream.indirect.gather @!p1 [hbm4b:s5+s26], $0x20, s15, s26, $0xb8;
	[tilespmem:$0xE900] =	vst v63  }
0xc9: {  	s26 =	simm.s32 @!p1 $0x48;
	s28 =	simm.s32 @!p1 $0x4200  }
0xca: {  	[tilespmem:s28], [sflag:$0x2] =	stream.indirect.gather @!p1 [hbm4b:s5+s26], $0x20, s16, s26, $0xb8;
	[tilespmem:$0xE900] =	vst v63  }
0xcb: {  	_ =	swait.ge [sflag:s31], $0x1000  }
0xcc: {  	[sflag:s31] =	ssyncset.done $0x0  }
0xcd: {  	[sflag:s31] =	ssyncadd.s32 $0xFFFFF000  }
0xce: {  	_ =	swait.ge [sflag:s31], $0x900  }
0xcf: {  	[sflag:s31] =	ssyncset.done $0x0  }
0xd0: {  	s26 =	simm.s32 $0x0;
	[sflag:s31] =	ssyncadd.s32 $0xFFFFF700  }
0xd1: {  	v2 =	vld [tilespmem:s26+$0x4B00]  }
0xd2: {  	v3 =	vld [tilespmem:s26+$0x4B10]  }
0xd3: {  	v4 =	vld [tilespmem:s26+$0x4B40]  }
0xd4: {  	v10 =	vld [tilespmem:s26+$0x4B50];
	_ =	sdelay $0x2  }
0xd5: {  	v1 =	vimm.f32 $0.0e+00;
	v7 =	vld [tilespmem:s26+$0x4B80];
	v6 =	vshll.u32 v2, $0x10  }
0xd6: {  	v5 =	vld [tilespmem:s26+$0x4B90];
	v2 =	vadd.f32 v2, v1;
	v8 =	vshll.u32 v3, $0x10;
	v11 =	vadd.f32 v3, v1  }
0xd7: {  	v9 =	vld [tilespmem:s26+$0x4BC0];
	v3 =	vshll.u32 v4, $0x10;
	v15 =	vshll.u32 v10, $0x10;
	v6 =	vadd.f32 v6, v1  }
0xd8: {  	v12 =	vadd.f32 v8, v1;
	v8 =	vld [tilespmem:s26+$0x4BD0];
	v13 =	vadd.f32 v4, v2;
	v2 =	vimm.f32 $0.0e+00  }
0xd9: {  	s28 =	simm.s32 $0x400;
	v4 =	vimm.f32 $0.0e+00;
	v14 =	vadd.f32 v3, v6;
	v6 =	vld [tilespmem:s26+$0x4B20];
	v3 =	vimm.f32 $0.0e+00  }
.LBB2_11:
0xda: {  	p2 =	sne.s32 s28, $0x6000;
	v16 =	vld [tilespmem:s26+$0x4B30];
	v12 =	vadd.f32 v15, v12;
	v10 =	vadd.f32 v10, v11;
	v11 =	vshll.u32 v7, $0x10  }
0xdb: {  	v15 =	vld [tilespmem:s26+$0x4B60];
	v11 =	vadd.f32 v11, v14;
	v7 =	vadd.f32 v7, v13;
	v13 =	vshll.u32 v5, $0x10  }
0xdc: {  	v14 =	vld [tilespmem:s26+$0x4B70];
	v12 =	vadd.f32 v13, v12;
	v5 =	vadd.f32 v5, v10;
	v10 =	vshll.u32 v9, $0x10  }
0xdd: {  	v13 =	vld [tilespmem:s26+$0x4BA0];
	v11 =	vadd.f32 v10, v11;
	v9 =	vadd.f32 v9, v7;
	v7 =	vshll.u32 v8, $0x10  }
0xde: {  	v10 =	vshll.u32 v6, $0x10;
	v17 =	vld [tilespmem:s26+$0x4BB0];
	v12 =	vadd.f32 v7, v12;
	v8 =	vadd.f32 v8, v5  }
0xdf: {  	v2 =	vadd.f32 v6, v2;
	v1 =	vadd.f32 v10, v1;
	v5 =	vshll.u32 v16, $0x10;
	v6 =	vld [tilespmem:s26+$0x4BE0]  }
0xe0: {  	v3 =	vadd.f32 v16, v3;
	v4 =	vadd.f32 v5, v4;
	v5 =	vshll.u32 v15, $0x10;
	v16 =	vld [tilespmem:s26+$0x4BF0];
	s26 =	sshra.s32 s28, $0x2  }
0xe1: {  	v2 =	vadd.f32 v15, v2;
	v18 =	vld [tilespmem:s26+$0x4B00];
	v1 =	vadd.f32 v5, v1;
	v5 =	vshll.u32 v14, $0x10  }
0xe2: {  	v3 =	vadd.f32 v14, v3;
	v15 =	vld [tilespmem:s26+$0x4B10];
	v4 =	vadd.f32 v5, v4;
	v5 =	vshll.u32 v13, $0x10  }
0xe3: {  	v2 =	vadd.f32 v13, v2;
	v19 =	vld [tilespmem:s26+$0x4B40];
	v1 =	vadd.f32 v5, v1;
	v5 =	vshll.u32 v17, $0x10  }
0xe4: {  	v3 =	vadd.f32 v17, v3;
	v10 =	vld [tilespmem:s26+$0x4B50];
	v4 =	vadd.f32 v5, v4;
	v5 =	vshll.u32 v6, $0x10  }
.Ltmp8:
0xe5: {  	v2 =	vadd.f32 v6, v2;
	v7 =	vld [tilespmem:s26+$0x4B80];
	v1 =	vadd.f32 v5, v1;
	v6 =	vshll.u32 v16, $0x10;
	(pc) =	sbr.rel @p2 .LBB2_11-.Ltmp8, $4  }
0xe6: {  	v3 =	vadd.f32 v16, v3;
	v13 =	vshll.u32 v18, $0x10;
	v5 =	vld [tilespmem:s26+$0x4B90];
	v4 =	vadd.f32 v6, v4  }
0xe7: {  	v16 =	vadd.f32 v18, v9;
	v13 =	vadd.f32 v13, v11;
	v6 =	vshll.u32 v15, $0x10;
	v9 =	vld [tilespmem:s26+$0x4BC0]  }
0xe8: {  	v11 =	vadd.f32 v15, v8;
	v12 =	vadd.f32 v6, v12;
	v14 =	vshll.u32 v19, $0x10;
	v8 =	vld [tilespmem:s26+$0x4BD0]  }
0xe9: {  	s28 =	sadd.s32 $0x400, s28;
	v6 =	vld [tilespmem:s26+$0x4B20];
	v14 =	vadd.f32 v14, v13;
	v13 =	vadd.f32 v19, v16;
	v15 =	vshll.u32 v10, $0x10  }
0xea: {  	v16 =	vld [tilespmem:s26+$0x4B30];
	v12 =	vadd.f32 v15, v12;
	v15 =	vshll.u32 v7, $0x10;
	v10 =	vadd.f32 v10, v11  }
0xeb: {  	v11 =	vld [tilespmem:s26+$0x4B60];
	v14 =	vadd.f32 v15, v14;
	v15 =	vshll.u32 v5, $0x10;
	v7 =	vadd.f32 v7, v13  }
0xec: {  	v13 =	vld [tilespmem:s26+$0x4B70];
	v12 =	vadd.f32 v15, v12;
	v15 =	vshll.u32 v9, $0x10;
	v5 =	vadd.f32 v5, v10  }
0xed: {  	v10 =	vld [tilespmem:s26+$0x4BA0];
	v14 =	vadd.f32 v15, v14;
	v15 =	vshll.u32 v8, $0x10;
	v7 =	vadd.f32 v9, v7  }
0xee: {  	v17 =	vld [tilespmem:s26+$0x4BB0];
	v9 =	vshll.u32 v6, $0x10;
	v12 =	vadd.f32 v15, v12;
	v2 =	vadd.f32 v6, v2  }
0xef: {  	v5 =	vadd.f32 v8, v5;
	v1 =	vadd.f32 v9, v1;
	v8 =	vshll.u32 v16, $0x10;
	v9 =	vld [tilespmem:s26+$0x4BE0]  }
0xf0: {  	v6 =	vshll.u32 v11, $0x10;
	v4 =	vadd.f32 v8, v4;
	v8 =	vld [tilespmem:s26+$0x4BF0];
	v2 =	vadd.f32 v11, v2  }
0xf1: {  	v3 =	vadd.f32 v16, v3;
	v1 =	vadd.f32 v6, v1;
	v6 =	vshll.u32 v13, $0x10  }
0xf2: {  	v4 =	vadd.f32 v6, v4;
	v6 =	vshll.u32 v10, $0x10;
	v2 =	vadd.f32 v10, v2  }
0xf3: {  	v3 =	vadd.f32 v13, v3;
	v1 =	vadd.f32 v6, v1;
	v6 =	vshll.u32 v17, $0x10  }
0xf4: {  	v10 =	vshll.u32 v9, $0x10;
	v4 =	vadd.f32 v6, v4;
	v2 =	vadd.f32 v9, v2  }
0xf5: {  	v3 =	vadd.f32 v17, v3;
	v1 =	vadd.f32 v10, v1;
	v6 =	vshll.u32 v8, $0x10  }
0xf6: {  	v4 =	vadd.f32 v6, v4;
	v2 =	vadd.f32 v2, v7  }
0xf7: {  	v3 =	vadd.f32 v8, v3;
	v1 =	vadd.f32 v1, v14  }
0xf8: {  	v4 =	vadd.f32 v4, v12;
	[tilespmem:s3+$0x90] =	vst v2  }
0xf9: {  	[tilespmem:s3+$0x80] =	vst v1;
	v1 =	vadd.f32 v3, v5  }
0xfa: {  	[tilespmem:s3+$0xA0] =	vst v4  }
0xfb: {  	s28 =	simm.s32 @!p1 $0x4B00;
	s26 =	simm.s32 @!p1 $0x80;
	[tilespmem:s3+$0xB0] =	vst v1  }
0xfc: {  	[tilespmem:s28], [sflag:$0x3] =	stream.indirect.gather @!p1 [hbm4b:s5+s26], $0x20, s17, s26, $0xb8;
	[tilespmem:$0xE900] =	vst v63  }
0xfd: {  	s26 =	simm.s32 @!p1 $0x48;
	s28 =	simm.s32 @!p1 $0x5B00  }
0xfe: {  	[tilespmem:s28], [sflag:$0x3] =	stream.indirect.gather @!p1 [hbm4b:s5+s26], $0x20, s18, s26, $0xb8;
	[tilespmem:$0xE900] =	vst v63  }
0xff: {  	_ =	swait.ge [sflag:s0], $0x1000  }
0x100: {  	[sflag:s0] =	ssyncset.done $0x0  }
0x101: {  	[sflag:s0] =	ssyncadd.s32 $0xFFFFF000  }
0x102: {  	_ =	swait.ge [sflag:s0], $0x900  }
0x103: {  	[sflag:s0] =	ssyncset.done $0x0  }
0x104: {  	s26 =	simm.s32 $0x0;
	[sflag:s0] =	ssyncadd.s32 $0xFFFFF700  }
0x105: {  	v2 =	vld [tilespmem:s26+$0x6400]  }
0x106: {  	v3 =	vld [tilespmem:s26+$0x6410]  }
0x107: {  	v4 =	vld [tilespmem:s26+$0x6440]  }
0x108: {  	v10 =	vld [tilespmem:s26+$0x6450];
	_ =	sdelay $0x2  }
0x109: {  	v1 =	vimm.f32 $0.0e+00;
	v7 =	vld [tilespmem:s26+$0x6480];
	v6 =	vshll.u32 v2, $0x10  }
0x10a: {  	v5 =	vld [tilespmem:s26+$0x6490];
	v2 =	vadd.f32 v2, v1;
	v8 =	vshll.u32 v3, $0x10;
	v11 =	vadd.f32 v3, v1  }
0x10b: {  	v9 =	vld [tilespmem:s26+$0x64C0];
	v3 =	vshll.u32 v4, $0x10;
	v15 =	vshll.u32 v10, $0x10;
	v6 =	vadd.f32 v6, v1  }
0x10c: {  	v12 =	vadd.f32 v8, v1;
	v8 =	vld [tilespmem:s26+$0x64D0];
	v13 =	vadd.f32 v4, v2;
	v2 =	vimm.f32 $0.0e+00  }
0x10d: {  	s28 =	simm.s32 $0x400;
	v4 =	vimm.f32 $0.0e+00;
	v14 =	vadd.f32 v3, v6;
	v6 =	vld [tilespmem:s26+$0x6420];
	v3 =	vimm.f32 $0.0e+00  }
.LBB2_13:
0x10e: {  	p2 =	sne.s32 s28, $0x6000;
	v16 =	vld [tilespmem:s26+$0x6430];
	v12 =	vadd.f32 v15, v12;
	v10 =	vadd.f32 v10, v11;
	v11 =	vshll.u32 v7, $0x10  }
0x10f: {  	v15 =	vld [tilespmem:s26+$0x6460];
	v11 =	vadd.f32 v11, v14;
	v7 =	vadd.f32 v7, v13;
	v13 =	vshll.u32 v5, $0x10  }
0x110: {  	v14 =	vld [tilespmem:s26+$0x6470];
	v12 =	vadd.f32 v13, v12;
	v5 =	vadd.f32 v5, v10;
	v10 =	vshll.u32 v9, $0x10  }
0x111: {  	v13 =	vld [tilespmem:s26+$0x64A0];
	v11 =	vadd.f32 v10, v11;
	v9 =	vadd.f32 v9, v7;
	v7 =	vshll.u32 v8, $0x10  }
0x112: {  	v10 =	vshll.u32 v6, $0x10;
	v17 =	vld [tilespmem:s26+$0x64B0];
	v12 =	vadd.f32 v7, v12;
	v8 =	vadd.f32 v8, v5  }
0x113: {  	v2 =	vadd.f32 v6, v2;
	v1 =	vadd.f32 v10, v1;
	v5 =	vshll.u32 v16, $0x10;
	v6 =	vld [tilespmem:s26+$0x64E0]  }
0x114: {  	v3 =	vadd.f32 v16, v3;
	v4 =	vadd.f32 v5, v4;
	v5 =	vshll.u32 v15, $0x10;
	v16 =	vld [tilespmem:s26+$0x64F0];
	s26 =	sshra.s32 s28, $0x2  }
0x115: {  	v2 =	vadd.f32 v15, v2;
	v18 =	vld [tilespmem:s26+$0x6400];
	v1 =	vadd.f32 v5, v1;
	v5 =	vshll.u32 v14, $0x10  }
0x116: {  	v3 =	vadd.f32 v14, v3;
	v15 =	vld [tilespmem:s26+$0x6410];
	v4 =	vadd.f32 v5, v4;
	v5 =	vshll.u32 v13, $0x10  }
0x117: {  	v2 =	vadd.f32 v13, v2;
	v19 =	vld [tilespmem:s26+$0x6440];
	v1 =	vadd.f32 v5, v1;
	v5 =	vshll.u32 v17, $0x10  }
0x118: {  	v3 =	vadd.f32 v17, v3;
	v10 =	vld [tilespmem:s26+$0x6450];
	v4 =	vadd.f32 v5, v4;
	v5 =	vshll.u32 v6, $0x10  }
.Ltmp9:
0x119: {  	v2 =	vadd.f32 v6, v2;
	v7 =	vld [tilespmem:s26+$0x6480];
	v1 =	vadd.f32 v5, v1;
	v6 =	vshll.u32 v16, $0x10;
	(pc) =	sbr.rel @p2 .LBB2_13-.Ltmp9, $4  }
0x11a: {  	v3 =	vadd.f32 v16, v3;
	v13 =	vshll.u32 v18, $0x10;
	v5 =	vld [tilespmem:s26+$0x6490];
	v4 =	vadd.f32 v6, v4  }
0x11b: {  	v16 =	vadd.f32 v18, v9;
	v13 =	vadd.f32 v13, v11;
	v6 =	vshll.u32 v15, $0x10;
	v9 =	vld [tilespmem:s26+$0x64C0]  }
0x11c: {  	v11 =	vadd.f32 v15, v8;
	v12 =	vadd.f32 v6, v12;
	v14 =	vshll.u32 v19, $0x10;
	v8 =	vld [tilespmem:s26+$0x64D0]  }
0x11d: {  	s28 =	sadd.s32 $0x400, s28;
	v6 =	vld [tilespmem:s26+$0x6420];
	v14 =	vadd.f32 v14, v13;
	v13 =	vadd.f32 v19, v16;
	v15 =	vshll.u32 v10, $0x10  }
0x11e: {  	v16 =	vld [tilespmem:s26+$0x6430];
	v12 =	vadd.f32 v15, v12;
	v15 =	vshll.u32 v7, $0x10;
	v10 =	vadd.f32 v10, v11  }
0x11f: {  	v11 =	vld [tilespmem:s26+$0x6460];
	v14 =	vadd.f32 v15, v14;
	v15 =	vshll.u32 v5, $0x10;
	v7 =	vadd.f32 v7, v13  }
0x120: {  	v13 =	vld [tilespmem:s26+$0x6470];
	v12 =	vadd.f32 v15, v12;
	v15 =	vshll.u32 v9, $0x10;
	v5 =	vadd.f32 v5, v10  }
0x121: {  	v10 =	vld [tilespmem:s26+$0x64A0];
	v14 =	vadd.f32 v15, v14;
	v15 =	vshll.u32 v8, $0x10;
	v7 =	vadd.f32 v9, v7  }
0x122: {  	v17 =	vld [tilespmem:s26+$0x64B0];
	v9 =	vshll.u32 v6, $0x10;
	v12 =	vadd.f32 v15, v12;
	v2 =	vadd.f32 v6, v2  }
0x123: {  	v5 =	vadd.f32 v8, v5;
	v1 =	vadd.f32 v9, v1;
	v8 =	vshll.u32 v16, $0x10;
	v9 =	vld [tilespmem:s26+$0x64E0]  }
0x124: {  	v6 =	vshll.u32 v11, $0x10;
	v4 =	vadd.f32 v8, v4;
	v8 =	vld [tilespmem:s26+$0x64F0];
	v2 =	vadd.f32 v11, v2  }
0x125: {  	v3 =	vadd.f32 v16, v3;
	v1 =	vadd.f32 v6, v1;
	v6 =	vshll.u32 v13, $0x10  }
0x126: {  	v4 =	vadd.f32 v6, v4;
	v6 =	vshll.u32 v10, $0x10;
	v2 =	vadd.f32 v10, v2  }
0x127: {  	v3 =	vadd.f32 v13, v3;
	v1 =	vadd.f32 v6, v1;
	v6 =	vshll.u32 v17, $0x10  }
0x128: {  	v10 =	vshll.u32 v9, $0x10;
	v4 =	vadd.f32 v6, v4;
	v2 =	vadd.f32 v9, v2  }
0x129: {  	v3 =	vadd.f32 v17, v3;
	v1 =	vadd.f32 v10, v1;
	v6 =	vshll.u32 v8, $0x10  }
0x12a: {  	v4 =	vadd.f32 v6, v4;
	v2 =	vadd.f32 v2, v7  }
0x12b: {  	v3 =	vadd.f32 v8, v3;
	v1 =	vadd.f32 v1, v14  }
0x12c: {  	v4 =	vadd.f32 v4, v12;
	[tilespmem:s3+$0xD0] =	vst v2  }
0x12d: {  	[tilespmem:s3+$0xC0] =	vst v1;
	v1 =	vadd.f32 v3, v5  }
0x12e: {  	[tilespmem:s3+$0xE0] =	vst v4  }
0x12f: {  	s28 =	simm.s32 @!p1 $0x6400;
	s26 =	simm.s32 @!p1 $0x80;
	[tilespmem:s3+$0xF0] =	vst v1  }
0x130: {  	[tilespmem:s28], [sflag:$0x4] =	stream.indirect.gather @!p1 [hbm4b:s5+s26], $0x20, s19, s26, $0xb8;
	[tilespmem:$0xE900] =	vst v63  }
0x131: {  	s26 =	simm.s32 @!p1 $0x48;
	s28 =	simm.s32 @!p1 $0x7400  }
0x132: {  	[tilespmem:s28], [sflag:$0x4] =	stream.indirect.gather @!p1 [hbm4b:s5+s26], $0x20, s20, s26, $0xb8;
	[tilespmem:$0xE900] =	vst v63  }
0x133: {  	_ =	swait.ge [sflag:s1], $0x1000  }
0x134: {  	[sflag:s1] =	ssyncset.done $0x0  }
0x135: {  	[sflag:s1] =	ssyncadd.s32 $0xFFFFF000  }
0x136: {  	_ =	swait.ge [sflag:s1], $0x900  }
0x137: {  	[sflag:s1] =	ssyncset.done $0x0  }
0x138: {  	s26 =	simm.s32 $0x0;
	[sflag:s1] =	ssyncadd.s32 $0xFFFFF700  }
0x139: {  	v2 =	vld [tilespmem:s26+$0x7D00]  }
0x13a: {  	v3 =	vld [tilespmem:s26+$0x7D10]  }
0x13b: {  	v4 =	vld [tilespmem:s26+$0x7D40]  }
0x13c: {  	v10 =	vld [tilespmem:s26+$0x7D50];
	_ =	sdelay $0x2  }
0x13d: {  	v1 =	vimm.f32 $0.0e+00;
	v7 =	vld [tilespmem:s26+$0x7D80];
	v6 =	vshll.u32 v2, $0x10  }
0x13e: {  	v5 =	vld [tilespmem:s26+$0x7D90];
	v2 =	vadd.f32 v2, v1;
	v8 =	vshll.u32 v3, $0x10;
	v11 =	vadd.f32 v3, v1  }
0x13f: {  	v9 =	vld [tilespmem:s26+$0x7DC0];
	v3 =	vshll.u32 v4, $0x10;
	v15 =	vshll.u32 v10, $0x10;
	v6 =	vadd.f32 v6, v1  }
0x140: {  	v12 =	vadd.f32 v8, v1;
	v8 =	vld [tilespmem:s26+$0x7DD0];
	v13 =	vadd.f32 v4, v2;
	v2 =	vimm.f32 $0.0e+00  }
0x141: {  	s28 =	simm.s32 $0x400;
	v4 =	vimm.f32 $0.0e+00;
	v14 =	vadd.f32 v3, v6;
	v6 =	vld [tilespmem:s26+$0x7D20];
	v3 =	vimm.f32 $0.0e+00  }
.LBB2_15:
0x142: {  	p2 =	sne.s32 s28, $0x6000;
	v16 =	vld [tilespmem:s26+$0x7D30];
	v12 =	vadd.f32 v15, v12;
	v10 =	vadd.f32 v10, v11;
	v11 =	vshll.u32 v7, $0x10  }
0x143: {  	v15 =	vld [tilespmem:s26+$0x7D60];
	v11 =	vadd.f32 v11, v14;
	v7 =	vadd.f32 v7, v13;
	v13 =	vshll.u32 v5, $0x10  }
0x144: {  	v14 =	vld [tilespmem:s26+$0x7D70];
	v12 =	vadd.f32 v13, v12;
	v5 =	vadd.f32 v5, v10;
	v10 =	vshll.u32 v9, $0x10  }
0x145: {  	v13 =	vld [tilespmem:s26+$0x7DA0];
	v11 =	vadd.f32 v10, v11;
	v9 =	vadd.f32 v9, v7;
	v7 =	vshll.u32 v8, $0x10  }
0x146: {  	v10 =	vshll.u32 v6, $0x10;
	v17 =	vld [tilespmem:s26+$0x7DB0];
	v12 =	vadd.f32 v7, v12;
	v8 =	vadd.f32 v8, v5  }
0x147: {  	v2 =	vadd.f32 v6, v2;
	v1 =	vadd.f32 v10, v1;
	v5 =	vshll.u32 v16, $0x10;
	v6 =	vld [tilespmem:s26+$0x7DE0]  }
0x148: {  	v3 =	vadd.f32 v16, v3;
	v4 =	vadd.f32 v5, v4;
	v5 =	vshll.u32 v15, $0x10;
	v16 =	vld [tilespmem:s26+$0x7DF0];
	s26 =	sshra.s32 s28, $0x2  }
0x149: {  	v2 =	vadd.f32 v15, v2;
	v18 =	vld [tilespmem:s26+$0x7D00];
	v1 =	vadd.f32 v5, v1;
	v5 =	vshll.u32 v14, $0x10  }
0x14a: {  	v3 =	vadd.f32 v14, v3;
	v15 =	vld [tilespmem:s26+$0x7D10];
	v4 =	vadd.f32 v5, v4;
	v5 =	vshll.u32 v13, $0x10  }
0x14b: {  	v2 =	vadd.f32 v13, v2;
	v19 =	vld [tilespmem:s26+$0x7D40];
	v1 =	vadd.f32 v5, v1;
	v5 =	vshll.u32 v17, $0x10  }
0x14c: {  	v3 =	vadd.f32 v17, v3;
	v10 =	vld [tilespmem:s26+$0x7D50];
	v4 =	vadd.f32 v5, v4;
	v5 =	vshll.u32 v6, $0x10  }
.Ltmp10:
0x14d: {  	v2 =	vadd.f32 v6, v2;
	v7 =	vld [tilespmem:s26+$0x7D80];
	v1 =	vadd.f32 v5, v1;
	v6 =	vshll.u32 v16, $0x10;
	(pc) =	sbr.rel @p2 .LBB2_15-.Ltmp10, $4  }
0x14e: {  	v3 =	vadd.f32 v16, v3;
	v13 =	vshll.u32 v18, $0x10;
	v5 =	vld [tilespmem:s26+$0x7D90];
	v4 =	vadd.f32 v6, v4  }
0x14f: {  	v16 =	vadd.f32 v18, v9;
	v13 =	vadd.f32 v13, v11;
	v6 =	vshll.u32 v15, $0x10;
	v9 =	vld [tilespmem:s26+$0x7DC0]  }
0x150: {  	v11 =	vadd.f32 v15, v8;
	v12 =	vadd.f32 v6, v12;
	v14 =	vshll.u32 v19, $0x10;
	v8 =	vld [tilespmem:s26+$0x7DD0]  }
0x151: {  	s28 =	sadd.s32 $0x400, s28;
	v6 =	vld [tilespmem:s26+$0x7D20];
	v14 =	vadd.f32 v14, v13;
	v13 =	vadd.f32 v19, v16;
	v15 =	vshll.u32 v10, $0x10  }
0x152: {  	v16 =	vld [tilespmem:s26+$0x7D30];
	v12 =	vadd.f32 v15, v12;
	v15 =	vshll.u32 v7, $0x10;
	v10 =	vadd.f32 v10, v11  }
0x153: {  	v11 =	vld [tilespmem:s26+$0x7D60];
	v14 =	vadd.f32 v15, v14;
	v15 =	vshll.u32 v5, $0x10;
	v7 =	vadd.f32 v7, v13  }
0x154: {  	v13 =	vld [tilespmem:s26+$0x7D70];
	v12 =	vadd.f32 v15, v12;
	v15 =	vshll.u32 v9, $0x10;
	v5 =	vadd.f32 v5, v10  }
0x155: {  	v10 =	vld [tilespmem:s26+$0x7DA0];
	v14 =	vadd.f32 v15, v14;
	v15 =	vshll.u32 v8, $0x10;
	v7 =	vadd.f32 v9, v7  }
0x156: {  	v17 =	vld [tilespmem:s26+$0x7DB0];
	v9 =	vshll.u32 v6, $0x10;
	v12 =	vadd.f32 v15, v12;
	v2 =	vadd.f32 v6, v2  }
0x157: {  	v5 =	vadd.f32 v8, v5;
	v1 =	vadd.f32 v9, v1;
	v8 =	vshll.u32 v16, $0x10;
	v9 =	vld [tilespmem:s26+$0x7DE0]  }
0x158: {  	v6 =	vshll.u32 v11, $0x10;
	v4 =	vadd.f32 v8, v4;
	v8 =	vld [tilespmem:s26+$0x7DF0];
	v2 =	vadd.f32 v11, v2  }
0x159: {  	v3 =	vadd.f32 v16, v3;
	v1 =	vadd.f32 v6, v1;
	v6 =	vshll.u32 v13, $0x10  }
0x15a: {  	v4 =	vadd.f32 v6, v4;
	v6 =	vshll.u32 v10, $0x10;
	v2 =	vadd.f32 v10, v2  }
0x15b: {  	v3 =	vadd.f32 v13, v3;
	v1 =	vadd.f32 v6, v1;
	v6 =	vshll.u32 v17, $0x10  }
0x15c: {  	v10 =	vshll.u32 v9, $0x10;
	v4 =	vadd.f32 v6, v4;
	v2 =	vadd.f32 v9, v2  }
0x15d: {  	v3 =	vadd.f32 v17, v3;
	v1 =	vadd.f32 v10, v1;
	v6 =	vshll.u32 v8, $0x10  }
0x15e: {  	v4 =	vadd.f32 v6, v4;
	v2 =	vadd.f32 v2, v7  }
0x15f: {  	v3 =	vadd.f32 v8, v3;
	v1 =	vadd.f32 v1, v14  }
0x160: {  	v4 =	vadd.f32 v4, v12;
	[tilespmem:s3+$0x110] =	vst v2  }
0x161: {  	[tilespmem:s3+$0x100] =	vst v1;
	v1 =	vadd.f32 v3, v5  }
0x162: {  	[tilespmem:s3+$0x120] =	vst v4  }
0x163: {  	s28 =	simm.s32 @!p1 $0x7D00;
	s26 =	simm.s32 @!p1 $0x80;
	[tilespmem:s3+$0x130] =	vst v1  }
0x164: {  	[tilespmem:s28], [sflag:$0x5] =	stream.indirect.gather @!p1 [hbm4b:s5+s26], $0x20, s21, s26, $0xb8;
	[tilespmem:$0xE900] =	vst v63  }
0x165: {  	s26 =	simm.s32 @!p1 $0x48;
	s28 =	simm.s32 @!p1 $0x8D00  }
0x166: {  	[tilespmem:s28], [sflag:$0x5] =	stream.indirect.gather @!p1 [hbm4b:s5+s26], $0x20, s22, s26, $0xb8;
	[tilespmem:$0xE900] =	vst v63  }
0x167: {  	_ =	swait.ge [sflag:s6], $0x1000  }
0x168: {  	[sflag:s6] =	ssyncset.done $0x0  }
0x169: {  	[sflag:s6] =	ssyncadd.s32 $0xFFFFF000  }
0x16a: {  	_ =	swait.ge [sflag:s6], $0x900  }
0x16b: {  	[sflag:s6] =	ssyncset.done $0x0  }
0x16c: {  	s26 =	simm.s32 $0x0;
	[sflag:s6] =	ssyncadd.s32 $0xFFFFF700  }
0x16d: {  	v2 =	vld [tilespmem:s26+$0x9600]  }
0x16e: {  	v3 =	vld [tilespmem:s26+$0x9610]  }
0x16f: {  	v4 =	vld [tilespmem:s26+$0x9640]  }
0x170: {  	v10 =	vld [tilespmem:s26+$0x9650];
	_ =	sdelay $0x2  }
0x171: {  	v1 =	vimm.f32 $0.0e+00;
	v7 =	vld [tilespmem:s26+$0x9680];
	v6 =	vshll.u32 v2, $0x10  }
0x172: {  	v5 =	vld [tilespmem:s26+$0x9690];
	v2 =	vadd.f32 v2, v1;
	v8 =	vshll.u32 v3, $0x10;
	v11 =	vadd.f32 v3, v1  }
0x173: {  	v9 =	vld [tilespmem:s26+$0x96C0];
	v3 =	vshll.u32 v4, $0x10;
	v15 =	vshll.u32 v10, $0x10;
	v6 =	vadd.f32 v6, v1  }
0x174: {  	v12 =	vadd.f32 v8, v1;
	v8 =	vld [tilespmem:s26+$0x96D0];
	v13 =	vadd.f32 v4, v2;
	v2 =	vimm.f32 $0.0e+00  }
0x175: {  	s28 =	simm.s32 $0x400;
	v4 =	vimm.f32 $0.0e+00;
	v14 =	vadd.f32 v3, v6;
	v6 =	vld [tilespmem:s26+$0x9620];
	v3 =	vimm.f32 $0.0e+00  }
.LBB2_17:
0x176: {  	p2 =	sne.s32 s28, $0x6000;
	v16 =	vld [tilespmem:s26+$0x9630];
	v12 =	vadd.f32 v15, v12;
	v10 =	vadd.f32 v10, v11;
	v11 =	vshll.u32 v7, $0x10  }
0x177: {  	v15 =	vld [tilespmem:s26+$0x9660];
	v11 =	vadd.f32 v11, v14;
	v7 =	vadd.f32 v7, v13;
	v13 =	vshll.u32 v5, $0x10  }
0x178: {  	v14 =	vld [tilespmem:s26+$0x9670];
	v12 =	vadd.f32 v13, v12;
	v5 =	vadd.f32 v5, v10;
	v10 =	vshll.u32 v9, $0x10  }
0x179: {  	v13 =	vld [tilespmem:s26+$0x96A0];
	v11 =	vadd.f32 v10, v11;
	v9 =	vadd.f32 v9, v7;
	v7 =	vshll.u32 v8, $0x10  }
0x17a: {  	v10 =	vshll.u32 v6, $0x10;
	v17 =	vld [tilespmem:s26+$0x96B0];
	v12 =	vadd.f32 v7, v12;
	v8 =	vadd.f32 v8, v5  }
0x17b: {  	v2 =	vadd.f32 v6, v2;
	v1 =	vadd.f32 v10, v1;
	v5 =	vshll.u32 v16, $0x10;
	v6 =	vld [tilespmem:s26+$0x96E0]  }
0x17c: {  	v3 =	vadd.f32 v16, v3;
	v4 =	vadd.f32 v5, v4;
	v5 =	vshll.u32 v15, $0x10;
	v16 =	vld [tilespmem:s26+$0x96F0];
	s26 =	sshra.s32 s28, $0x2  }
0x17d: {  	v2 =	vadd.f32 v15, v2;
	v18 =	vld [tilespmem:s26+$0x9600];
	v1 =	vadd.f32 v5, v1;
	v5 =	vshll.u32 v14, $0x10  }
0x17e: {  	v3 =	vadd.f32 v14, v3;
	v15 =	vld [tilespmem:s26+$0x9610];
	v4 =	vadd.f32 v5, v4;
	v5 =	vshll.u32 v13, $0x10  }
0x17f: {  	v2 =	vadd.f32 v13, v2;
	v19 =	vld [tilespmem:s26+$0x9640];
	v1 =	vadd.f32 v5, v1;
	v5 =	vshll.u32 v17, $0x10  }
0x180: {  	v3 =	vadd.f32 v17, v3;
	v10 =	vld [tilespmem:s26+$0x9650];
	v4 =	vadd.f32 v5, v4;
	v5 =	vshll.u32 v6, $0x10  }
.Ltmp11:
0x181: {  	v2 =	vadd.f32 v6, v2;
	v7 =	vld [tilespmem:s26+$0x9680];
	v1 =	vadd.f32 v5, v1;
	v6 =	vshll.u32 v16, $0x10;
	(pc) =	sbr.rel @p2 .LBB2_17-.Ltmp11, $4  }
0x182: {  	v3 =	vadd.f32 v16, v3;
	v13 =	vshll.u32 v18, $0x10;
	v5 =	vld [tilespmem:s26+$0x9690];
	v4 =	vadd.f32 v6, v4  }
0x183: {  	v16 =	vadd.f32 v18, v9;
	v13 =	vadd.f32 v13, v11;
	v6 =	vshll.u32 v15, $0x10;
	v9 =	vld [tilespmem:s26+$0x96C0]  }
0x184: {  	v11 =	vadd.f32 v15, v8;
	v12 =	vadd.f32 v6, v12;
	v14 =	vshll.u32 v19, $0x10;
	v8 =	vld [tilespmem:s26+$0x96D0]  }
0x185: {  	s28 =	sadd.s32 $0x400, s28;
	v6 =	vld [tilespmem:s26+$0x9620];
	v14 =	vadd.f32 v14, v13;
	v13 =	vadd.f32 v19, v16;
	v15 =	vshll.u32 v10, $0x10  }
0x186: {  	v16 =	vld [tilespmem:s26+$0x9630];
	v12 =	vadd.f32 v15, v12;
	v15 =	vshll.u32 v7, $0x10;
	v10 =	vadd.f32 v10, v11  }
0x187: {  	v11 =	vld [tilespmem:s26+$0x9660];
	v14 =	vadd.f32 v15, v14;
	v15 =	vshll.u32 v5, $0x10;
	v7 =	vadd.f32 v7, v13  }
0x188: {  	v13 =	vld [tilespmem:s26+$0x9670];
	v12 =	vadd.f32 v15, v12;
	v15 =	vshll.u32 v9, $0x10;
	v5 =	vadd.f32 v5, v10  }
0x189: {  	v10 =	vld [tilespmem:s26+$0x96A0];
	v14 =	vadd.f32 v15, v14;
	v15 =	vshll.u32 v8, $0x10;
	v7 =	vadd.f32 v9, v7  }
0x18a: {  	v17 =	vld [tilespmem:s26+$0x96B0];
	v9 =	vshll.u32 v6, $0x10;
	v12 =	vadd.f32 v15, v12;
	v2 =	vadd.f32 v6, v2  }
0x18b: {  	v5 =	vadd.f32 v8, v5;
	v1 =	vadd.f32 v9, v1;
	v8 =	vshll.u32 v16, $0x10;
	v9 =	vld [tilespmem:s26+$0x96E0]  }
0x18c: {  	v6 =	vshll.u32 v11, $0x10;
	v4 =	vadd.f32 v8, v4;
	v8 =	vld [tilespmem:s26+$0x96F0];
	v2 =	vadd.f32 v11, v2  }
0x18d: {  	v3 =	vadd.f32 v16, v3;
	v1 =	vadd.f32 v6, v1;
	v6 =	vshll.u32 v13, $0x10  }
0x18e: {  	v4 =	vadd.f32 v6, v4;
	v6 =	vshll.u32 v10, $0x10;
	v2 =	vadd.f32 v10, v2  }
0x18f: {  	v3 =	vadd.f32 v13, v3;
	v1 =	vadd.f32 v6, v1;
	v6 =	vshll.u32 v17, $0x10  }
0x190: {  	v10 =	vshll.u32 v9, $0x10;
	v4 =	vadd.f32 v6, v4;
	v2 =	vadd.f32 v9, v2  }
0x191: {  	v3 =	vadd.f32 v17, v3;
	v1 =	vadd.f32 v10, v1;
	v6 =	vshll.u32 v8, $0x10  }
0x192: {  	v4 =	vadd.f32 v6, v4;
	v2 =	vadd.f32 v2, v7  }
0x193: {  	v3 =	vadd.f32 v8, v3;
	v1 =	vadd.f32 v1, v14  }
0x194: {  	v4 =	vadd.f32 v4, v12;
	[tilespmem:s3+$0x150] =	vst v2  }
0x195: {  	[tilespmem:s3+$0x140] =	vst v1;
	v1 =	vadd.f32 v3, v5  }
0x196: {  	[tilespmem:s3+$0x160] =	vst v4  }
0x197: {  	s28 =	simm.s32 @!p1 $0x9600;
	s26 =	simm.s32 @!p1 $0x80;
	[tilespmem:s3+$0x170] =	vst v1  }
0x198: {  	[tilespmem:s28], [sflag:$0x6] =	stream.indirect.gather @!p1 [hbm4b:s5+s26], $0x20, s23, s26, $0xb8;
	[tilespmem:$0xE900] =	vst v63  }
0x199: {  	s26 =	simm.s32 @!p1 $0x48;
	s28 =	simm.s32 @!p1 $0xA600  }
0x19a: {  	[tilespmem:s28], [sflag:$0x6] =	stream.indirect.gather @!p1 [hbm4b:s5+s26], $0x20, s24, s26, $0xb8;
	[tilespmem:$0xE900] =	vst v63  }
0x19b: {  	_ =	swait.ge [sflag:s8], $0x1000  }
0x19c: {  	[sflag:s8] =	ssyncset.done $0x0  }
0x19d: {  	[sflag:s8] =	ssyncadd.s32 $0xFFFFF000  }
0x19e: {  	_ =	swait.ge [sflag:s8], $0x900  }
0x19f: {  	[sflag:s8] =	ssyncset.done $0x0  }
0x1a0: {  	s26 =	simm.s32 $0x0;
	[sflag:s8] =	ssyncadd.s32 $0xFFFFF700  }
0x1a1: {  	v2 =	vld [tilespmem:s26+$0xAF00]  }
0x1a2: {  	v3 =	vld [tilespmem:s26+$0xAF10]  }
0x1a3: {  	v4 =	vld [tilespmem:s26+$0xAF40]  }
0x1a4: {  	v10 =	vld [tilespmem:s26+$0xAF50];
	_ =	sdelay $0x2  }
0x1a5: {  	v1 =	vimm.f32 $0.0e+00;
	v7 =	vld [tilespmem:s26+$0xAF80];
	v6 =	vshll.u32 v2, $0x10  }
0x1a6: {  	v5 =	vld [tilespmem:s26+$0xAF90];
	v2 =	vadd.f32 v2, v1;
	v8 =	vshll.u32 v3, $0x10;
	v11 =	vadd.f32 v3, v1  }
0x1a7: {  	v9 =	vld [tilespmem:s26+$0xAFC0];
	v3 =	vshll.u32 v4, $0x10;
	v15 =	vshll.u32 v10, $0x10;
	v6 =	vadd.f32 v6, v1  }
0x1a8: {  	v12 =	vadd.f32 v8, v1;
	v8 =	vld [tilespmem:s26+$0xAFD0];
	v13 =	vadd.f32 v4, v2;
	v2 =	vimm.f32 $0.0e+00  }
0x1a9: {  	s28 =	simm.s32 $0x400;
	v4 =	vimm.f32 $0.0e+00;
	v14 =	vadd.f32 v3, v6;
	v6 =	vld [tilespmem:s26+$0xAF20];
	v3 =	vimm.f32 $0.0e+00  }
.LBB2_19:
0x1aa: {  	p2 =	sne.s32 s28, $0x6000;
	v16 =	vld [tilespmem:s26+$0xAF30];
	v12 =	vadd.f32 v15, v12;
	v10 =	vadd.f32 v10, v11;
	v11 =	vshll.u32 v7, $0x10  }
0x1ab: {  	v15 =	vld [tilespmem:s26+$0xAF60];
	v11 =	vadd.f32 v11, v14;
	v7 =	vadd.f32 v7, v13;
	v13 =	vshll.u32 v5, $0x10  }
0x1ac: {  	v14 =	vld [tilespmem:s26+$0xAF70];
	v12 =	vadd.f32 v13, v12;
	v5 =	vadd.f32 v5, v10;
	v10 =	vshll.u32 v9, $0x10  }
0x1ad: {  	v13 =	vld [tilespmem:s26+$0xAFA0];
	v11 =	vadd.f32 v10, v11;
	v9 =	vadd.f32 v9, v7;
	v7 =	vshll.u32 v8, $0x10  }
0x1ae: {  	v10 =	vshll.u32 v6, $0x10;
	v17 =	vld [tilespmem:s26+$0xAFB0];
	v12 =	vadd.f32 v7, v12;
	v8 =	vadd.f32 v8, v5  }
0x1af: {  	v2 =	vadd.f32 v6, v2;
	v1 =	vadd.f32 v10, v1;
	v5 =	vshll.u32 v16, $0x10;
	v6 =	vld [tilespmem:s26+$0xAFE0]  }
0x1b0: {  	v3 =	vadd.f32 v16, v3;
	v4 =	vadd.f32 v5, v4;
	v5 =	vshll.u32 v15, $0x10;
	v16 =	vld [tilespmem:s26+$0xAFF0];
	s26 =	sshra.s32 s28, $0x2  }
0x1b1: {  	v2 =	vadd.f32 v15, v2;
	v18 =	vld [tilespmem:s26+$0xAF00];
	v1 =	vadd.f32 v5, v1;
	v5 =	vshll.u32 v14, $0x10  }
0x1b2: {  	v3 =	vadd.f32 v14, v3;
	v15 =	vld [tilespmem:s26+$0xAF10];
	v4 =	vadd.f32 v5, v4;
	v5 =	vshll.u32 v13, $0x10  }
0x1b3: {  	v2 =	vadd.f32 v13, v2;
	v19 =	vld [tilespmem:s26+$0xAF40];
	v1 =	vadd.f32 v5, v1;
	v5 =	vshll.u32 v17, $0x10  }
0x1b4: {  	v3 =	vadd.f32 v17, v3;
	v10 =	vld [tilespmem:s26+$0xAF50];
	v4 =	vadd.f32 v5, v4;
	v5 =	vshll.u32 v6, $0x10  }
.Ltmp12:
0x1b5: {  	v2 =	vadd.f32 v6, v2;
	v7 =	vld [tilespmem:s26+$0xAF80];
	v1 =	vadd.f32 v5, v1;
	v6 =	vshll.u32 v16, $0x10;
	(pc) =	sbr.rel @p2 .LBB2_19-.Ltmp12, $4  }
0x1b6: {  	v3 =	vadd.f32 v16, v3;
	v13 =	vshll.u32 v18, $0x10;
	v5 =	vld [tilespmem:s26+$0xAF90];
	v4 =	vadd.f32 v6, v4  }
0x1b7: {  	v16 =	vadd.f32 v18, v9;
	v13 =	vadd.f32 v13, v11;
	v6 =	vshll.u32 v15, $0x10;
	v9 =	vld [tilespmem:s26+$0xAFC0]  }
0x1b8: {  	v11 =	vadd.f32 v15, v8;
	v12 =	vadd.f32 v6, v12;
	v14 =	vshll.u32 v19, $0x10;
	v8 =	vld [tilespmem:s26+$0xAFD0]  }
0x1b9: {  	s28 =	sadd.s32 $0x400, s28;
	v6 =	vld [tilespmem:s26+$0xAF20];
	v14 =	vadd.f32 v14, v13;
	v13 =	vadd.f32 v19, v16;
	v15 =	vshll.u32 v10, $0x10  }
0x1ba: {  	v16 =	vld [tilespmem:s26+$0xAF30];
	v12 =	vadd.f32 v15, v12;
	v15 =	vshll.u32 v7, $0x10;
	v10 =	vadd.f32 v10, v11  }
0x1bb: {  	v11 =	vld [tilespmem:s26+$0xAF60];
	v14 =	vadd.f32 v15, v14;
	v15 =	vshll.u32 v5, $0x10;
	v7 =	vadd.f32 v7, v13  }
0x1bc: {  	v13 =	vld [tilespmem:s26+$0xAF70];
	v12 =	vadd.f32 v15, v12;
	v15 =	vshll.u32 v9, $0x10;
	v5 =	vadd.f32 v5, v10  }
0x1bd: {  	v10 =	vld [tilespmem:s26+$0xAFA0];
	v14 =	vadd.f32 v15, v14;
	v15 =	vshll.u32 v8, $0x10;
	v7 =	vadd.f32 v9, v7  }
0x1be: {  	v17 =	vld [tilespmem:s26+$0xAFB0];
	v9 =	vshll.u32 v6, $0x10;
	v12 =	vadd.f32 v15, v12;
	v2 =	vadd.f32 v6, v2  }
0x1bf: {  	v5 =	vadd.f32 v8, v5;
	v1 =	vadd.f32 v9, v1;
	v8 =	vshll.u32 v16, $0x10;
	v9 =	vld [tilespmem:s26+$0xAFE0]  }
0x1c0: {  	v6 =	vshll.u32 v11, $0x10;
	v4 =	vadd.f32 v8, v4;
	v8 =	vld [tilespmem:s26+$0xAFF0];
	v2 =	vadd.f32 v11, v2  }
0x1c1: {  	v3 =	vadd.f32 v16, v3;
	v1 =	vadd.f32 v6, v1;
	v6 =	vshll.u32 v13, $0x10  }
0x1c2: {  	v4 =	vadd.f32 v6, v4;
	v6 =	vshll.u32 v10, $0x10;
	v2 =	vadd.f32 v10, v2  }
0x1c3: {  	v3 =	vadd.f32 v13, v3;
	v1 =	vadd.f32 v6, v1;
	v6 =	vshll.u32 v17, $0x10  }
0x1c4: {  	v10 =	vshll.u32 v9, $0x10;
	v4 =	vadd.f32 v6, v4;
	v2 =	vadd.f32 v9, v2  }
0x1c5: {  	v3 =	vadd.f32 v17, v3;
	v1 =	vadd.f32 v10, v1;
	v6 =	vshll.u32 v8, $0x10  }
0x1c6: {  	v4 =	vadd.f32 v6, v4;
	v2 =	vadd.f32 v2, v7  }
0x1c7: {  	v3 =	vadd.f32 v8, v3;
	v1 =	vadd.f32 v1, v14  }
0x1c8: {  	v4 =	vadd.f32 v4, v12;
	[tilespmem:s3+$0x190] =	vst v2  }
0x1c9: {  	[tilespmem:s3+$0x180] =	vst v1;
	v1 =	vadd.f32 v3, v5  }
0x1ca: {  	[tilespmem:s3+$0x1A0] =	vst v4  }
0x1cb: {  	s28 =	simm.s32 @!p1 $0xAF00;
	s26 =	simm.s32 @!p1 $0x80;
	[tilespmem:s3+$0x1B0] =	vst v1  }
0x1cc: {  	[tilespmem:s28], [sflag:$0x7] =	stream.indirect.gather @!p1 [hbm4b:s5+s26], $0x20, s25, s26, $0xb8;
	[tilespmem:$0xE900] =	vst v63  }
0x1cd: {  	s26 =	simm.s32 @!p1 $0x48;
	s28 =	simm.s32 @!p1 $0xBF00  }
0x1ce: {  	[tilespmem:s28], [sflag:$0x7] =	stream.indirect.gather @!p1 [hbm4b:s5+s26], $0x20, s2, s26, $0xb8;
	[tilespmem:$0xE900] =	vst v63  }
0x1cf: {  	_ =	swait.ge [sflag:s9], $0x1000  }
0x1d0: {  	[sflag:s9] =	ssyncset.done $0x0  }
0x1d1: {  	[sflag:s9] =	ssyncadd.s32 $0xFFFFF000  }
0x1d2: {  	_ =	swait.ge [sflag:s9], $0x900  }
0x1d3: {  	[sflag:s9] =	ssyncset.done $0x0  }
0x1d4: {  	s26 =	simm.s32 $0x0;
	[sflag:s9] =	ssyncadd.s32 $0xFFFFF700  }
0x1d5: {  	v2 =	vld [tilespmem:s26+$0xC800]  }
0x1d6: {  	v3 =	vld [tilespmem:s26+$0xC810]  }
0x1d7: {  	v4 =	vld [tilespmem:s26+$0xC840]  }
0x1d8: {  	v10 =	vld [tilespmem:s26+$0xC850];
	_ =	sdelay $0x2  }
0x1d9: {  	v1 =	vimm.f32 $0.0e+00;
	v7 =	vld [tilespmem:s26+$0xC880];
	v6 =	vshll.u32 v2, $0x10  }
0x1da: {  	v5 =	vld [tilespmem:s26+$0xC890];
	v2 =	vadd.f32 v2, v1;
	v8 =	vshll.u32 v3, $0x10;
	v11 =	vadd.f32 v3, v1  }
0x1db: {  	v9 =	vld [tilespmem:s26+$0xC8C0];
	v3 =	vshll.u32 v4, $0x10;
	v15 =	vshll.u32 v10, $0x10;
	v6 =	vadd.f32 v6, v1  }
0x1dc: {  	v12 =	vadd.f32 v8, v1;
	v8 =	vld [tilespmem:s26+$0xC8D0];
	v13 =	vadd.f32 v4, v2;
	v2 =	vimm.f32 $0.0e+00  }
0x1dd: {  	s28 =	simm.s32 $0x400;
	v4 =	vimm.f32 $0.0e+00;
	v14 =	vadd.f32 v3, v6;
	v6 =	vld [tilespmem:s26+$0xC820];
	v3 =	vimm.f32 $0.0e+00  }
.LBB2_21:
0x1de: {  	p2 =	sne.s32 s28, $0x6000;
	v16 =	vld [tilespmem:s26+$0xC830];
	v12 =	vadd.f32 v15, v12;
	v10 =	vadd.f32 v10, v11;
	v11 =	vshll.u32 v7, $0x10  }
0x1df: {  	v15 =	vld [tilespmem:s26+$0xC860];
	v11 =	vadd.f32 v11, v14;
	v7 =	vadd.f32 v7, v13;
	v13 =	vshll.u32 v5, $0x10  }
0x1e0: {  	v14 =	vld [tilespmem:s26+$0xC870];
	v12 =	vadd.f32 v13, v12;
	v5 =	vadd.f32 v5, v10;
	v10 =	vshll.u32 v9, $0x10  }
0x1e1: {  	v13 =	vld [tilespmem:s26+$0xC8A0];
	v11 =	vadd.f32 v10, v11;
	v9 =	vadd.f32 v9, v7;
	v7 =	vshll.u32 v8, $0x10  }
0x1e2: {  	v10 =	vshll.u32 v6, $0x10;
	v17 =	vld [tilespmem:s26+$0xC8B0];
	v12 =	vadd.f32 v7, v12;
	v8 =	vadd.f32 v8, v5  }
0x1e3: {  	v2 =	vadd.f32 v6, v2;
	v1 =	vadd.f32 v10, v1;
	v5 =	vshll.u32 v16, $0x10;
	v6 =	vld [tilespmem:s26+$0xC8E0]  }
0x1e4: {  	v3 =	vadd.f32 v16, v3;
	v4 =	vadd.f32 v5, v4;
	v5 =	vshll.u32 v15, $0x10;
	v16 =	vld [tilespmem:s26+$0xC8F0];
	s26 =	sshra.s32 s28, $0x2  }
0x1e5: {  	v2 =	vadd.f32 v15, v2;
	v18 =	vld [tilespmem:s26+$0xC800];
	v1 =	vadd.f32 v5, v1;
	v5 =	vshll.u32 v14, $0x10  }
0x1e6: {  	v3 =	vadd.f32 v14, v3;
	v15 =	vld [tilespmem:s26+$0xC810];
	v4 =	vadd.f32 v5, v4;
	v5 =	vshll.u32 v13, $0x10  }
0x1e7: {  	v2 =	vadd.f32 v13, v2;
	v19 =	vld [tilespmem:s26+$0xC840];
	v1 =	vadd.f32 v5, v1;
	v5 =	vshll.u32 v17, $0x10  }
0x1e8: {  	v3 =	vadd.f32 v17, v3;
	v10 =	vld [tilespmem:s26+$0xC850];
	v4 =	vadd.f32 v5, v4;
	v5 =	vshll.u32 v6, $0x10  }
.Ltmp13:
0x1e9: {  	v2 =	vadd.f32 v6, v2;
	v7 =	vld [tilespmem:s26+$0xC880];
	v1 =	vadd.f32 v5, v1;
	v6 =	vshll.u32 v16, $0x10;
	(pc) =	sbr.rel @p2 .LBB2_21-.Ltmp13, $4  }
0x1ea: {  	v3 =	vadd.f32 v16, v3;
	v13 =	vshll.u32 v18, $0x10;
	v5 =	vld [tilespmem:s26+$0xC890];
	v4 =	vadd.f32 v6, v4  }
0x1eb: {  	v16 =	vadd.f32 v18, v9;
	v13 =	vadd.f32 v13, v11;
	v6 =	vshll.u32 v15, $0x10;
	v9 =	vld [tilespmem:s26+$0xC8C0]  }
0x1ec: {  	v11 =	vadd.f32 v15, v8;
	v12 =	vadd.f32 v6, v12;
	v14 =	vshll.u32 v19, $0x10;
	v8 =	vld [tilespmem:s26+$0xC8D0]  }
0x1ed: {  	s28 =	sadd.s32 $0x400, s28;
	v6 =	vld [tilespmem:s26+$0xC820];
	v14 =	vadd.f32 v14, v13;
	v13 =	vadd.f32 v19, v16;
	v15 =	vshll.u32 v10, $0x10  }
0x1ee: {  	v16 =	vld [tilespmem:s26+$0xC830];
	v12 =	vadd.f32 v15, v12;
	v45 =	vshll.u32 v7, $0x10;
	v10 =	vadd.f32 v10, v11  }
0x1ef: {  	v46 =	vld [tilespmem:s26+$0xC860];
	v14 =	vadd.f32 v45, v14;
	v47 =	vshll.u32 v5, $0x10;
	v48 =	vadd.f32 v7, v13  }
0x1f0: {  	v49 =	vld [tilespmem:s26+$0xC870];
	v12 =	vadd.f32 v47, v12;
	v50 =	vshll.u32 v9, $0x10;
	v51 =	vadd.f32 v5, v10  }
0x1f1: {  	v52 =	vld [tilespmem:s26+$0xC8A0];
	v14 =	vadd.f32 v50, v14;
	v53 =	vshll.u32 v8, $0x10;
	v7 =	vadd.f32 v9, v48  }
0x1f2: {  	v17 =	vld [tilespmem:s26+$0xC8B0];
	v54 =	vshll.u32 v6, $0x10;
	v12 =	vadd.f32 v53, v12;
	v2 =	vadd.f32 v6, v2  }
0x1f3: {  	v56 =	vld [tilespmem:s26+$0xC8E0];
	v5 =	vadd.f32 v8, v51;
	v1 =	vadd.f32 v54, v1;
	v55 =	vshll.u32 v16, $0x10  }
0x1f4: {  	v58 =	vld [tilespmem:s26+$0xC8F0];
	v57 =	vshll.u32 v46, $0x10;
	v4 =	vadd.f32 v55, v4;
	v2 =	vadd.f32 v46, v2  }
0x1f5: {  	v3 =	vadd.f32 v16, v3;
	v59 =	vshll.u32 v49, $0x10;
	v1 =	vadd.f32 v57, v1  }
0x1f6: {  	v60 =	vshll.u32 v52, $0x10;
	v4 =	vadd.f32 v59, v4;
	v2 =	vadd.f32 v52, v2  }
0x1f7: {  	v61 =	vshll.u32 v17, $0x10;
	v3 =	vadd.f32 v49, v3;
	v1 =	vadd.f32 v60, v1  }
0x1f8: {  	v62 =	vshll.u32 v56, $0x10;
	v4 =	vadd.f32 v61, v4;
	v2 =	vadd.f32 v56, v2  }
0x1f9: {  	v63 =	vshll.u32 v58, $0x10;
	v3 =	vadd.f32 v17, v3;
	v1 =	vadd.f32 v62, v1  }
0x1fa: {  	v4 =	vadd.f32 v63, v4;
	v2 =	vadd.f32 v2, v7  }
.Ltmp14:
0x1fb: {  	v3 =	vadd.f32 v58, v3;
	v1 =	vadd.f32 v1, v14;
	(pc) =	sbr.rel @p1 .LBB2_24-.Ltmp14, $4  }
0x1fc: {  	v4 =	vadd.f32 v4, v12;
	[tilespmem:s3+$0x1D0] =	vst v2  }
0x1fd: {  	[tilespmem:s3+$0x1C0] =	vst v1;
	v1 =	vadd.f32 v3, v5  }
0x1fe: {  	[tilespmem:s3+$0x1E0] =	vst v4  }
0x1ff: {  	[tilespmem:s3+$0x1F0] =	vst v1  }
.Ltmp15:
0x200: {  	(pc) =	sbr.rel .LBB2_6-.Ltmp15, $4  }
0x201: {  	s3 =	simm.s32 $0xC800  }
0x202: {  	[tilespmem:s3], [sflag:$0x8] =	stream.indirect.gather [hbm4b:s5+s10], $0x20, s7, s10, $0xb8;
	[tilespmem:$0xE900] =	vst v63  }
0x203: {  	s28 =	simm.s32 $0xD800;
	p1 =	por $0x1, $0x1;
	s3 =	simm.s32 $0x800  }
0x204: {  	[tilespmem:s28], [sflag:$0x8] =	stream.indirect.gather [hbm4b:s5+s12], $0x20, s4, s12, $0xb8;
	[tilespmem:$0xE900] =	vst v63  }
.LBB2_26:
0x205: {  	_ =	sfence.sel $0x180000  }
0x206: {  	[bflag:$0x0] =	sbarrier.arrive $0xFFFF  }
0x207: {  	_ =	strace $0x90000047  }
0x208: {  	s0 =	stileid.u32;
	[bflag:$0x2] =	sbarrier.arrive $0xFFFF  }
0x209: {  	p0 =	sne.s32 s0, $0x0;
	s0 =	rddreg [dreg:$0x1]  }
0x20a: {  	s0 =	sadd.s32 @!p0 $0x100000, s0  }
0x20b: {  	[sflag:s0] =	ssyncadd.tile.s32 @!p0 $0x1;
	_ =	shalt  }
.Lfunc_end2:
_tile_overlayer_lowered:
.L_overlay_start_2:
0x20c: {  	(tag) =	ssettag $0x2  }
0x20d: {  	s0 =	rddreg [dreg:$0x0];
	s2 =	stileid.u32  }
0x20e: {  	s1 =	rddreg [dreg:$0x1];
	p0 =	sne.s32 s2, $0x0  }
0x20f: {  	s3 =	rddreg [dreg:$0x2];
	[bflag:$0x3] =	sbarrier.arrive $0xFFFF;
	s2 =	simm.s32 @!p0 $0x1C0B  }
0x210: {  	[timem:s3], [sflag:s2] =	dma.local @!p0 [hbm:s0], s1  }
0x211: {  	s0 =	simm.s32 @!p0 $0xB  }
0x212: {  	_ =	swait.ge @!p0 [sflag:s0], s1  }
0x213: {  	s1 =	ssub.s32 @!p0 $0x0, s1;
	[sflag:s0] =	ssyncset.done @!p0 $0x0  }
0x214: {  	[sflag:s0] =	ssyncadd.s32 @!p0 s1  }
0x215: {  	[bflag:$0x3] =	sbarrier.arrive $0xFFFF  }
0x216: {  	_ =	shalt  }

</sc_bundles>
